<compile_context>
chip_gen: v7x
topology: tpu7x:2x2x1
jax: 0.10.2.dev20260603
libtpu: 0.0.44.dev20260713+nightly
codegen_flags: <defaults>
</compile_context>

<pallas_src>
import functools
import jax
import jax.numpy as jnp
from jax import lax
from jax.experimental import pallas as pl
from jax.experimental.pallas import tpu as pltpu
from jax.experimental.pallas import tpu_sc as plsc

D_MODEL = 1024
NC, NS = 2, 16
NW = NC * NS
CH = 8
NBUF = 3


def _sc_body(x_hbm, p_hbm, o_hbm, buf, sem_in0, sem_in1, sem_in2,
             sem_out0, sem_out1, sem_out2):
    B = 4
    S = 8192
    rows_per_w = S // NW
    nchunks = rows_per_w // CH
    wid = lax.axis_index("s") * NC + lax.axis_index("c")
    seq0 = wid * rows_per_w
    sems_in = (sem_in0, sem_in1, sem_in2)
    sems_out = (sem_out0, sem_out1, sem_out2)

    def in_copies(c, par):
        base = seq0 + c * CH
        return [
            pltpu.make_async_copy(
                p_hbm.at[pl.ds(base, CH)], buf.at[par, 0], sems_in[par]),
            pltpu.make_async_copy(
                x_hbm.at[:, pl.ds(base, CH)], buf.at[par, pl.ds(1, B)],
                sems_in[par]),
        ]

    def out_copies(c, par):
        base = seq0 + c * CH
        return [pltpu.make_async_copy(
            buf.at[par, pl.ds(1, B)], o_hbm.at[:, pl.ds(base, CH)],
            sems_out[par])]

    def compute(par):
        def jbody(j, carry):
            col = j * 16
            for r in range(CH):
                p = buf[par, 0, r, pl.ds(col, 16)]
                for b in range(B):
                    buf[par, 1 + b, r, pl.ds(col, 16)] = (
                        buf[par, 1 + b, r, pl.ds(col, 16)] + p)
            return carry
        lax.fori_loop(0, D_MODEL // 16, jbody, 0)

    def step(c, par, prefetch_c):
        for cp in in_copies(c, par):
            cp.wait()
        compute(par)
        for cp in out_copies(c, par):
            cp.start()
        if prefetch_c is not None:
            pre_par = (par + 2) % NBUF

            @pl.when(prefetch_c >= NBUF)
            def _drain():
                for cp in out_copies(prefetch_c - NBUF, pre_par):
                    cp.wait()

            for cp in in_copies(prefetch_c, pre_par):
                cp.start()

    ngroups = nchunks // NBUF

    for c in range(2):
        for cp in in_copies(c, c % NBUF):
            cp.start()

    def gbody(g, carry):
        c0 = g * NBUF
        for par in range(NBUF):
            c = c0 + par
            step(c, par, c + 2)
        return carry

    lax.fori_loop(0, ngroups, gbody, 0)
    for k in range(ngroups * NBUF, nchunks):
        step(k, k % NBUF, None)
    for k in range(nchunks - NBUF, nchunks):
        for cp in out_copies(k, k % NBUF):
            cp.wait()


def kernel(x, pos_weight):
    B, S, D = x.shape
    mesh = plsc.VectorSubcoreMesh(core_axis_name="c", subcore_axis_name="s")
    run = functools.partial(
        pl.kernel,
        mesh=mesh,
        out_type=jax.ShapeDtypeStruct((B, S, D), jnp.float32),
        scratch_types=[
            pltpu.VMEM((NBUF, 5, CH, D), jnp.float32),
            pltpu.SemaphoreType.DMA,
            pltpu.SemaphoreType.DMA,
            pltpu.SemaphoreType.DMA,
            pltpu.SemaphoreType.DMA,
            pltpu.SemaphoreType.DMA,
            pltpu.SemaphoreType.DMA,
        ],
    )(_sc_body)
    return run(x, pos_weight[:S])

# --- scband reference (transcript-rebuilt; emitter-appended) ---
"""Pipeline reference for scband-learned-positional-encoding-34986803593419 (READ-ONLY COPY).

The authoritative reference and input builder live on the scoring server;
editing this copy changes nothing except your own understanding.
"""

import jax, jax.numpy as jnp
import numpy as np

D_MODEL = 1024
MAX_LEN = 8192
BATCH = 4
SEQ_LEN = 8192


def setup_inputs(seed: int = 0) -> dict:
    key = jax.random.key(seed)
    k_x, k_w = jax.random.split(key)
    x = jax.random.normal(k_x, (BATCH, SEQ_LEN, D_MODEL), dtype=jnp.float32)
    # nn.Embedding(max_len, d_model) weight, init normal std=0.02
    pos_weight = jax.random.normal(k_w, (MAX_LEN, D_MODEL), dtype=jnp.float32) * 0.02
    return {"x": x, "pos_weight": pos_weight}


def reference(x, pos_weight):
    batch_size, seq_len, _ = x.shape
    positions = jnp.arange(seq_len)[None, :]  # (1, seq_len)
    # embedding lookup: gather rows from the position table
    pos_embeddings = jnp.take(pos_weight, positions, axis=0)  # (1, seq_len, d_model)
    out = x + pos_embeddings  # broadcast over batch
    # dropout p=0.0 -> identity
    return out

if __name__ == "__main__":
    import jax
    _d = setup_inputs()
    print(jax.jit(kernel)(*tuple(_d.values())))

</pallas_src>

<mosaic_0001>
#map = affine_map<(d0, d1) -> (0, 0, 0)>
#map1 = affine_map<(d0, d1) -> (0, 0)>
module attributes {stable_mosaic.version = 14 : i64} {
  func.func @_sc_body(%arg0: i32, %arg1: i32, %arg2: memref<4x8192x1024xf32, #tpu.memory_space<hbm>>, %arg3: memref<8192x1024xf32, #tpu.memory_space<hbm>>, %arg4: memref<4x8192x1024xf32, #tpu.memory_space<hbm>>, %arg5: memref<3x5x8x1024xf32, #tpu.memory_space<vmem>>, %arg6: memref<!tpu.dma_semaphore, #tpu.memory_space<semaphore_mem>>, %arg7: memref<!tpu.dma_semaphore, #tpu.memory_space<semaphore_mem>>, %arg8: memref<!tpu.dma_semaphore, #tpu.memory_space<semaphore_mem>>, %arg9: memref<!tpu.dma_semaphore, #tpu.memory_space<semaphore_mem>>, %arg10: memref<!tpu.dma_semaphore, #tpu.memory_space<semaphore_mem>>, %arg11: memref<!tpu.dma_semaphore, #tpu.memory_space<semaphore_mem>>) attributes {dimension_semantics = [#tpu.dimension_semantics<core_parallel>, #tpu.dimension_semantics<subcore_parallel>], iteration_bounds = array<i64: 2, 16>, scalar_prefetch = 0 : i64, scratch_operands = 7 : i64, tpu.core_type = #tpu.core_type<sc_vector_subcore>, window_params = [{transform_indices = #map}, {transform_indices = #map1}, {transform_indices = #map}]} {
    %mul3A = arith.constant 2 : i32
    %mul3A_0 = arith.muli %arg1, %mul3A : i32
    %add3A = arith.addi %mul3A_0, %arg0 : i32
    %mul3A_1 = arith.constant 256 : i32
    %mul3A_2 = arith.muli %add3A, %mul3A_1 : i32
    %add3A_3 = arith.constant 0 : i32
    %add3A_4 = arith.addi %mul3A_2, %add3A_3 : i32
    %dma_start3A = arith.constant 0 : i32
    %dma_start3A_5 = arith.constant 0 : i32
    %dma_start3A_6 = arith.constant 0 : i32
    %dma_start3A_7 = arith.constant 0 : i32
    %dma_start3A_8 = tpu.memref_slice %arg5[%dma_start3A, %dma_start3A_5, %dma_start3A_6, %dma_start3A_7] : memref<3x5x8x1024xf32, #tpu.memory_space<vmem>> -> memref<1x1x8x1024xf32, #tpu.memory_space<vmem>>
    %dma_start3A_9 = tpu.memref_squeeze %dma_start3A_8 : memref<1x1x8x1024xf32, #tpu.memory_space<vmem>> -> memref<8x1024xf32, #tpu.memory_space<vmem>>
    %dma_start3A_10 = arith.constant 0 : i32
    %dma_start3A_11 = tpu.memref_slice %arg3[%add3A_4, %dma_start3A_10] : memref<8192x1024xf32, #tpu.memory_space<hbm>> -> memref<8x1024xf32, #tpu.memory_space<hbm>>
    %dma_start3A_12 = arith.constant 0 : i32
    %dma_start3A_13 = arith.constant 0 : i32
    %dma_start3A_14 = tpu.memref_slice %arg5[%dma_start3A, %dma_start3A_5, %dma_start3A_12, %dma_start3A_13] : memref<3x5x8x1024xf32, #tpu.memory_space<vmem>> -> memref<1x1x8x1024xf32, #tpu.memory_space<vmem>>
    %dma_start3A_15 = tpu.memref_squeeze %dma_start3A_14 : memref<1x1x8x1024xf32, #tpu.memory_space<vmem>> -> memref<8x1024xf32, #tpu.memory_space<vmem>>
    %dma_start3A_16 = arith.constant 0 : i32
    %dma_start3A_17 = tpu.memref_slice %arg3[%add3A_4, %dma_start3A_16] : memref<8192x1024xf32, #tpu.memory_space<hbm>> -> memref<8x1024xf32, #tpu.memory_space<hbm>>
    tpu.enqueue_dma source(%dma_start3A_17 : memref<8x1024xf32, #tpu.memory_space<hbm>>) target(%dma_start3A_15 : memref<8x1024xf32, #tpu.memory_space<vmem>>) target_semaphore(%arg6 : memref<!tpu.dma_semaphore, #tpu.memory_space<semaphore_mem>>)
    %dma_start3A_18 = arith.constant 0 : i32
    %dma_start3A_19 = arith.constant 1 : i32
    %dma_start3A_20 = arith.constant 0 : i32
    %dma_start3A_21 = arith.constant 0 : i32
    %dma_start3A_22 = tpu.memref_slice %arg5[%dma_start3A_18, %dma_start3A_19, %dma_start3A_20, %dma_start3A_21] : memref<3x5x8x1024xf32, #tpu.memory_space<vmem>> -> memref<1x4x8x1024xf32, #tpu.memory_space<vmem>>
    %dma_start3A_23 = tpu.memref_squeeze %dma_start3A_22 : memref<1x4x8x1024xf32, #tpu.memory_space<vmem>> -> memref<4x8x1024xf32, #tpu.memory_space<vmem>>
    %dma_start3A_24 = arith.constant 0 : i32
    %dma_start3A_25 = arith.constant 0 : i32
    %dma_start3A_26 = tpu.memref_slice %arg2[%dma_start3A_24, %add3A_4, %dma_start3A_25] : memref<4x8192x1024xf32, #tpu.memory_space<hbm>> -> memref<4x8x1024xf32, #tpu.memory_space<hbm>>
    %dma_start3A_27 = arith.constant 1 : i32
    %dma_start3A_28 = arith.constant 0 : i32
    %dma_start3A_29 = arith.constant 0 : i32
    %dma_start3A_30 = tpu.memref_slice %arg5[%dma_start3A_18, %dma_start3A_27, %dma_start3A_28, %dma_start3A_29] : memref<3x5x8x1024xf32, #tpu.memory_space<vmem>> -> memref<1x4x8x1024xf32, #tpu.memory_space<vmem>>
    %dma_start3A_31 = tpu.memref_squeeze %dma_start3A_30 : memref<1x4x8x1024xf32, #tpu.memory_space<vmem>> -> memref<4x8x1024xf32, #tpu.memory_space<vmem>>
    %dma_start3A_32 = arith.constant 0 : i32
    %dma_start3A_33 = arith.constant 0 : i32
    %dma_start3A_34 = tpu.memref_slice %arg2[%dma_start3A_32, %add3A_4, %dma_start3A_33] : memref<4x8192x1024xf32, #tpu.memory_space<hbm>> -> memref<4x8x1024xf32, #tpu.memory_space<hbm>>
    tpu.enqueue_dma source(%dma_start3A_34 : memref<4x8x1024xf32, #tpu.memory_space<hbm>>) target(%dma_start3A_31 : memref<4x8x1024xf32, #tpu.memory_space<vmem>>) target_semaphore(%arg6 : memref<!tpu.dma_semaphore, #tpu.memory_space<semaphore_mem>>)
    %add3A_35 = arith.constant 8 : i32
    %add3A_36 = arith.addi %mul3A_2, %add3A_35 : i32
    %dma_start3A_37 = arith.constant 1 : i32
    %dma_start3A_38 = arith.constant 0 : i32
    %dma_start3A_39 = arith.constant 0 : i32
    %dma_start3A_40 = arith.constant 0 : i32
    %dma_start3A_41 = tpu.memref_slice %arg5[%dma_start3A_37, %dma_start3A_38, %dma_start3A_39, %dma_start3A_40] : memref<3x5x8x1024xf32, #tpu.memory_space<vmem>> -> memref<1x1x8x1024xf32, #tpu.memory_space<vmem>>
    %dma_start3A_42 = tpu.memref_squeeze %dma_start3A_41 : memref<1x1x8x1024xf32, #tpu.memory_space<vmem>> -> memref<8x1024xf32, #tpu.memory_space<vmem>>
    %dma_start3A_43 = arith.constant 0 : i32
    %dma_start3A_44 = tpu.memref_slice %arg3[%add3A_36, %dma_start3A_43] : memref<8192x1024xf32, #tpu.memory_space<hbm>> -> memref<8x1024xf32, #tpu.memory_space<hbm>>
    %dma_start3A_45 = arith.constant 0 : i32
    %dma_start3A_46 = arith.constant 0 : i32
    %dma_start3A_47 = tpu.memref_slice %arg5[%dma_start3A_37, %dma_start3A_38, %dma_start3A_45, %dma_start3A_46] : memref<3x5x8x1024xf32, #tpu.memory_space<vmem>> -> memref<1x1x8x1024xf32, #tpu.memory_space<vmem>>
    %dma_start3A_48 = tpu.memref_squeeze %dma_start3A_47 : memref<1x1x8x1024xf32, #tpu.memory_space<vmem>> -> memref<8x1024xf32, #tpu.memory_space<vmem>>
    %dma_start3A_49 = arith.constant 0 : i32
    %dma_start3A_50 = tpu.memref_slice %arg3[%add3A_36, %dma_start3A_49] : memref<8192x1024xf32, #tpu.memory_space<hbm>> -> memref<8x1024xf32, #tpu.memory_space<hbm>>
    tpu.enqueue_dma source(%dma_start3A_50 : memref<8x1024xf32, #tpu.memory_space<hbm>>) target(%dma_start3A_48 : memref<8x1024xf32, #tpu.memory_space<vmem>>) target_semaphore(%arg7 : memref<!tpu.dma_semaphore, #tpu.memory_space<semaphore_mem>>)
    %dma_start3A_51 = arith.constant 1 : i32
    %dma_start3A_52 = arith.constant 1 : i32
    %dma_start3A_53 = arith.constant 0 : i32
    %dma_start3A_54 = arith.constant 0 : i32
    %dma_start3A_55 = tpu.memref_slice %arg5[%dma_start3A_51, %dma_start3A_52, %dma_start3A_53, %dma_start3A_54] : memref<3x5x8x1024xf32, #tpu.memory_space<vmem>> -> memref<1x4x8x1024xf32, #tpu.memory_space<vmem>>
    %dma_start3A_56 = tpu.memref_squeeze %dma_start3A_55 : memref<1x4x8x1024xf32, #tpu.memory_space<vmem>> -> memref<4x8x1024xf32, #tpu.memory_space<vmem>>
    %dma_start3A_57 = arith.constant 0 : i32
    %dma_start3A_58 = arith.constant 0 : i32
    %dma_start3A_59 = tpu.memref_slice %arg2[%dma_start3A_57, %add3A_36, %dma_start3A_58] : memref<4x8192x1024xf32, #tpu.memory_space<hbm>> -> memref<4x8x1024xf32, #tpu.memory_space<hbm>>
    %dma_start3A_60 = arith.constant 1 : i32
    %dma_start3A_61 = arith.constant 0 : i32
    %dma_start3A_62 = arith.constant 0 : i32
    %dma_start3A_63 = tpu.memref_slice %arg5[%dma_start3A_51, %dma_start3A_60, %dma_start3A_61, %dma_start3A_62] : memref<3x5x8x1024xf32, #tpu.memory_space<vmem>> -> memref<1x4x8x1024xf32, #tpu.memory_space<vmem>>
    %dma_start3A_64 = tpu.memref_squeeze %dma_start3A_63 : memref<1x4x8x1024xf32, #tpu.memory_space<vmem>> -> memref<4x8x1024xf32, #tpu.memory_space<vmem>>
    %dma_start3A_65 = arith.constant 0 : i32
    %dma_start3A_66 = arith.constant 0 : i32
    %dma_start3A_67 = tpu.memref_slice %arg2[%dma_start3A_65, %add3A_36, %dma_start3A_66] : memref<4x8192x1024xf32, #tpu.memory_space<hbm>> -> memref<4x8x1024xf32, #tpu.memory_space<hbm>>
    tpu.enqueue_dma source(%dma_start3A_67 : memref<4x8x1024xf32, #tpu.memory_space<hbm>>) target(%dma_start3A_64 : memref<4x8x1024xf32, #tpu.memory_space<vmem>>) target_semaphore(%arg7 : memref<!tpu.dma_semaphore, #tpu.memory_space<semaphore_mem>>)
    %scan3A = arith.constant 0 : i32
    %scan3A_68 = arith.constant 0 : i32
    %scan3A_69 = arith.constant 10 : i32
    %scan3A_70 = arith.addi %scan3A_68, %scan3A_69 : i32
    %scan3A_71 = arith.constant 1 : i32
    scf.for %scan3A_245 = %scan3A_68 to %scan3A_70 step %scan3A_71  : i32 {
      %mul3A_246 = arith.constant 3 : i32
      %mul3A_247 = arith.muli %scan3A_245, %mul3A_246 : i32
      %add3A_248 = arith.constant 0 : i32
      %add3A_249 = arith.addi %mul3A_247, %add3A_248 : i32
      %add3A_250 = arith.constant 2 : i32
      %add3A_251 = arith.addi %add3A_249, %add3A_250 : i32
      %mul3A_252 = arith.constant 8 : i32
      %mul3A_253 = arith.muli %add3A_249, %mul3A_252 : i32
      %add3A_254 = arith.addi %mul3A_2, %mul3A_253 : i32
      %dma_wait3A_255 = arith.constant 0 : i32
      %dma_wait3A_256 = arith.constant 0 : i32
      %dma_wait3A_257 = arith.constant 0 : i32
      %dma_wait3A_258 = arith.constant 0 : i32
      %dma_wait3A_259 = tpu.memref_slice %arg5[%dma_wait3A_255, %dma_wait3A_256, %dma_wait3A_257, %dma_wait3A_258] : memref<3x5x8x1024xf32, #tpu.memory_space<vmem>> -> memref<1x1x8x1024xf32, #tpu.memory_space<vmem>>
      %dma_wait3A_260 = tpu.memref_squeeze %dma_wait3A_259 : memref<1x1x8x1024xf32, #tpu.memory_space<vmem>> -> memref<8x1024xf32, #tpu.memory_space<vmem>>
      %dma_wait3A_261 = arith.constant 0 : i32
      %dma_wait3A_262 = tpu.memref_slice %arg3[%add3A_254, %dma_wait3A_261] : memref<8192x1024xf32, #tpu.memory_space<hbm>> -> memref<8x1024xf32, #tpu.memory_space<hbm>>
      %dma_wait3A_263 = arith.constant 0 : i32
      %dma_wait3A_264 = arith.constant 0 : i32
      %dma_wait3A_265 = tpu.memref_slice %arg5[%dma_wait3A_255, %dma_wait3A_256, %dma_wait3A_263, %dma_wait3A_264] : memref<3x5x8x1024xf32, #tpu.memory_space<vmem>> -> memref<1x1x8x1024xf32, #tpu.memory_space<vmem>>
      %dma_wait3A_266 = tpu.memref_squeeze %dma_wait3A_265 : memref<1x1x8x1024xf32, #tpu.memory_space<vmem>> -> memref<8x1024xf32, #tpu.memory_space<vmem>>
      %dma_wait3A_267 = arith.constant 0 : i32
      %dma_wait3A_268 = tpu.memref_slice %arg3[%add3A_254, %dma_wait3A_267] : memref<8192x1024xf32, #tpu.memory_space<hbm>> -> memref<8x1024xf32, #tpu.memory_space<hbm>>
      tpu.wait_dma2 semaphore(%arg6 : memref<!tpu.dma_semaphore, #tpu.memory_space<semaphore_mem>>) src(%dma_wait3A_268 : memref<8x1024xf32, #tpu.memory_space<hbm>>) dst(%dma_wait3A_266 : memref<8x1024xf32, #tpu.memory_space<vmem>>)
      %dma_wait3A_269 = arith.constant 0 : i32
      %dma_wait3A_270 = arith.constant 1 : i32
      %dma_wait3A_271 = arith.constant 0 : i32
      %dma_wait3A_272 = arith.constant 0 : i32
      %dma_wait3A_273 = tpu.memref_slice %arg5[%dma_wait3A_269, %dma_wait3A_270, %dma_wait3A_271, %dma_wait3A_272] : memref<3x5x8x1024xf32, #tpu.memory_space<vmem>> -> memref<1x4x8x1024xf32, #tpu.memory_space<vmem>>
      %dma_wait3A_274 = tpu.memref_squeeze %dma_wait3A_273 : memref<1x4x8x1024xf32, #tpu.memory_space<vmem>> -> memref<4x8x1024xf32, #tpu.memory_space<vmem>>
      %dma_wait3A_275 = arith.constant 0 : i32
      %dma_wait3A_276 = arith.constant 0 : i32
      %dma_wait3A_277 = tpu.memref_slice %arg2[%dma_wait3A_275, %add3A_254, %dma_wait3A_276] : memref<4x8192x1024xf32, #tpu.memory_space<hbm>> -> memref<4x8x1024xf32, #tpu.memory_space<hbm>>
      %dma_wait3A_278 = arith.constant 1 : i32
      %dma_wait3A_279 = arith.constant 0 : i32
      %dma_wait3A_280 = arith.constant 0 : i32
      %dma_wait3A_281 = tpu.memref_slice %arg5[%dma_wait3A_269, %dma_wait3A_278, %dma_wait3A_279, %dma_wait3A_280] : memref<3x5x8x1024xf32, #tpu.memory_space<vmem>> -> memref<1x4x8x1024xf32, #tpu.memory_space<vmem>>
      %dma_wait3A_282 = tpu.memref_squeeze %dma_wait3A_281 : memref<1x4x8x1024xf32, #tpu.memory_space<vmem>> -> memref<4x8x1024xf32, #tpu.memory_space<vmem>>
      %dma_wait3A_283 = arith.constant 0 : i32
      %dma_wait3A_284 = arith.constant 0 : i32
      %dma_wait3A_285 = tpu.memref_slice %arg2[%dma_wait3A_283, %add3A_254, %dma_wait3A_284] : memref<4x8192x1024xf32, #tpu.memory_space<hbm>> -> memref<4x8x1024xf32, #tpu.memory_space<hbm>>
      tpu.wait_dma2 semaphore(%arg6 : memref<!tpu.dma_semaphore, #tpu.memory_space<semaphore_mem>>) src(%dma_wait3A_285 : memref<4x8x1024xf32, #tpu.memory_space<hbm>>) dst(%dma_wait3A_282 : memref<4x8x1024xf32, #tpu.memory_space<vmem>>)
      %scan3A_286 = arith.constant 0 : i32
      %scan3A_287 = arith.constant 0 : i32
      %scan3A_288 = arith.constant 64 : i32
      %scan3A_289 = arith.addi %scan3A_287, %scan3A_288 : i32
      %scan3A_290 = arith.constant 1 : i32
      scf.for %scan3A_554 = %scan3A_287 to %scan3A_289 step %scan3A_290  : i32 {
        %mul3A_555 = arith.constant 16 : i32
        %mul3A_556 = arith.muli %scan3A_554, %mul3A_555 : i32
        %get3A = arith.constant 0 : i32
        %get3A_557 = arith.constant 0 : i32
        %get3A_558 = arith.constant 0 : i32
        %get3A_559 = arith.index_cast %get3A : i32 to index
        %get3A_560 = arith.index_cast %get3A_557 : i32 to index
        %get3A_561 = arith.index_cast %get3A_558 : i32 to index
        %get3A_562 = arith.index_cast %mul3A_556 : i32 to index
        %get3A_563 = tpu.vector_load %arg5[%get3A_559, %get3A_560, %get3A_561, %get3A_562] {strides = array<i32>} : memref<3x5x8x1024xf32, #tpu.memory_space<vmem>>, vector<1x1x1x16xf32>,
        %get3A_564 = vector.shape_cast %get3A_563 : vector<1x1x1x16xf32> to vector<16xf32>
        %get3A_565 = arith.constant 0 : i32
        %get3A_566 = arith.constant 1 : i32
        %get3A_567 = arith.constant 0 : i32
        %get3A_568 = arith.index_cast %get3A_565 : i32 to index
        %get3A_569 = arith.index_cast %get3A_566 : i32 to index
        %get3A_570 = arith.index_cast %get3A_567 : i32 to index
        %get3A_571 = arith.index_cast %mul3A_556 : i32 to index
        %get3A_572 = tpu.vector_load %arg5[%get3A_568, %get3A_569, %get3A_570, %get3A_571] {strides = array<i32>} : memref<3x5x8x1024xf32, #tpu.memory_space<vmem>>, vector<1x1x1x16xf32>,
        %get3A_573 = vector.shape_cast %get3A_572 : vector<1x1x1x16xf32> to vector<16xf32>
        %add3A_574 = arith.addf %get3A_573, %get3A_564 : vector<16xf32>
        %swap3A = arith.constant 0 : i32
        %swap3A_575 = arith.constant 1 : i32
        %swap3A_576 = arith.constant 0 : i32
        %swap3A_577 = arith.index_cast %swap3A : i32 to index
        %swap3A_578 = arith.index_cast %swap3A_575 : i32 to index
        %swap3A_579 = arith.index_cast %swap3A_576 : i32 to index
        %swap3A_580 = arith.index_cast %mul3A_556 : i32 to index
        %swap3A_581 = tpu.vector_load %arg5[%swap3A_577, %swap3A_578, %swap3A_579, %swap3A_580] {strides = array<i32>} : memref<3x5x8x1024xf32, #tpu.memory_space<vmem>>, vector<1x1x1x16xf32>,
        %swap3A_582 = vector.shape_cast %swap3A_581 : vector<1x1x1x16xf32> to vector<16xf32>
        %swap3A_583 = vector.shape_cast %add3A_574 : vector<16xf32> to vector<1x1x1x16xf32>
        tpu.vector_store %arg5[%swap3A_577, %swap3A_578, %swap3A_579, %swap3A_580], %swap3A_583 {strides = array<i32>} : memref<3x5x8x1024xf32, #tpu.memory_space<vmem>>, vector<1x1x1x16xf32>,
        %get3A_584 = arith.constant 0 : i32
        %get3A_585 = arith.constant 2 : i32
        %get3A_586 = arith.constant 0 : i32
        %get3A_587 = arith.index_cast %get3A_584 : i32 to index
        %get3A_588 = arith.index_cast %get3A_585 : i32 to index
        %get3A_589 = arith.index_cast %get3A_586 : i32 to index
        %get3A_590 = arith.index_cast %mul3A_556 : i32 to index
        %get3A_591 = tpu.vector_load %arg5[%get3A_587, %get3A_588, %get3A_589, %get3A_590] {strides = array<i32>} : memref<3x5x8x1024xf32, #tpu.memory_space<vmem>>, vector<1x1x1x16xf32>,
        %get3A_592 = vector.shape_cast %get3A_591 : vector<1x1x1x16xf32> to vector<16xf32>
        %add3A_593 = arith.addf %get3A_592, %get3A_564 : vector<16xf32>
        %swap3A_594 = arith.constant 0 : i32
        %swap3A_595 = arith.constant 2 : i32
        %swap3A_596 = arith.constant 0 : i32
        %swap3A_597 = arith.index_cast %swap3A_594 : i32 to index
        %swap3A_598 = arith.index_cast %swap3A_595 : i32 to index
        %swap3A_599 = arith.index_cast %swap3A_596 : i32 to index
        %swap3A_600 = arith.index_cast %mul3A_556 : i32 to index
        %swap3A_601 = tpu.vector_load %arg5[%swap3A_597, %swap3A_598, %swap3A_599, %swap3A_600] {strides = array<i32>} : memref<3x5x8x1024xf32, #tpu.memory_space<vmem>>, vector<1x1x1x16xf32>,
        %swap3A_602 = vector.shape_cast %swap3A_601 : vector<1x1x1x16xf32> to vector<16xf32>
        %swap3A_603 = vector.shape_cast %add3A_593 : vector<16xf32> to vector<1x1x1x16xf32>
        tpu.vector_store %arg5[%swap3A_597, %swap3A_598, %swap3A_599, %swap3A_600], %swap3A_603 {strides = array<i32>} : memref<3x5x8x1024xf32, #tpu.memory_space<vmem>>, vector<1x1x1x16xf32>,
        %get3A_604 = arith.constant 0 : i32
        %get3A_605 = arith.constant 3 : i32
        %get3A_606 = arith.constant 0 : i32
        %get3A_607 = arith.index_cast %get3A_604 : i32 to index
        %get3A_608 = arith.index_cast %get3A_605 : i32 to index
        %get3A_609 = arith.index_cast %get3A_606 : i32 to index
        %get3A_610 = arith.index_cast %mul3A_556 : i32 to index
        %get3A_611 = tpu.vector_load %arg5[%get3A_607, %get3A_608, %get3A_609, %get3A_610] {strides = array<i32>} : memref<3x5x8x1024xf32, #tpu.memory_space<vmem>>, vector<1x1x1x16xf32>,
        %get3A_612 = vector.shape_cast %get3A_611 : vector<1x1x1x16xf32> to vector<16xf32>
        %add3A_613 = arith.addf %get3A_612, %get3A_564 : vector<16xf32>
        %swap3A_614 = arith.constant 0 : i32
        %swap3A_615 = arith.constant 3 : i32
        %swap3A_616 = arith.constant 0 : i32
        %swap3A_617 = arith.index_cast %swap3A_614 : i32 to index
        %swap3A_618 = arith.index_cast %swap3A_615 : i32 to index
        %swap3A_619 = arith.index_cast %swap3A_616 : i32 to index
        %swap3A_620 = arith.index_cast %mul3A_556 : i32 to index
        %swap3A_621 = tpu.vector_load %arg5[%swap3A_617, %swap3A_618, %swap3A_619, %swap3A_620] {strides = array<i32>} : memref<3x5x8x1024xf32, #tpu.memory_space<vmem>>, vector<1x1x1x16xf32>,
        %swap3A_622 = vector.shape_cast %swap3A_621 : vector<1x1x1x16xf32> to vector<16xf32>
        %swap3A_623 = vector.shape_cast %add3A_613 : vector<16xf32> to vector<1x1x1x16xf32>
        tpu.vector_store %arg5[%swap3A_617, %swap3A_618, %swap3A_619, %swap3A_620], %swap3A_623 {strides = array<i32>} : memref<3x5x8x1024xf32, #tpu.memory_space<vmem>>, vector<1x1x1x16xf32>,
        %get3A_624 = arith.constant 0 : i32
        %get3A_625 = arith.constant 4 : i32
        %get3A_626 = arith.constant 0 : i32
        %get3A_627 = arith.index_cast %get3A_624 : i32 to index
        %get3A_628 = arith.index_cast %get3A_625 : i32 to index
        %get3A_629 = arith.index_cast %get3A_626 : i32 to index
        %get3A_630 = arith.index_cast %mul3A_556 : i32 to index
        %get3A_631 = tpu.vector_load %arg5[%get3A_627, %get3A_628, %get3A_629, %get3A_630] {strides = array<i32>} : memref<3x5x8x1024xf32, #tpu.memory_space<vmem>>, vector<1x1x1x16xf32>,
        %get3A_632 = vector.shape_cast %get3A_631 : vector<1x1x1x16xf32> to vector<16xf32>
        %add3A_633 = arith.addf %get3A_632, %get3A_564 : vector<16xf32>
        %swap3A_634 = arith.constant 0 : i32
        %swap3A_635 = arith.constant 4 : i32
        %swap3A_636 = arith.constant 0 : i32
        %swap3A_637 = arith.index_cast %swap3A_634 : i32 to index
        %swap3A_638 = arith.index_cast %swap3A_635 : i32 to index
        %swap3A_639 = arith.index_cast %swap3A_636 : i32 to index
        %swap3A_640 = arith.index_cast %mul3A_556 : i32 to index
        %swap3A_641 = tpu.vector_load %arg5[%swap3A_637, %swap3A_638, %swap3A_639, %swap3A_640] {strides = array<i32>} : memref<3x5x8x1024xf32, #tpu.memory_space<vmem>>, vector<1x1x1x16xf32>,
        %swap3A_642 = vector.shape_cast %swap3A_641 : vector<1x1x1x16xf32> to vector<16xf32>
        %swap3A_643 = vector.shape_cast %add3A_633 : vector<16xf32> to vector<1x1x1x16xf32>
        tpu.vector_store %arg5[%swap3A_637, %swap3A_638, %swap3A_639, %swap3A_640], %swap3A_643 {strides = array<i32>} : memref<3x5x8x1024xf32, #tpu.memory_space<vmem>>, vector<1x1x1x16xf32>,
        %get3A_644 = arith.constant 0 : i32
        %get3A_645 = arith.constant 0 : i32
        %get3A_646 = arith.constant 1 : i32
        %get3A_647 = arith.index_cast %get3A_644 : i32 to index
        %get3A_648 = arith.index_cast %get3A_645 : i32 to index
        %get3A_649 = arith.index_cast %get3A_646 : i32 to index
        %get3A_650 = arith.index_cast %mul3A_556 : i32 to index
        %get3A_651 = tpu.vector_load %arg5[%get3A_647, %get3A_648, %get3A_649, %get3A_650] {strides = array<i32>} : memref<3x5x8x1024xf32, #tpu.memory_space<vmem>>, vector<1x1x1x16xf32>,
        %get3A_652 = vector.shape_cast %get3A_651 : vector<1x1x1x16xf32> to vector<16xf32>
        %get3A_653 = arith.constant 0 : i32
        %get3A_654 = arith.constant 1 : i32
        %get3A_655 = arith.constant 1 : i32
        %get3A_656 = arith.index_cast %get3A_653 : i32 to index
        %get3A_657 = arith.index_cast %get3A_654 : i32 to index
        %get3A_658 = arith.index_cast %get3A_655 : i32 to index
        %get3A_659 = arith.index_cast %mul3A_556 : i32 to index
        %get3A_660 = tpu.vector_load %arg5[%get3A_656, %get3A_657, %get3A_658, %get3A_659] {strides = array<i32>} : memref<3x5x8x1024xf32, #tpu.memory_space<vmem>>, vector<1x1x1x16xf32>,
        %get3A_661 = vector.shape_cast %get3A_660 : vector<1x1x1x16xf32> to vector<16xf32>
        %add3A_662 = arith.addf %get3A_661, %get3A_652 : vector<16xf32>
        %swap3A_663 = arith.constant 0 : i32
        %swap3A_664 = arith.constant 1 : i32
        %swap3A_665 = arith.constant 1 : i32
        %swap3A_666 = arith.index_cast %swap3A_663 : i32 to index
        %swap3A_667 = arith.index_cast %swap3A_664 : i32 to index
        %swap3A_668 = arith.index_cast %swap3A_665 : i32 to index
        %swap3A_669 = arith.index_cast %mul3A_556 : i32 to index
        %swap3A_670 = tpu.vector_load %arg5[%swap3A_666, %swap3A_667, %swap3A_668, %swap3A_669] {strides = array<i32>} : memref<3x5x8x1024xf32, #tpu.memory_space<vmem>>, vector<1x1x1x16xf32>,
        %swap3A_671 = vector.shape_cast %swap3A_670 : vector<1x1x1x16xf32> to vector<16xf32>
        %swap3A_672 = vector.shape_cast %add3A_662 : vector<16xf32> to vector<1x1x1x16xf32>
        tpu.vector_store %arg5[%swap3A_666, %swap3A_667, %swap3A_668, %swap3A_669], %swap3A_672 {strides = array<i32>} : memref<3x5x8x1024xf32, #tpu.memory_space<vmem>>, vector<1x1x1x16xf32>,
        %get3A_673 = arith.constant 0 : i32
        %get3A_674 = arith.constant 2 : i32
        %get3A_675 = arith.constant 1 : i32
        %get3A_676 = arith.index_cast %get3A_673 : i32 to index
        %get3A_677 = arith.index_cast %get3A_674 : i32 to index
        %get3A_678 = arith.index_cast %get3A_675 : i32 to index
        %get3A_679 = arith.index_cast %mul3A_556 : i32 to index
        %get3A_680 = tpu.vector_load %arg5[%get3A_676, %get3A_677, %get3A_678, %get3A_679] {strides = array<i32>} : memref<3x5x8x1024xf32, #tpu.memory_space<vmem>>, vector<1x1x1x16xf32>,
        %get3A_681 = vector.shape_cast %get3A_680 : vector<1x1x1x16xf32> to vector<16xf32>
        %add3A_682 = arith.addf %get3A_681, %get3A_652 : vector<16xf32>
        %swap3A_683 = arith.constant 0 : i32
        %swap3A_684 = arith.constant 2 : i32
        %swap3A_685 = arith.constant 1 : i32
        %swap3A_686 = arith.index_cast %swap3A_683 : i32 to index
        %swap3A_687 = arith.index_cast %swap3A_684 : i32 to index
        %swap3A_688 = arith.index_cast %swap3A_685 : i32 to index
        %swap3A_689 = arith.index_cast %mul3A_556 : i32 to index
        %swap3A_690 = tpu.vector_load %arg5[%swap3A_686, %swap3A_687, %swap3A_688, %swap3A_689] {strides = array<i32>} : memref<3x5x8x1024xf32, #tpu.memory_space<vmem>>, vector<1x1x1x16xf32>,
        %swap3A_691 = vector.shape_cast %swap3A_690 : vector<1x1x1x16xf32> to vector<16xf32>
        %swap3A_692 = vector.shape_cast %add3A_682 : vector<16xf32> to vector<1x1x1x16xf32>
        tpu.vector_store %arg5[%swap3A_686, %swap3A_687, %swap3A_688, %swap3A_689], %swap3A_692 {strides = array<i32>} : memref<3x5x8x1024xf32, #tpu.memory_space<vmem>>, vector<1x1x1x16xf32>,
        %get3A_693 = arith.constant 0 : i32
        %get3A_694 = arith.constant 3 : i32
        %get3A_695 = arith.constant 1 : i32
        %get3A_696 = arith.index_cast %get3A_693 : i32 to index
        %get3A_697 = arith.index_cast %get3A_694 : i32 to index
        %get3A_698 = arith.index_cast %get3A_695 : i32 to index
        %get3A_699 = arith.index_cast %mul3A_556 : i32 to index
        %get3A_700 = tpu.vector_load %arg5[%get3A_696, %get3A_697, %get3A_698, %get3A_699] {strides = array<i32>} : memref<3x5x8x1024xf32, #tpu.memory_space<vmem>>, vector<1x1x1x16xf32>,
        %get3A_701 = vector.shape_cast %get3A_700 : vector<1x1x1x16xf32> to vector<16xf32>
        %add3A_702 = arith.addf %get3A_701, %get3A_652 : vector<16xf32>
        %swap3A_703 = arith.constant 0 : i32
        %swap3A_704 = arith.constant 3 : i32
        %swap3A_705 = arith.constant 1 : i32
        %swap3A_706 = arith.index_cast %swap3A_703 : i32 to index
        %swap3A_707 = arith.index_cast %swap3A_704 : i32 to index
        %swap3A_708 = arith.index_cast %swap3A_705 : i32 to index
        %swap3A_709 = arith.index_cast %mul3A_556 : i32 to index
        %swap3A_710 = tpu.vector_load %arg5[%swap3A_706, %swap3A_707, %swap3A_708, %swap3A_709] {strides = array<i32>} : memref<3x5x8x1024xf32, #tpu.memory_space<vmem>>, vector<1x1x1x16xf32>,
        %swap3A_711 = vector.shape_cast %swap3A_710 : vector<1x1x1x16xf32> to vector<16xf32>
        %swap3A_712 = vector.shape_cast %add3A_702 : vector<16xf32> to vector<1x1x1x16xf32>
        tpu.vector_store %arg5[%swap3A_706, %swap3A_707, %swap3A_708, %swap3A_709], %swap3A_712 {strides = array<i32>} : memref<3x5x8x1024xf32, #tpu.memory_space<vmem>>, vector<1x1x1x16xf32>,
        %get3A_713 = arith.constant 0 : i32
        %get3A_714 = arith.constant 4 : i32
        %get3A_715 = arith.constant 1 : i32
        %get3A_716 = arith.index_cast %get3A_713 : i32 to index
        %get3A_717 = arith.index_cast %get3A_714 : i32 to index
        %get3A_718 = arith.index_cast %get3A_715 : i32 to index
        %get3A_719 = arith.index_cast %mul3A_556 : i32 to index
        %get3A_720 = tpu.vector_load %arg5[%get3A_716, %get3A_717, %get3A_718, %get3A_719] {strides = array<i32>} : memref<3x5x8x1024xf32, #tpu.memory_space<vmem>>, vector<1x1x1x16xf32>,
        %get3A_721 = vector.shape_cast %get3A_720 : vector<1x1x1x16xf32> to vector<16xf32>
        %add3A_722 = arith.addf %get3A_721, %get3A_652 : vector<16xf32>
        %swap3A_723 = arith.constant 0 : i32
        %swap3A_724 = arith.constant 4 : i32
        %swap3A_725 = arith.constant 1 : i32
        %swap3A_726 = arith.index_cast %swap3A_723 : i32 to index
        %swap3A_727 = arith.index_cast %swap3A_724 : i32 to index
        %swap3A_728 = arith.index_cast %swap3A_725 : i32 to index
        %swap3A_729 = arith.index_cast %mul3A_556 : i32 to index
        %swap3A_730 = tpu.vector_load %arg5[%swap3A_726, %swap3A_727, %swap3A_728, %swap3A_729] {strides = array<i32>} : memref<3x5x8x1024xf32, #tpu.memory_space<vmem>>, vector<1x1x1x16xf32>,
        %swap3A_731 = vector.shape_cast %swap3A_730 : vector<1x1x1x16xf32> to vector<16xf32>
        %swap3A_732 = vector.shape_cast %add3A_722 : vector<16xf32> to vector<1x1x1x16xf32>
        tpu.vector_store %arg5[%swap3A_726, %swap3A_727, %swap3A_728, %swap3A_729], %swap3A_732 {strides = array<i32>} : memref<3x5x8x1024xf32, #tpu.memory_space<vmem>>, vector<1x1x1x16xf32>,
        %get3A_733 = arith.constant 0 : i32
        %get3A_734 = arith.constant 0 : i32
        %get3A_735 = arith.constant 2 : i32
        %get3A_736 = arith.index_cast %get3A_733 : i32 to index
        %get3A_737 = arith.index_cast %get3A_734 : i32 to index
        %get3A_738 = arith.index_cast %get3A_735 : i32 to index
        %get3A_739 = arith.index_cast %mul3A_556 : i32 to index
        %get3A_740 = tpu.vector_load %arg5[%get3A_736, %get3A_737, %get3A_738, %get3A_739] {strides = array<i32>} : memref<3x5x8x1024xf32, #tpu.memory_space<vmem>>, vector<1x1x1x16xf32>,
        %get3A_741 = vector.shape_cast %get3A_740 : vector<1x1x1x16xf32> to vector<16xf32>
        %get3A_742 = arith.constant 0 : i32
        %get3A_743 = arith.constant 1 : i32
        %get3A_744 = arith.constant 2 : i32
        %get3A_745 = arith.index_cast %get3A_742 : i32 to index
        %get3A_746 = arith.index_cast %get3A_743 : i32 to index
        %get3A_747 = arith.index_cast %get3A_744 : i32 to index
        %get3A_748 = arith.index_cast %mul3A_556 : i32 to index
        %get3A_749 = tpu.vector_load %arg5[%get3A_745, %get3A_746, %get3A_747, %get3A_748] {strides = array<i32>} : memref<3x5x8x1024xf32, #tpu.memory_space<vmem>>, vector<1x1x1x16xf32>,
        %get3A_750 = vector.shape_cast %get3A_749 : vector<1x1x1x16xf32> to vector<16xf32>
        %add3A_751 = arith.addf %get3A_750, %get3A_741 : vector<16xf32>
        %swap3A_752 = arith.constant 0 : i32
        %swap3A_753 = arith.constant 1 : i32
        %swap3A_754 = arith.constant 2 : i32
        %swap3A_755 = arith.index_cast %swap3A_752 : i32 to index
        %swap3A_756 = arith.index_cast %swap3A_753 : i32 to index
        %swap3A_757 = arith.index_cast %swap3A_754 : i32 to index
        %swap3A_758 = arith.index_cast %mul3A_556 : i32 to index
        %swap3A_759 = tpu.vector_load %arg5[%swap3A_755, %swap3A_756, %swap3A_757, %swap3A_758] {strides = array<i32>} : memref<3x5x8x1024xf32, #tpu.memory_space<vmem>>, vector<1x1x1x16xf32>,
        %swap3A_760 = vector.shape_cast %swap3A_759 : vector<1x1x1x16xf32> to vector<16xf32>
        %swap3A_761 = vector.shape_cast %add3A_751 : vector<16xf32> to vector<1x1x1x16xf32>
        tpu.vector_store %arg5[%swap3A_755, %swap3A_756, %swap3A_757, %swap3A_758], %swap3A_761 {strides = array<i32>} : memref<3x5x8x1024xf32, #tpu.memory_space<vmem>>, vector<1x1x1x16xf32>,
        %get3A_762 = arith.constant 0 : i32
        %get3A_763 = arith.constant 2 : i32
        %get3A_764 = arith.constant 2 : i32
        %get3A_765 = arith.index_cast %get3A_762 : i32 to index
        %get3A_766 = arith.index_cast %get3A_763 : i32 to index
        %get3A_767 = arith.index_cast %get3A_764 : i32 to index
        %get3A_768 = arith.index_cast %mul3A_556 : i32 to index
        %get3A_769 = tpu.vector_load %arg5[%get3A_765, %get3A_766, %get3A_767, %get3A_768] {strides = array<i32>} : memref<3x5x8x1024xf32, #tpu.memory_space<vmem>>, vector<1x1x1x16xf32>,
        %get3A_770 = vector.shape_cast %get3A_769 : vector<1x1x1x16xf32> to vector<16xf32>
        %add3A_771 = arith.addf %get3A_770, %get3A_741 : vector<16xf32>
        %swap3A_772 = arith.constant 0 : i32
        %swap3A_773 = arith.constant 2 : i32
        %swap3A_774 = arith.constant 2 : i32
        %swap3A_775 = arith.index_cast %swap3A_772 : i32 to index
        %swap3A_776 = arith.index_cast %swap3A_773 : i32 to index
        %swap3A_777 = arith.index_cast %swap3A_774 : i32 to index
        %swap3A_778 = arith.index_cast %mul3A_556 : i32 to index
        %swap3A_779 = tpu.vector_load %arg5[%swap3A_775, %swap3A_776, %swap3A_777, %swap3A_778] {strides = array<i32>} : memref<3x5x8x1024xf32, #tpu.memory_space<vmem>>, vector<1x1x1x16xf32>,
        %swap3A_780 = vector.shape_cast %swap3A_779 : vector<1x1x1x16xf32> to vector<16xf32>
        %swap3A_781 = vector.shape_cast %add3A_771 : vector<16xf32> to vector<1x1x1x16xf32>
        tpu.vector_store %arg5[%swap3A_775, %swap3A_776, %swap3A_777, %swap3A_778], %swap3A_781 {strides = array<i32>} : memref<3x5x8x1024xf32, #tpu.memory_space<vmem>>, vector<1x1x1x16xf32>,
        %get3A_782 = arith.constant 0 : i32
        %get3A_783 = arith.constant 3 : i32
        %get3A_784 = arith.constant 2 : i32
        %get3A_785 = arith.index_cast %get3A_782 : i32 to index
        %get3A_786 = arith.index_cast %get3A_783 : i32 to index
        %get3A_787 = arith.index_cast %get3A_784 : i32 to index
        %get3A_788 = arith.index_cast %mul3A_556 : i32 to index
        %get3A_789 = tpu.vector_load %arg5[%get3A_785, %get3A_786, %get3A_787, %get3A_788] {strides = array<i32>} : memref<3x5x8x1024xf32, #tpu.memory_space<vmem>>, vector<1x1x1x16xf32>,
        %get3A_790 = vector.shape_cast %get3A_789 : vector<1x1x1x16xf32> to vector<16xf32>
        %add3A_791 = arith.addf %get3A_790, %get3A_741 : vector<16xf32>
        %swap3A_792 = arith.constant 0 : i32
        %swap3A_793 = arith.constant 3 : i32
        %swap3A_794 = arith.constant 2 : i32
        %swap3A_795 = arith.index_cast %swap3A_792 : i32 to index
        %swap3A_796 = arith.index_cast %swap3A_793 : i32 to index
        %swap3A_797 = arith.index_cast %swap3A_794 : i32 to index
        %swap3A_798 = arith.index_cast %mul3A_556 : i32 to index
        %swap3A_799 = tpu.vector_load %arg5[%swap3A_795, %swap3A_796, %swap3A_797, %swap3A_798] {strides = array<i32>} : memref<3x5x8x1024xf32, #tpu.memory_space<vmem>>, vector<1x1x1x16xf32>,
        %swap3A_800 = vector.shape_cast %swap3A_799 : vector<1x1x1x16xf32> to vector<16xf32>
        %swap3A_801 = vector.shape_cast %add3A_791 : vector<16xf32> to vector<1x1x1x16xf32>
        tpu.vector_store %arg5[%swap3A_795, %swap3A_796, %swap3A_797, %swap3A_798], %swap3A_801 {strides = array<i32>} : memref<3x5x8x1024xf32, #tpu.memory_space<vmem>>, vector<1x1x1x16xf32>,
        %get3A_802 = arith.constant 0 : i32
        %get3A_803 = arith.constant 4 : i32
        %get3A_804 = arith.constant 2 : i32
        %get3A_805 = arith.index_cast %get3A_802 : i32 to index
        %get3A_806 = arith.index_cast %get3A_803 : i32 to index
        %get3A_807 = arith.index_cast %get3A_804 : i32 to index
        %get3A_808 = arith.index_cast %mul3A_556 : i32 to index
        %get3A_809 = tpu.vector_load %arg5[%get3A_805, %get3A_806, %get3A_807, %get3A_808] {strides = array<i32>} : memref<3x5x8x1024xf32, #tpu.memory_space<vmem>>, vector<1x1x1x16xf32>,
        %get3A_810 = vector.shape_cast %get3A_809 : vector<1x1x1x16xf32> to vector<16xf32>
        %add3A_811 = arith.addf %get3A_810, %get3A_741 : vector<16xf32>
        %swap3A_812 = arith.constant 0 : i32
        %swap3A_813 = arith.constant 4 : i32
        %swap3A_814 = arith.constant 2 : i32
        %swap3A_815 = arith.index_cast %swap3A_812 : i32 to index
        %swap3A_816 = arith.index_cast %swap3A_813 : i32 to index
        %swap3A_817 = arith.index_cast %swap3A_814 : i32 to index
        %swap3A_818 = arith.index_cast %mul3A_556 : i32 to index
        %swap3A_819 = tpu.vector_load %arg5[%swap3A_815, %swap3A_816, %swap3A_817, %swap3A_818] {strides = array<i32>} : memref<3x5x8x1024xf32, #tpu.memory_space<vmem>>, vector<1x1x1x16xf32>,
        %swap3A_820 = vector.shape_cast %swap3A_819 : vector<1x1x1x16xf32> to vector<16xf32>
        %swap3A_821 = vector.shape_cast %add3A_811 : vector<16xf32> to vector<1x1x1x16xf32>
        tpu.vector_store %arg5[%swap3A_815, %swap3A_816, %swap3A_817, %swap3A_818], %swap3A_821 {strides = array<i32>} : memref<3x5x8x1024xf32, #tpu.memory_space<vmem>>, vector<1x1x1x16xf32>,
        %get3A_822 = arith.constant 0 : i32
        %get3A_823 = arith.constant 0 : i32
        %get3A_824 = arith.constant 3 : i32
        %get3A_825 = arith.index_cast %get3A_822 : i32 to index
        %get3A_826 = arith.index_cast %get3A_823 : i32 to index
        %get3A_827 = arith.index_cast %get3A_824 : i32 to index
        %get3A_828 = arith.index_cast %mul3A_556 : i32 to index
        %get3A_829 = tpu.vector_load %arg5[%get3A_825, %get3A_826, %get3A_827, %get3A_828] {strides = array<i32>} : memref<3x5x8x1024xf32, #tpu.memory_space<vmem>>, vector<1x1x1x16xf32>,
        %get3A_830 = vector.shape_cast %get3A_829 : vector<1x1x1x16xf32> to vector<16xf32>
        %get3A_831 = arith.constant 0 : i32
        %get3A_832 = arith.constant 1 : i32
        %get3A_833 = arith.constant 3 : i32
        %get3A_834 = arith.index_cast %get3A_831 : i32 to index
        %get3A_835 = arith.index_cast %get3A_832 : i32 to index
        %get3A_836 = arith.index_cast %get3A_833 : i32 to index
        %get3A_837 = arith.index_cast %mul3A_556 : i32 to index
        %get3A_838 = tpu.vector_load %arg5[%get3A_834, %get3A_835, %get3A_836, %get3A_837] {strides = array<i32>} : memref<3x5x8x1024xf32, #tpu.memory_space<vmem>>, vector<1x1x1x16xf32>,
        %get3A_839 = vector.shape_cast %get3A_838 : vector<1x1x1x16xf32> to vector<16xf32>
        %add3A_840 = arith.addf %get3A_839, %get3A_830 : vector<16xf32>
        %swap3A_841 = arith.constant 0 : i32
        %swap3A_842 = arith.constant 1 : i32
        %swap3A_843 = arith.constant 3 : i32
        %swap3A_844 = arith.index_cast %swap3A_841 : i32 to index
        %swap3A_845 = arith.index_cast %swap3A_842 : i32 to index
        %swap3A_846 = arith.index_cast %swap3A_843 : i32 to index
        %swap3A_847 = arith.index_cast %mul3A_556 : i32 to index
        %swap3A_848 = tpu.vector_load %arg5[%swap3A_844, %swap3A_845, %swap3A_846, %swap3A_847] {strides = array<i32>} : memref<3x5x8x1024xf32, #tpu.memory_space<vmem>>, vector<1x1x1x16xf32>,
        %swap3A_849 = vector.shape_cast %swap3A_848 : vector<1x1x1x16xf32> to vector<16xf32>
        %swap3A_850 = vector.shape_cast %add3A_840 : vector<16xf32> to vector<1x1x1x16xf32>
        tpu.vector_store %arg5[%swap3A_844, %swap3A_845, %swap3A_846, %swap3A_847], %swap3A_850 {strides = array<i32>} : memref<3x5x8x1024xf32, #tpu.memory_space<vmem>>, vector<1x1x1x16xf32>,
        %get3A_851 = arith.constant 0 : i32
        %get3A_852 = arith.constant 2 : i32
        %get3A_853 = arith.constant 3 : i32
        %get3A_854 = arith.index_cast %get3A_851 : i32 to index
        %get3A_855 = arith.index_cast %get3A_852 : i32 to index
        %get3A_856 = arith.index_cast %get3A_853 : i32 to index
        %get3A_857 = arith.index_cast %mul3A_556 : i32 to index
        %get3A_858 = tpu.vector_load %arg5[%get3A_854, %get3A_855, %get3A_856, %get3A_857] {strides = array<i32>} : memref<3x5x8x1024xf32, #tpu.memory_space<vmem>>, vector<1x1x1x16xf32>,
        %get3A_859 = vector.shape_cast %get3A_858 : vector<1x1x1x16xf32> to vector<16xf32>
        %add3A_860 = arith.addf %get3A_859, %get3A_830 : vector<16xf32>
        %swap3A_861 = arith.constant 0 : i32
        %swap3A_862 = arith.constant 2 : i32
        %swap3A_863 = arith.constant 3 : i32
        %swap3A_864 = arith.index_cast %swap3A_861 : i32 to index
        %swap3A_865 = arith.index_cast %swap3A_862 : i32 to index
        %swap3A_866 = arith.index_cast %swap3A_863 : i32 to index
        %swap3A_867 = arith.index_cast %mul3A_556 : i32 to index
        %swap3A_868 = tpu.vector_load %arg5[%swap3A_864, %swap3A_865, %swap3A_866, %swap3A_867] {strides = array<i32>} : memref<3x5x8x1024xf32, #tpu.memory_space<vmem>>, vector<1x1x1x16xf32>,
        %swap3A_869 = vector.shape_cast %swap3A_868 : vector<1x1x1x16xf32> to vector<16xf32>
        %swap3A_870 = vector.shape_cast %add3A_860 : vector<16xf32> to vector<1x1x1x16xf32>
        tpu.vector_store %arg5[%swap3A_864, %swap3A_865, %swap3A_866, %swap3A_867], %swap3A_870 {strides = array<i32>} : memref<3x5x8x1024xf32, #tpu.memory_space<vmem>>, vector<1x1x1x16xf32>,
        %get3A_871 = arith.constant 0 : i32
        %get3A_872 = arith.constant 3 : i32
        %get3A_873 = arith.constant 3 : i32
        %get3A_874 = arith.index_cast %get3A_871 : i32 to index
        %get3A_875 = arith.index_cast %get3A_872 : i32 to index
        %get3A_876 = arith.index_cast %get3A_873 : i32 to index
        %get3A_877 = arith.index_cast %mul3A_556 : i32 to index
        %get3A_878 = tpu.vector_load %arg5[%get3A_874, %get3A_875, %get3A_876, %get3A_877] {strides = array<i32>} : memref<3x5x8x1024xf32, #tpu.memory_space<vmem>>, vector<1x1x1x16xf32>,
        %get3A_879 = vector.shape_cast %get3A_878 : vector<1x1x1x16xf32> to vector<16xf32>
        %add3A_880 = arith.addf %get3A_879, %get3A_830 : vector<16xf32>
        %swap3A_881 = arith.constant 0 : i32
        %swap3A_882 = arith.constant 3 : i32
        %swap3A_883 = arith.constant 3 : i32
        %swap3A_884 = arith.index_cast %swap3A_881 : i32 to index
        %swap3A_885 = arith.index_cast %swap3A_882 : i32 to index
        %swap3A_886 = arith.index_cast %swap3A_883 : i32 to index
        %swap3A_887 = arith.index_cast %mul3A_556 : i32 to index
        %swap3A_888 = tpu.vector_load %arg5[%swap3A_884, %swap3A_885, %swap3A_886, %swap3A_887] {strides = array<i32>} : memref<3x5x8x1024xf32, #tpu.memory_space<vmem>>, vector<1x1x1x16xf32>,
        %swap3A_889 = vector.shape_cast %swap3A_888 : vector<1x1x1x16xf32> to vector<16xf32>
        %swap3A_890 = vector.shape_cast %add3A_880 : vector<16xf32> to vector<1x1x1x16xf32>
        tpu.vector_store %arg5[%swap3A_884, %swap3A_885, %swap3A_886, %swap3A_887], %swap3A_890 {strides = array<i32>} : memref<3x5x8x1024xf32, #tpu.memory_space<vmem>>, vector<1x1x1x16xf32>,
        %get3A_891 = arith.constant 0 : i32
        %get3A_892 = arith.constant 4 : i32
        %get3A_893 = arith.constant 3 : i32
        %get3A_894 = arith.index_cast %get3A_891 : i32 to index
        %get3A_895 = arith.index_cast %get3A_892 : i32 to index
        %get3A_896 = arith.index_cast %get3A_893 : i32 to index
        %get3A_897 = arith.index_cast %mul3A_556 : i32 to index
        %get3A_898 = tpu.vector_load %arg5[%get3A_894, %get3A_895, %get3A_896, %get3A_897] {strides = array<i32>} : memref<3x5x8x1024xf32, #tpu.memory_space<vmem>>, vector<1x1x1x16xf32>,
        %get3A_899 = vector.shape_cast %get3A_898 : vector<1x1x1x16xf32> to vector<16xf32>
        %add3A_900 = arith.addf %get3A_899, %get3A_830 : vector<16xf32>
        %swap3A_901 = arith.constant 0 : i32
        %swap3A_902 = arith.constant 4 : i32
        %swap3A_903 = arith.constant 3 : i32
        %swap3A_904 = arith.index_cast %swap3A_901 : i32 to index
        %swap3A_905 = arith.index_cast %swap3A_902 : i32 to index
        %swap3A_906 = arith.index_cast %swap3A_903 : i32 to index
        %swap3A_907 = arith.index_cast %mul3A_556 : i32 to index
        %swap3A_908 = tpu.vector_load %arg5[%swap3A_904, %swap3A_905, %swap3A_906, %swap3A_907] {strides = array<i32>} : memref<3x5x8x1024xf32, #tpu.memory_space<vmem>>, vector<1x1x1x16xf32>,
        %swap3A_909 = vector.shape_cast %swap3A_908 : vector<1x1x1x16xf32> to vector<16xf32>
        %swap3A_910 = vector.shape_cast %add3A_900 : vector<16xf32> to vector<1x1x1x16xf32>
        tpu.vector_store %arg5[%swap3A_904, %swap3A_905, %swap3A_906, %swap3A_907], %swap3A_910 {strides = array<i32>} : memref<3x5x8x1024xf32, #tpu.memory_space<vmem>>, vector<1x1x1x16xf32>,
        %get3A_911 = arith.constant 0 : i32
        %get3A_912 = arith.constant 0 : i32
        %get3A_913 = arith.constant 4 : i32
        %get3A_914 = arith.index_cast %get3A_911 : i32 to index
        %get3A_915 = arith.index_cast %get3A_912 : i32 to index
        %get3A_916 = arith.index_cast %get3A_913 : i32 to index
        %get3A_917 = arith.index_cast %mul3A_556 : i32 to index
        %get3A_918 = tpu.vector_load %arg5[%get3A_914, %get3A_915, %get3A_916, %get3A_917] {strides = array<i32>} : memref<3x5x8x1024xf32, #tpu.memory_space<vmem>>, vector<1x1x1x16xf32>,
        %get3A_919 = vector.shape_cast %get3A_918 : vector<1x1x1x16xf32> to vector<16xf32>
        %get3A_920 = arith.constant 0 : i32
        %get3A_921 = arith.constant 1 : i32
        %get3A_922 = arith.constant 4 : i32
        %get3A_923 = arith.index_cast %get3A_920 : i32 to index
        %get3A_924 = arith.index_cast %get3A_921 : i32 to index
        %get3A_925 = arith.index_cast %get3A_922 : i32 to index
        %get3A_926 = arith.index_cast %mul3A_556 : i32 to index
        %get3A_927 = tpu.vector_load %arg5[%get3A_923, %get3A_924, %get3A_925, %get3A_926] {strides = array<i32>} : memref<3x5x8x1024xf32, #tpu.memory_space<vmem>>, vector<1x1x1x16xf32>,
        %get3A_928 = vector.shape_cast %get3A_927 : vector<1x1x1x16xf32> to vector<16xf32>
        %add3A_929 = arith.addf %get3A_928, %get3A_919 : vector<16xf32>
        %swap3A_930 = arith.constant 0 : i32
        %swap3A_931 = arith.constant 1 : i32
        %swap3A_932 = arith.constant 4 : i32
        %swap3A_933 = arith.index_cast %swap3A_930 : i32 to index
        %swap3A_934 = arith.index_cast %swap3A_931 : i32 to index
        %swap3A_935 = arith.index_cast %swap3A_932 : i32 to index
        %swap3A_936 = arith.index_cast %mul3A_556 : i32 to index
        %swap3A_937 = tpu.vector_load %arg5[%swap3A_933, %swap3A_934, %swap3A_935, %swap3A_936] {strides = array<i32>} : memref<3x5x8x1024xf32, #tpu.memory_space<vmem>>, vector<1x1x1x16xf32>,
        %swap3A_938 = vector.shape_cast %swap3A_937 : vector<1x1x1x16xf32> to vector<16xf32>
        %swap3A_939 = vector.shape_cast %add3A_929 : vector<16xf32> to vector<1x1x1x16xf32>
        tpu.vector_store %arg5[%swap3A_933, %swap3A_934, %swap3A_935, %swap3A_936], %swap3A_939 {strides = array<i32>} : memref<3x5x8x1024xf32, #tpu.memory_space<vmem>>, vector<1x1x1x16xf32>,
        %get3A_940 = arith.constant 0 : i32
        %get3A_941 = arith.constant 2 : i32
        %get3A_942 = arith.constant 4 : i32
        %get3A_943 = arith.index_cast %get3A_940 : i32 to index
        %get3A_944 = arith.index_cast %get3A_941 : i32 to index
        %get3A_945 = arith.index_cast %get3A_942 : i32 to index
        %get3A_946 = arith.index_cast %mul3A_556 : i32 to index
        %get3A_947 = tpu.vector_load %arg5[%get3A_943, %get3A_944, %get3A_945, %get3A_946] {strides = array<i32>} : memref<3x5x8x1024xf32, #tpu.memory_space<vmem>>, vector<1x1x1x16xf32>,
        %get3A_948 = vector.shape_cast %get3A_947 : vector<1x1x1x16xf32> to vector<16xf32>
        %add3A_949 = arith.addf %get3A_948, %get3A_919 : vector<16xf32>
        %swap3A_950 = arith.constant 0 : i32
        %swap3A_951 = arith.constant 2 : i32
        %swap3A_952 = arith.constant 4 : i32
        %swap3A_953 = arith.index_cast %swap3A_950 : i32 to index
        %swap3A_954 = arith.index_cast %swap3A_951 : i32 to index
        %swap3A_955 = arith.index_cast %swap3A_952 : i32 to index
        %swap3A_956 = arith.index_cast %mul3A_556 : i32 to index
        %swap3A_957 = tpu.vector_load %arg5[%swap3A_953, %swap3A_954, %swap3A_955, %swap3A_956] {strides = array<i32>} : memref<3x5x8x1024xf32, #tpu.memory_space<vmem>>, vector<1x1x1x16xf32>,
        %swap3A_958 = vector.shape_cast %swap3A_957 : vector<1x1x1x16xf32> to vector<16xf32>
        %swap3A_959 = vector.shape_cast %add3A_949 : vector<16xf32> to vector<1x1x1x16xf32>
        tpu.vector_store %arg5[%swap3A_953, %swap3A_954, %swap3A_955, %swap3A_956], %swap3A_959 {strides = array<i32>} : memref<3x5x8x1024xf32, #tpu.memory_space<vmem>>, vector<1x1x1x16xf32>,
        %get3A_960 = arith.constant 0 : i32
        %get3A_961 = arith.constant 3 : i32
        %get3A_962 = arith.constant 4 : i32
        %get3A_963 = arith.index_cast %get3A_960 : i32 to index
        %get3A_964 = arith.index_cast %get3A_961 : i32 to index
        %get3A_965 = arith.index_cast %get3A_962 : i32 to index
        %get3A_966 = arith.index_cast %mul3A_556 : i32 to index
        %get3A_967 = tpu.vector_load %arg5[%get3A_963, %get3A_964, %get3A_965, %get3A_966] {strides = array<i32>} : memref<3x5x8x1024xf32, #tpu.memory_space<vmem>>, vector<1x1x1x16xf32>,
        %get3A_968 = vector.shape_cast %get3A_967 : vector<1x1x1x16xf32> to vector<16xf32>
        %add3A_969 = arith.addf %get3A_968, %get3A_919 : vector<16xf32>
        %swap3A_970 = arith.constant 0 : i32
        %swap3A_971 = arith.constant 3 : i32
        %swap3A_972 = arith.constant 4 : i32
        %swap3A_973 = arith.index_cast %swap3A_970 : i32 to index
        %swap3A_974 = arith.index_cast %swap3A_971 : i32 to index
        %swap3A_975 = arith.index_cast %swap3A_972 : i32 to index
        %swap3A_976 = arith.index_cast %mul3A_556 : i32 to index
        %swap3A_977 = tpu.vector_load %arg5[%swap3A_973, %swap3A_974, %swap3A_975, %swap3A_976] {strides = array<i32>} : memref<3x5x8x1024xf32, #tpu.memory_space<vmem>>, vector<1x1x1x16xf32>,
        %swap3A_978 = vector.shape_cast %swap3A_977 : vector<1x1x1x16xf32> to vector<16xf32>
        %swap3A_979 = vector.shape_cast %add3A_969 : vector<16xf32> to vector<1x1x1x16xf32>
        tpu.vector_store %arg5[%swap3A_973, %swap3A_974, %swap3A_975, %swap3A_976], %swap3A_979 {strides = array<i32>} : memref<3x5x8x1024xf32, #tpu.memory_space<vmem>>, vector<1x1x1x16xf32>,
        %get3A_980 = arith.constant 0 : i32
        %get3A_981 = arith.constant 4 : i32
        %get3A_982 = arith.constant 4 : i32
        %get3A_983 = arith.index_cast %get3A_980 : i32 to index
        %get3A_984 = arith.index_cast %get3A_981 : i32 to index
        %get3A_985 = arith.index_cast %get3A_982 : i32 to index
        %get3A_986 = arith.index_cast %mul3A_556 : i32 to index
        %get3A_987 = tpu.vector_load %arg5[%get3A_983, %get3A_984, %get3A_985, %get3A_986] {strides = array<i32>} : memref<3x5x8x1024xf32, #tpu.memory_space<vmem>>, vector<1x1x1x16xf32>,
        %get3A_988 = vector.shape_cast %get3A_987 : vector<1x1x1x16xf32> to vector<16xf32>
        %add3A_989 = arith.addf %get3A_988, %get3A_919 : vector<16xf32>
        %swap3A_990 = arith.constant 0 : i32
        %swap3A_991 = arith.constant 4 : i32
        %swap3A_992 = arith.constant 4 : i32
        %swap3A_993 = arith.index_cast %swap3A_990 : i32 to index
        %swap3A_994 = arith.index_cast %swap3A_991 : i32 to index
        %swap3A_995 = arith.index_cast %swap3A_992 : i32 to index
        %swap3A_996 = arith.index_cast %mul3A_556 : i32 to index
        %swap3A_997 = tpu.vector_load %arg5[%swap3A_993, %swap3A_994, %swap3A_995, %swap3A_996] {strides = array<i32>} : memref<3x5x8x1024xf32, #tpu.memory_space<vmem>>, vector<1x1x1x16xf32>,
        %swap3A_998 = vector.shape_cast %swap3A_997 : vector<1x1x1x16xf32> to vector<16xf32>
        %swap3A_999 = vector.shape_cast %add3A_989 : vector<16xf32> to vector<1x1x1x16xf32>
        tpu.vector_store %arg5[%swap3A_993, %swap3A_994, %swap3A_995, %swap3A_996], %swap3A_999 {strides = array<i32>} : memref<3x5x8x1024xf32, #tpu.memory_space<vmem>>, vector<1x1x1x16xf32>,
        %get3A_1000 = arith.constant 0 : i32
        %get3A_1001 = arith.constant 0 : i32
        %get3A_1002 = arith.constant 5 : i32
        %get3A_1003 = arith.index_cast %get3A_1000 : i32 to index
        %get3A_1004 = arith.index_cast %get3A_1001 : i32 to index
        %get3A_1005 = arith.index_cast %get3A_1002 : i32 to index
        %get3A_1006 = arith.index_cast %mul3A_556 : i32 to index
        %get3A_1007 = tpu.vector_load %arg5[%get3A_1003, %get3A_1004, %get3A_1005, %get3A_1006] {strides = array<i32>} : memref<3x5x8x1024xf32, #tpu.memory_space<vmem>>, vector<1x1x1x16xf32>,
        %get3A_1008 = vector.shape_cast %get3A_1007 : vector<1x1x1x16xf32> to vector<16xf32>
        %get3A_1009 = arith.constant 0 : i32
        %get3A_1010 = arith.constant 1 : i32
        %get3A_1011 = arith.constant 5 : i32
        %get3A_1012 = arith.index_cast %get3A_1009 : i32 to index
        %get3A_1013 = arith.index_cast %get3A_1010 : i32 to index
        %get3A_1014 = arith.index_cast %get3A_1011 : i32 to index
        %get3A_1015 = arith.index_cast %mul3A_556 : i32 to index
        %get3A_1016 = tpu.vector_load %arg5[%get3A_1012, %get3A_1013, %get3A_1014, %get3A_1015] {strides = array<i32>} : memref<3x5x8x1024xf32, #tpu.memory_space<vmem>>, vector<1x1x1x16xf32>,
        %get3A_1017 = vector.shape_cast %get3A_1016 : vector<1x1x1x16xf32> to vector<16xf32>
        %add3A_1018 = arith.addf %get3A_1017, %get3A_1008 : vector<16xf32>
        %swap3A_1019 = arith.constant 0 : i32
        %swap3A_1020 = arith.constant 1 : i32
        %swap3A_1021 = arith.constant 5 : i32
        %swap3A_1022 = arith.index_cast %swap3A_1019 : i32 to index
        %swap3A_1023 = arith.index_cast %swap3A_1020 : i32 to index
        %swap3A_1024 = arith.index_cast %swap3A_1021 : i32 to index
        %swap3A_1025 = arith.index_cast %mul3A_556 : i32 to index
        %swap3A_1026 = tpu.vector_load %arg5[%swap3A_1022, %swap3A_1023, %swap3A_1024, %swap3A_1025] {strides = array<i32>} : memref<3x5x8x1024xf32, #tpu.memory_space<vmem>>, vector<1x1x1x16xf32>,
        %swap3A_1027 = vector.shape_cast %swap3A_1026 : vector<1x1x1x16xf32> to vector<16xf32>
        %swap3A_1028 = vector.shape_cast %add3A_1018 : vector<16xf32> to vector<1x1x1x16xf32>
        tpu.vector_store %arg5[%swap3A_1022, %swap3A_1023, %swap3A_1024, %swap3A_1025], %swap3A_1028 {strides = array<i32>} : memref<3x5x8x1024xf32, #tpu.memory_space<vmem>>, vector<1x1x1x16xf32>,
        %get3A_1029 = arith.constant 0 : i32
        %get3A_1030 = arith.constant 2 : i32
        %get3A_1031 = arith.constant 5 : i32
        %get3A_1032 = arith.index_cast %get3A_1029 : i32 to index
        %get3A_1033 = arith.index_cast %get3A_1030 : i32 to index
        %get3A_1034 = arith.index_cast %get3A_1031 : i32 to index
        %get3A_1035 = arith.index_cast %mul3A_556 : i32 to index
        %get3A_1036 = tpu.vector_load %arg5[%get3A_1032, %get3A_1033, %get3A_1034, %get3A_1035] {strides = array<i32>} : memref<3x5x8x1024xf32, #tpu.memory_space<vmem>>, vector<1x1x1x16xf32>,
        %get3A_1037 = vector.shape_cast %get3A_1036 : vector<1x1x1x16xf32> to vector<16xf32>
        %add3A_1038 = arith.addf %get3A_1037, %get3A_1008 : vector<16xf32>
        %swap3A_1039 = arith.constant 0 : i32
        %swap3A_1040 = arith.constant 2 : i32
        %swap3A_1041 = arith.constant 5 : i32
        %swap3A_1042 = arith.index_cast %swap3A_1039 : i32 to index
        %swap3A_1043 = arith.index_cast %swap3A_1040 : i32 to index
        %swap3A_1044 = arith.index_cast %swap3A_1041 : i32 to index
        %swap3A_1045 = arith.index_cast %mul3A_556 : i32 to index
        %swap3A_1046 = tpu.vector_load %arg5[%swap3A_1042, %swap3A_1043, %swap3A_1044, %swap3A_1045] {strides = array<i32>} : memref<3x5x8x1024xf32, #tpu.memory_space<vmem>>, vector<1x1x1x16xf32>,
        %swap3A_1047 = vector.shape_cast %swap3A_1046 : vector<1x1x1x16xf32> to vector<16xf32>
        %swap3A_1048 = vector.shape_cast %add3A_1038 : vector<16xf32> to vector<1x1x1x16xf32>
        tpu.vector_store %arg5[%swap3A_1042, %swap3A_1043, %swap3A_1044, %swap3A_1045], %swap3A_1048 {strides = array<i32>} : memref<3x5x8x1024xf32, #tpu.memory_space<vmem>>, vector<1x1x1x16xf32>,
        %get3A_1049 = arith.constant 0 : i32
        %get3A_1050 = arith.constant 3 : i32
        %get3A_1051 = arith.constant 5 : i32
        %get3A_1052 = arith.index_cast %get3A_1049 : i32 to index
        %get3A_1053 = arith.index_cast %get3A_1050 : i32 to index
        %get3A_1054 = arith.index_cast %get3A_1051 : i32 to index
        %get3A_1055 = arith.index_cast %mul3A_556 : i32 to index
        %get3A_1056 = tpu.vector_load %arg5[%get3A_1052, %get3A_1053, %get3A_1054, %get3A_1055] {strides = array<i32>} : memref<3x5x8x1024xf32, #tpu.memory_space<vmem>>, vector<1x1x1x16xf32>,
        %get3A_1057 = vector.shape_cast %get3A_1056 : vector<1x1x1x16xf32> to vector<16xf32>
        %add3A_1058 = arith.addf %get3A_1057, %get3A_1008 : vector<16xf32>
        %swap3A_1059 = arith.constant 0 : i32
        %swap3A_1060 = arith.constant 3 : i32
        %swap3A_1061 = arith.constant 5 : i32
        %swap3A_1062 = arith.index_cast %swap3A_1059 : i32 to index
        %swap3A_1063 = arith.index_cast %swap3A_1060 : i32 to index
        %swap3A_1064 = arith.index_cast %swap3A_1061 : i32 to index
        %swap3A_1065 = arith.index_cast %mul3A_556 : i32 to index
        %swap3A_1066 = tpu.vector_load %arg5[%swap3A_1062, %swap3A_1063, %swap3A_1064, %swap3A_1065] {strides = array<i32>} : memref<3x5x8x1024xf32, #tpu.memory_space<vmem>>, vector<1x1x1x16xf32>,
        %swap3A_1067 = vector.shape_cast %swap3A_1066 : vector<1x1x1x16xf32> to vector<16xf32>
        %swap3A_1068 = vector.shape_cast %add3A_1058 : vector<16xf32> to vector<1x1x1x16xf32>
        tpu.vector_store %arg5[%swap3A_1062, %swap3A_1063, %swap3A_1064, %swap3A_1065], %swap3A_1068 {strides = array<i32>} : memref<3x5x8x1024xf32, #tpu.memory_space<vmem>>, vector<1x1x1x16xf32>,
        %get3A_1069 = arith.constant 0 : i32
        %get3A_1070 = arith.constant 4 : i32
        %get3A_1071 = arith.constant 5 : i32
        %get3A_1072 = arith.index_cast %get3A_1069 : i32 to index
        %get3A_1073 = arith.index_cast %get3A_1070 : i32 to index
        %get3A_1074 = arith.index_cast %get3A_1071 : i32 to index
        %get3A_1075 = arith.index_cast %mul3A_556 : i32 to index
        %get3A_1076 = tpu.vector_load %arg5[%get3A_1072, %get3A_1073, %get3A_1074, %get3A_1075] {strides = array<i32>} : memref<3x5x8x1024xf32, #tpu.memory_space<vmem>>, vector<1x1x1x16xf32>,
        %get3A_1077 = vector.shape_cast %get3A_1076 : vector<1x1x1x16xf32> to vector<16xf32>
        %add3A_1078 = arith.addf %get3A_1077, %get3A_1008 : vector<16xf32>
        %swap3A_1079 = arith.constant 0 : i32
        %swap3A_1080 = arith.constant 4 : i32
        %swap3A_1081 = arith.constant 5 : i32
        %swap3A_1082 = arith.index_cast %swap3A_1079 : i32 to index
        %swap3A_1083 = arith.index_cast %swap3A_1080 : i32 to index
        %swap3A_1084 = arith.index_cast %swap3A_1081 : i32 to index
        %swap3A_1085 = arith.index_cast %mul3A_556 : i32 to index
        %swap3A_1086 = tpu.vector_load %arg5[%swap3A_1082, %swap3A_1083, %swap3A_1084, %swap3A_1085] {strides = array<i32>} : memref<3x5x8x1024xf32, #tpu.memory_space<vmem>>, vector<1x1x1x16xf32>,
        %swap3A_1087 = vector.shape_cast %swap3A_1086 : vector<1x1x1x16xf32> to vector<16xf32>
        %swap3A_1088 = vector.shape_cast %add3A_1078 : vector<16xf32> to vector<1x1x1x16xf32>
        tpu.vector_store %arg5[%swap3A_1082, %swap3A_1083, %swap3A_1084, %swap3A_1085], %swap3A_1088 {strides = array<i32>} : memref<3x5x8x1024xf32, #tpu.memory_space<vmem>>, vector<1x1x1x16xf32>,
        %get3A_1089 = arith.constant 0 : i32
        %get3A_1090 = arith.constant 0 : i32
        %get3A_1091 = arith.constant 6 : i32
        %get3A_1092 = arith.index_cast %get3A_1089 : i32 to index
        %get3A_1093 = arith.index_cast %get3A_1090 : i32 to index
        %get3A_1094 = arith.index_cast %get3A_1091 : i32 to index
        %get3A_1095 = arith.index_cast %mul3A_556 : i32 to index
        %get3A_1096 = tpu.vector_load %arg5[%get3A_1092, %get3A_1093, %get3A_1094, %get3A_1095] {strides = array<i32>} : memref<3x5x8x1024xf32, #tpu.memory_space<vmem>>, vector<1x1x1x16xf32>,
        %get3A_1097 = vector.shape_cast %get3A_1096 : vector<1x1x1x16xf32> to vector<16xf32>
        %get3A_1098 = arith.constant 0 : i32
        %get3A_1099 = arith.constant 1 : i32
        %get3A_1100 = arith.constant 6 : i32
        %get3A_1101 = arith.index_cast %get3A_1098 : i32 to index
        %get3A_1102 = arith.index_cast %get3A_1099 : i32 to index
        %get3A_1103 = arith.index_cast %get3A_1100 : i32 to index
        %get3A_1104 = arith.index_cast %mul3A_556 : i32 to index
        %get3A_1105 = tpu.vector_load %arg5[%get3A_1101, %get3A_1102, %get3A_1103, %get3A_1104] {strides = array<i32>} : memref<3x5x8x1024xf32, #tpu.memory_space<vmem>>, vector<1x1x1x16xf32>,
        %get3A_1106 = vector.shape_cast %get3A_1105 : vector<1x1x1x16xf32> to vector<16xf32>
        %add3A_1107 = arith.addf %get3A_1106, %get3A_1097 : vector<16xf32>
        %swap3A_1108 = arith.constant 0 : i32
        %swap3A_1109 = arith.constant 1 : i32
        %swap3A_1110 = arith.constant 6 : i32
        %swap3A_1111 = arith.index_cast %swap3A_1108 : i32 to index
        %swap3A_1112 = arith.index_cast %swap3A_1109 : i32 to index
        %swap3A_1113 = arith.index_cast %swap3A_1110 : i32 to index
        %swap3A_1114 = arith.index_cast %mul3A_556 : i32 to index
        %swap3A_1115 = tpu.vector_load %arg5[%swap3A_1111, %swap3A_1112, %swap3A_1113, %swap3A_1114] {strides = array<i32>} : memref<3x5x8x1024xf32, #tpu.memory_space<vmem>>, vector<1x1x1x16xf32>,
        %swap3A_1116 = vector.shape_cast %swap3A_1115 : vector<1x1x1x16xf32> to vector<16xf32>
        %swap3A_1117 = vector.shape_cast %add3A_1107 : vector<16xf32> to vector<1x1x1x16xf32>
        tpu.vector_store %arg5[%swap3A_1111, %swap3A_1112, %swap3A_1113, %swap3A_1114], %swap3A_1117 {strides = array<i32>} : memref<3x5x8x1024xf32, #tpu.memory_space<vmem>>, vector<1x1x1x16xf32>,
        %get3A_1118 = arith.constant 0 : i32
        %get3A_1119 = arith.constant 2 : i32
        %get3A_1120 = arith.constant 6 : i32
        %get3A_1121 = arith.index_cast %get3A_1118 : i32 to index
        %get3A_1122 = arith.index_cast %get3A_1119 : i32 to index
        %get3A_1123 = arith.index_cast %get3A_1120 : i32 to index
        %get3A_1124 = arith.index_cast %mul3A_556 : i32 to index
        %get3A_1125 = tpu.vector_load %arg5[%get3A_1121, %get3A_1122, %get3A_1123, %get3A_1124] {strides = array<i32>} : memref<3x5x8x1024xf32, #tpu.memory_space<vmem>>, vector<1x1x1x16xf32>,
        %get3A_1126 = vector.shape_cast %get3A_1125 : vector<1x1x1x16xf32> to vector<16xf32>
        %add3A_1127 = arith.addf %get3A_1126, %get3A_1097 : vector<16xf32>
        %swap3A_1128 = arith.constant 0 : i32
        %swap3A_1129 = arith.constant 2 : i32
        %swap3A_1130 = arith.constant 6 : i32
        %swap3A_1131 = arith.index_cast %swap3A_1128 : i32 to index
        %swap3A_1132 = arith.index_cast %swap3A_1129 : i32 to index
        %swap3A_1133 = arith.index_cast %swap3A_1130 : i32 to index
        %swap3A_1134 = arith.index_cast %mul3A_556 : i32 to index
        %swap3A_1135 = tpu.vector_load %arg5[%swap3A_1131, %swap3A_1132, %swap3A_1133, %swap3A_1134] {strides = array<i32>} : memref<3x5x8x1024xf32, #tpu.memory_space<vmem>>, vector<1x1x1x16xf32>,
        %swap3A_1136 = vector.shape_cast %swap3A_1135 : vector<1x1x1x16xf32> to vector<16xf32>
        %swap3A_1137 = vector.shape_cast %add3A_1127 : vector<16xf32> to vector<1x1x1x16xf32>
        tpu.vector_store %arg5[%swap3A_1131, %swap3A_1132, %swap3A_1133, %swap3A_1134], %swap3A_1137 {strides = array<i32>} : memref<3x5x8x1024xf32, #tpu.memory_space<vmem>>, vector<1x1x1x16xf32>,
        %get3A_1138 = arith.constant 0 : i32
        %get3A_1139 = arith.constant 3 : i32
        %get3A_1140 = arith.constant 6 : i32
        %get3A_1141 = arith.index_cast %get3A_1138 : i32 to index
        %get3A_1142 = arith.index_cast %get3A_1139 : i32 to index
        %get3A_1143 = arith.index_cast %get3A_1140 : i32 to index
        %get3A_1144 = arith.index_cast %mul3A_556 : i32 to index
        %get3A_1145 = tpu.vector_load %arg5[%get3A_1141, %get3A_1142, %get3A_1143, %get3A_1144] {strides = array<i32>} : memref<3x5x8x1024xf32, #tpu.memory_space<vmem>>, vector<1x1x1x16xf32>,
        %get3A_1146 = vector.shape_cast %get3A_1145 : vector<1x1x1x16xf32> to vector<16xf32>
        %add3A_1147 = arith.addf %get3A_1146, %get3A_1097 : vector<16xf32>
        %swap3A_1148 = arith.constant 0 : i32
        %swap3A_1149 = arith.constant 3 : i32
        %swap3A_1150 = arith.constant 6 : i32
        %swap3A_1151 = arith.index_cast %swap3A_1148 : i32 to index
        %swap3A_1152 = arith.index_cast %swap3A_1149 : i32 to index
        %swap3A_1153 = arith.index_cast %swap3A_1150 : i32 to index
        %swap3A_1154 = arith.index_cast %mul3A_556 : i32 to index
        %swap3A_1155 = tpu.vector_load %arg5[%swap3A_1151, %swap3A_1152, %swap3A_1153, %swap3A_1154] {strides = array<i32>} : memref<3x5x8x1024xf32, #tpu.memory_space<vmem>>, vector<1x1x1x16xf32>,
        %swap3A_1156 = vector.shape_cast %swap3A_1155 : vector<1x1x1x16xf32> to vector<16xf32>
        %swap3A_1157 = vector.shape_cast %add3A_1147 : vector<16xf32> to vector<1x1x1x16xf32>
        tpu.vector_store %arg5[%swap3A_1151, %swap3A_1152, %swap3A_1153, %swap3A_1154], %swap3A_1157 {strides = array<i32>} : memref<3x5x8x1024xf32, #tpu.memory_space<vmem>>, vector<1x1x1x16xf32>,
        %get3A_1158 = arith.constant 0 : i32
        %get3A_1159 = arith.constant 4 : i32
        %get3A_1160 = arith.constant 6 : i32
        %get3A_1161 = arith.index_cast %get3A_1158 : i32 to index
        %get3A_1162 = arith.index_cast %get3A_1159 : i32 to index
        %get3A_1163 = arith.index_cast %get3A_1160 : i32 to index
        %get3A_1164 = arith.index_cast %mul3A_556 : i32 to index
        %get3A_1165 = tpu.vector_load %arg5[%get3A_1161, %get3A_1162, %get3A_1163, %get3A_1164] {strides = array<i32>} : memref<3x5x8x1024xf32, #tpu.memory_space<vmem>>, vector<1x1x1x16xf32>,
        %get3A_1166 = vector.shape_cast %get3A_1165 : vector<1x1x1x16xf32> to vector<16xf32>
        %add3A_1167 = arith.addf %get3A_1166, %get3A_1097 : vector<16xf32>
        %swap3A_1168 = arith.constant 0 : i32
        %swap3A_1169 = arith.constant 4 : i32
        %swap3A_1170 = arith.constant 6 : i32
        %swap3A_1171 = arith.index_cast %swap3A_1168 : i32 to index
        %swap3A_1172 = arith.index_cast %swap3A_1169 : i32 to index
        %swap3A_1173 = arith.index_cast %swap3A_1170 : i32 to index
        %swap3A_1174 = arith.index_cast %mul3A_556 : i32 to index
        %swap3A_1175 = tpu.vector_load %arg5[%swap3A_1171, %swap3A_1172, %swap3A_1173, %swap3A_1174] {strides = array<i32>} : memref<3x5x8x1024xf32, #tpu.memory_space<vmem>>, vector<1x1x1x16xf32>,
        %swap3A_1176 = vector.shape_cast %swap3A_1175 : vector<1x1x1x16xf32> to vector<16xf32>
        %swap3A_1177 = vector.shape_cast %add3A_1167 : vector<16xf32> to vector<1x1x1x16xf32>
        tpu.vector_store %arg5[%swap3A_1171, %swap3A_1172, %swap3A_1173, %swap3A_1174], %swap3A_1177 {strides = array<i32>} : memref<3x5x8x1024xf32, #tpu.memory_space<vmem>>, vector<1x1x1x16xf32>,
        %get3A_1178 = arith.constant 0 : i32
        %get3A_1179 = arith.constant 0 : i32
        %get3A_1180 = arith.constant 7 : i32
        %get3A_1181 = arith.index_cast %get3A_1178 : i32 to index
        %get3A_1182 = arith.index_cast %get3A_1179 : i32 to index
        %get3A_1183 = arith.index_cast %get3A_1180 : i32 to index
        %get3A_1184 = arith.index_cast %mul3A_556 : i32 to index
        %get3A_1185 = tpu.vector_load %arg5[%get3A_1181, %get3A_1182, %get3A_1183, %get3A_1184] {strides = array<i32>} : memref<3x5x8x1024xf32, #tpu.memory_space<vmem>>, vector<1x1x1x16xf32>,
        %get3A_1186 = vector.shape_cast %get3A_1185 : vector<1x1x1x16xf32> to vector<16xf32>
        %get3A_1187 = arith.constant 0 : i32
        %get3A_1188 = arith.constant 1 : i32
        %get3A_1189 = arith.constant 7 : i32
        %get3A_1190 = arith.index_cast %get3A_1187 : i32 to index
        %get3A_1191 = arith.index_cast %get3A_1188 : i32 to index
        %get3A_1192 = arith.index_cast %get3A_1189 : i32 to index
        %get3A_1193 = arith.index_cast %mul3A_556 : i32 to index
        %get3A_1194 = tpu.vector_load %arg5[%get3A_1190, %get3A_1191, %get3A_1192, %get3A_1193] {strides = array<i32>} : memref<3x5x8x1024xf32, #tpu.memory_space<vmem>>, vector<1x1x1x16xf32>,
        %get3A_1195 = vector.shape_cast %get3A_1194 : vector<1x1x1x16xf32> to vector<16xf32>
        %add3A_1196 = arith.addf %get3A_1195, %get3A_1186 : vector<16xf32>
        %swap3A_1197 = arith.constant 0 : i32
        %swap3A_1198 = arith.constant 1 : i32
        %swap3A_1199 = arith.constant 7 : i32
        %swap3A_1200 = arith.index_cast %swap3A_1197 : i32 to index
        %swap3A_1201 = arith.index_cast %swap3A_1198 : i32 to index
        %swap3A_1202 = arith.index_cast %swap3A_1199 : i32 to index
        %swap3A_1203 = arith.index_cast %mul3A_556 : i32 to index
        %swap3A_1204 = tpu.vector_load %arg5[%swap3A_1200, %swap3A_1201, %swap3A_1202, %swap3A_1203] {strides = array<i32>} : memref<3x5x8x1024xf32, #tpu.memory_space<vmem>>, vector<1x1x1x16xf32>,
        %swap3A_1205 = vector.shape_cast %swap3A_1204 : vector<1x1x1x16xf32> to vector<16xf32>
        %swap3A_1206 = vector.shape_cast %add3A_1196 : vector<16xf32> to vector<1x1x1x16xf32>
        tpu.vector_store %arg5[%swap3A_1200, %swap3A_1201, %swap3A_1202, %swap3A_1203], %swap3A_1206 {strides = array<i32>} : memref<3x5x8x1024xf32, #tpu.memory_space<vmem>>, vector<1x1x1x16xf32>,
        %get3A_1207 = arith.constant 0 : i32
        %get3A_1208 = arith.constant 2 : i32
        %get3A_1209 = arith.constant 7 : i32
        %get3A_1210 = arith.index_cast %get3A_1207 : i32 to index
        %get3A_1211 = arith.index_cast %get3A_1208 : i32 to index
        %get3A_1212 = arith.index_cast %get3A_1209 : i32 to index
        %get3A_1213 = arith.index_cast %mul3A_556 : i32 to index
        %get3A_1214 = tpu.vector_load %arg5[%get3A_1210, %get3A_1211, %get3A_1212, %get3A_1213] {strides = array<i32>} : memref<3x5x8x1024xf32, #tpu.memory_space<vmem>>, vector<1x1x1x16xf32>,
        %get3A_1215 = vector.shape_cast %get3A_1214 : vector<1x1x1x16xf32> to vector<16xf32>
        %add3A_1216 = arith.addf %get3A_1215, %get3A_1186 : vector<16xf32>
        %swap3A_1217 = arith.constant 0 : i32
        %swap3A_1218 = arith.constant 2 : i32
        %swap3A_1219 = arith.constant 7 : i32
        %swap3A_1220 = arith.index_cast %swap3A_1217 : i32 to index
        %swap3A_1221 = arith.index_cast %swap3A_1218 : i32 to index
        %swap3A_1222 = arith.index_cast %swap3A_1219 : i32 to index
        %swap3A_1223 = arith.index_cast %mul3A_556 : i32 to index
        %swap3A_1224 = tpu.vector_load %arg5[%swap3A_1220, %swap3A_1221, %swap3A_1222, %swap3A_1223] {strides = array<i32>} : memref<3x5x8x1024xf32, #tpu.memory_space<vmem>>, vector<1x1x1x16xf32>,
        %swap3A_1225 = vector.shape_cast %swap3A_1224 : vector<1x1x1x16xf32> to vector<16xf32>
        %swap3A_1226 = vector.shape_cast %add3A_1216 : vector<16xf32> to vector<1x1x1x16xf32>
        tpu.vector_store %arg5[%swap3A_1220, %swap3A_1221, %swap3A_1222, %swap3A_1223], %swap3A_1226 {strides = array<i32>} : memref<3x5x8x1024xf32, #tpu.memory_space<vmem>>, vector<1x1x1x16xf32>,
        %get3A_1227 = arith.constant 0 : i32
        %get3A_1228 = arith.constant 3 : i32
        %get3A_1229 = arith.constant 7 : i32
        %get3A_1230 = arith.index_cast %get3A_1227 : i32 to index
        %get3A_1231 = arith.index_cast %get3A_1228 : i32 to index
        %get3A_1232 = arith.index_cast %get3A_1229 : i32 to index
        %get3A_1233 = arith.index_cast %mul3A_556 : i32 to index
        %get3A_1234 = tpu.vector_load %arg5[%get3A_1230, %get3A_1231, %get3A_1232, %get3A_1233] {strides = array<i32>} : memref<3x5x8x1024xf32, #tpu.memory_space<vmem>>, vector<1x1x1x16xf32>,
        %get3A_1235 = vector.shape_cast %get3A_1234 : vector<1x1x1x16xf32> to vector<16xf32>
        %add3A_1236 = arith.addf %get3A_1235, %get3A_1186 : vector<16xf32>
        %swap3A_1237 = arith.constant 0 : i32
        %swap3A_1238 = arith.constant 3 : i32
        %swap3A_1239 = arith.constant 7 : i32
        %swap3A_1240 = arith.index_cast %swap3A_1237 : i32 to index
        %swap3A_1241 = arith.index_cast %swap3A_1238 : i32 to index
        %swap3A_1242 = arith.index_cast %swap3A_1239 : i32 to index
        %swap3A_1243 = arith.index_cast %mul3A_556 : i32 to index
        %swap3A_1244 = tpu.vector_load %arg5[%swap3A_1240, %swap3A_1241, %swap3A_1242, %swap3A_1243] {strides = array<i32>} : memref<3x5x8x1024xf32, #tpu.memory_space<vmem>>, vector<1x1x1x16xf32>,
        %swap3A_1245 = vector.shape_cast %swap3A_1244 : vector<1x1x1x16xf32> to vector<16xf32>
        %swap3A_1246 = vector.shape_cast %add3A_1236 : vector<16xf32> to vector<1x1x1x16xf32>
        tpu.vector_store %arg5[%swap3A_1240, %swap3A_1241, %swap3A_1242, %swap3A_1243], %swap3A_1246 {strides = array<i32>} : memref<3x5x8x1024xf32, #tpu.memory_space<vmem>>, vector<1x1x1x16xf32>,
        %get3A_1247 = arith.constant 0 : i32
        %get3A_1248 = arith.constant 4 : i32
        %get3A_1249 = arith.constant 7 : i32
        %get3A_1250 = arith.index_cast %get3A_1247 : i32 to index
        %get3A_1251 = arith.index_cast %get3A_1248 : i32 to index
        %get3A_1252 = arith.index_cast %get3A_1249 : i32 to index
        %get3A_1253 = arith.index_cast %mul3A_556 : i32 to index
        %get3A_1254 = tpu.vector_load %arg5[%get3A_1250, %get3A_1251, %get3A_1252, %get3A_1253] {strides = array<i32>} : memref<3x5x8x1024xf32, #tpu.memory_space<vmem>>, vector<1x1x1x16xf32>,
        %get3A_1255 = vector.shape_cast %get3A_1254 : vector<1x1x1x16xf32> to vector<16xf32>
        %add3A_1256 = arith.addf %get3A_1255, %get3A_1186 : vector<16xf32>
        %swap3A_1257 = arith.constant 0 : i32
        %swap3A_1258 = arith.constant 4 : i32
        %swap3A_1259 = arith.constant 7 : i32
        %swap3A_1260 = arith.index_cast %swap3A_1257 : i32 to index
        %swap3A_1261 = arith.index_cast %swap3A_1258 : i32 to index
        %swap3A_1262 = arith.index_cast %swap3A_1259 : i32 to index
        %swap3A_1263 = arith.index_cast %mul3A_556 : i32 to index
        %swap3A_1264 = tpu.vector_load %arg5[%swap3A_1260, %swap3A_1261, %swap3A_1262, %swap3A_1263] {strides = array<i32>} : memref<3x5x8x1024xf32, #tpu.memory_space<vmem>>, vector<1x1x1x16xf32>,
        %swap3A_1265 = vector.shape_cast %swap3A_1264 : vector<1x1x1x16xf32> to vector<16xf32>
        %swap3A_1266 = vector.shape_cast %add3A_1256 : vector<16xf32> to vector<1x1x1x16xf32>
        tpu.vector_store %arg5[%swap3A_1260, %swap3A_1261, %swap3A_1262, %swap3A_1263], %swap3A_1266 {strides = array<i32>} : memref<3x5x8x1024xf32, #tpu.memory_space<vmem>>, vector<1x1x1x16xf32>,
      }
      %scan3A_291 = arith.constant 64 : i32
      %mul3A_292 = arith.constant 8 : i32
      %mul3A_293 = arith.muli %add3A_249, %mul3A_292 : i32
      %add3A_294 = arith.addi %mul3A_2, %mul3A_293 : i32
      %dma_start3A_295 = arith.constant 0 : i32
      %dma_start3A_296 = arith.constant 1 : i32
      %dma_start3A_297 = arith.constant 0 : i32
      %dma_start3A_298 = arith.constant 0 : i32
      %dma_start3A_299 = tpu.memref_slice %arg5[%dma_start3A_295, %dma_start3A_296, %dma_start3A_297, %dma_start3A_298] : memref<3x5x8x1024xf32, #tpu.memory_space<vmem>> -> memref<1x4x8x1024xf32, #tpu.memory_space<vmem>>
      %dma_start3A_300 = tpu.memref_squeeze %dma_start3A_299 : memref<1x4x8x1024xf32, #tpu.memory_space<vmem>> -> memref<4x8x1024xf32, #tpu.memory_space<vmem>>
      %dma_start3A_301 = arith.constant 0 : i32
      %dma_start3A_302 = arith.constant 0 : i32
      %dma_start3A_303 = tpu.memref_slice %arg4[%dma_start3A_301, %add3A_294, %dma_start3A_302] : memref<4x8192x1024xf32, #tpu.memory_space<hbm>> -> memref<4x8x1024xf32, #tpu.memory_space<hbm>>
      %dma_start3A_304 = arith.constant 0 : i32
      %dma_start3A_305 = arith.constant 0 : i32
      %dma_start3A_306 = tpu.memref_slice %arg4[%dma_start3A_304, %add3A_294, %dma_start3A_305] : memref<4x8192x1024xf32, #tpu.memory_space<hbm>> -> memref<4x8x1024xf32, #tpu.memory_space<hbm>>
      %dma_start3A_307 = arith.constant 1 : i32
      %dma_start3A_308 = arith.constant 0 : i32
      %dma_start3A_309 = arith.constant 0 : i32
      %dma_start3A_310 = tpu.memref_slice %arg5[%dma_start3A_295, %dma_start3A_307, %dma_start3A_308, %dma_start3A_309] : memref<3x5x8x1024xf32, #tpu.memory_space<vmem>> -> memref<1x4x8x1024xf32, #tpu.memory_space<vmem>>
      %dma_start3A_311 = tpu.memref_squeeze %dma_start3A_310 : memref<1x4x8x1024xf32, #tpu.memory_space<vmem>> -> memref<4x8x1024xf32, #tpu.memory_space<vmem>>
      tpu.enqueue_dma source(%dma_start3A_311 : memref<4x8x1024xf32, #tpu.memory_space<vmem>>) target(%dma_start3A_306 : memref<4x8x1024xf32, #tpu.memory_space<hbm>>) target_semaphore(%arg9 : memref<!tpu.dma_semaphore, #tpu.memory_space<semaphore_mem>>)
      %ge3A = arith.constant 3 : i32
      %ge3A_312 = arith.cmpi sge, %add3A_251, %ge3A : i32
      %convert_element_type3A = arith.extui %ge3A_312 : i1 to i32
      %cond3A = arith.constant 0 : i32
      %cond3A_313 = arith.cmpi ne, %convert_element_type3A, %cond3A : i32
      scf.if %cond3A_313 {
        %sub3A = arith.constant 3 : i32
        %sub3A_554 = arith.subi %add3A_251, %sub3A : i32
        %mul3A_555 = arith.constant 8 : i32
        %mul3A_556 = arith.muli %sub3A_554, %mul3A_555 : i32
        %add3A_557 = arith.addi %mul3A_2, %mul3A_556 : i32
        %dma_wait3A_558 = arith.constant 2 : i32
        %dma_wait3A_559 = arith.constant 1 : i32
        %dma_wait3A_560 = arith.constant 0 : i32
        %dma_wait3A_561 = arith.constant 0 : i32
        %dma_wait3A_562 = tpu.memref_slice %arg5[%dma_wait3A_558, %dma_wait3A_559, %dma_wait3A_560, %dma_wait3A_561] : memref<3x5x8x1024xf32, #tpu.memory_space<vmem>> -> memref<1x4x8x1024xf32, #tpu.memory_space<vmem>>
        %dma_wait3A_563 = tpu.memref_squeeze %dma_wait3A_562 : memref<1x4x8x1024xf32, #tpu.memory_space<vmem>> -> memref<4x8x1024xf32, #tpu.memory_space<vmem>>
        %dma_wait3A_564 = arith.constant 0 : i32
        %dma_wait3A_565 = arith.constant 0 : i32
        %dma_wait3A_566 = tpu.memref_slice %arg4[%dma_wait3A_564, %add3A_557, %dma_wait3A_565] : memref<4x8192x1024xf32, #tpu.memory_space<hbm>> -> memref<4x8x1024xf32, #tpu.memory_space<hbm>>
        %dma_wait3A_567 = arith.constant 0 : i32
        %dma_wait3A_568 = arith.constant 0 : i32
        %dma_wait3A_569 = tpu.memref_slice %arg4[%dma_wait3A_567, %add3A_557, %dma_wait3A_568] : memref<4x8192x1024xf32, #tpu.memory_space<hbm>> -> memref<4x8x1024xf32, #tpu.memory_space<hbm>>
        %dma_wait3A_570 = arith.constant 1 : i32
        %dma_wait3A_571 = arith.constant 0 : i32
        %dma_wait3A_572 = arith.constant 0 : i32
        %dma_wait3A_573 = tpu.memref_slice %arg5[%dma_wait3A_558, %dma_wait3A_570, %dma_wait3A_571, %dma_wait3A_572] : memref<3x5x8x1024xf32, #tpu.memory_space<vmem>> -> memref<1x4x8x1024xf32, #tpu.memory_space<vmem>>
        %dma_wait3A_574 = tpu.memref_squeeze %dma_wait3A_573 : memref<1x4x8x1024xf32, #tpu.memory_space<vmem>> -> memref<4x8x1024xf32, #tpu.memory_space<vmem>>
        tpu.wait_dma2 semaphore(%arg11 : memref<!tpu.dma_semaphore, #tpu.memory_space<semaphore_mem>>) src(%dma_wait3A_574 : memref<4x8x1024xf32, #tpu.memory_space<vmem>>) dst(%dma_wait3A_569 : memref<4x8x1024xf32, #tpu.memory_space<hbm>>)
      } else {
      }
      %mul3A_314 = arith.constant 8 : i32
      %mul3A_315 = arith.muli %add3A_251, %mul3A_314 : i32
      %add3A_316 = arith.addi %mul3A_2, %mul3A_315 : i32
      %dma_start3A_317 = arith.constant 2 : i32
      %dma_start3A_318 = arith.constant 0 : i32
      %dma_start3A_319 = arith.constant 0 : i32
      %dma_start3A_320 = arith.constant 0 : i32
      %dma_start3A_321 = tpu.memref_slice %arg5[%dma_start3A_317, %dma_start3A_318, %dma_start3A_319, %dma_start3A_320] : memref<3x5x8x1024xf32, #tpu.memory_space<vmem>> -> memref<1x1x8x1024xf32, #tpu.memory_space<vmem>>
      %dma_start3A_322 = tpu.memref_squeeze %dma_start3A_321 : memref<1x1x8x1024xf32, #tpu.memory_space<vmem>> -> memref<8x1024xf32, #tpu.memory_space<vmem>>
      %dma_start3A_323 = arith.constant 0 : i32
      %dma_start3A_324 = tpu.memref_slice %arg3[%add3A_316, %dma_start3A_323] : memref<8192x1024xf32, #tpu.memory_space<hbm>> -> memref<8x1024xf32, #tpu.memory_space<hbm>>
      %dma_start3A_325 = arith.constant 0 : i32
      %dma_start3A_326 = arith.constant 0 : i32
      %dma_start3A_327 = tpu.memref_slice %arg5[%dma_start3A_317, %dma_start3A_318, %dma_start3A_325, %dma_start3A_326] : memref<3x5x8x1024xf32, #tpu.memory_space<vmem>> -> memref<1x1x8x1024xf32, #tpu.memory_space<vmem>>
      %dma_start3A_328 = tpu.memref_squeeze %dma_start3A_327 : memref<1x1x8x1024xf32, #tpu.memory_space<vmem>> -> memref<8x1024xf32, #tpu.memory_space<vmem>>
      %dma_start3A_329 = arith.constant 0 : i32
      %dma_start3A_330 = tpu.memref_slice %arg3[%add3A_316, %dma_start3A_329] : memref<8192x1024xf32, #tpu.memory_space<hbm>> -> memref<8x1024xf32, #tpu.memory_space<hbm>>
      tpu.enqueue_dma source(%dma_start3A_330 : memref<8x1024xf32, #tpu.memory_space<hbm>>) target(%dma_start3A_328 : memref<8x1024xf32, #tpu.memory_space<vmem>>) target_semaphore(%arg8 : memref<!tpu.dma_semaphore, #tpu.memory_space<semaphore_mem>>)
      %dma_start3A_331 = arith.constant 2 : i32
      %dma_start3A_332 = arith.constant 1 : i32
      %dma_start3A_333 = arith.constant 0 : i32
      %dma_start3A_334 = arith.constant 0 : i32
      %dma_start3A_335 = tpu.memref_slice %arg5[%dma_start3A_331, %dma_start3A_332, %dma_start3A_333, %dma_start3A_334] : memref<3x5x8x1024xf32, #tpu.memory_space<vmem>> -> memref<1x4x8x1024xf32, #tpu.memory_space<vmem>>
      %dma_start3A_336 = tpu.memref_squeeze %dma_start3A_335 : memref<1x4x8x1024xf32, #tpu.memory_space<vmem>> -> memref<4x8x1024xf32, #tpu.memory_space<vmem>>
      %dma_start3A_337 = arith.constant 0 : i32
      %dma_start3A_338 = arith.constant 0 : i32
      %dma_start3A_339 = tpu.memref_slice %arg2[%dma_start3A_337, %add3A_316, %dma_start3A_338] : memref<4x8192x1024xf32, #tpu.memory_space<hbm>> -> memref<4x8x1024xf32, #tpu.memory_space<hbm>>
      %dma_start3A_340 = arith.constant 1 : i32
      %dma_start3A_341 = arith.constant 0 : i32
      %dma_start3A_342 = arith.constant 0 : i32
      %dma_start3A_343 = tpu.memref_slice %arg5[%dma_start3A_331, %dma_start3A_340, %dma_start3A_341, %dma_start3A_342] : memref<3x5x8x1024xf32, #tpu.memory_space<vmem>> -> memref<1x4x8x1024xf32, #tpu.memory_space<vmem>>
      %dma_start3A_344 = tpu.memref_squeeze %dma_start3A_343 : memref<1x4x8x1024xf32, #tpu.memory_space<vmem>> -> memref<4x8x1024xf32, #tpu.memory_space<vmem>>
      %dma_start3A_345 = arith.constant 0 : i32
      %dma_start3A_346 = arith.constant 0 : i32
      %dma_start3A_347 = tpu.memref_slice %arg2[%dma_start3A_345, %add3A_316, %dma_start3A_346] : memref<4x8192x1024xf32, #tpu.memory_space<hbm>> -> memref<4x8x1024xf32, #tpu.memory_space<hbm>>
      tpu.enqueue_dma source(%dma_start3A_347 : memref<4x8x1024xf32, #tpu.memory_space<hbm>>) target(%dma_start3A_344 : memref<4x8x1024xf32, #tpu.memory_space<vmem>>) target_semaphore(%arg8 : memref<!tpu.dma_semaphore, #tpu.memory_space<semaphore_mem>>)
      %add3A_348 = arith.constant 1 : i32
      %add3A_349 = arith.addi %mul3A_247, %add3A_348 : i32
      %add3A_350 = arith.constant 2 : i32
      %add3A_351 = arith.addi %add3A_349, %add3A_350 : i32
      %mul3A_352 = arith.constant 8 : i32
      %mul3A_353 = arith.muli %add3A_349, %mul3A_352 : i32
      %add3A_354 = arith.addi %mul3A_2, %mul3A_353 : i32
      %dma_wait3A_355 = arith.constant 1 : i32
      %dma_wait3A_356 = arith.constant 0 : i32
      %dma_wait3A_357 = arith.constant 0 : i32
      %dma_wait3A_358 = arith.constant 0 : i32
      %dma_wait3A_359 = tpu.memref_slice %arg5[%dma_wait3A_355, %dma_wait3A_356, %dma_wait3A_357, %dma_wait3A_358] : memref<3x5x8x1024xf32, #tpu.memory_space<vmem>> -> memref<1x1x8x1024xf32, #tpu.memory_space<vmem>>
      %dma_wait3A_360 = tpu.memref_squeeze %dma_wait3A_359 : memref<1x1x8x1024xf32, #tpu.memory_space<vmem>> -> memref<8x1024xf32, #tpu.memory_space<vmem>>
      %dma_wait3A_361 = arith.constant 0 : i32
      %dma_wait3A_362 = tpu.memref_slice %arg3[%add3A_354, %dma_wait3A_361] : memref<8192x1024xf32, #tpu.memory_space<hbm>> -> memref<8x1024xf32, #tpu.memory_space<hbm>>
      %dma_wait3A_363 = arith.constant 0 : i32
      %dma_wait3A_364 = arith.constant 0 : i32
      %dma_wait3A_365 = tpu.memref_slice %arg5[%dma_wait3A_355, %dma_wait3A_356, %dma_wait3A_363, %dma_wait3A_364] : memref<3x5x8x1024xf32, #tpu.memory_space<vmem>> -> memref<1x1x8x1024xf32, #tpu.memory_space<vmem>>
      %dma_wait3A_366 = tpu.memref_squeeze %dma_wait3A_365 : memref<1x1x8x1024xf32, #tpu.memory_space<vmem>> -> memref<8x1024xf32, #tpu.memory_space<vmem>>
      %dma_wait3A_367 = arith.constant 0 : i32
      %dma_wait3A_368 = tpu.memref_slice %arg3[%add3A_354, %dma_wait3A_367] : memref<8192x1024xf32, #tpu.memory_space<hbm>> -> memref<8x1024xf32, #tpu.memory_space<hbm>>
      tpu.wait_dma2 semaphore(%arg7 : memref<!tpu.dma_semaphore, #tpu.memory_space<semaphore_mem>>) src(%dma_wait3A_368 : memref<8x1024xf32, #tpu.memory_space<hbm>>) dst(%dma_wait3A_366 : memref<8x1024xf32, #tpu.memory_space<vmem>>)
      %dma_wait3A_369 = arith.constant 1 : i32
      %dma_wait3A_370 = arith.constant 1 : i32
      %dma_wait3A_371 = arith.constant 0 : i32
      %dma_wait3A_372 = arith.constant 0 : i32
      %dma_wait3A_373 = tpu.memref_slice %arg5[%dma_wait3A_369, %dma_wait3A_370, %dma_wait3A_371, %dma_wait3A_372] : memref<3x5x8x1024xf32, #tpu.memory_space<vmem>> -> memref<1x4x8x1024xf32, #tpu.memory_space<vmem>>
      %dma_wait3A_374 = tpu.memref_squeeze %dma_wait3A_373 : memref<1x4x8x1024xf32, #tpu.memory_space<vmem>> -> memref<4x8x1024xf32, #tpu.memory_space<vmem>>
      %dma_wait3A_375 = arith.constant 0 : i32
      %dma_wait3A_376 = arith.constant 0 : i32
      %dma_wait3A_377 = tpu.memref_slice %arg2[%dma_wait3A_375, %add3A_354, %dma_wait3A_376] : memref<4x8192x1024xf32, #tpu.memory_space<hbm>> -> memref<4x8x1024xf32, #tpu.memory_space<hbm>>
      %dma_wait3A_378 = arith.constant 1 : i32
      %dma_wait3A_379 = arith.constant 0 : i32
      %dma_wait3A_380 = arith.constant 0 : i32
      %dma_wait3A_381 = tpu.memref_slice %arg5[%dma_wait3A_369, %dma_wait3A_378, %dma_wait3A_379, %dma_wait3A_380] : memref<3x5x8x1024xf32, #tpu.memory_space<vmem>> -> memref<1x4x8x1024xf32, #tpu.memory_space<vmem>>
      %dma_wait3A_382 = tpu.memref_squeeze %dma_wait3A_381 : memref<1x4x8x1024xf32, #tpu.memory_space<vmem>> -> memref<4x8x1024xf32, #tpu.memory_space<vmem>>
      %dma_wait3A_383 = arith.constant 0 : i32
      %dma_wait3A_384 = arith.constant 0 : i32
      %dma_wait3A_385 = tpu.memref_slice %arg2[%dma_wait3A_383, %add3A_354, %dma_wait3A_384] : memref<4x8192x1024xf32, #tpu.memory_space<hbm>> -> memref<4x8x1024xf32, #tpu.memory_space<hbm>>
      tpu.wait_dma2 semaphore(%arg7 : memref<!tpu.dma_semaphore, #tpu.memory_space<semaphore_mem>>) src(%dma_wait3A_385 : memref<4x8x1024xf32, #tpu.memory_space<hbm>>) dst(%dma_wait3A_382 : memref<4x8x1024xf32, #tpu.memory_space<vmem>>)
      %scan3A_386 = arith.constant 0 : i32
      %scan3A_387 = arith.constant 0 : i32
      %scan3A_388 = arith.constant 64 : i32
      %scan3A_389 = arith.addi %scan3A_387, %scan3A_388 : i32
      %scan3A_390 = arith.constant 1 : i32
      scf.for %scan3A_554 = %scan3A_387 to %scan3A_389 step %scan3A_390  : i32 {
        %mul3A_555 = arith.constant 16 : i32
        %mul3A_556 = arith.muli %scan3A_554, %mul3A_555 : i32
        %get3A = arith.constant 1 : i32
        %get3A_557 = arith.constant 0 : i32
        %get3A_558 = arith.constant 0 : i32
        %get3A_559 = arith.index_cast %get3A : i32 to index
        %get3A_560 = arith.index_cast %get3A_557 : i32 to index
        %get3A_561 = arith.index_cast %get3A_558 : i32 to index
        %get3A_562 = arith.index_cast %mul3A_556 : i32 to index
        %get3A_563 = tpu.vector_load %arg5[%get3A_559, %get3A_560, %get3A_561, %get3A_562] {strides = array<i32>} : memref<3x5x8x1024xf32, #tpu.memory_space<vmem>>, vector<1x1x1x16xf32>,
        %get3A_564 = vector.shape_cast %get3A_563 : vector<1x1x1x16xf32> to vector<16xf32>
        %get3A_565 = arith.constant 1 : i32
        %get3A_566 = arith.constant 1 : i32
        %get3A_567 = arith.constant 0 : i32
        %get3A_568 = arith.index_cast %get3A_565 : i32 to index
        %get3A_569 = arith.index_cast %get3A_566 : i32 to index
        %get3A_570 = arith.index_cast %get3A_567 : i32 to index
        %get3A_571 = arith.index_cast %mul3A_556 : i32 to index
        %get3A_572 = tpu.vector_load %arg5[%get3A_568, %get3A_569, %get3A_570, %get3A_571] {strides = array<i32>} : memref<3x5x8x1024xf32, #tpu.memory_space<vmem>>, vector<1x1x1x16xf32>,
        %get3A_573 = vector.shape_cast %get3A_572 : vector<1x1x1x16xf32> to vector<16xf32>
        %add3A_574 = arith.addf %get3A_573, %get3A_564 : vector<16xf32>
        %swap3A = arith.constant 1 : i32
        %swap3A_575 = arith.constant 1 : i32
        %swap3A_576 = arith.constant 0 : i32
        %swap3A_577 = arith.index_cast %swap3A : i32 to index
        %swap3A_578 = arith.index_cast %swap3A_575 : i32 to index
        %swap3A_579 = arith.index_cast %swap3A_576 : i32 to index
        %swap3A_580 = arith.index_cast %mul3A_556 : i32 to index
        %swap3A_581 = tpu.vector_load %arg5[%swap3A_577, %swap3A_578, %swap3A_579, %swap3A_580] {strides = array<i32>} : memref<3x5x8x1024xf32, #tpu.memory_space<vmem>>, vector<1x1x1x16xf32>,
        %swap3A_582 = vector.shape_cast %swap3A_581 : vector<1x1x1x16xf32> to vector<16xf32>
        %swap3A_583 = vector.shape_cast %add3A_574 : vector<16xf32> to vector<1x1x1x16xf32>
        tpu.vector_store %arg5[%swap3A_577, %swap3A_578, %swap3A_579, %swap3A_580], %swap3A_583 {strides = array<i32>} : memref<3x5x8x1024xf32, #tpu.memory_space<vmem>>, vector<1x1x1x16xf32>,
        %get3A_584 = arith.constant 1 : i32
        %get3A_585 = arith.constant 2 : i32
        %get3A_586 = arith.constant 0 : i32
        %get3A_587 = arith.index_cast %get3A_584 : i32 to index
        %get3A_588 = arith.index_cast %get3A_585 : i32 to index
        %get3A_589 = arith.index_cast %get3A_586 : i32 to index
        %get3A_590 = arith.index_cast %mul3A_556 : i32 to index
        %get3A_591 = tpu.vector_load %arg5[%get3A_587, %get3A_588, %get3A_589, %get3A_590] {strides = array<i32>} : memref<3x5x8x1024xf32, #tpu.memory_space<vmem>>, vector<1x1x1x16xf32>,
        %get3A_592 = vector.shape_cast %get3A_591 : vector<1x1x1x16xf32> to vector<16xf32>
        %add3A_593 = arith.addf %get3A_592, %get3A_564 : vector<16xf32>
        %swap3A_594 = arith.constant 1 : i32
        %swap3A_595 = arith.constant 2 : i32
        %swap3A_596 = arith.constant 0 : i32
        %swap3A_597 = arith.index_cast %swap3A_594 : i32 to index
        %swap3A_598 = arith.index_cast %swap3A_595 : i32 to index
        %swap3A_599 = arith.index_cast %swap3A_596 : i32 to index
        %swap3A_600 = arith.index_cast %mul3A_556 : i32 to index
        %swap3A_601 = tpu.vector_load %arg5[%swap3A_597, %swap3A_598, %swap3A_599, %swap3A_600] {strides = array<i32>} : memref<3x5x8x1024xf32, #tpu.memory_space<vmem>>, vector<1x1x1x16xf32>,
        %swap3A_602 = vector.shape_cast %swap3A_601 : vector<1x1x1x16xf32> to vector<16xf32>
        %swap3A_603 = vector.shape_cast %add3A_593 : vector<16xf32> to vector<1x1x1x16xf32>
        tpu.vector_store %arg5[%swap3A_597, %swap3A_598, %swap3A_599, %swap3A_600], %swap3A_603 {strides = array<i32>} : memref<3x5x8x1024xf32, #tpu.memory_space<vmem>>, vector<1x1x1x16xf32>,
        %get3A_604 = arith.constant 1 : i32
        %get3A_605 = arith.constant 3 : i32
        %get3A_606 = arith.constant 0 : i32
        %get3A_607 = arith.index_cast %get3A_604 : i32 to index
        %get3A_608 = arith.index_cast %get3A_605 : i32 to index
        %get3A_609 = arith.index_cast %get3A_606 : i32 to index
        %get3A_610 = arith.index_cast %mul3A_556 : i32 to index
        %get3A_611 = tpu.vector_load %arg5[%get3A_607, %get3A_608, %get3A_609, %get3A_610] {strides = array<i32>} : memref<3x5x8x1024xf32, #tpu.memory_space<vmem>>, vector<1x1x1x16xf32>,
        %get3A_612 = vector.shape_cast %get3A_611 : vector<1x1x1x16xf32> to vector<16xf32>
        %add3A_613 = arith.addf %get3A_612, %get3A_564 : vector<16xf32>
        %swap3A_614 = arith.constant 1 : i32
        %swap3A_615 = arith.constant 3 : i32
        %swap3A_616 = arith.constant 0 : i32
        %swap3A_617 = arith.index_cast %swap3A_614 : i32 to index
        %swap3A_618 = arith.index_cast %swap3A_615 : i32 to index
        %swap3A_619 = arith.index_cast %swap3A_616 : i32 to index
        %swap3A_620 = arith.index_cast %mul3A_556 : i32 to index
        %swap3A_621 = tpu.vector_load %arg5[%swap3A_617, %swap3A_618, %swap3A_619, %swap3A_620] {strides = array<i32>} : memref<3x5x8x1024xf32, #tpu.memory_space<vmem>>, vector<1x1x1x16xf32>,
        %swap3A_622 = vector.shape_cast %swap3A_621 : vector<1x1x1x16xf32> to vector<16xf32>
        %swap3A_623 = vector.shape_cast %add3A_613 : vector<16xf32> to vector<1x1x1x16xf32>
        tpu.vector_store %arg5[%swap3A_617, %swap3A_618, %swap3A_619, %swap3A_620], %swap3A_623 {strides = array<i32>} : memref<3x5x8x1024xf32, #tpu.memory_space<vmem>>, vector<1x1x1x16xf32>,
        %get3A_624 = arith.constant 1 : i32
        %get3A_625 = arith.constant 4 : i32
        %get3A_626 = arith.constant 0 : i32
        %get3A_627 = arith.index_cast %get3A_624 : i32 to index
        %get3A_628 = arith.index_cast %get3A_625 : i32 to index
        %get3A_629 = arith.index_cast %get3A_626 : i32 to index
        %get3A_630 = arith.index_cast %mul3A_556 : i32 to index
        %get3A_631 = tpu.vector_load %arg5[%get3A_627, %get3A_628, %get3A_629, %get3A_630] {strides = array<i32>} : memref<3x5x8x1024xf32, #tpu.memory_space<vmem>>, vector<1x1x1x16xf32>,
        %get3A_632 = vector.shape_cast %get3A_631 : vector<1x1x1x16xf32> to vector<16xf32>
        %add3A_633 = arith.addf %get3A_632, %get3A_564 : vector<16xf32>
        %swap3A_634 = arith.constant 1 : i32
        %swap3A_635 = arith.constant 4 : i32
        %swap3A_636 = arith.constant 0 : i32
        %swap3A_637 = arith.index_cast %swap3A_634 : i32 to index
        %swap3A_638 = arith.index_cast %swap3A_635 : i32 to index
        %swap3A_639 = arith.index_cast %swap3A_636 : i32 to index
        %swap3A_640 = arith.index_cast %mul3A_556 : i32 to index
        %swap3A_641 = tpu.vector_load %arg5[%swap3A_637, %swap3A_638, %swap3A_639, %swap3A_640] {strides = array<i32>} : memref<3x5x8x1024xf32, #tpu.memory_space<vmem>>, vector<1x1x1x16xf32>,
        %swap3A_642 = vector.shape_cast %swap3A_641 : vector<1x1x1x16xf32> to vector<16xf32>
        %swap3A_643 = vector.shape_cast %add3A_633 : vector<16xf32> to vector<1x1x1x16xf32>
        tpu.vector_store %arg5[%swap3A_637, %swap3A_638, %swap3A_639, %swap3A_640], %swap3A_643 {strides = array<i32>} : memref<3x5x8x1024xf32, #tpu.memory_space<vmem>>, vector<1x1x1x16xf32>,
        %get3A_644 = arith.constant 1 : i32
        %get3A_645 = arith.constant 0 : i32
        %get3A_646 = arith.constant 1 : i32
        %get3A_647 = arith.index_cast %get3A_644 : i32 to index
        %get3A_648 = arith.index_cast %get3A_645 : i32 to index
        %get3A_649 = arith.index_cast %get3A_646 : i32 to index
        %get3A_650 = arith.index_cast %mul3A_556 : i32 to index
        %get3A_651 = tpu.vector_load %arg5[%get3A_647, %get3A_648, %get3A_649, %get3A_650] {strides = array<i32>} : memref<3x5x8x1024xf32, #tpu.memory_space<vmem>>, vector<1x1x1x16xf32>,
        %get3A_652 = vector.shape_cast %get3A_651 : vector<1x1x1x16xf32> to vector<16xf32>
        %get3A_653 = arith.constant 1 : i32
        %get3A_654 = arith.constant 1 : i32
        %get3A_655 = arith.constant 1 : i32
        %get3A_656 = arith.index_cast %get3A_653 : i32 to index
        %get3A_657 = arith.index_cast %get3A_654 : i32 to index
        %get3A_658 = arith.index_cast %get3A_655 : i32 to index
        %get3A_659 = arith.index_cast %mul3A_556 : i32 to index
        %get3A_660 = tpu.vector_load %arg5[%get3A_656, %get3A_657, %get3A_658, %get3A_659] {strides = array<i32>} : memref<3x5x8x1024xf32, #tpu.memory_space<vmem>>, vector<1x1x1x16xf32>,
        %get3A_661 = vector.shape_cast %get3A_660 : vector<1x1x1x16xf32> to vector<16xf32>
        %add3A_662 = arith.addf %get3A_661, %get3A_652 : vector<16xf32>
        %swap3A_663 = arith.constant 1 : i32
        %swap3A_664 = arith.constant 1 : i32
        %swap3A_665 = arith.constant 1 : i32
        %swap3A_666 = arith.index_cast %swap3A_663 : i32 to index
        %swap3A_667 = arith.index_cast %swap3A_664 : i32 to index
        %swap3A_668 = arith.index_cast %swap3A_665 : i32 to index
        %swap3A_669 = arith.index_cast %mul3A_556 : i32 to index
        %swap3A_670 = tpu.vector_load %arg5[%swap3A_666, %swap3A_667, %swap3A_668, %swap3A_669] {strides = array<i32>} : memref<3x5x8x1024xf32, #tpu.memory_space<vmem>>, vector<1x1x1x16xf32>,
        %swap3A_671 = vector.shape_cast %swap3A_670 : vector<1x1x1x16xf32> to vector<16xf32>
        %swap3A_672 = vector.shape_cast %add3A_662 : vector<16xf32> to vector<1x1x1x16xf32>
        tpu.vector_store %arg5[%swap3A_666, %swap3A_667, %swap3A_668, %swap3A_669], %swap3A_672 {strides = array<i32>} : memref<3x5x8x1024xf32, #tpu.memory_space<vmem>>, vector<1x1x1x16xf32>,
        %get3A_673 = arith.constant 1 : i32
        %get3A_674 = arith.constant 2 : i32
        %get3A_675 = arith.constant 1 : i32
        %get3A_676 = arith.index_cast %get3A_673 : i32 to index
        %get3A_677 = arith.index_cast %get3A_674 : i32 to index
        %get3A_678 = arith.index_cast %get3A_675 : i32 to index
        %get3A_679 = arith.index_cast %mul3A_556 : i32 to index
        %get3A_680 = tpu.vector_load %arg5[%get3A_676, %get3A_677, %get3A_678, %get3A_679] {strides = array<i32>} : memref<3x5x8x1024xf32, #tpu.memory_space<vmem>>, vector<1x1x1x16xf32>,
        %get3A_681 = vector.shape_cast %get3A_680 : vector<1x1x1x16xf32> to vector<16xf32>
        %add3A_682 = arith.addf %get3A_681, %get3A_652 : vector<16xf32>
        %swap3A_683 = arith.constant 1 : i32
        %swap3A_684 = arith.constant 2 : i32
        %swap3A_685 = arith.constant 1 : i32
        %swap3A_686 = arith.index_cast %swap3A_683 : i32 to index
        %swap3A_687 = arith.index_cast %swap3A_684 : i32 to index
        %swap3A_688 = arith.index_cast %swap3A_685 : i32 to index
        %swap3A_689 = arith.index_cast %mul3A_556 : i32 to index
        %swap3A_690 = tpu.vector_load %arg5[%swap3A_686, %swap3A_687, %swap3A_688, %swap3A_689] {strides = array<i32>} : memref<3x5x8x1024xf32, #tpu.memory_space<vmem>>, vector<1x1x1x16xf32>,
        %swap3A_691 = vector.shape_cast %swap3A_690 : vector<1x1x1x16xf32> to vector<16xf32>
        %swap3A_692 = vector.shape_cast %add3A_682 : vector<16xf32> to vector<1x1x1x16xf32>
        tpu.vector_store %arg5[%swap3A_686, %swap3A_687, %swap3A_688, %swap3A_689], %swap3A_692 {strides = array<i32>} : memref<3x5x8x1024xf32, #tpu.memory_space<vmem>>, vector<1x1x1x16xf32>,
        %get3A_693 = arith.constant 1 : i32
        %get3A_694 = arith.constant 3 : i32
        %get3A_695 = arith.constant 1 : i32
        %get3A_696 = arith.index_cast %get3A_693 : i32 to index
        %get3A_697 = arith.index_cast %get3A_694 : i32 to index
        %get3A_698 = arith.index_cast %get3A_695 : i32 to index
        %get3A_699 = arith.index_cast %mul3A_556 : i32 to index
        %get3A_700 = tpu.vector_load %arg5[%get3A_696, %get3A_697, %get3A_698, %get3A_699] {strides = array<i32>} : memref<3x5x8x1024xf32, #tpu.memory_space<vmem>>, vector<1x1x1x16xf32>,
        %get3A_701 = vector.shape_cast %get3A_700 : vector<1x1x1x16xf32> to vector<16xf32>
        %add3A_702 = arith.addf %get3A_701, %get3A_652 : vector<16xf32>
        %swap3A_703 = arith.constant 1 : i32
        %swap3A_704 = arith.constant 3 : i32
        %swap3A_705 = arith.constant 1 : i32
        %swap3A_706 = arith.index_cast %swap3A_703 : i32 to index
        %swap3A_707 = arith.index_cast %swap3A_704 : i32 to index
        %swap3A_708 = arith.index_cast %swap3A_705 : i32 to index
        %swap3A_709 = arith.index_cast %mul3A_556 : i32 to index
        %swap3A_710 = tpu.vector_load %arg5[%swap3A_706, %swap3A_707, %swap3A_708, %swap3A_709] {strides = array<i32>} : memref<3x5x8x1024xf32, #tpu.memory_space<vmem>>, vector<1x1x1x16xf32>,
        %swap3A_711 = vector.shape_cast %swap3A_710 : vector<1x1x1x16xf32> to vector<16xf32>
        %swap3A_712 = vector.shape_cast %add3A_702 : vector<16xf32> to vector<1x1x1x16xf32>
        tpu.vector_store %arg5[%swap3A_706, %swap3A_707, %swap3A_708, %swap3A_709], %swap3A_712 {strides = array<i32>} : memref<3x5x8x1024xf32, #tpu.memory_space<vmem>>, vector<1x1x1x16xf32>,
        %get3A_713 = arith.constant 1 : i32
        %get3A_714 = arith.constant 4 : i32
        %get3A_715 = arith.constant 1 : i32
        %get3A_716 = arith.index_cast %get3A_713 : i32 to index
        %get3A_717 = arith.index_cast %get3A_714 : i32 to index
        %get3A_718 = arith.index_cast %get3A_715 : i32 to index
        %get3A_719 = arith.index_cast %mul3A_556 : i32 to index
        %get3A_720 = tpu.vector_load %arg5[%get3A_716, %get3A_717, %get3A_718, %get3A_719] {strides = array<i32>} : memref<3x5x8x1024xf32, #tpu.memory_space<vmem>>, vector<1x1x1x16xf32>,
        %get3A_721 = vector.shape_cast %get3A_720 : vector<1x1x1x16xf32> to vector<16xf32>
        %add3A_722 = arith.addf %get3A_721, %get3A_652 : vector<16xf32>
        %swap3A_723 = arith.constant 1 : i32
        %swap3A_724 = arith.constant 4 : i32
        %swap3A_725 = arith.constant 1 : i32
        %swap3A_726 = arith.index_cast %swap3A_723 : i32 to index
        %swap3A_727 = arith.index_cast %swap3A_724 : i32 to index
        %swap3A_728 = arith.index_cast %swap3A_725 : i32 to index
        %swap3A_729 = arith.index_cast %mul3A_556 : i32 to index
        %swap3A_730 = tpu.vector_load %arg5[%swap3A_726, %swap3A_727, %swap3A_728, %swap3A_729] {strides = array<i32>} : memref<3x5x8x1024xf32, #tpu.memory_space<vmem>>, vector<1x1x1x16xf32>,
        %swap3A_731 = vector.shape_cast %swap3A_730 : vector<1x1x1x16xf32> to vector<16xf32>
        %swap3A_732 = vector.shape_cast %add3A_722 : vector<16xf32> to vector<1x1x1x16xf32>
        tpu.vector_store %arg5[%swap3A_726, %swap3A_727, %swap3A_728, %swap3A_729], %swap3A_732 {strides = array<i32>} : memref<3x5x8x1024xf32, #tpu.memory_space<vmem>>, vector<1x1x1x16xf32>,
        %get3A_733 = arith.constant 1 : i32
        %get3A_734 = arith.constant 0 : i32
        %get3A_735 = arith.constant 2 : i32
        %get3A_736 = arith.index_cast %get3A_733 : i32 to index
        %get3A_737 = arith.index_cast %get3A_734 : i32 to index
        %get3A_738 = arith.index_cast %get3A_735 : i32 to index
        %get3A_739 = arith.index_cast %mul3A_556 : i32 to index
        %get3A_740 = tpu.vector_load %arg5[%get3A_736, %get3A_737, %get3A_738, %get3A_739] {strides = array<i32>} : memref<3x5x8x1024xf32, #tpu.memory_space<vmem>>, vector<1x1x1x16xf32>,
        %get3A_741 = vector.shape_cast %get3A_740 : vector<1x1x1x16xf32> to vector<16xf32>
        %get3A_742 = arith.constant 1 : i32
        %get3A_743 = arith.constant 1 : i32
        %get3A_744 = arith.constant 2 : i32
        %get3A_745 = arith.index_cast %get3A_742 : i32 to index
        %get3A_746 = arith.index_cast %get3A_743 : i32 to index
        %get3A_747 = arith.index_cast %get3A_744 : i32 to index
        %get3A_748 = arith.index_cast %mul3A_556 : i32 to index
        %get3A_749 = tpu.vector_load %arg5[%get3A_745, %get3A_746, %get3A_747, %get3A_748] {strides = array<i32>} : memref<3x5x8x1024xf32, #tpu.memory_space<vmem>>, vector<1x1x1x16xf32>,
        %get3A_750 = vector.shape_cast %get3A_749 : vector<1x1x1x16xf32> to vector<16xf32>
        %add3A_751 = arith.addf %get3A_750, %get3A_741 : vector<16xf32>
        %swap3A_752 = arith.constant 1 : i32
        %swap3A_753 = arith.constant 1 : i32
        %swap3A_754 = arith.constant 2 : i32
        %swap3A_755 = arith.index_cast %swap3A_752 : i32 to index
        %swap3A_756 = arith.index_cast %swap3A_753 : i32 to index
        %swap3A_757 = arith.index_cast %swap3A_754 : i32 to index
        %swap3A_758 = arith.index_cast %mul3A_556 : i32 to index
        %swap3A_759 = tpu.vector_load %arg5[%swap3A_755, %swap3A_756, %swap3A_757, %swap3A_758] {strides = array<i32>} : memref<3x5x8x1024xf32, #tpu.memory_space<vmem>>, vector<1x1x1x16xf32>,
        %swap3A_760 = vector.shape_cast %swap3A_759 : vector<1x1x1x16xf32> to vector<16xf32>
        %swap3A_761 = vector.shape_cast %add3A_751 : vector<16xf32> to vector<1x1x1x16xf32>
        tpu.vector_store %arg5[%swap3A_755, %swap3A_756, %swap3A_757, %swap3A_758], %swap3A_761 {strides = array<i32>} : memref<3x5x8x1024xf32, #tpu.memory_space<vmem>>, vector<1x1x1x16xf32>,
        %get3A_762 = arith.constant 1 : i32
        %get3A_763 = arith.constant 2 : i32
        %get3A_764 = arith.constant 2 : i32
        %get3A_765 = arith.index_cast %get3A_762 : i32 to index
        %get3A_766 = arith.index_cast %get3A_763 : i32 to index
        %get3A_767 = arith.index_cast %get3A_764 : i32 to index
        %get3A_768 = arith.index_cast %mul3A_556 : i32 to index
        %get3A_769 = tpu.vector_load %arg5[%get3A_765, %get3A_766, %get3A_767, %get3A_768] {strides = array<i32>} : memref<3x5x8x1024xf32, #tpu.memory_space<vmem>>, vector<1x1x1x16xf32>,
        %get3A_770 = vector.shape_cast %get3A_769 : vector<1x1x1x16xf32> to vector<16xf32>
        %add3A_771 = arith.addf %get3A_770, %get3A_741 : vector<16xf32>
        %swap3A_772 = arith.constant 1 : i32
        %swap3A_773 = arith.constant 2 : i32
        %swap3A_774 = arith.constant 2 : i32
        %swap3A_775 = arith.index_cast %swap3A_772 : i32 to index
        %swap3A_776 = arith.index_cast %swap3A_773 : i32 to index
        %swap3A_777 = arith.index_cast %swap3A_774 : i32 to index
        %swap3A_778 = arith.index_cast %mul3A_556 : i32 to index
        %swap3A_779 = tpu.vector_load %arg5[%swap3A_775, %swap3A_776, %swap3A_777, %swap3A_778] {strides = array<i32>} : memref<3x5x8x1024xf32, #tpu.memory_space<vmem>>, vector<1x1x1x16xf32>,
        %swap3A_780 = vector.shape_cast %swap3A_779 : vector<1x1x1x16xf32> to vector<16xf32>
        %swap3A_781 = vector.shape_cast %add3A_771 : vector<16xf32> to vector<1x1x1x16xf32>
        tpu.vector_store %arg5[%swap3A_775, %swap3A_776, %swap3A_777, %swap3A_778], %swap3A_781 {strides = array<i32>} : memref<3x5x8x1024xf32, #tpu.memory_space<vmem>>, vector<1x1x1x16xf32>,
        %get3A_782 = arith.constant 1 : i32
        %get3A_783 = arith.constant 3 : i32
        %get3A_784 = arith.constant 2 : i32
        %get3A_785 = arith.index_cast %get3A_782 : i32 to index
        %get3A_786 = arith.index_cast %get3A_783 : i32 to index
        %get3A_787 = arith.index_cast %get3A_784 : i32 to index
        %get3A_788 = arith.index_cast %mul3A_556 : i32 to index
        %get3A_789 = tpu.vector_load %arg5[%get3A_785, %get3A_786, %get3A_787, %get3A_788] {strides = array<i32>} : memref<3x5x8x1024xf32, #tpu.memory_space<vmem>>, vector<1x1x1x16xf32>,
        %get3A_790 = vector.shape_cast %get3A_789 : vector<1x1x1x16xf32> to vector<16xf32>
        %add3A_791 = arith.addf %get3A_790, %get3A_741 : vector<16xf32>
        %swap3A_792 = arith.constant 1 : i32
        %swap3A_793 = arith.constant 3 : i32
        %swap3A_794 = arith.constant 2 : i32
        %swap3A_795 = arith.index_cast %swap3A_792 : i32 to index
        %swap3A_796 = arith.index_cast %swap3A_793 : i32 to index
        %swap3A_797 = arith.index_cast %swap3A_794 : i32 to index
        %swap3A_798 = arith.index_cast %mul3A_556 : i32 to index
        %swap3A_799 = tpu.vector_load %arg5[%swap3A_795, %swap3A_796, %swap3A_797, %swap3A_798] {strides = array<i32>} : memref<3x5x8x1024xf32, #tpu.memory_space<vmem>>, vector<1x1x1x16xf32>,
        %swap3A_800 = vector.shape_cast %swap3A_799 : vector<1x1x1x16xf32> to vector<16xf32>
        %swap3A_801 = vector.shape_cast %add3A_791 : vector<16xf32> to vector<1x1x1x16xf32>
        tpu.vector_store %arg5[%swap3A_795, %swap3A_796, %swap3A_797, %swap3A_798], %swap3A_801 {strides = array<i32>} : memref<3x5x8x1024xf32, #tpu.memory_space<vmem>>, vector<1x1x1x16xf32>,
        %get3A_802 = arith.constant 1 : i32
        %get3A_803 = arith.constant 4 : i32
        %get3A_804 = arith.constant 2 : i32
        %get3A_805 = arith.index_cast %get3A_802 : i32 to index
        %get3A_806 = arith.index_cast %get3A_803 : i32 to index
        %get3A_807 = arith.index_cast %get3A_804 : i32 to index
        %get3A_808 = arith.index_cast %mul3A_556 : i32 to index
        %get3A_809 = tpu.vector_load %arg5[%get3A_805, %get3A_806, %get3A_807, %get3A_808] {strides = array<i32>} : memref<3x5x8x1024xf32, #tpu.memory_space<vmem>>, vector<1x1x1x16xf32>,
        %get3A_810 = vector.shape_cast %get3A_809 : vector<1x1x1x16xf32> to vector<16xf32>
        %add3A_811 = arith.addf %get3A_810, %get3A_741 : vector<16xf32>
        %swap3A_812 = arith.constant 1 : i32
        %swap3A_813 = arith.constant 4 : i32
        %swap3A_814 = arith.constant 2 : i32
        %swap3A_815 = arith.index_cast %swap3A_812 : i32 to index
        %swap3A_816 = arith.index_cast %swap3A_813 : i32 to index
        %swap3A_817 = arith.index_cast %swap3A_814 : i32 to index
        %swap3A_818 = arith.index_cast %mul3A_556 : i32 to index
        %swap3A_819 = tpu.vector_load %arg5[%swap3A_815, %swap3A_816, %swap3A_817, %swap3A_818] {strides = array<i32>} : memref<3x5x8x1024xf32, #tpu.memory_space<vmem>>, vector<1x1x1x16xf32>,
        %swap3A_820 = vector.shape_cast %swap3A_819 : vector<1x1x1x16xf32> to vector<16xf32>
        %swap3A_821 = vector.shape_cast %add3A_811 : vector<16xf32> to vector<1x1x1x16xf32>
        tpu.vector_store %arg5[%swap3A_815, %swap3A_816, %swap3A_817, %swap3A_818], %swap3A_821 {strides = array<i32>} : memref<3x5x8x1024xf32, #tpu.memory_space<vmem>>, vector<1x1x1x16xf32>,
        %get3A_822 = arith.constant 1 : i32
        %get3A_823 = arith.constant 0 : i32
        %get3A_824 = arith.constant 3 : i32
        %get3A_825 = arith.index_cast %get3A_822 : i32 to index
        %get3A_826 = arith.index_cast %get3A_823 : i32 to index
        %get3A_827 = arith.index_cast %get3A_824 : i32 to index
        %get3A_828 = arith.index_cast %mul3A_556 : i32 to index
        %get3A_829 = tpu.vector_load %arg5[%get3A_825, %get3A_826, %get3A_827, %get3A_828] {strides = array<i32>} : memref<3x5x8x1024xf32, #tpu.memory_space<vmem>>, vector<1x1x1x16xf32>,
        %get3A_830 = vector.shape_cast %get3A_829 : vector<1x1x1x16xf32> to vector<16xf32>
        %get3A_831 = arith.constant 1 : i32
        %get3A_832 = arith.constant 1 : i32
        %get3A_833 = arith.constant 3 : i32
        %get3A_834 = arith.index_cast %get3A_831 : i32 to index
        %get3A_835 = arith.index_cast %get3A_832 : i32 to index
        %get3A_836 = arith.index_cast %get3A_833 : i32 to index
        %get3A_837 = arith.index_cast %mul3A_556 : i32 to index
        %get3A_838 = tpu.vector_load %arg5[%get3A_834, %get3A_835, %get3A_836, %get3A_837] {strides = array<i32>} : memref<3x5x8x1024xf32, #tpu.memory_space<vmem>>, vector<1x1x1x16xf32>,
        %get3A_839 = vector.shape_cast %get3A_838 : vector<1x1x1x16xf32> to vector<16xf32>
        %add3A_840 = arith.addf %get3A_839, %get3A_830 : vector<16xf32>
        %swap3A_841 = arith.constant 1 : i32
        %swap3A_842 = arith.constant 1 : i32
        %swap3A_843 = arith.constant 3 : i32
        %swap3A_844 = arith.index_cast %swap3A_841 : i32 to index
        %swap3A_845 = arith.index_cast %swap3A_842 : i32 to index
        %swap3A_846 = arith.index_cast %swap3A_843 : i32 to index
        %swap3A_847 = arith.index_cast %mul3A_556 : i32 to index
        %swap3A_848 = tpu.vector_load %arg5[%swap3A_844, %swap3A_845, %swap3A_846, %swap3A_847] {strides = array<i32>} : memref<3x5x8x1024xf32, #tpu.memory_space<vmem>>, vector<1x1x1x16xf32>,
        %swap3A_849 = vector.shape_cast %swap3A_848 : vector<1x1x1x16xf32> to vector<16xf32>
        %swap3A_850 = vector.shape_cast %add3A_840 : vector<16xf32> to vector<1x1x1x16xf32>
        tpu.vector_store %arg5[%swap3A_844, %swap3A_845, %swap3A_846, %swap3A_847], %swap3A_850 {strides = array<i32>} : memref<3x5x8x1024xf32, #tpu.memory_space<vmem>>, vector<1x1x1x16xf32>,
        %get3A_851 = arith.constant 1 : i32
        %get3A_852 = arith.constant 2 : i32
        %get3A_853 = arith.constant 3 : i32
        %get3A_854 = arith.index_cast %get3A_851 : i32 to index
        %get3A_855 = arith.index_cast %get3A_852 : i32 to index
        %get3A_856 = arith.index_cast %get3A_853 : i32 to index
        %get3A_857 = arith.index_cast %mul3A_556 : i32 to index
        %get3A_858 = tpu.vector_load %arg5[%get3A_854, %get3A_855, %get3A_856, %get3A_857] {strides = array<i32>} : memref<3x5x8x1024xf32, #tpu.memory_space<vmem>>, vector<1x1x1x16xf32>,
        %get3A_859 = vector.shape_cast %get3A_858 : vector<1x1x1x16xf32> to vector<16xf32>
        %add3A_860 = arith.addf %get3A_859, %get3A_830 : vector<16xf32>
        %swap3A_861 = arith.constant 1 : i32
        %swap3A_862 = arith.constant 2 : i32
        %swap3A_863 = arith.constant 3 : i32
        %swap3A_864 = arith.index_cast %swap3A_861 : i32 to index
        %swap3A_865 = arith.index_cast %swap3A_862 : i32 to index
        %swap3A_866 = arith.index_cast %swap3A_863 : i32 to index
        %swap3A_867 = arith.index_cast %mul3A_556 : i32 to index
        %swap3A_868 = tpu.vector_load %arg5[%swap3A_864, %swap3A_865, %swap3A_866, %swap3A_867] {strides = array<i32>} : memref<3x5x8x1024xf32, #tpu.memory_space<vmem>>, vector<1x1x1x16xf32>,
        %swap3A_869 = vector.shape_cast %swap3A_868 : vector<1x1x1x16xf32> to vector<16xf32>
        %swap3A_870 = vector.shape_cast %add3A_860 : vector<16xf32> to vector<1x1x1x16xf32>
        tpu.vector_store %arg5[%swap3A_864, %swap3A_865, %swap3A_866, %swap3A_867], %swap3A_870 {strides = array<i32>} : memref<3x5x8x1024xf32, #tpu.memory_space<vmem>>, vector<1x1x1x16xf32>,
        %get3A_871 = arith.constant 1 : i32
        %get3A_872 = arith.constant 3 : i32
        %get3A_873 = arith.constant 3 : i32
        %get3A_874 = arith.index_cast %get3A_871 : i32 to index
        %get3A_875 = arith.index_cast %get3A_872 : i32 to index
        %get3A_876 = arith.index_cast %get3A_873 : i32 to index
        %get3A_877 = arith.index_cast %mul3A_556 : i32 to index
        %get3A_878 = tpu.vector_load %arg5[%get3A_874, %get3A_875, %get3A_876, %get3A_877] {strides = array<i32>} : memref<3x5x8x1024xf32, #tpu.memory_space<vmem>>, vector<1x1x1x16xf32>,
        %get3A_879 = vector.shape_cast %get3A_878 : vector<1x1x1x16xf32> to vector<16xf32>
        %add3A_880 = arith.addf %get3A_879, %get3A_830 : vector<16xf32>
        %swap3A_881 = arith.constant 1 : i32
        %swap3A_882 = arith.constant 3 : i32
        %swap3A_883 = arith.constant 3 : i32
        %swap3A_884 = arith.index_cast %swap3A_881 : i32 to index
        %swap3A_885 = arith.index_cast %swap3A_882 : i32 to index
        %swap3A_886 = arith.index_cast %swap3A_883 : i32 to index
        %swap3A_887 = arith.index_cast %mul3A_556 : i32 to index
        %swap3A_888 = tpu.vector_load %arg5[%swap3A_884, %swap3A_885, %swap3A_886, %swap3A_887] {strides = array<i32>} : memref<3x5x8x1024xf32, #tpu.memory_space<vmem>>, vector<1x1x1x16xf32>,
        %swap3A_889 = vector.shape_cast %swap3A_888 : vector<1x1x1x16xf32> to vector<16xf32>
        %swap3A_890 = vector.shape_cast %add3A_880 : vector<16xf32> to vector<1x1x1x16xf32>
        tpu.vector_store %arg5[%swap3A_884, %swap3A_885, %swap3A_886, %swap3A_887], %swap3A_890 {strides = array<i32>} : memref<3x5x8x1024xf32, #tpu.memory_space<vmem>>, vector<1x1x1x16xf32>,
        %get3A_891 = arith.constant 1 : i32
        %get3A_892 = arith.constant 4 : i32
        %get3A_893 = arith.constant 3 : i32
        %get3A_894 = arith.index_cast %get3A_891 : i32 to index
        %get3A_895 = arith.index_cast %get3A_892 : i32 to index
        %get3A_896 = arith.index_cast %get3A_893 : i32 to index
        %get3A_897 = arith.index_cast %mul3A_556 : i32 to index
        %get3A_898 = tpu.vector_load %arg5[%get3A_894, %get3A_895, %get3A_896, %get3A_897] {strides = array<i32>} : memref<3x5x8x1024xf32, #tpu.memory_space<vmem>>, vector<1x1x1x16xf32>,
        %get3A_899 = vector.shape_cast %get3A_898 : vector<1x1x1x16xf32> to vector<16xf32>
        %add3A_900 = arith.addf %get3A_899, %get3A_830 : vector<16xf32>
        %swap3A_901 = arith.constant 1 : i32
        %swap3A_902 = arith.constant 4 : i32
        %swap3A_903 = arith.constant 3 : i32
        %swap3A_904 = arith.index_cast %swap3A_901 : i32 to index
        %swap3A_905 = arith.index_cast %swap3A_902 : i32 to index
        %swap3A_906 = arith.index_cast %swap3A_903 : i32 to index
        %swap3A_907 = arith.index_cast %mul3A_556 : i32 to index
        %swap3A_908 = tpu.vector_load %arg5[%swap3A_904, %swap3A_905, %swap3A_906, %swap3A_907] {strides = array<i32>} : memref<3x5x8x1024xf32, #tpu.memory_space<vmem>>, vector<1x1x1x16xf32>,
        %swap3A_909 = vector.shape_cast %swap3A_908 : vector<1x1x1x16xf32> to vector<16xf32>
        %swap3A_910 = vector.shape_cast %add3A_900 : vector<16xf32> to vector<1x1x1x16xf32>
        tpu.vector_store %arg5[%swap3A_904, %swap3A_905, %swap3A_906, %swap3A_907], %swap3A_910 {strides = array<i32>} : memref<3x5x8x1024xf32, #tpu.memory_space<vmem>>, vector<1x1x1x16xf32>,
        %get3A_911 = arith.constant 1 : i32
        %get3A_912 = arith.constant 0 : i32
        %get3A_913 = arith.constant 4 : i32
        %get3A_914 = arith.index_cast %get3A_911 : i32 to index
        %get3A_915 = arith.index_cast %get3A_912 : i32 to index
        %get3A_916 = arith.index_cast %get3A_913 : i32 to index
        %get3A_917 = arith.index_cast %mul3A_556 : i32 to index
        %get3A_918 = tpu.vector_load %arg5[%get3A_914, %get3A_915, %get3A_916, %get3A_917] {strides = array<i32>} : memref<3x5x8x1024xf32, #tpu.memory_space<vmem>>, vector<1x1x1x16xf32>,
        %get3A_919 = vector.shape_cast %get3A_918 : vector<1x1x1x16xf32> to vector<16xf32>
        %get3A_920 = arith.constant 1 : i32
        %get3A_921 = arith.constant 1 : i32
        %get3A_922 = arith.constant 4 : i32
        %get3A_923 = arith.index_cast %get3A_920 : i32 to index
        %get3A_924 = arith.index_cast %get3A_921 : i32 to index
        %get3A_925 = arith.index_cast %get3A_922 : i32 to index
        %get3A_926 = arith.index_cast %mul3A_556 : i32 to index
        %get3A_927 = tpu.vector_load %arg5[%get3A_923, %get3A_924, %get3A_925, %get3A_926] {strides = array<i32>} : memref<3x5x8x1024xf32, #tpu.memory_space<vmem>>, vector<1x1x1x16xf32>,
        %get3A_928 = vector.shape_cast %get3A_927 : vector<1x1x1x16xf32> to vector<16xf32>
        %add3A_929 = arith.addf %get3A_928, %get3A_919 : vector<16xf32>
        %swap3A_930 = arith.constant 1 : i32
        %swap3A_931 = arith.constant 1 : i32
        %swap3A_932 = arith.constant 4 : i32
        %swap3A_933 = arith.index_cast %swap3A_930 : i32 to index
        %swap3A_934 = arith.index_cast %swap3A_931 : i32 to index
        %swap3A_935 = arith.index_cast %swap3A_932 : i32 to index
        %swap3A_936 = arith.index_cast %mul3A_556 : i32 to index
        %swap3A_937 = tpu.vector_load %arg5[%swap3A_933, %swap3A_934, %swap3A_935, %swap3A_936] {strides = array<i32>} : memref<3x5x8x1024xf32, #tpu.memory_space<vmem>>, vector<1x1x1x16xf32>,
        %swap3A_938 = vector.shape_cast %swap3A_937 : vector<1x1x1x16xf32> to vector<16xf32>
        %swap3A_939 = vector.shape_cast %add3A_929 : vector<16xf32> to vector<1x1x1x16xf32>
        tpu.vector_store %arg5[%swap3A_933, %swap3A_934, %swap3A_935, %swap3A_936], %swap3A_939 {strides = array<i32>} : memref<3x5x8x1024xf32, #tpu.memory_space<vmem>>, vector<1x1x1x16xf32>,
        %get3A_940 = arith.constant 1 : i32
        %get3A_941 = arith.constant 2 : i32
        %get3A_942 = arith.constant 4 : i32
        %get3A_943 = arith.index_cast %get3A_940 : i32 to index
        %get3A_944 = arith.index_cast %get3A_941 : i32 to index
        %get3A_945 = arith.index_cast %get3A_942 : i32 to index
        %get3A_946 = arith.index_cast %mul3A_556 : i32 to index
        %get3A_947 = tpu.vector_load %arg5[%get3A_943, %get3A_944, %get3A_945, %get3A_946] {strides = array<i32>} : memref<3x5x8x1024xf32, #tpu.memory_space<vmem>>, vector<1x1x1x16xf32>,
        %get3A_948 = vector.shape_cast %get3A_947 : vector<1x1x1x16xf32> to vector<16xf32>
        %add3A_949 = arith.addf %get3A_948, %get3A_919 : vector<16xf32>
        %swap3A_950 = arith.constant 1 : i32
        %swap3A_951 = arith.constant 2 : i32
        %swap3A_952 = arith.constant 4 : i32
        %swap3A_953 = arith.index_cast %swap3A_950 : i32 to index
        %swap3A_954 = arith.index_cast %swap3A_951 : i32 to index
        %swap3A_955 = arith.index_cast %swap3A_952 : i32 to index
        %swap3A_956 = arith.index_cast %mul3A_556 : i32 to index
        %swap3A_957 = tpu.vector_load %arg5[%swap3A_953, %swap3A_954, %swap3A_955, %swap3A_956] {strides = array<i32>} : memref<3x5x8x1024xf32, #tpu.memory_space<vmem>>, vector<1x1x1x16xf32>,
        %swap3A_958 = vector.shape_cast %swap3A_957 : vector<1x1x1x16xf32> to vector<16xf32>
        %swap3A_959 = vector.shape_cast %add3A_949 : vector<16xf32> to vector<1x1x1x16xf32>
        tpu.vector_store %arg5[%swap3A_953, %swap3A_954, %swap3A_955, %swap3A_956], %swap3A_959 {strides = array<i32>} : memref<3x5x8x1024xf32, #tpu.memory_space<vmem>>, vector<1x1x1x16xf32>,
        %get3A_960 = arith.constant 1 : i32
        %get3A_961 = arith.constant 3 : i32
        %get3A_962 = arith.constant 4 : i32
        %get3A_963 = arith.index_cast %get3A_960 : i32 to index
        %get3A_964 = arith.index_cast %get3A_961 : i32 to index
        %get3A_965 = arith.index_cast %get3A_962 : i32 to index
        %get3A_966 = arith.index_cast %mul3A_556 : i32 to index
        %get3A_967 = tpu.vector_load %arg5[%get3A_963, %get3A_964, %get3A_965, %get3A_966] {strides = array<i32>} : memref<3x5x8x1024xf32, #tpu.memory_space<vmem>>, vector<1x1x1x16xf32>,
        %get3A_968 = vector.shape_cast %get3A_967 : vector<1x1x1x16xf32> to vector<16xf32>
        %add3A_969 = arith.addf %get3A_968, %get3A_919 : vector<16xf32>
        %swap3A_970 = arith.constant 1 : i32
        %swap3A_971 = arith.constant 3 : i32
        %swap3A_972 = arith.constant 4 : i32
        %swap3A_973 = arith.index_cast %swap3A_970 : i32 to index
        %swap3A_974 = arith.index_cast %swap3A_971 : i32 to index
        %swap3A_975 = arith.index_cast %swap3A_972 : i32 to index
        %swap3A_976 = arith.index_cast %mul3A_556 : i32 to index
        %swap3A_977 = tpu.vector_load %arg5[%swap3A_973, %swap3A_974, %swap3A_975, %swap3A_976] {strides = array<i32>} : memref<3x5x8x1024xf32, #tpu.memory_space<vmem>>, vector<1x1x1x16xf32>,
        %swap3A_978 = vector.shape_cast %swap3A_977 : vector<1x1x1x16xf32> to vector<16xf32>
        %swap3A_979 = vector.shape_cast %add3A_969 : vector<16xf32> to vector<1x1x1x16xf32>
        tpu.vector_store %arg5[%swap3A_973, %swap3A_974, %swap3A_975, %swap3A_976], %swap3A_979 {strides = array<i32>} : memref<3x5x8x1024xf32, #tpu.memory_space<vmem>>, vector<1x1x1x16xf32>,
        %get3A_980 = arith.constant 1 : i32
        %get3A_981 = arith.constant 4 : i32
        %get3A_982 = arith.constant 4 : i32
        %get3A_983 = arith.index_cast %get3A_980 : i32 to index
        %get3A_984 = arith.index_cast %get3A_981 : i32 to index
        %get3A_985 = arith.index_cast %get3A_982 : i32 to index
        %get3A_986 = arith.index_cast %mul3A_556 : i32 to index
        %get3A_987 = tpu.vector_load %arg5[%get3A_983, %get3A_984, %get3A_985, %get3A_986] {strides = array<i32>} : memref<3x5x8x1024xf32, #tpu.memory_space<vmem>>, vector<1x1x1x16xf32>,
        %get3A_988 = vector.shape_cast %get3A_987 : vector<1x1x1x16xf32> to vector<16xf32>
        %add3A_989 = arith.addf %get3A_988, %get3A_919 : vector<16xf32>
        %swap3A_990 = arith.constant 1 : i32
        %swap3A_991 = arith.constant 4 : i32
        %swap3A_992 = arith.constant 4 : i32
        %swap3A_993 = arith.index_cast %swap3A_990 : i32 to index
        %swap3A_994 = arith.index_cast %swap3A_991 : i32 to index
        %swap3A_995 = arith.index_cast %swap3A_992 : i32 to index
        %swap3A_996 = arith.index_cast %mul3A_556 : i32 to index
        %swap3A_997 = tpu.vector_load %arg5[%swap3A_993, %swap3A_994, %swap3A_995, %swap3A_996] {strides = array<i32>} : memref<3x5x8x1024xf32, #tpu.memory_space<vmem>>, vector<1x1x1x16xf32>,
        %swap3A_998 = vector.shape_cast %swap3A_997 : vector<1x1x1x16xf32> to vector<16xf32>
        %swap3A_999 = vector.shape_cast %add3A_989 : vector<16xf32> to vector<1x1x1x16xf32>
        tpu.vector_store %arg5[%swap3A_993, %swap3A_994, %swap3A_995, %swap3A_996], %swap3A_999 {strides = array<i32>} : memref<3x5x8x1024xf32, #tpu.memory_space<vmem>>, vector<1x1x1x16xf32>,
        %get3A_1000 = arith.constant 1 : i32
        %get3A_1001 = arith.constant 0 : i32
        %get3A_1002 = arith.constant 5 : i32
        %get3A_1003 = arith.index_cast %get3A_1000 : i32 to index
        %get3A_1004 = arith.index_cast %get3A_1001 : i32 to index
        %get3A_1005 = arith.index_cast %get3A_1002 : i32 to index
        %get3A_1006 = arith.index_cast %mul3A_556 : i32 to index
        %get3A_1007 = tpu.vector_load %arg5[%get3A_1003, %get3A_1004, %get3A_1005, %get3A_1006] {strides = array<i32>} : memref<3x5x8x1024xf32, #tpu.memory_space<vmem>>, vector<1x1x1x16xf32>,
        %get3A_1008 = vector.shape_cast %get3A_1007 : vector<1x1x1x16xf32> to vector<16xf32>
        %get3A_1009 = arith.constant 1 : i32
        %get3A_1010 = arith.constant 1 : i32
        %get3A_1011 = arith.constant 5 : i32
        %get3A_1012 = arith.index_cast %get3A_1009 : i32 to index
        %get3A_1013 = arith.index_cast %get3A_1010 : i32 to index
        %get3A_1014 = arith.index_cast %get3A_1011 : i32 to index
        %get3A_1015 = arith.index_cast %mul3A_556 : i32 to index
        %get3A_1016 = tpu.vector_load %arg5[%get3A_1012, %get3A_1013, %get3A_1014, %get3A_1015] {strides = array<i32>} : memref<3x5x8x1024xf32, #tpu.memory_space<vmem>>, vector<1x1x1x16xf32>,
        %get3A_1017 = vector.shape_cast %get3A_1016 : vector<1x1x1x16xf32> to vector<16xf32>
        %add3A_1018 = arith.addf %get3A_1017, %get3A_1008 : vector<16xf32>
        %swap3A_1019 = arith.constant 1 : i32
        %swap3A_1020 = arith.constant 1 : i32
        %swap3A_1021 = arith.constant 5 : i32
        %swap3A_1022 = arith.index_cast %swap3A_1019 : i32 to index
        %swap3A_1023 = arith.index_cast %swap3A_1020 : i32 to index
        %swap3A_1024 = arith.index_cast %swap3A_1021 : i32 to index
        %swap3A_1025 = arith.index_cast %mul3A_556 : i32 to index
        %swap3A_1026 = tpu.vector_load %arg5[%swap3A_1022, %swap3A_1023, %swap3A_1024, %swap3A_1025] {strides = array<i32>} : memref<3x5x8x1024xf32, #tpu.memory_space<vmem>>, vector<1x1x1x16xf32>,
        %swap3A_1027 = vector.shape_cast %swap3A_1026 : vector<1x1x1x16xf32> to vector<16xf32>
        %swap3A_1028 = vector.shape_cast %add3A_1018 : vector<16xf32> to vector<1x1x1x16xf32>
        tpu.vector_store %arg5[%swap3A_1022, %swap3A_1023, %swap3A_1024, %swap3A_1025], %swap3A_1028 {strides = array<i32>} : memref<3x5x8x1024xf32, #tpu.memory_space<vmem>>, vector<1x1x1x16xf32>,
        %get3A_1029 = arith.constant 1 : i32
        %get3A_1030 = arith.constant 2 : i32
        %get3A_1031 = arith.constant 5 : i32
        %get3A_1032 = arith.index_cast %get3A_1029 : i32 to index
        %get3A_1033 = arith.index_cast %get3A_1030 : i32 to index
        %get3A_1034 = arith.index_cast %get3A_1031 : i32 to index
        %get3A_1035 = arith.index_cast %mul3A_556 : i32 to index
        %get3A_1036 = tpu.vector_load %arg5[%get3A_1032, %get3A_1033, %get3A_1034, %get3A_1035] {strides = array<i32>} : memref<3x5x8x1024xf32, #tpu.memory_space<vmem>>, vector<1x1x1x16xf32>,
        %get3A_1037 = vector.shape_cast %get3A_1036 : vector<1x1x1x16xf32> to vector<16xf32>
        %add3A_1038 = arith.addf %get3A_1037, %get3A_1008 : vector<16xf32>
        %swap3A_1039 = arith.constant 1 : i32
        %swap3A_1040 = arith.constant 2 : i32
        %swap3A_1041 = arith.constant 5 : i32
        %swap3A_1042 = arith.index_cast %swap3A_1039 : i32 to index
        %swap3A_1043 = arith.index_cast %swap3A_1040 : i32 to index
        %swap3A_1044 = arith.index_cast %swap3A_1041 : i32 to index
        %swap3A_1045 = arith.index_cast %mul3A_556 : i32 to index
        %swap3A_1046 = tpu.vector_load %arg5[%swap3A_1042, %swap3A_1043, %swap3A_1044, %swap3A_1045] {strides = array<i32>} : memref<3x5x8x1024xf32, #tpu.memory_space<vmem>>, vector<1x1x1x16xf32>,
        %swap3A_1047 = vector.shape_cast %swap3A_1046 : vector<1x1x1x16xf32> to vector<16xf32>
        %swap3A_1048 = vector.shape_cast %add3A_1038 : vector<16xf32> to vector<1x1x1x16xf32>
        tpu.vector_store %arg5[%swap3A_1042, %swap3A_1043, %swap3A_1044, %swap3A_1045], %swap3A_1048 {strides = array<i32>} : memref<3x5x8x1024xf32, #tpu.memory_space<vmem>>, vector<1x1x1x16xf32>,
        %get3A_1049 = arith.constant 1 : i32
        %get3A_1050 = arith.constant 3 : i32
        %get3A_1051 = arith.constant 5 : i32
        %get3A_1052 = arith.index_cast %get3A_1049 : i32 to index
        %get3A_1053 = arith.index_cast %get3A_1050 : i32 to index
        %get3A_1054 = arith.index_cast %get3A_1051 : i32 to index
        %get3A_1055 = arith.index_cast %mul3A_556 : i32 to index
        %get3A_1056 = tpu.vector_load %arg5[%get3A_1052, %get3A_1053, %get3A_1054, %get3A_1055] {strides = array<i32>} : memref<3x5x8x1024xf32, #tpu.memory_space<vmem>>, vector<1x1x1x16xf32>,
        %get3A_1057 = vector.shape_cast %get3A_1056 : vector<1x1x1x16xf32> to vector<16xf32>
        %add3A_1058 = arith.addf %get3A_1057, %get3A_1008 : vector<16xf32>
        %swap3A_1059 = arith.constant 1 : i32
        %swap3A_1060 = arith.constant 3 : i32
        %swap3A_1061 = arith.constant 5 : i32
        %swap3A_1062 = arith.index_cast %swap3A_1059 : i32 to index
        %swap3A_1063 = arith.index_cast %swap3A_1060 : i32 to index
        %swap3A_1064 = arith.index_cast %swap3A_1061 : i32 to index
        %swap3A_1065 = arith.index_cast %mul3A_556 : i32 to index
        %swap3A_1066 = tpu.vector_load %arg5[%swap3A_1062, %swap3A_1063, %swap3A_1064, %swap3A_1065] {strides = array<i32>} : memref<3x5x8x1024xf32, #tpu.memory_space<vmem>>, vector<1x1x1x16xf32>,
        %swap3A_1067 = vector.shape_cast %swap3A_1066 : vector<1x1x1x16xf32> to vector<16xf32>
        %swap3A_1068 = vector.shape_cast %add3A_1058 : vector<16xf32> to vector<1x1x1x16xf32>
        tpu.vector_store %arg5[%swap3A_1062, %swap3A_1063, %swap3A_1064, %swap3A_1065], %swap3A_1068 {strides = array<i32>} : memref<3x5x8x1024xf32, #tpu.memory_space<vmem>>, vector<1x1x1x16xf32>,
        %get3A_1069 = arith.constant 1 : i32
        %get3A_1070 = arith.constant 4 : i32
        %get3A_1071 = arith.constant 5 : i32
        %get3A_1072 = arith.index_cast %get3A_1069 : i32 to index
        %get3A_1073 = arith.index_cast %get3A_1070 : i32 to index
        %get3A_1074 = arith.index_cast %get3A_1071 : i32 to index
        %get3A_1075 = arith.index_cast %mul3A_556 : i32 to index
        %get3A_1076 = tpu.vector_load %arg5[%get3A_1072, %get3A_1073, %get3A_1074, %get3A_1075] {strides = array<i32>} : memref<3x5x8x1024xf32, #tpu.memory_space<vmem>>, vector<1x1x1x16xf32>,
        %get3A_1077 = vector.shape_cast %get3A_1076 : vector<1x1x1x16xf32> to vector<16xf32>
        %add3A_1078 = arith.addf %get3A_1077, %get3A_1008 : vector<16xf32>
        %swap3A_1079 = arith.constant 1 : i32
        %swap3A_1080 = arith.constant 4 : i32
        %swap3A_1081 = arith.constant 5 : i32
        %swap3A_1082 = arith.index_cast %swap3A_1079 : i32 to index
        %swap3A_1083 = arith.index_cast %swap3A_1080 : i32 to index
        %swap3A_1084 = arith.index_cast %swap3A_1081 : i32 to index
        %swap3A_1085 = arith.index_cast %mul3A_556 : i32 to index
        %swap3A_1086 = tpu.vector_load %arg5[%swap3A_1082, %swap3A_1083, %swap3A_1084, %swap3A_1085] {strides = array<i32>} : memref<3x5x8x1024xf32, #tpu.memory_space<vmem>>, vector<1x1x1x16xf32>,
        %swap3A_1087 = vector.shape_cast %swap3A_1086 : vector<1x1x1x16xf32> to vector<16xf32>
        %swap3A_1088 = vector.shape_cast %add3A_1078 : vector<16xf32> to vector<1x1x1x16xf32>
        tpu.vector_store %arg5[%swap3A_1082, %swap3A_1083, %swap3A_1084, %swap3A_1085], %swap3A_1088 {strides = array<i32>} : memref<3x5x8x1024xf32, #tpu.memory_space<vmem>>, vector<1x1x1x16xf32>,
        %get3A_1089 = arith.constant 1 : i32
        %get3A_1090 = arith.constant 0 : i32
        %get3A_1091 = arith.constant 6 : i32
        %get3A_1092 = arith.index_cast %get3A_1089 : i32 to index
        %get3A_1093 = arith.index_cast %get3A_1090 : i32 to index
        %get3A_1094 = arith.index_cast %get3A_1091 : i32 to index
        %get3A_1095 = arith.index_cast %mul3A_556 : i32 to index
        %get3A_1096 = tpu.vector_load %arg5[%get3A_1092, %get3A_1093, %get3A_1094, %get3A_1095] {strides = array<i32>} : memref<3x5x8x1024xf32, #tpu.memory_space<vmem>>, vector<1x1x1x16xf32>,
        %get3A_1097 = vector.shape_cast %get3A_1096 : vector<1x1x1x16xf32> to vector<16xf32>
        %get3A_1098 = arith.constant 1 : i32
        %get3A_1099 = arith.constant 1 : i32
        %get3A_1100 = arith.constant 6 : i32
        %get3A_1101 = arith.index_cast %get3A_1098 : i32 to index
        %get3A_1102 = arith.index_cast %get3A_1099 : i32 to index
        %get3A_1103 = arith.index_cast %get3A_1100 : i32 to index
        %get3A_1104 = arith.index_cast %mul3A_556 : i32 to index
        %get3A_1105 = tpu.vector_load %arg5[%get3A_1101, %get3A_1102, %get3A_1103, %get3A_1104] {strides = array<i32>} : memref<3x5x8x1024xf32, #tpu.memory_space<vmem>>, vector<1x1x1x16xf32>,
        %get3A_1106 = vector.shape_cast %get3A_1105 : vector<1x1x1x16xf32> to vector<16xf32>
        %add3A_1107 = arith.addf %get3A_1106, %get3A_1097 : vector<16xf32>
        %swap3A_1108 = arith.constant 1 : i32
        %swap3A_1109 = arith.constant 1 : i32
        %swap3A_1110 = arith.constant 6 : i32
        %swap3A_1111 = arith.index_cast %swap3A_1108 : i32 to index
        %swap3A_1112 = arith.index_cast %swap3A_1109 : i32 to index
        %swap3A_1113 = arith.index_cast %swap3A_1110 : i32 to index
        %swap3A_1114 = arith.index_cast %mul3A_556 : i32 to index
        %swap3A_1115 = tpu.vector_load %arg5[%swap3A_1111, %swap3A_1112, %swap3A_1113, %swap3A_1114] {strides = array<i32>} : memref<3x5x8x1024xf32, #tpu.memory_space<vmem>>, vector<1x1x1x16xf32>,
        %swap3A_1116 = vector.shape_cast %swap3A_1115 : vector<1x1x1x16xf32> to vector<16xf32>
        %swap3A_1117 = vector.shape_cast %add3A_1107 : vector<16xf32> to vector<1x1x1x16xf32>
        tpu.vector_store %arg5[%swap3A_1111, %swap3A_1112, %swap3A_1113, %swap3A_1114], %swap3A_1117 {strides = array<i32>} : memref<3x5x8x1024xf32, #tpu.memory_space<vmem>>, vector<1x1x1x16xf32>,
        %get3A_1118 = arith.constant 1 : i32
        %get3A_1119 = arith.constant 2 : i32
        %get3A_1120 = arith.constant 6 : i32
        %get3A_1121 = arith.index_cast %get3A_1118 : i32 to index
        %get3A_1122 = arith.index_cast %get3A_1119 : i32 to index
        %get3A_1123 = arith.index_cast %get3A_1120 : i32 to index
        %get3A_1124 = arith.index_cast %mul3A_556 : i32 to index
        %get3A_1125 = tpu.vector_load %arg5[%get3A_1121, %get3A_1122, %get3A_1123, %get3A_1124] {strides = array<i32>} : memref<3x5x8x1024xf32, #tpu.memory_space<vmem>>, vector<1x1x1x16xf32>,
        %get3A_1126 = vector.shape_cast %get3A_1125 : vector<1x1x1x16xf32> to vector<16xf32>
        %add3A_1127 = arith.addf %get3A_1126, %get3A_1097 : vector<16xf32>
        %swap3A_1128 = arith.constant 1 : i32
        %swap3A_1129 = arith.constant 2 : i32
        %swap3A_1130 = arith.constant 6 : i32
        %swap3A_1131 = arith.index_cast %swap3A_1128 : i32 to index
        %swap3A_1132 = arith.index_cast %swap3A_1129 : i32 to index
        %swap3A_1133 = arith.index_cast %swap3A_1130 : i32 to index
        %swap3A_1134 = arith.index_cast %mul3A_556 : i32 to index
        %swap3A_1135 = tpu.vector_load %arg5[%swap3A_1131, %swap3A_1132, %swap3A_1133, %swap3A_1134] {strides = array<i32>} : memref<3x5x8x1024xf32, #tpu.memory_space<vmem>>, vector<1x1x1x16xf32>,
        %swap3A_1136 = vector.shape_cast %swap3A_1135 : vector<1x1x1x16xf32> to vector<16xf32>
        %swap3A_1137 = vector.shape_cast %add3A_1127 : vector<16xf32> to vector<1x1x1x16xf32>
        tpu.vector_store %arg5[%swap3A_1131, %swap3A_1132, %swap3A_1133, %swap3A_1134], %swap3A_1137 {strides = array<i32>} : memref<3x5x8x1024xf32, #tpu.memory_space<vmem>>, vector<1x1x1x16xf32>,
        %get3A_1138 = arith.constant 1 : i32
        %get3A_1139 = arith.constant 3 : i32
        %get3A_1140 = arith.constant 6 : i32
        %get3A_1141 = arith.index_cast %get3A_1138 : i32 to index
        %get3A_1142 = arith.index_cast %get3A_1139 : i32 to index
        %get3A_1143 = arith.index_cast %get3A_1140 : i32 to index
        %get3A_1144 = arith.index_cast %mul3A_556 : i32 to index
        %get3A_1145 = tpu.vector_load %arg5[%get3A_1141, %get3A_1142, %get3A_1143, %get3A_1144] {strides = array<i32>} : memref<3x5x8x1024xf32, #tpu.memory_space<vmem>>, vector<1x1x1x16xf32>,
        %get3A_1146 = vector.shape_cast %get3A_1145 : vector<1x1x1x16xf32> to vector<16xf32>
        %add3A_1147 = arith.addf %get3A_1146, %get3A_1097 : vector<16xf32>
        %swap3A_1148 = arith.constant 1 : i32
        %swap3A_1149 = arith.constant 3 : i32
        %swap3A_1150 = arith.constant 6 : i32
        %swap3A_1151 = arith.index_cast %swap3A_1148 : i32 to index
        %swap3A_1152 = arith.index_cast %swap3A_1149 : i32 to index
        %swap3A_1153 = arith.index_cast %swap3A_1150 : i32 to index
        %swap3A_1154 = arith.index_cast %mul3A_556 : i32 to index
        %swap3A_1155 = tpu.vector_load %arg5[%swap3A_1151, %swap3A_1152, %swap3A_1153, %swap3A_1154] {strides = array<i32>} : memref<3x5x8x1024xf32, #tpu.memory_space<vmem>>, vector<1x1x1x16xf32>,
        %swap3A_1156 = vector.shape_cast %swap3A_1155 : vector<1x1x1x16xf32> to vector<16xf32>
        %swap3A_1157 = vector.shape_cast %add3A_1147 : vector<16xf32> to vector<1x1x1x16xf32>
        tpu.vector_store %arg5[%swap3A_1151, %swap3A_1152, %swap3A_1153, %swap3A_1154], %swap3A_1157 {strides = array<i32>} : memref<3x5x8x1024xf32, #tpu.memory_space<vmem>>, vector<1x1x1x16xf32>,
        %get3A_1158 = arith.constant 1 : i32
        %get3A_1159 = arith.constant 4 : i32
        %get3A_1160 = arith.constant 6 : i32
        %get3A_1161 = arith.index_cast %get3A_1158 : i32 to index
        %get3A_1162 = arith.index_cast %get3A_1159 : i32 to index
        %get3A_1163 = arith.index_cast %get3A_1160 : i32 to index
        %get3A_1164 = arith.index_cast %mul3A_556 : i32 to index
        %get3A_1165 = tpu.vector_load %arg5[%get3A_1161, %get3A_1162, %get3A_1163, %get3A_1164] {strides = array<i32>} : memref<3x5x8x1024xf32, #tpu.memory_space<vmem>>, vector<1x1x1x16xf32>,
        %get3A_1166 = vector.shape_cast %get3A_1165 : vector<1x1x1x16xf32> to vector<16xf32>
        %add3A_1167 = arith.addf %get3A_1166, %get3A_1097 : vector<16xf32>
        %swap3A_1168 = arith.constant 1 : i32
        %swap3A_1169 = arith.constant 4 : i32
        %swap3A_1170 = arith.constant 6 : i32
        %swap3A_1171 = arith.index_cast %swap3A_1168 : i32 to index
        %swap3A_1172 = arith.index_cast %swap3A_1169 : i32 to index
        %swap3A_1173 = arith.index_cast %swap3A_1170 : i32 to index
        %swap3A_1174 = arith.index_cast %mul3A_556 : i32 to index
        %swap3A_1175 = tpu.vector_load %arg5[%swap3A_1171, %swap3A_1172, %swap3A_1173, %swap3A_1174] {strides = array<i32>} : memref<3x5x8x1024xf32, #tpu.memory_space<vmem>>, vector<1x1x1x16xf32>,
        %swap3A_1176 = vector.shape_cast %swap3A_1175 : vector<1x1x1x16xf32> to vector<16xf32>
        %swap3A_1177 = vector.shape_cast %add3A_1167 : vector<16xf32> to vector<1x1x1x16xf32>
        tpu.vector_store %arg5[%swap3A_1171, %swap3A_1172, %swap3A_1173, %swap3A_1174], %swap3A_1177 {strides = array<i32>} : memref<3x5x8x1024xf32, #tpu.memory_space<vmem>>, vector<1x1x1x16xf32>,
        %get3A_1178 = arith.constant 1 : i32
        %get3A_1179 = arith.constant 0 : i32
        %get3A_1180 = arith.constant 7 : i32
        %get3A_1181 = arith.index_cast %get3A_1178 : i32 to index
        %get3A_1182 = arith.index_cast %get3A_1179 : i32 to index
        %get3A_1183 = arith.index_cast %get3A_1180 : i32 to index
        %get3A_1184 = arith.index_cast %mul3A_556 : i32 to index
        %get3A_1185 = tpu.vector_load %arg5[%get3A_1181, %get3A_1182, %get3A_1183, %get3A_1184] {strides = array<i32>} : memref<3x5x8x1024xf32, #tpu.memory_space<vmem>>, vector<1x1x1x16xf32>,
        %get3A_1186 = vector.shape_cast %get3A_1185 : vector<1x1x1x16xf32> to vector<16xf32>
        %get3A_1187 = arith.constant 1 : i32
        %get3A_1188 = arith.constant 1 : i32
        %get3A_1189 = arith.constant 7 : i32
        %get3A_1190 = arith.index_cast %get3A_1187 : i32 to index
        %get3A_1191 = arith.index_cast %get3A_1188 : i32 to index
        %get3A_1192 = arith.index_cast %get3A_1189 : i32 to index
        %get3A_1193 = arith.index_cast %mul3A_556 : i32 to index
        %get3A_1194 = tpu.vector_load %arg5[%get3A_1190, %get3A_1191, %get3A_1192, %get3A_1193] {strides = array<i32>} : memref<3x5x8x1024xf32, #tpu.memory_space<vmem>>, vector<1x1x1x16xf32>,
        %get3A_1195 = vector.shape_cast %get3A_1194 : vector<1x1x1x16xf32> to vector<16xf32>
        %add3A_1196 = arith.addf %get3A_1195, %get3A_1186 : vector<16xf32>
        %swap3A_1197 = arith.constant 1 : i32
        %swap3A_1198 = arith.constant 1 : i32
        %swap3A_1199 = arith.constant 7 : i32
        %swap3A_1200 = arith.index_cast %swap3A_1197 : i32 to index
        %swap3A_1201 = arith.index_cast %swap3A_1198 : i32 to index
        %swap3A_1202 = arith.index_cast %swap3A_1199 : i32 to index
        %swap3A_1203 = arith.index_cast %mul3A_556 : i32 to index
        %swap3A_1204 = tpu.vector_load %arg5[%swap3A_1200, %swap3A_1201, %swap3A_1202, %swap3A_1203] {strides = array<i32>} : memref<3x5x8x1024xf32, #tpu.memory_space<vmem>>, vector<1x1x1x16xf32>,
        %swap3A_1205 = vector.shape_cast %swap3A_1204 : vector<1x1x1x16xf32> to vector<16xf32>
        %swap3A_1206 = vector.shape_cast %add3A_1196 : vector<16xf32> to vector<1x1x1x16xf32>
        tpu.vector_store %arg5[%swap3A_1200, %swap3A_1201, %swap3A_1202, %swap3A_1203], %swap3A_1206 {strides = array<i32>} : memref<3x5x8x1024xf32, #tpu.memory_space<vmem>>, vector<1x1x1x16xf32>,
        %get3A_1207 = arith.constant 1 : i32
        %get3A_1208 = arith.constant 2 : i32
        %get3A_1209 = arith.constant 7 : i32
        %get3A_1210 = arith.index_cast %get3A_1207 : i32 to index
        %get3A_1211 = arith.index_cast %get3A_1208 : i32 to index
        %get3A_1212 = arith.index_cast %get3A_1209 : i32 to index
        %get3A_1213 = arith.index_cast %mul3A_556 : i32 to index
        %get3A_1214 = tpu.vector_load %arg5[%get3A_1210, %get3A_1211, %get3A_1212, %get3A_1213] {strides = array<i32>} : memref<3x5x8x1024xf32, #tpu.memory_space<vmem>>, vector<1x1x1x16xf32>,
        %get3A_1215 = vector.shape_cast %get3A_1214 : vector<1x1x1x16xf32> to vector<16xf32>
        %add3A_1216 = arith.addf %get3A_1215, %get3A_1186 : vector<16xf32>
        %swap3A_1217 = arith.constant 1 : i32
        %swap3A_1218 = arith.constant 2 : i32
        %swap3A_1219 = arith.constant 7 : i32
        %swap3A_1220 = arith.index_cast %swap3A_1217 : i32 to index
        %swap3A_1221 = arith.index_cast %swap3A_1218 : i32 to index
        %swap3A_1222 = arith.index_cast %swap3A_1219 : i32 to index
        %swap3A_1223 = arith.index_cast %mul3A_556 : i32 to index
        %swap3A_1224 = tpu.vector_load %arg5[%swap3A_1220, %swap3A_1221, %swap3A_1222, %swap3A_1223] {strides = array<i32>} : memref<3x5x8x1024xf32, #tpu.memory_space<vmem>>, vector<1x1x1x16xf32>,
        %swap3A_1225 = vector.shape_cast %swap3A_1224 : vector<1x1x1x16xf32> to vector<16xf32>
        %swap3A_1226 = vector.shape_cast %add3A_1216 : vector<16xf32> to vector<1x1x1x16xf32>
        tpu.vector_store %arg5[%swap3A_1220, %swap3A_1221, %swap3A_1222, %swap3A_1223], %swap3A_1226 {strides = array<i32>} : memref<3x5x8x1024xf32, #tpu.memory_space<vmem>>, vector<1x1x1x16xf32>,
        %get3A_1227 = arith.constant 1 : i32
        %get3A_1228 = arith.constant 3 : i32
        %get3A_1229 = arith.constant 7 : i32
        %get3A_1230 = arith.index_cast %get3A_1227 : i32 to index
        %get3A_1231 = arith.index_cast %get3A_1228 : i32 to index
        %get3A_1232 = arith.index_cast %get3A_1229 : i32 to index
        %get3A_1233 = arith.index_cast %mul3A_556 : i32 to index
        %get3A_1234 = tpu.vector_load %arg5[%get3A_1230, %get3A_1231, %get3A_1232, %get3A_1233] {strides = array<i32>} : memref<3x5x8x1024xf32, #tpu.memory_space<vmem>>, vector<1x1x1x16xf32>,
        %get3A_1235 = vector.shape_cast %get3A_1234 : vector<1x1x1x16xf32> to vector<16xf32>
        %add3A_1236 = arith.addf %get3A_1235, %get3A_1186 : vector<16xf32>
        %swap3A_1237 = arith.constant 1 : i32
        %swap3A_1238 = arith.constant 3 : i32
        %swap3A_1239 = arith.constant 7 : i32
        %swap3A_1240 = arith.index_cast %swap3A_1237 : i32 to index
        %swap3A_1241 = arith.index_cast %swap3A_1238 : i32 to index
        %swap3A_1242 = arith.index_cast %swap3A_1239 : i32 to index
        %swap3A_1243 = arith.index_cast %mul3A_556 : i32 to index
        %swap3A_1244 = tpu.vector_load %arg5[%swap3A_1240, %swap3A_1241, %swap3A_1242, %swap3A_1243] {strides = array<i32>} : memref<3x5x8x1024xf32, #tpu.memory_space<vmem>>, vector<1x1x1x16xf32>,
        %swap3A_1245 = vector.shape_cast %swap3A_1244 : vector<1x1x1x16xf32> to vector<16xf32>
        %swap3A_1246 = vector.shape_cast %add3A_1236 : vector<16xf32> to vector<1x1x1x16xf32>
        tpu.vector_store %arg5[%swap3A_1240, %swap3A_1241, %swap3A_1242, %swap3A_1243], %swap3A_1246 {strides = array<i32>} : memref<3x5x8x1024xf32, #tpu.memory_space<vmem>>, vector<1x1x1x16xf32>,
        %get3A_1247 = arith.constant 1 : i32
        %get3A_1248 = arith.constant 4 : i32
        %get3A_1249 = arith.constant 7 : i32
        %get3A_1250 = arith.index_cast %get3A_1247 : i32 to index
        %get3A_1251 = arith.index_cast %get3A_1248 : i32 to index
        %get3A_1252 = arith.index_cast %get3A_1249 : i32 to index
        %get3A_1253 = arith.index_cast %mul3A_556 : i32 to index
        %get3A_1254 = tpu.vector_load %arg5[%get3A_1250, %get3A_1251, %get3A_1252, %get3A_1253] {strides = array<i32>} : memref<3x5x8x1024xf32, #tpu.memory_space<vmem>>, vector<1x1x1x16xf32>,
        %get3A_1255 = vector.shape_cast %get3A_1254 : vector<1x1x1x16xf32> to vector<16xf32>
        %add3A_1256 = arith.addf %get3A_1255, %get3A_1186 : vector<16xf32>
        %swap3A_1257 = arith.constant 1 : i32
        %swap3A_1258 = arith.constant 4 : i32
        %swap3A_1259 = arith.constant 7 : i32
        %swap3A_1260 = arith.index_cast %swap3A_1257 : i32 to index
        %swap3A_1261 = arith.index_cast %swap3A_1258 : i32 to index
        %swap3A_1262 = arith.index_cast %swap3A_1259 : i32 to index
        %swap3A_1263 = arith.index_cast %mul3A_556 : i32 to index
        %swap3A_1264 = tpu.vector_load %arg5[%swap3A_1260, %swap3A_1261, %swap3A_1262, %swap3A_1263] {strides = array<i32>} : memref<3x5x8x1024xf32, #tpu.memory_space<vmem>>, vector<1x1x1x16xf32>,
        %swap3A_1265 = vector.shape_cast %swap3A_1264 : vector<1x1x1x16xf32> to vector<16xf32>
        %swap3A_1266 = vector.shape_cast %add3A_1256 : vector<16xf32> to vector<1x1x1x16xf32>
        tpu.vector_store %arg5[%swap3A_1260, %swap3A_1261, %swap3A_1262, %swap3A_1263], %swap3A_1266 {strides = array<i32>} : memref<3x5x8x1024xf32, #tpu.memory_space<vmem>>, vector<1x1x1x16xf32>,
      }
      %scan3A_391 = arith.constant 64 : i32
      %mul3A_392 = arith.constant 8 : i32
      %mul3A_393 = arith.muli %add3A_349, %mul3A_392 : i32
      %add3A_394 = arith.addi %mul3A_2, %mul3A_393 : i32
      %dma_start3A_395 = arith.constant 1 : i32
      %dma_start3A_396 = arith.constant 1 : i32
      %dma_start3A_397 = arith.constant 0 : i32
      %dma_start3A_398 = arith.constant 0 : i32
      %dma_start3A_399 = tpu.memref_slice %arg5[%dma_start3A_395, %dma_start3A_396, %dma_start3A_397, %dma_start3A_398] : memref<3x5x8x1024xf32, #tpu.memory_space<vmem>> -> memref<1x4x8x1024xf32, #tpu.memory_space<vmem>>
      %dma_start3A_400 = tpu.memref_squeeze %dma_start3A_399 : memref<1x4x8x1024xf32, #tpu.memory_space<vmem>> -> memref<4x8x1024xf32, #tpu.memory_space<vmem>>
      %dma_start3A_401 = arith.constant 0 : i32
      %dma_start3A_402 = arith.constant 0 : i32
      %dma_start3A_403 = tpu.memref_slice %arg4[%dma_start3A_401, %add3A_394, %dma_start3A_402] : memref<4x8192x1024xf32, #tpu.memory_space<hbm>> -> memref<4x8x1024xf32, #tpu.memory_space<hbm>>
      %dma_start3A_404 = arith.constant 0 : i32
      %dma_start3A_405 = arith.constant 0 : i32
      %dma_start3A_406 = tpu.memref_slice %arg4[%dma_start3A_404, %add3A_394, %dma_start3A_405] : memref<4x8192x1024xf32, #tpu.memory_space<hbm>> -> memref<4x8x1024xf32, #tpu.memory_space<hbm>>
      %dma_start3A_407 = arith.constant 1 : i32
      %dma_start3A_408 = arith.constant 0 : i32
      %dma_start3A_409 = arith.constant 0 : i32
      %dma_start3A_410 = tpu.memref_slice %arg5[%dma_start3A_395, %dma_start3A_407, %dma_start3A_408, %dma_start3A_409] : memref<3x5x8x1024xf32, #tpu.memory_space<vmem>> -> memref<1x4x8x1024xf32, #tpu.memory_space<vmem>>
      %dma_start3A_411 = tpu.memref_squeeze %dma_start3A_410 : memref<1x4x8x1024xf32, #tpu.memory_space<vmem>> -> memref<4x8x1024xf32, #tpu.memory_space<vmem>>
      tpu.enqueue_dma source(%dma_start3A_411 : memref<4x8x1024xf32, #tpu.memory_space<vmem>>) target(%dma_start3A_406 : memref<4x8x1024xf32, #tpu.memory_space<hbm>>) target_semaphore(%arg10 : memref<!tpu.dma_semaphore, #tpu.memory_space<semaphore_mem>>)
      %ge3A_412 = arith.constant 3 : i32
      %ge3A_413 = arith.cmpi sge, %add3A_351, %ge3A_412 : i32
      %convert_element_type3A_414 = arith.extui %ge3A_413 : i1 to i32
      %cond3A_415 = arith.constant 0 : i32
      %cond3A_416 = arith.cmpi ne, %convert_element_type3A_414, %cond3A_415 : i32
      scf.if %cond3A_416 {
        %sub3A = arith.constant 3 : i32
        %sub3A_554 = arith.subi %add3A_351, %sub3A : i32
        %mul3A_555 = arith.constant 8 : i32
        %mul3A_556 = arith.muli %sub3A_554, %mul3A_555 : i32
        %add3A_557 = arith.addi %mul3A_2, %mul3A_556 : i32
        %dma_wait3A_558 = arith.constant 0 : i32
        %dma_wait3A_559 = arith.constant 1 : i32
        %dma_wait3A_560 = arith.constant 0 : i32
        %dma_wait3A_561 = arith.constant 0 : i32
        %dma_wait3A_562 = tpu.memref_slice %arg5[%dma_wait3A_558, %dma_wait3A_559, %dma_wait3A_560, %dma_wait3A_561] : memref<3x5x8x1024xf32, #tpu.memory_space<vmem>> -> memref<1x4x8x1024xf32, #tpu.memory_space<vmem>>
        %dma_wait3A_563 = tpu.memref_squeeze %dma_wait3A_562 : memref<1x4x8x1024xf32, #tpu.memory_space<vmem>> -> memref<4x8x1024xf32, #tpu.memory_space<vmem>>
        %dma_wait3A_564 = arith.constant 0 : i32
        %dma_wait3A_565 = arith.constant 0 : i32
        %dma_wait3A_566 = tpu.memref_slice %arg4[%dma_wait3A_564, %add3A_557, %dma_wait3A_565] : memref<4x8192x1024xf32, #tpu.memory_space<hbm>> -> memref<4x8x1024xf32, #tpu.memory_space<hbm>>
        %dma_wait3A_567 = arith.constant 0 : i32
        %dma_wait3A_568 = arith.constant 0 : i32
        %dma_wait3A_569 = tpu.memref_slice %arg4[%dma_wait3A_567, %add3A_557, %dma_wait3A_568] : memref<4x8192x1024xf32, #tpu.memory_space<hbm>> -> memref<4x8x1024xf32, #tpu.memory_space<hbm>>
        %dma_wait3A_570 = arith.constant 1 : i32
        %dma_wait3A_571 = arith.constant 0 : i32
        %dma_wait3A_572 = arith.constant 0 : i32
        %dma_wait3A_573 = tpu.memref_slice %arg5[%dma_wait3A_558, %dma_wait3A_570, %dma_wait3A_571, %dma_wait3A_572] : memref<3x5x8x1024xf32, #tpu.memory_space<vmem>> -> memref<1x4x8x1024xf32, #tpu.memory_space<vmem>>
        %dma_wait3A_574 = tpu.memref_squeeze %dma_wait3A_573 : memref<1x4x8x1024xf32, #tpu.memory_space<vmem>> -> memref<4x8x1024xf32, #tpu.memory_space<vmem>>
        tpu.wait_dma2 semaphore(%arg9 : memref<!tpu.dma_semaphore, #tpu.memory_space<semaphore_mem>>) src(%dma_wait3A_574 : memref<4x8x1024xf32, #tpu.memory_space<vmem>>) dst(%dma_wait3A_569 : memref<4x8x1024xf32, #tpu.memory_space<hbm>>)
      } else {
      }
      %mul3A_417 = arith.constant 8 : i32
      %mul3A_418 = arith.muli %add3A_351, %mul3A_417 : i32
      %add3A_419 = arith.addi %mul3A_2, %mul3A_418 : i32
      %dma_start3A_420 = arith.constant 0 : i32
      %dma_start3A_421 = arith.constant 0 : i32
      %dma_start3A_422 = arith.constant 0 : i32
      %dma_start3A_423 = arith.constant 0 : i32
      %dma_start3A_424 = tpu.memref_slice %arg5[%dma_start3A_420, %dma_start3A_421, %dma_start3A_422, %dma_start3A_423] : memref<3x5x8x1024xf32, #tpu.memory_space<vmem>> -> memref<1x1x8x1024xf32, #tpu.memory_space<vmem>>
      %dma_start3A_425 = tpu.memref_squeeze %dma_start3A_424 : memref<1x1x8x1024xf32, #tpu.memory_space<vmem>> -> memref<8x1024xf32, #tpu.memory_space<vmem>>
      %dma_start3A_426 = arith.constant 0 : i32
      %dma_start3A_427 = tpu.memref_slice %arg3[%add3A_419, %dma_start3A_426] : memref<8192x1024xf32, #tpu.memory_space<hbm>> -> memref<8x1024xf32, #tpu.memory_space<hbm>>
      %dma_start3A_428 = arith.constant 0 : i32
      %dma_start3A_429 = arith.constant 0 : i32
      %dma_start3A_430 = tpu.memref_slice %arg5[%dma_start3A_420, %dma_start3A_421, %dma_start3A_428, %dma_start3A_429] : memref<3x5x8x1024xf32, #tpu.memory_space<vmem>> -> memref<1x1x8x1024xf32, #tpu.memory_space<vmem>>
      %dma_start3A_431 = tpu.memref_squeeze %dma_start3A_430 : memref<1x1x8x1024xf32, #tpu.memory_space<vmem>> -> memref<8x1024xf32, #tpu.memory_space<vmem>>
      %dma_start3A_432 = arith.constant 0 : i32
      %dma_start3A_433 = tpu.memref_slice %arg3[%add3A_419, %dma_start3A_432] : memref<8192x1024xf32, #tpu.memory_space<hbm>> -> memref<8x1024xf32, #tpu.memory_space<hbm>>
      tpu.enqueue_dma source(%dma_start3A_433 : memref<8x1024xf32, #tpu.memory_space<hbm>>) target(%dma_start3A_431 : memref<8x1024xf32, #tpu.memory_space<vmem>>) target_semaphore(%arg6 : memref<!tpu.dma_semaphore, #tpu.memory_space<semaphore_mem>>)
      %dma_start3A_434 = arith.constant 0 : i32
      %dma_start3A_435 = arith.constant 1 : i32
      %dma_start3A_436 = arith.constant 0 : i32
      %dma_start3A_437 = arith.constant 0 : i32
      %dma_start3A_438 = tpu.memref_slice %arg5[%dma_start3A_434, %dma_start3A_435, %dma_start3A_436, %dma_start3A_437] : memref<3x5x8x1024xf32, #tpu.memory_space<vmem>> -> memref<1x4x8x1024xf32, #tpu.memory_space<vmem>>
      %dma_start3A_439 = tpu.memref_squeeze %dma_start3A_438 : memref<1x4x8x1024xf32, #tpu.memory_space<vmem>> -> memref<4x8x1024xf32, #tpu.memory_space<vmem>>
      %dma_start3A_440 = arith.constant 0 : i32
      %dma_start3A_441 = arith.constant 0 : i32
      %dma_start3A_442 = tpu.memref_slice %arg2[%dma_start3A_440, %add3A_419, %dma_start3A_441] : memref<4x8192x1024xf32, #tpu.memory_space<hbm>> -> memref<4x8x1024xf32, #tpu.memory_space<hbm>>
      %dma_start3A_443 = arith.constant 1 : i32
      %dma_start3A_444 = arith.constant 0 : i32
      %dma_start3A_445 = arith.constant 0 : i32
      %dma_start3A_446 = tpu.memref_slice %arg5[%dma_start3A_434, %dma_start3A_443, %dma_start3A_444, %dma_start3A_445] : memref<3x5x8x1024xf32, #tpu.memory_space<vmem>> -> memref<1x4x8x1024xf32, #tpu.memory_space<vmem>>
      %dma_start3A_447 = tpu.memref_squeeze %dma_start3A_446 : memref<1x4x8x1024xf32, #tpu.memory_space<vmem>> -> memref<4x8x1024xf32, #tpu.memory_space<vmem>>
      %dma_start3A_448 = arith.constant 0 : i32
      %dma_start3A_449 = arith.constant 0 : i32
      %dma_start3A_450 = tpu.memref_slice %arg2[%dma_start3A_448, %add3A_419, %dma_start3A_449] : memref<4x8192x1024xf32, #tpu.memory_space<hbm>> -> memref<4x8x1024xf32, #tpu.memory_space<hbm>>
      tpu.enqueue_dma source(%dma_start3A_450 : memref<4x8x1024xf32, #tpu.memory_space<hbm>>) target(%dma_start3A_447 : memref<4x8x1024xf32, #tpu.memory_space<vmem>>) target_semaphore(%arg6 : memref<!tpu.dma_semaphore, #tpu.memory_space<semaphore_mem>>)
      %add3A_451 = arith.constant 2 : i32
      %add3A_452 = arith.addi %mul3A_247, %add3A_451 : i32
      %add3A_453 = arith.constant 2 : i32
      %add3A_454 = arith.addi %add3A_452, %add3A_453 : i32
      %mul3A_455 = arith.constant 8 : i32
      %mul3A_456 = arith.muli %add3A_452, %mul3A_455 : i32
      %add3A_457 = arith.addi %mul3A_2, %mul3A_456 : i32
      %dma_wait3A_458 = arith.constant 2 : i32
      %dma_wait3A_459 = arith.constant 0 : i32
      %dma_wait3A_460 = arith.constant 0 : i32
      %dma_wait3A_461 = arith.constant 0 : i32
      %dma_wait3A_462 = tpu.memref_slice %arg5[%dma_wait3A_458, %dma_wait3A_459, %dma_wait3A_460, %dma_wait3A_461] : memref<3x5x8x1024xf32, #tpu.memory_space<vmem>> -> memref<1x1x8x1024xf32, #tpu.memory_space<vmem>>
      %dma_wait3A_463 = tpu.memref_squeeze %dma_wait3A_462 : memref<1x1x8x1024xf32, #tpu.memory_space<vmem>> -> memref<8x1024xf32, #tpu.memory_space<vmem>>
      %dma_wait3A_464 = arith.constant 0 : i32
      %dma_wait3A_465 = tpu.memref_slice %arg3[%add3A_457, %dma_wait3A_464] : memref<8192x1024xf32, #tpu.memory_space<hbm>> -> memref<8x1024xf32, #tpu.memory_space<hbm>>
      %dma_wait3A_466 = arith.constant 0 : i32
      %dma_wait3A_467 = arith.constant 0 : i32
      %dma_wait3A_468 = tpu.memref_slice %arg5[%dma_wait3A_458, %dma_wait3A_459, %dma_wait3A_466, %dma_wait3A_467] : memref<3x5x8x1024xf32, #tpu.memory_space<vmem>> -> memref<1x1x8x1024xf32, #tpu.memory_space<vmem>>
      %dma_wait3A_469 = tpu.memref_squeeze %dma_wait3A_468 : memref<1x1x8x1024xf32, #tpu.memory_space<vmem>> -> memref<8x1024xf32, #tpu.memory_space<vmem>>
      %dma_wait3A_470 = arith.constant 0 : i32
      %dma_wait3A_471 = tpu.memref_slice %arg3[%add3A_457, %dma_wait3A_470] : memref<8192x1024xf32, #tpu.memory_space<hbm>> -> memref<8x1024xf32, #tpu.memory_space<hbm>>
      tpu.wait_dma2 semaphore(%arg8 : memref<!tpu.dma_semaphore, #tpu.memory_space<semaphore_mem>>) src(%dma_wait3A_471 : memref<8x1024xf32, #tpu.memory_space<hbm>>) dst(%dma_wait3A_469 : memref<8x1024xf32, #tpu.memory_space<vmem>>)
      %dma_wait3A_472 = arith.constant 2 : i32
      %dma_wait3A_473 = arith.constant 1 : i32
      %dma_wait3A_474 = arith.constant 0 : i32
      %dma_wait3A_475 = arith.constant 0 : i32
      %dma_wait3A_476 = tpu.memref_slice %arg5[%dma_wait3A_472, %dma_wait3A_473, %dma_wait3A_474, %dma_wait3A_475] : memref<3x5x8x1024xf32, #tpu.memory_space<vmem>> -> memref<1x4x8x1024xf32, #tpu.memory_space<vmem>>
      %dma_wait3A_477 = tpu.memref_squeeze %dma_wait3A_476 : memref<1x4x8x1024xf32, #tpu.memory_space<vmem>> -> memref<4x8x1024xf32, #tpu.memory_space<vmem>>
      %dma_wait3A_478 = arith.constant 0 : i32
      %dma_wait3A_479 = arith.constant 0 : i32
      %dma_wait3A_480 = tpu.memref_slice %arg2[%dma_wait3A_478, %add3A_457, %dma_wait3A_479] : memref<4x8192x1024xf32, #tpu.memory_space<hbm>> -> memref<4x8x1024xf32, #tpu.memory_space<hbm>>
      %dma_wait3A_481 = arith.constant 1 : i32
      %dma_wait3A_482 = arith.constant 0 : i32
      %dma_wait3A_483 = arith.constant 0 : i32
      %dma_wait3A_484 = tpu.memref_slice %arg5[%dma_wait3A_472, %dma_wait3A_481, %dma_wait3A_482, %dma_wait3A_483] : memref<3x5x8x1024xf32, #tpu.memory_space<vmem>> -> memref<1x4x8x1024xf32, #tpu.memory_space<vmem>>
      %dma_wait3A_485 = tpu.memref_squeeze %dma_wait3A_484 : memref<1x4x8x1024xf32, #tpu.memory_space<vmem>> -> memref<4x8x1024xf32, #tpu.memory_space<vmem>>
      %dma_wait3A_486 = arith.constant 0 : i32
      %dma_wait3A_487 = arith.constant 0 : i32
      %dma_wait3A_488 = tpu.memref_slice %arg2[%dma_wait3A_486, %add3A_457, %dma_wait3A_487] : memref<4x8192x1024xf32, #tpu.memory_space<hbm>> -> memref<4x8x1024xf32, #tpu.memory_space<hbm>>
      tpu.wait_dma2 semaphore(%arg8 : memref<!tpu.dma_semaphore, #tpu.memory_space<semaphore_mem>>) src(%dma_wait3A_488 : memref<4x8x1024xf32, #tpu.memory_space<hbm>>) dst(%dma_wait3A_485 : memref<4x8x1024xf32, #tpu.memory_space<vmem>>)
      %scan3A_489 = arith.constant 0 : i32
      %scan3A_490 = arith.constant 0 : i32
      %scan3A_491 = arith.constant 64 : i32
      %scan3A_492 = arith.addi %scan3A_490, %scan3A_491 : i32
      %scan3A_493 = arith.constant 1 : i32
      scf.for %scan3A_554 = %scan3A_490 to %scan3A_492 step %scan3A_493  : i32 {
        %mul3A_555 = arith.constant 16 : i32
        %mul3A_556 = arith.muli %scan3A_554, %mul3A_555 : i32
        %get3A = arith.constant 2 : i32
        %get3A_557 = arith.constant 0 : i32
        %get3A_558 = arith.constant 0 : i32
        %get3A_559 = arith.index_cast %get3A : i32 to index
        %get3A_560 = arith.index_cast %get3A_557 : i32 to index
        %get3A_561 = arith.index_cast %get3A_558 : i32 to index
        %get3A_562 = arith.index_cast %mul3A_556 : i32 to index
        %get3A_563 = tpu.vector_load %arg5[%get3A_559, %get3A_560, %get3A_561, %get3A_562] {strides = array<i32>} : memref<3x5x8x1024xf32, #tpu.memory_space<vmem>>, vector<1x1x1x16xf32>,
        %get3A_564 = vector.shape_cast %get3A_563 : vector<1x1x1x16xf32> to vector<16xf32>
        %get3A_565 = arith.constant 2 : i32
        %get3A_566 = arith.constant 1 : i32
        %get3A_567 = arith.constant 0 : i32
        %get3A_568 = arith.index_cast %get3A_565 : i32 to index
        %get3A_569 = arith.index_cast %get3A_566 : i32 to index
        %get3A_570 = arith.index_cast %get3A_567 : i32 to index
        %get3A_571 = arith.index_cast %mul3A_556 : i32 to index
        %get3A_572 = tpu.vector_load %arg5[%get3A_568, %get3A_569, %get3A_570, %get3A_571] {strides = array<i32>} : memref<3x5x8x1024xf32, #tpu.memory_space<vmem>>, vector<1x1x1x16xf32>,
        %get3A_573 = vector.shape_cast %get3A_572 : vector<1x1x1x16xf32> to vector<16xf32>
        %add3A_574 = arith.addf %get3A_573, %get3A_564 : vector<16xf32>
        %swap3A = arith.constant 2 : i32
        %swap3A_575 = arith.constant 1 : i32
        %swap3A_576 = arith.constant 0 : i32
        %swap3A_577 = arith.index_cast %swap3A : i32 to index
        %swap3A_578 = arith.index_cast %swap3A_575 : i32 to index
        %swap3A_579 = arith.index_cast %swap3A_576 : i32 to index
        %swap3A_580 = arith.index_cast %mul3A_556 : i32 to index
        %swap3A_581 = tpu.vector_load %arg5[%swap3A_577, %swap3A_578, %swap3A_579, %swap3A_580] {strides = array<i32>} : memref<3x5x8x1024xf32, #tpu.memory_space<vmem>>, vector<1x1x1x16xf32>,
        %swap3A_582 = vector.shape_cast %swap3A_581 : vector<1x1x1x16xf32> to vector<16xf32>
        %swap3A_583 = vector.shape_cast %add3A_574 : vector<16xf32> to vector<1x1x1x16xf32>
        tpu.vector_store %arg5[%swap3A_577, %swap3A_578, %swap3A_579, %swap3A_580], %swap3A_583 {strides = array<i32>} : memref<3x5x8x1024xf32, #tpu.memory_space<vmem>>, vector<1x1x1x16xf32>,
        %get3A_584 = arith.constant 2 : i32
        %get3A_585 = arith.constant 2 : i32
        %get3A_586 = arith.constant 0 : i32
        %get3A_587 = arith.index_cast %get3A_584 : i32 to index
        %get3A_588 = arith.index_cast %get3A_585 : i32 to index
        %get3A_589 = arith.index_cast %get3A_586 : i32 to index
        %get3A_590 = arith.index_cast %mul3A_556 : i32 to index
        %get3A_591 = tpu.vector_load %arg5[%get3A_587, %get3A_588, %get3A_589, %get3A_590] {strides = array<i32>} : memref<3x5x8x1024xf32, #tpu.memory_space<vmem>>, vector<1x1x1x16xf32>,
        %get3A_592 = vector.shape_cast %get3A_591 : vector<1x1x1x16xf32> to vector<16xf32>
        %add3A_593 = arith.addf %get3A_592, %get3A_564 : vector<16xf32>
        %swap3A_594 = arith.constant 2 : i32
        %swap3A_595 = arith.constant 2 : i32
        %swap3A_596 = arith.constant 0 : i32
        %swap3A_597 = arith.index_cast %swap3A_594 : i32 to index
        %swap3A_598 = arith.index_cast %swap3A_595 : i32 to index
        %swap3A_599 = arith.index_cast %swap3A_596 : i32 to index
        %swap3A_600 = arith.index_cast %mul3A_556 : i32 to index
        %swap3A_601 = tpu.vector_load %arg5[%swap3A_597, %swap3A_598, %swap3A_599, %swap3A_600] {strides = array<i32>} : memref<3x5x8x1024xf32, #tpu.memory_space<vmem>>, vector<1x1x1x16xf32>,
        %swap3A_602 = vector.shape_cast %swap3A_601 : vector<1x1x1x16xf32> to vector<16xf32>
        %swap3A_603 = vector.shape_cast %add3A_593 : vector<16xf32> to vector<1x1x1x16xf32>
        tpu.vector_store %arg5[%swap3A_597, %swap3A_598, %swap3A_599, %swap3A_600], %swap3A_603 {strides = array<i32>} : memref<3x5x8x1024xf32, #tpu.memory_space<vmem>>, vector<1x1x1x16xf32>,
        %get3A_604 = arith.constant 2 : i32
        %get3A_605 = arith.constant 3 : i32
        %get3A_606 = arith.constant 0 : i32
        %get3A_607 = arith.index_cast %get3A_604 : i32 to index
        %get3A_608 = arith.index_cast %get3A_605 : i32 to index
        %get3A_609 = arith.index_cast %get3A_606 : i32 to index
        %get3A_610 = arith.index_cast %mul3A_556 : i32 to index
        %get3A_611 = tpu.vector_load %arg5[%get3A_607, %get3A_608, %get3A_609, %get3A_610] {strides = array<i32>} : memref<3x5x8x1024xf32, #tpu.memory_space<vmem>>, vector<1x1x1x16xf32>,
        %get3A_612 = vector.shape_cast %get3A_611 : vector<1x1x1x16xf32> to vector<16xf32>
        %add3A_613 = arith.addf %get3A_612, %get3A_564 : vector<16xf32>
        %swap3A_614 = arith.constant 2 : i32
        %swap3A_615 = arith.constant 3 : i32
        %swap3A_616 = arith.constant 0 : i32
        %swap3A_617 = arith.index_cast %swap3A_614 : i32 to index
        %swap3A_618 = arith.index_cast %swap3A_615 : i32 to index
        %swap3A_619 = arith.index_cast %swap3A_616 : i32 to index
        %swap3A_620 = arith.index_cast %mul3A_556 : i32 to index
        %swap3A_621 = tpu.vector_load %arg5[%swap3A_617, %swap3A_618, %swap3A_619, %swap3A_620] {strides = array<i32>} : memref<3x5x8x1024xf32, #tpu.memory_space<vmem>>, vector<1x1x1x16xf32>,
        %swap3A_622 = vector.shape_cast %swap3A_621 : vector<1x1x1x16xf32> to vector<16xf32>
        %swap3A_623 = vector.shape_cast %add3A_613 : vector<16xf32> to vector<1x1x1x16xf32>
        tpu.vector_store %arg5[%swap3A_617, %swap3A_618, %swap3A_619, %swap3A_620], %swap3A_623 {strides = array<i32>} : memref<3x5x8x1024xf32, #tpu.memory_space<vmem>>, vector<1x1x1x16xf32>,
        %get3A_624 = arith.constant 2 : i32
        %get3A_625 = arith.constant 4 : i32
        %get3A_626 = arith.constant 0 : i32
        %get3A_627 = arith.index_cast %get3A_624 : i32 to index
        %get3A_628 = arith.index_cast %get3A_625 : i32 to index
        %get3A_629 = arith.index_cast %get3A_626 : i32 to index
        %get3A_630 = arith.index_cast %mul3A_556 : i32 to index
        %get3A_631 = tpu.vector_load %arg5[%get3A_627, %get3A_628, %get3A_629, %get3A_630] {strides = array<i32>} : memref<3x5x8x1024xf32, #tpu.memory_space<vmem>>, vector<1x1x1x16xf32>,
        %get3A_632 = vector.shape_cast %get3A_631 : vector<1x1x1x16xf32> to vector<16xf32>
        %add3A_633 = arith.addf %get3A_632, %get3A_564 : vector<16xf32>
        %swap3A_634 = arith.constant 2 : i32
        %swap3A_635 = arith.constant 4 : i32
        %swap3A_636 = arith.constant 0 : i32
        %swap3A_637 = arith.index_cast %swap3A_634 : i32 to index
        %swap3A_638 = arith.index_cast %swap3A_635 : i32 to index
        %swap3A_639 = arith.index_cast %swap3A_636 : i32 to index
        %swap3A_640 = arith.index_cast %mul3A_556 : i32 to index
        %swap3A_641 = tpu.vector_load %arg5[%swap3A_637, %swap3A_638, %swap3A_639, %swap3A_640] {strides = array<i32>} : memref<3x5x8x1024xf32, #tpu.memory_space<vmem>>, vector<1x1x1x16xf32>,
        %swap3A_642 = vector.shape_cast %swap3A_641 : vector<1x1x1x16xf32> to vector<16xf32>
        %swap3A_643 = vector.shape_cast %add3A_633 : vector<16xf32> to vector<1x1x1x16xf32>
        tpu.vector_store %arg5[%swap3A_637, %swap3A_638, %swap3A_639, %swap3A_640], %swap3A_643 {strides = array<i32>} : memref<3x5x8x1024xf32, #tpu.memory_space<vmem>>, vector<1x1x1x16xf32>,
        %get3A_644 = arith.constant 2 : i32
        %get3A_645 = arith.constant 0 : i32
        %get3A_646 = arith.constant 1 : i32
        %get3A_647 = arith.index_cast %get3A_644 : i32 to index
        %get3A_648 = arith.index_cast %get3A_645 : i32 to index
        %get3A_649 = arith.index_cast %get3A_646 : i32 to index
        %get3A_650 = arith.index_cast %mul3A_556 : i32 to index
        %get3A_651 = tpu.vector_load %arg5[%get3A_647, %get3A_648, %get3A_649, %get3A_650] {strides = array<i32>} : memref<3x5x8x1024xf32, #tpu.memory_space<vmem>>, vector<1x1x1x16xf32>,
        %get3A_652 = vector.shape_cast %get3A_651 : vector<1x1x1x16xf32> to vector<16xf32>
        %get3A_653 = arith.constant 2 : i32
        %get3A_654 = arith.constant 1 : i32
        %get3A_655 = arith.constant 1 : i32
        %get3A_656 = arith.index_cast %get3A_653 : i32 to index
        %get3A_657 = arith.index_cast %get3A_654 : i32 to index
        %get3A_658 = arith.index_cast %get3A_655 : i32 to index
        %get3A_659 = arith.index_cast %mul3A_556 : i32 to index
        %get3A_660 = tpu.vector_load %arg5[%get3A_656, %get3A_657, %get3A_658, %get3A_659] {strides = array<i32>} : memref<3x5x8x1024xf32, #tpu.memory_space<vmem>>, vector<1x1x1x16xf32>,
        %get3A_661 = vector.shape_cast %get3A_660 : vector<1x1x1x16xf32> to vector<16xf32>
        %add3A_662 = arith.addf %get3A_661, %get3A_652 : vector<16xf32>
        %swap3A_663 = arith.constant 2 : i32
        %swap3A_664 = arith.constant 1 : i32
        %swap3A_665 = arith.constant 1 : i32
        %swap3A_666 = arith.index_cast %swap3A_663 : i32 to index
        %swap3A_667 = arith.index_cast %swap3A_664 : i32 to index
        %swap3A_668 = arith.index_cast %swap3A_665 : i32 to index
        %swap3A_669 = arith.index_cast %mul3A_556 : i32 to index
        %swap3A_670 = tpu.vector_load %arg5[%swap3A_666, %swap3A_667, %swap3A_668, %swap3A_669] {strides = array<i32>} : memref<3x5x8x1024xf32, #tpu.memory_space<vmem>>, vector<1x1x1x16xf32>,
        %swap3A_671 = vector.shape_cast %swap3A_670 : vector<1x1x1x16xf32> to vector<16xf32>
        %swap3A_672 = vector.shape_cast %add3A_662 : vector<16xf32> to vector<1x1x1x16xf32>
        tpu.vector_store %arg5[%swap3A_666, %swap3A_667, %swap3A_668, %swap3A_669], %swap3A_672 {strides = array<i32>} : memref<3x5x8x1024xf32, #tpu.memory_space<vmem>>, vector<1x1x1x16xf32>,
        %get3A_673 = arith.constant 2 : i32
        %get3A_674 = arith.constant 2 : i32
        %get3A_675 = arith.constant 1 : i32
        %get3A_676 = arith.index_cast %get3A_673 : i32 to index
        %get3A_677 = arith.index_cast %get3A_674 : i32 to index
        %get3A_678 = arith.index_cast %get3A_675 : i32 to index
        %get3A_679 = arith.index_cast %mul3A_556 : i32 to index
        %get3A_680 = tpu.vector_load %arg5[%get3A_676, %get3A_677, %get3A_678, %get3A_679] {strides = array<i32>} : memref<3x5x8x1024xf32, #tpu.memory_space<vmem>>, vector<1x1x1x16xf32>,
        %get3A_681 = vector.shape_cast %get3A_680 : vector<1x1x1x16xf32> to vector<16xf32>
        %add3A_682 = arith.addf %get3A_681, %get3A_652 : vector<16xf32>
        %swap3A_683 = arith.constant 2 : i32
        %swap3A_684 = arith.constant 2 : i32
        %swap3A_685 = arith.constant 1 : i32
        %swap3A_686 = arith.index_cast %swap3A_683 : i32 to index
        %swap3A_687 = arith.index_cast %swap3A_684 : i32 to index
        %swap3A_688 = arith.index_cast %swap3A_685 : i32 to index
        %swap3A_689 = arith.index_cast %mul3A_556 : i32 to index
        %swap3A_690 = tpu.vector_load %arg5[%swap3A_686, %swap3A_687, %swap3A_688, %swap3A_689] {strides = array<i32>} : memref<3x5x8x1024xf32, #tpu.memory_space<vmem>>, vector<1x1x1x16xf32>,
        %swap3A_691 = vector.shape_cast %swap3A_690 : vector<1x1x1x16xf32> to vector<16xf32>
        %swap3A_692 = vector.shape_cast %add3A_682 : vector<16xf32> to vector<1x1x1x16xf32>
        tpu.vector_store %arg5[%swap3A_686, %swap3A_687, %swap3A_688, %swap3A_689], %swap3A_692 {strides = array<i32>} : memref<3x5x8x1024xf32, #tpu.memory_space<vmem>>, vector<1x1x1x16xf32>,
        %get3A_693 = arith.constant 2 : i32
        %get3A_694 = arith.constant 3 : i32
        %get3A_695 = arith.constant 1 : i32
        %get3A_696 = arith.index_cast %get3A_693 : i32 to index
        %get3A_697 = arith.index_cast %get3A_694 : i32 to index
        %get3A_698 = arith.index_cast %get3A_695 : i32 to index
        %get3A_699 = arith.index_cast %mul3A_556 : i32 to index
        %get3A_700 = tpu.vector_load %arg5[%get3A_696, %get3A_697, %get3A_698, %get3A_699] {strides = array<i32>} : memref<3x5x8x1024xf32, #tpu.memory_space<vmem>>, vector<1x1x1x16xf32>,
        %get3A_701 = vector.shape_cast %get3A_700 : vector<1x1x1x16xf32> to vector<16xf32>
        %add3A_702 = arith.addf %get3A_701, %get3A_652 : vector<16xf32>
        %swap3A_703 = arith.constant 2 : i32
        %swap3A_704 = arith.constant 3 : i32
        %swap3A_705 = arith.constant 1 : i32
        %swap3A_706 = arith.index_cast %swap3A_703 : i32 to index
        %swap3A_707 = arith.index_cast %swap3A_704 : i32 to index
        %swap3A_708 = arith.index_cast %swap3A_705 : i32 to index
        %swap3A_709 = arith.index_cast %mul3A_556 : i32 to index
        %swap3A_710 = tpu.vector_load %arg5[%swap3A_706, %swap3A_707, %swap3A_708, %swap3A_709] {strides = array<i32>} : memref<3x5x8x1024xf32, #tpu.memory_space<vmem>>, vector<1x1x1x16xf32>,
        %swap3A_711 = vector.shape_cast %swap3A_710 : vector<1x1x1x16xf32> to vector<16xf32>
        %swap3A_712 = vector.shape_cast %add3A_702 : vector<16xf32> to vector<1x1x1x16xf32>
        tpu.vector_store %arg5[%swap3A_706, %swap3A_707, %swap3A_708, %swap3A_709], %swap3A_712 {strides = array<i32>} : memref<3x5x8x1024xf32, #tpu.memory_space<vmem>>, vector<1x1x1x16xf32>,
        %get3A_713 = arith.constant 2 : i32
        %get3A_714 = arith.constant 4 : i32
        %get3A_715 = arith.constant 1 : i32
        %get3A_716 = arith.index_cast %get3A_713 : i32 to index
        %get3A_717 = arith.index_cast %get3A_714 : i32 to index
        %get3A_718 = arith.index_cast %get3A_715 : i32 to index
        %get3A_719 = arith.index_cast %mul3A_556 : i32 to index
        %get3A_720 = tpu.vector_load %arg5[%get3A_716, %get3A_717, %get3A_718, %get3A_719] {strides = array<i32>} : memref<3x5x8x1024xf32, #tpu.memory_space<vmem>>, vector<1x1x1x16xf32>,
        %get3A_721 = vector.shape_cast %get3A_720 : vector<1x1x1x16xf32> to vector<16xf32>
        %add3A_722 = arith.addf %get3A_721, %get3A_652 : vector<16xf32>
        %swap3A_723 = arith.constant 2 : i32
        %swap3A_724 = arith.constant 4 : i32
        %swap3A_725 = arith.constant 1 : i32
        %swap3A_726 = arith.index_cast %swap3A_723 : i32 to index
        %swap3A_727 = arith.index_cast %swap3A_724 : i32 to index
        %swap3A_728 = arith.index_cast %swap3A_725 : i32 to index
        %swap3A_729 = arith.index_cast %mul3A_556 : i32 to index
        %swap3A_730 = tpu.vector_load %arg5[%swap3A_726, %swap3A_727, %swap3A_728, %swap3A_729] {strides = array<i32>} : memref<3x5x8x1024xf32, #tpu.memory_space<vmem>>, vector<1x1x1x16xf32>,
        %swap3A_731 = vector.shape_cast %swap3A_730 : vector<1x1x1x16xf32> to vector<16xf32>
        %swap3A_732 = vector.shape_cast %add3A_722 : vector<16xf32> to vector<1x1x1x16xf32>
        tpu.vector_store %arg5[%swap3A_726, %swap3A_727, %swap3A_728, %swap3A_729], %swap3A_732 {strides = array<i32>} : memref<3x5x8x1024xf32, #tpu.memory_space<vmem>>, vector<1x1x1x16xf32>,
        %get3A_733 = arith.constant 2 : i32
        %get3A_734 = arith.constant 0 : i32
        %get3A_735 = arith.constant 2 : i32
        %get3A_736 = arith.index_cast %get3A_733 : i32 to index
        %get3A_737 = arith.index_cast %get3A_734 : i32 to index
        %get3A_738 = arith.index_cast %get3A_735 : i32 to index
        %get3A_739 = arith.index_cast %mul3A_556 : i32 to index
        %get3A_740 = tpu.vector_load %arg5[%get3A_736, %get3A_737, %get3A_738, %get3A_739] {strides = array<i32>} : memref<3x5x8x1024xf32, #tpu.memory_space<vmem>>, vector<1x1x1x16xf32>,
        %get3A_741 = vector.shape_cast %get3A_740 : vector<1x1x1x16xf32> to vector<16xf32>
        %get3A_742 = arith.constant 2 : i32
        %get3A_743 = arith.constant 1 : i32
        %get3A_744 = arith.constant 2 : i32
        %get3A_745 = arith.index_cast %get3A_742 : i32 to index
        %get3A_746 = arith.index_cast %get3A_743 : i32 to index
        %get3A_747 = arith.index_cast %get3A_744 : i32 to index
        %get3A_748 = arith.index_cast %mul3A_556 : i32 to index
        %get3A_749 = tpu.vector_load %arg5[%get3A_745, %get3A_746, %get3A_747, %get3A_748] {strides = array<i32>} : memref<3x5x8x1024xf32, #tpu.memory_space<vmem>>, vector<1x1x1x16xf32>,
        %get3A_750 = vector.shape_cast %get3A_749 : vector<1x1x1x16xf32> to vector<16xf32>
        %add3A_751 = arith.addf %get3A_750, %get3A_741 : vector<16xf32>
        %swap3A_752 = arith.constant 2 : i32
        %swap3A_753 = arith.constant 1 : i32
        %swap3A_754 = arith.constant 2 : i32
        %swap3A_755 = arith.index_cast %swap3A_752 : i32 to index
        %swap3A_756 = arith.index_cast %swap3A_753 : i32 to index
        %swap3A_757 = arith.index_cast %swap3A_754 : i32 to index
        %swap3A_758 = arith.index_cast %mul3A_556 : i32 to index
        %swap3A_759 = tpu.vector_load %arg5[%swap3A_755, %swap3A_756, %swap3A_757, %swap3A_758] {strides = array<i32>} : memref<3x5x8x1024xf32, #tpu.memory_space<vmem>>, vector<1x1x1x16xf32>,
        %swap3A_760 = vector.shape_cast %swap3A_759 : vector<1x1x1x16xf32> to vector<16xf32>
        %swap3A_761 = vector.shape_cast %add3A_751 : vector<16xf32> to vector<1x1x1x16xf32>
        tpu.vector_store %arg5[%swap3A_755, %swap3A_756, %swap3A_757, %swap3A_758], %swap3A_761 {strides = array<i32>} : memref<3x5x8x1024xf32, #tpu.memory_space<vmem>>, vector<1x1x1x16xf32>,
        %get3A_762 = arith.constant 2 : i32
        %get3A_763 = arith.constant 2 : i32
        %get3A_764 = arith.constant 2 : i32
        %get3A_765 = arith.index_cast %get3A_762 : i32 to index
        %get3A_766 = arith.index_cast %get3A_763 : i32 to index
        %get3A_767 = arith.index_cast %get3A_764 : i32 to index
        %get3A_768 = arith.index_cast %mul3A_556 : i32 to index
        %get3A_769 = tpu.vector_load %arg5[%get3A_765, %get3A_766, %get3A_767, %get3A_768] {strides = array<i32>} : memref<3x5x8x1024xf32, #tpu.memory_space<vmem>>, vector<1x1x1x16xf32>,
        %get3A_770 = vector.shape_cast %get3A_769 : vector<1x1x1x16xf32> to vector<16xf32>
        %add3A_771 = arith.addf %get3A_770, %get3A_741 : vector<16xf32>
        %swap3A_772 = arith.constant 2 : i32
        %swap3A_773 = arith.constant 2 : i32
        %swap3A_774 = arith.constant 2 : i32
        %swap3A_775 = arith.index_cast %swap3A_772 : i32 to index
        %swap3A_776 = arith.index_cast %swap3A_773 : i32 to index
        %swap3A_777 = arith.index_cast %swap3A_774 : i32 to index
        %swap3A_778 = arith.index_cast %mul3A_556 : i32 to index
        %swap3A_779 = tpu.vector_load %arg5[%swap3A_775, %swap3A_776, %swap3A_777, %swap3A_778] {strides = array<i32>} : memref<3x5x8x1024xf32, #tpu.memory_space<vmem>>, vector<1x1x1x16xf32>,
        %swap3A_780 = vector.shape_cast %swap3A_779 : vector<1x1x1x16xf32> to vector<16xf32>
        %swap3A_781 = vector.shape_cast %add3A_771 : vector<16xf32> to vector<1x1x1x16xf32>
        tpu.vector_store %arg5[%swap3A_775, %swap3A_776, %swap3A_777, %swap3A_778], %swap3A_781 {strides = array<i32>} : memref<3x5x8x1024xf32, #tpu.memory_space<vmem>>, vector<1x1x1x16xf32>,
        %get3A_782 = arith.constant 2 : i32
        %get3A_783 = arith.constant 3 : i32
        %get3A_784 = arith.constant 2 : i32
        %get3A_785 = arith.index_cast %get3A_782 : i32 to index
        %get3A_786 = arith.index_cast %get3A_783 : i32 to index
        %get3A_787 = arith.index_cast %get3A_784 : i32 to index
        %get3A_788 = arith.index_cast %mul3A_556 : i32 to index
        %get3A_789 = tpu.vector_load %arg5[%get3A_785, %get3A_786, %get3A_787, %get3A_788] {strides = array<i32>} : memref<3x5x8x1024xf32, #tpu.memory_space<vmem>>, vector<1x1x1x16xf32>,
        %get3A_790 = vector.shape_cast %get3A_789 : vector<1x1x1x16xf32> to vector<16xf32>
        %add3A_791 = arith.addf %get3A_790, %get3A_741 : vector<16xf32>
        %swap3A_792 = arith.constant 2 : i32
        %swap3A_793 = arith.constant 3 : i32
        %swap3A_794 = arith.constant 2 : i32
        %swap3A_795 = arith.index_cast %swap3A_792 : i32 to index
        %swap3A_796 = arith.index_cast %swap3A_793 : i32 to index
        %swap3A_797 = arith.index_cast %swap3A_794 : i32 to index
        %swap3A_798 = arith.index_cast %mul3A_556 : i32 to index
        %swap3A_799 = tpu.vector_load %arg5[%swap3A_795, %swap3A_796, %swap3A_797, %swap3A_798] {strides = array<i32>} : memref<3x5x8x1024xf32, #tpu.memory_space<vmem>>, vector<1x1x1x16xf32>,
        %swap3A_800 = vector.shape_cast %swap3A_799 : vector<1x1x1x16xf32> to vector<16xf32>
        %swap3A_801 = vector.shape_cast %add3A_791 : vector<16xf32> to vector<1x1x1x16xf32>
        tpu.vector_store %arg5[%swap3A_795, %swap3A_796, %swap3A_797, %swap3A_798], %swap3A_801 {strides = array<i32>} : memref<3x5x8x1024xf32, #tpu.memory_space<vmem>>, vector<1x1x1x16xf32>,
        %get3A_802 = arith.constant 2 : i32
        %get3A_803 = arith.constant 4 : i32
        %get3A_804 = arith.constant 2 : i32
        %get3A_805 = arith.index_cast %get3A_802 : i32 to index
        %get3A_806 = arith.index_cast %get3A_803 : i32 to index
        %get3A_807 = arith.index_cast %get3A_804 : i32 to index
        %get3A_808 = arith.index_cast %mul3A_556 : i32 to index
        %get3A_809 = tpu.vector_load %arg5[%get3A_805, %get3A_806, %get3A_807, %get3A_808] {strides = array<i32>} : memref<3x5x8x1024xf32, #tpu.memory_space<vmem>>, vector<1x1x1x16xf32>,
        %get3A_810 = vector.shape_cast %get3A_809 : vector<1x1x1x16xf32> to vector<16xf32>
        %add3A_811 = arith.addf %get3A_810, %get3A_741 : vector<16xf32>
        %swap3A_812 = arith.constant 2 : i32
        %swap3A_813 = arith.constant 4 : i32
        %swap3A_814 = arith.constant 2 : i32
        %swap3A_815 = arith.index_cast %swap3A_812 : i32 to index
        %swap3A_816 = arith.index_cast %swap3A_813 : i32 to index
        %swap3A_817 = arith.index_cast %swap3A_814 : i32 to index
        %swap3A_818 = arith.index_cast %mul3A_556 : i32 to index
        %swap3A_819 = tpu.vector_load %arg5[%swap3A_815, %swap3A_816, %swap3A_817, %swap3A_818] {strides = array<i32>} : memref<3x5x8x1024xf32, #tpu.memory_space<vmem>>, vector<1x1x1x16xf32>,
        %swap3A_820 = vector.shape_cast %swap3A_819 : vector<1x1x1x16xf32> to vector<16xf32>
        %swap3A_821 = vector.shape_cast %add3A_811 : vector<16xf32> to vector<1x1x1x16xf32>
        tpu.vector_store %arg5[%swap3A_815, %swap3A_816, %swap3A_817, %swap3A_818], %swap3A_821 {strides = array<i32>} : memref<3x5x8x1024xf32, #tpu.memory_space<vmem>>, vector<1x1x1x16xf32>,
        %get3A_822 = arith.constant 2 : i32
        %get3A_823 = arith.constant 0 : i32
        %get3A_824 = arith.constant 3 : i32
        %get3A_825 = arith.index_cast %get3A_822 : i32 to index
        %get3A_826 = arith.index_cast %get3A_823 : i32 to index
        %get3A_827 = arith.index_cast %get3A_824 : i32 to index
        %get3A_828 = arith.index_cast %mul3A_556 : i32 to index
        %get3A_829 = tpu.vector_load %arg5[%get3A_825, %get3A_826, %get3A_827, %get3A_828] {strides = array<i32>} : memref<3x5x8x1024xf32, #tpu.memory_space<vmem>>, vector<1x1x1x16xf32>,
        %get3A_830 = vector.shape_cast %get3A_829 : vector<1x1x1x16xf32> to vector<16xf32>
        %get3A_831 = arith.constant 2 : i32
        %get3A_832 = arith.constant 1 : i32
        %get3A_833 = arith.constant 3 : i32
        %get3A_834 = arith.index_cast %get3A_831 : i32 to index
        %get3A_835 = arith.index_cast %get3A_832 : i32 to index
        %get3A_836 = arith.index_cast %get3A_833 : i32 to index
        %get3A_837 = arith.index_cast %mul3A_556 : i32 to index
        %get3A_838 = tpu.vector_load %arg5[%get3A_834, %get3A_835, %get3A_836, %get3A_837] {strides = array<i32>} : memref<3x5x8x1024xf32, #tpu.memory_space<vmem>>, vector<1x1x1x16xf32>,
        %get3A_839 = vector.shape_cast %get3A_838 : vector<1x1x1x16xf32> to vector<16xf32>
        %add3A_840 = arith.addf %get3A_839, %get3A_830 : vector<16xf32>
        %swap3A_841 = arith.constant 2 : i32
        %swap3A_842 = arith.constant 1 : i32
        %swap3A_843 = arith.constant 3 : i32
        %swap3A_844 = arith.index_cast %swap3A_841 : i32 to index
        %swap3A_845 = arith.index_cast %swap3A_842 : i32 to index
        %swap3A_846 = arith.index_cast %swap3A_843 : i32 to index
        %swap3A_847 = arith.index_cast %mul3A_556 : i32 to index
        %swap3A_848 = tpu.vector_load %arg5[%swap3A_844, %swap3A_845, %swap3A_846, %swap3A_847] {strides = array<i32>} : memref<3x5x8x1024xf32, #tpu.memory_space<vmem>>, vector<1x1x1x16xf32>,
        %swap3A_849 = vector.shape_cast %swap3A_848 : vector<1x1x1x16xf32> to vector<16xf32>
        %swap3A_850 = vector.shape_cast %add3A_840 : vector<16xf32> to vector<1x1x1x16xf32>
        tpu.vector_store %arg5[%swap3A_844, %swap3A_845, %swap3A_846, %swap3A_847], %swap3A_850 {strides = array<i32>} : memref<3x5x8x1024xf32, #tpu.memory_space<vmem>>, vector<1x1x1x16xf32>,
        %get3A_851 = arith.constant 2 : i32
        %get3A_852 = arith.constant 2 : i32
        %get3A_853 = arith.constant 3 : i32
        %get3A_854 = arith.index_cast %get3A_851 : i32 to index
        %get3A_855 = arith.index_cast %get3A_852 : i32 to index
        %get3A_856 = arith.index_cast %get3A_853 : i32 to index
        %get3A_857 = arith.index_cast %mul3A_556 : i32 to index
        %get3A_858 = tpu.vector_load %arg5[%get3A_854, %get3A_855, %get3A_856, %get3A_857] {strides = array<i32>} : memref<3x5x8x1024xf32, #tpu.memory_space<vmem>>, vector<1x1x1x16xf32>,
        %get3A_859 = vector.shape_cast %get3A_858 : vector<1x1x1x16xf32> to vector<16xf32>
        %add3A_860 = arith.addf %get3A_859, %get3A_830 : vector<16xf32>
        %swap3A_861 = arith.constant 2 : i32
        %swap3A_862 = arith.constant 2 : i32
        %swap3A_863 = arith.constant 3 : i32
        %swap3A_864 = arith.index_cast %swap3A_861 : i32 to index
        %swap3A_865 = arith.index_cast %swap3A_862 : i32 to index
        %swap3A_866 = arith.index_cast %swap3A_863 : i32 to index
        %swap3A_867 = arith.index_cast %mul3A_556 : i32 to index
        %swap3A_868 = tpu.vector_load %arg5[%swap3A_864, %swap3A_865, %swap3A_866, %swap3A_867] {strides = array<i32>} : memref<3x5x8x1024xf32, #tpu.memory_space<vmem>>, vector<1x1x1x16xf32>,
        %swap3A_869 = vector.shape_cast %swap3A_868 : vector<1x1x1x16xf32> to vector<16xf32>
        %swap3A_870 = vector.shape_cast %add3A_860 : vector<16xf32> to vector<1x1x1x16xf32>
        tpu.vector_store %arg5[%swap3A_864, %swap3A_865, %swap3A_866, %swap3A_867], %swap3A_870 {strides = array<i32>} : memref<3x5x8x1024xf32, #tpu.memory_space<vmem>>, vector<1x1x1x16xf32>,
        %get3A_871 = arith.constant 2 : i32
        %get3A_872 = arith.constant 3 : i32
        %get3A_873 = arith.constant 3 : i32
        %get3A_874 = arith.index_cast %get3A_871 : i32 to index
        %get3A_875 = arith.index_cast %get3A_872 : i32 to index
        %get3A_876 = arith.index_cast %get3A_873 : i32 to index
        %get3A_877 = arith.index_cast %mul3A_556 : i32 to index
        %get3A_878 = tpu.vector_load %arg5[%get3A_874, %get3A_875, %get3A_876, %get3A_877] {strides = array<i32>} : memref<3x5x8x1024xf32, #tpu.memory_space<vmem>>, vector<1x1x1x16xf32>,
        %get3A_879 = vector.shape_cast %get3A_878 : vector<1x1x1x16xf32> to vector<16xf32>
        %add3A_880 = arith.addf %get3A_879, %get3A_830 : vector<16xf32>
        %swap3A_881 = arith.constant 2 : i32
        %swap3A_882 = arith.constant 3 : i32
        %swap3A_883 = arith.constant 3 : i32
        %swap3A_884 = arith.index_cast %swap3A_881 : i32 to index
        %swap3A_885 = arith.index_cast %swap3A_882 : i32 to index
        %swap3A_886 = arith.index_cast %swap3A_883 : i32 to index
        %swap3A_887 = arith.index_cast %mul3A_556 : i32 to index
        %swap3A_888 = tpu.vector_load %arg5[%swap3A_884, %swap3A_885, %swap3A_886, %swap3A_887] {strides = array<i32>} : memref<3x5x8x1024xf32, #tpu.memory_space<vmem>>, vector<1x1x1x16xf32>,
        %swap3A_889 = vector.shape_cast %swap3A_888 : vector<1x1x1x16xf32> to vector<16xf32>
        %swap3A_890 = vector.shape_cast %add3A_880 : vector<16xf32> to vector<1x1x1x16xf32>
        tpu.vector_store %arg5[%swap3A_884, %swap3A_885, %swap3A_886, %swap3A_887], %swap3A_890 {strides = array<i32>} : memref<3x5x8x1024xf32, #tpu.memory_space<vmem>>, vector<1x1x1x16xf32>,
        %get3A_891 = arith.constant 2 : i32
        %get3A_892 = arith.constant 4 : i32
        %get3A_893 = arith.constant 3 : i32
        %get3A_894 = arith.index_cast %get3A_891 : i32 to index
        %get3A_895 = arith.index_cast %get3A_892 : i32 to index
        %get3A_896 = arith.index_cast %get3A_893 : i32 to index
        %get3A_897 = arith.index_cast %mul3A_556 : i32 to index
        %get3A_898 = tpu.vector_load %arg5[%get3A_894, %get3A_895, %get3A_896, %get3A_897] {strides = array<i32>} : memref<3x5x8x1024xf32, #tpu.memory_space<vmem>>, vector<1x1x1x16xf32>,
        %get3A_899 = vector.shape_cast %get3A_898 : vector<1x1x1x16xf32> to vector<16xf32>
        %add3A_900 = arith.addf %get3A_899, %get3A_830 : vector<16xf32>
        %swap3A_901 = arith.constant 2 : i32
        %swap3A_902 = arith.constant 4 : i32
        %swap3A_903 = arith.constant 3 : i32
        %swap3A_904 = arith.index_cast %swap3A_901 : i32 to index
        %swap3A_905 = arith.index_cast %swap3A_902 : i32 to index
        %swap3A_906 = arith.index_cast %swap3A_903 : i32 to index
        %swap3A_907 = arith.index_cast %mul3A_556 : i32 to index
        %swap3A_908 = tpu.vector_load %arg5[%swap3A_904, %swap3A_905, %swap3A_906, %swap3A_907] {strides = array<i32>} : memref<3x5x8x1024xf32, #tpu.memory_space<vmem>>, vector<1x1x1x16xf32>,
        %swap3A_909 = vector.shape_cast %swap3A_908 : vector<1x1x1x16xf32> to vector<16xf32>
        %swap3A_910 = vector.shape_cast %add3A_900 : vector<16xf32> to vector<1x1x1x16xf32>
        tpu.vector_store %arg5[%swap3A_904, %swap3A_905, %swap3A_906, %swap3A_907], %swap3A_910 {strides = array<i32>} : memref<3x5x8x1024xf32, #tpu.memory_space<vmem>>, vector<1x1x1x16xf32>,
        %get3A_911 = arith.constant 2 : i32
        %get3A_912 = arith.constant 0 : i32
        %get3A_913 = arith.constant 4 : i32
        %get3A_914 = arith.index_cast %get3A_911 : i32 to index
        %get3A_915 = arith.index_cast %get3A_912 : i32 to index
        %get3A_916 = arith.index_cast %get3A_913 : i32 to index
        %get3A_917 = arith.index_cast %mul3A_556 : i32 to index
        %get3A_918 = tpu.vector_load %arg5[%get3A_914, %get3A_915, %get3A_916, %get3A_917] {strides = array<i32>} : memref<3x5x8x1024xf32, #tpu.memory_space<vmem>>, vector<1x1x1x16xf32>,
        %get3A_919 = vector.shape_cast %get3A_918 : vector<1x1x1x16xf32> to vector<16xf32>
        %get3A_920 = arith.constant 2 : i32
        %get3A_921 = arith.constant 1 : i32
        %get3A_922 = arith.constant 4 : i32
        %get3A_923 = arith.index_cast %get3A_920 : i32 to index
        %get3A_924 = arith.index_cast %get3A_921 : i32 to index
        %get3A_925 = arith.index_cast %get3A_922 : i32 to index
        %get3A_926 = arith.index_cast %mul3A_556 : i32 to index
        %get3A_927 = tpu.vector_load %arg5[%get3A_923, %get3A_924, %get3A_925, %get3A_926] {strides = array<i32>} : memref<3x5x8x1024xf32, #tpu.memory_space<vmem>>, vector<1x1x1x16xf32>,
        %get3A_928 = vector.shape_cast %get3A_927 : vector<1x1x1x16xf32> to vector<16xf32>
        %add3A_929 = arith.addf %get3A_928, %get3A_919 : vector<16xf32>
        %swap3A_930 = arith.constant 2 : i32
        %swap3A_931 = arith.constant 1 : i32
        %swap3A_932 = arith.constant 4 : i32
        %swap3A_933 = arith.index_cast %swap3A_930 : i32 to index
        %swap3A_934 = arith.index_cast %swap3A_931 : i32 to index
        %swap3A_935 = arith.index_cast %swap3A_932 : i32 to index
        %swap3A_936 = arith.index_cast %mul3A_556 : i32 to index
        %swap3A_937 = tpu.vector_load %arg5[%swap3A_933, %swap3A_934, %swap3A_935, %swap3A_936] {strides = array<i32>} : memref<3x5x8x1024xf32, #tpu.memory_space<vmem>>, vector<1x1x1x16xf32>,
        %swap3A_938 = vector.shape_cast %swap3A_937 : vector<1x1x1x16xf32> to vector<16xf32>
        %swap3A_939 = vector.shape_cast %add3A_929 : vector<16xf32> to vector<1x1x1x16xf32>
        tpu.vector_store %arg5[%swap3A_933, %swap3A_934, %swap3A_935, %swap3A_936], %swap3A_939 {strides = array<i32>} : memref<3x5x8x1024xf32, #tpu.memory_space<vmem>>, vector<1x1x1x16xf32>,
        %get3A_940 = arith.constant 2 : i32
        %get3A_941 = arith.constant 2 : i32
        %get3A_942 = arith.constant 4 : i32
        %get3A_943 = arith.index_cast %get3A_940 : i32 to index
        %get3A_944 = arith.index_cast %get3A_941 : i32 to index
        %get3A_945 = arith.index_cast %get3A_942 : i32 to index
        %get3A_946 = arith.index_cast %mul3A_556 : i32 to index
        %get3A_947 = tpu.vector_load %arg5[%get3A_943, %get3A_944, %get3A_945, %get3A_946] {strides = array<i32>} : memref<3x5x8x1024xf32, #tpu.memory_space<vmem>>, vector<1x1x1x16xf32>,
        %get3A_948 = vector.shape_cast %get3A_947 : vector<1x1x1x16xf32> to vector<16xf32>
        %add3A_949 = arith.addf %get3A_948, %get3A_919 : vector<16xf32>
        %swap3A_950 = arith.constant 2 : i32
        %swap3A_951 = arith.constant 2 : i32
        %swap3A_952 = arith.constant 4 : i32
        %swap3A_953 = arith.index_cast %swap3A_950 : i32 to index
        %swap3A_954 = arith.index_cast %swap3A_951 : i32 to index
        %swap3A_955 = arith.index_cast %swap3A_952 : i32 to index
        %swap3A_956 = arith.index_cast %mul3A_556 : i32 to index
        %swap3A_957 = tpu.vector_load %arg5[%swap3A_953, %swap3A_954, %swap3A_955, %swap3A_956] {strides = array<i32>} : memref<3x5x8x1024xf32, #tpu.memory_space<vmem>>, vector<1x1x1x16xf32>,
        %swap3A_958 = vector.shape_cast %swap3A_957 : vector<1x1x1x16xf32> to vector<16xf32>
        %swap3A_959 = vector.shape_cast %add3A_949 : vector<16xf32> to vector<1x1x1x16xf32>
        tpu.vector_store %arg5[%swap3A_953, %swap3A_954, %swap3A_955, %swap3A_956], %swap3A_959 {strides = array<i32>} : memref<3x5x8x1024xf32, #tpu.memory_space<vmem>>, vector<1x1x1x16xf32>,
        %get3A_960 = arith.constant 2 : i32
        %get3A_961 = arith.constant 3 : i32
        %get3A_962 = arith.constant 4 : i32
        %get3A_963 = arith.index_cast %get3A_960 : i32 to index
        %get3A_964 = arith.index_cast %get3A_961 : i32 to index
        %get3A_965 = arith.index_cast %get3A_962 : i32 to index
        %get3A_966 = arith.index_cast %mul3A_556 : i32 to index
        %get3A_967 = tpu.vector_load %arg5[%get3A_963, %get3A_964, %get3A_965, %get3A_966] {strides = array<i32>} : memref<3x5x8x1024xf32, #tpu.memory_space<vmem>>, vector<1x1x1x16xf32>,
        %get3A_968 = vector.shape_cast %get3A_967 : vector<1x1x1x16xf32> to vector<16xf32>
        %add3A_969 = arith.addf %get3A_968, %get3A_919 : vector<16xf32>
        %swap3A_970 = arith.constant 2 : i32
        %swap3A_971 = arith.constant 3 : i32
        %swap3A_972 = arith.constant 4 : i32
        %swap3A_973 = arith.index_cast %swap3A_970 : i32 to index
        %swap3A_974 = arith.index_cast %swap3A_971 : i32 to index
        %swap3A_975 = arith.index_cast %swap3A_972 : i32 to index
        %swap3A_976 = arith.index_cast %mul3A_556 : i32 to index
        %swap3A_977 = tpu.vector_load %arg5[%swap3A_973, %swap3A_974, %swap3A_975, %swap3A_976] {strides = array<i32>} : memref<3x5x8x1024xf32, #tpu.memory_space<vmem>>, vector<1x1x1x16xf32>,
        %swap3A_978 = vector.shape_cast %swap3A_977 : vector<1x1x1x16xf32> to vector<16xf32>
        %swap3A_979 = vector.shape_cast %add3A_969 : vector<16xf32> to vector<1x1x1x16xf32>
        tpu.vector_store %arg5[%swap3A_973, %swap3A_974, %swap3A_975, %swap3A_976], %swap3A_979 {strides = array<i32>} : memref<3x5x8x1024xf32, #tpu.memory_space<vmem>>, vector<1x1x1x16xf32>,
        %get3A_980 = arith.constant 2 : i32
        %get3A_981 = arith.constant 4 : i32
        %get3A_982 = arith.constant 4 : i32
        %get3A_983 = arith.index_cast %get3A_980 : i32 to index
        %get3A_984 = arith.index_cast %get3A_981 : i32 to index
        %get3A_985 = arith.index_cast %get3A_982 : i32 to index
        %get3A_986 = arith.index_cast %mul3A_556 : i32 to index
        %get3A_987 = tpu.vector_load %arg5[%get3A_983, %get3A_984, %get3A_985, %get3A_986] {strides = array<i32>} : memref<3x5x8x1024xf32, #tpu.memory_space<vmem>>, vector<1x1x1x16xf32>,
        %get3A_988 = vector.shape_cast %get3A_987 : vector<1x1x1x16xf32> to vector<16xf32>
        %add3A_989 = arith.addf %get3A_988, %get3A_919 : vector<16xf32>
        %swap3A_990 = arith.constant 2 : i32
        %swap3A_991 = arith.constant 4 : i32
        %swap3A_992 = arith.constant 4 : i32
        %swap3A_993 = arith.index_cast %swap3A_990 : i32 to index
        %swap3A_994 = arith.index_cast %swap3A_991 : i32 to index
        %swap3A_995 = arith.index_cast %swap3A_992 : i32 to index
        %swap3A_996 = arith.index_cast %mul3A_556 : i32 to index
        %swap3A_997 = tpu.vector_load %arg5[%swap3A_993, %swap3A_994, %swap3A_995, %swap3A_996] {strides = array<i32>} : memref<3x5x8x1024xf32, #tpu.memory_space<vmem>>, vector<1x1x1x16xf32>,
        %swap3A_998 = vector.shape_cast %swap3A_997 : vector<1x1x1x16xf32> to vector<16xf32>
        %swap3A_999 = vector.shape_cast %add3A_989 : vector<16xf32> to vector<1x1x1x16xf32>
        tpu.vector_store %arg5[%swap3A_993, %swap3A_994, %swap3A_995, %swap3A_996], %swap3A_999 {strides = array<i32>} : memref<3x5x8x1024xf32, #tpu.memory_space<vmem>>, vector<1x1x1x16xf32>,
        %get3A_1000 = arith.constant 2 : i32
        %get3A_1001 = arith.constant 0 : i32
        %get3A_1002 = arith.constant 5 : i32
        %get3A_1003 = arith.index_cast %get3A_1000 : i32 to index
        %get3A_1004 = arith.index_cast %get3A_1001 : i32 to index
        %get3A_1005 = arith.index_cast %get3A_1002 : i32 to index
        %get3A_1006 = arith.index_cast %mul3A_556 : i32 to index
        %get3A_1007 = tpu.vector_load %arg5[%get3A_1003, %get3A_1004, %get3A_1005, %get3A_1006] {strides = array<i32>} : memref<3x5x8x1024xf32, #tpu.memory_space<vmem>>, vector<1x1x1x16xf32>,
        %get3A_1008 = vector.shape_cast %get3A_1007 : vector<1x1x1x16xf32> to vector<16xf32>
        %get3A_1009 = arith.constant 2 : i32
        %get3A_1010 = arith.constant 1 : i32
        %get3A_1011 = arith.constant 5 : i32
        %get3A_1012 = arith.index_cast %get3A_1009 : i32 to index
        %get3A_1013 = arith.index_cast %get3A_1010 : i32 to index
        %get3A_1014 = arith.index_cast %get3A_1011 : i32 to index
        %get3A_1015 = arith.index_cast %mul3A_556 : i32 to index
        %get3A_1016 = tpu.vector_load %arg5[%get3A_1012, %get3A_1013, %get3A_1014, %get3A_1015] {strides = array<i32>} : memref<3x5x8x1024xf32, #tpu.memory_space<vmem>>, vector<1x1x1x16xf32>,
        %get3A_1017 = vector.shape_cast %get3A_1016 : vector<1x1x1x16xf32> to vector<16xf32>
        %add3A_1018 = arith.addf %get3A_1017, %get3A_1008 : vector<16xf32>
        %swap3A_1019 = arith.constant 2 : i32
        %swap3A_1020 = arith.constant 1 : i32
        %swap3A_1021 = arith.constant 5 : i32
        %swap3A_1022 = arith.index_cast %swap3A_1019 : i32 to index
        %swap3A_1023 = arith.index_cast %swap3A_1020 : i32 to index
        %swap3A_1024 = arith.index_cast %swap3A_1021 : i32 to index
        %swap3A_1025 = arith.index_cast %mul3A_556 : i32 to index
        %swap3A_1026 = tpu.vector_load %arg5[%swap3A_1022, %swap3A_1023, %swap3A_1024, %swap3A_1025] {strides = array<i32>} : memref<3x5x8x1024xf32, #tpu.memory_space<vmem>>, vector<1x1x1x16xf32>,
        %swap3A_1027 = vector.shape_cast %swap3A_1026 : vector<1x1x1x16xf32> to vector<16xf32>
        %swap3A_1028 = vector.shape_cast %add3A_1018 : vector<16xf32> to vector<1x1x1x16xf32>
        tpu.vector_store %arg5[%swap3A_1022, %swap3A_1023, %swap3A_1024, %swap3A_1025], %swap3A_1028 {strides = array<i32>} : memref<3x5x8x1024xf32, #tpu.memory_space<vmem>>, vector<1x1x1x16xf32>,
        %get3A_1029 = arith.constant 2 : i32
        %get3A_1030 = arith.constant 2 : i32
        %get3A_1031 = arith.constant 5 : i32
        %get3A_1032 = arith.index_cast %get3A_1029 : i32 to index
        %get3A_1033 = arith.index_cast %get3A_1030 : i32 to index
        %get3A_1034 = arith.index_cast %get3A_1031 : i32 to index
        %get3A_1035 = arith.index_cast %mul3A_556 : i32 to index
        %get3A_1036 = tpu.vector_load %arg5[%get3A_1032, %get3A_1033, %get3A_1034, %get3A_1035] {strides = array<i32>} : memref<3x5x8x1024xf32, #tpu.memory_space<vmem>>, vector<1x1x1x16xf32>,
        %get3A_1037 = vector.shape_cast %get3A_1036 : vector<1x1x1x16xf32> to vector<16xf32>
        %add3A_1038 = arith.addf %get3A_1037, %get3A_1008 : vector<16xf32>
        %swap3A_1039 = arith.constant 2 : i32
        %swap3A_1040 = arith.constant 2 : i32
        %swap3A_1041 = arith.constant 5 : i32
        %swap3A_1042 = arith.index_cast %swap3A_1039 : i32 to index
        %swap3A_1043 = arith.index_cast %swap3A_1040 : i32 to index
        %swap3A_1044 = arith.index_cast %swap3A_1041 : i32 to index
        %swap3A_1045 = arith.index_cast %mul3A_556 : i32 to index
        %swap3A_1046 = tpu.vector_load %arg5[%swap3A_1042, %swap3A_1043, %swap3A_1044, %swap3A_1045] {strides = array<i32>} : memref<3x5x8x1024xf32, #tpu.memory_space<vmem>>, vector<1x1x1x16xf32>,
        %swap3A_1047 = vector.shape_cast %swap3A_1046 : vector<1x1x1x16xf32> to vector<16xf32>
        %swap3A_1048 = vector.shape_cast %add3A_1038 : vector<16xf32> to vector<1x1x1x16xf32>
        tpu.vector_store %arg5[%swap3A_1042, %swap3A_1043, %swap3A_1044, %swap3A_1045], %swap3A_1048 {strides = array<i32>} : memref<3x5x8x1024xf32, #tpu.memory_space<vmem>>, vector<1x1x1x16xf32>,
        %get3A_1049 = arith.constant 2 : i32
        %get3A_1050 = arith.constant 3 : i32
        %get3A_1051 = arith.constant 5 : i32
        %get3A_1052 = arith.index_cast %get3A_1049 : i32 to index
        %get3A_1053 = arith.index_cast %get3A_1050 : i32 to index
        %get3A_1054 = arith.index_cast %get3A_1051 : i32 to index
        %get3A_1055 = arith.index_cast %mul3A_556 : i32 to index
        %get3A_1056 = tpu.vector_load %arg5[%get3A_1052, %get3A_1053, %get3A_1054, %get3A_1055] {strides = array<i32>} : memref<3x5x8x1024xf32, #tpu.memory_space<vmem>>, vector<1x1x1x16xf32>,
        %get3A_1057 = vector.shape_cast %get3A_1056 : vector<1x1x1x16xf32> to vector<16xf32>
        %add3A_1058 = arith.addf %get3A_1057, %get3A_1008 : vector<16xf32>
        %swap3A_1059 = arith.constant 2 : i32
        %swap3A_1060 = arith.constant 3 : i32
        %swap3A_1061 = arith.constant 5 : i32
        %swap3A_1062 = arith.index_cast %swap3A_1059 : i32 to index
        %swap3A_1063 = arith.index_cast %swap3A_1060 : i32 to index
        %swap3A_1064 = arith.index_cast %swap3A_1061 : i32 to index
        %swap3A_1065 = arith.index_cast %mul3A_556 : i32 to index
        %swap3A_1066 = tpu.vector_load %arg5[%swap3A_1062, %swap3A_1063, %swap3A_1064, %swap3A_1065] {strides = array<i32>} : memref<3x5x8x1024xf32, #tpu.memory_space<vmem>>, vector<1x1x1x16xf32>,
        %swap3A_1067 = vector.shape_cast %swap3A_1066 : vector<1x1x1x16xf32> to vector<16xf32>
        %swap3A_1068 = vector.shape_cast %add3A_1058 : vector<16xf32> to vector<1x1x1x16xf32>
        tpu.vector_store %arg5[%swap3A_1062, %swap3A_1063, %swap3A_1064, %swap3A_1065], %swap3A_1068 {strides = array<i32>} : memref<3x5x8x1024xf32, #tpu.memory_space<vmem>>, vector<1x1x1x16xf32>,
        %get3A_1069 = arith.constant 2 : i32
        %get3A_1070 = arith.constant 4 : i32
        %get3A_1071 = arith.constant 5 : i32
        %get3A_1072 = arith.index_cast %get3A_1069 : i32 to index
        %get3A_1073 = arith.index_cast %get3A_1070 : i32 to index
        %get3A_1074 = arith.index_cast %get3A_1071 : i32 to index
        %get3A_1075 = arith.index_cast %mul3A_556 : i32 to index
        %get3A_1076 = tpu.vector_load %arg5[%get3A_1072, %get3A_1073, %get3A_1074, %get3A_1075] {strides = array<i32>} : memref<3x5x8x1024xf32, #tpu.memory_space<vmem>>, vector<1x1x1x16xf32>,
        %get3A_1077 = vector.shape_cast %get3A_1076 : vector<1x1x1x16xf32> to vector<16xf32>
        %add3A_1078 = arith.addf %get3A_1077, %get3A_1008 : vector<16xf32>
        %swap3A_1079 = arith.constant 2 : i32
        %swap3A_1080 = arith.constant 4 : i32
        %swap3A_1081 = arith.constant 5 : i32
        %swap3A_1082 = arith.index_cast %swap3A_1079 : i32 to index
        %swap3A_1083 = arith.index_cast %swap3A_1080 : i32 to index
        %swap3A_1084 = arith.index_cast %swap3A_1081 : i32 to index
        %swap3A_1085 = arith.index_cast %mul3A_556 : i32 to index
        %swap3A_1086 = tpu.vector_load %arg5[%swap3A_1082, %swap3A_1083, %swap3A_1084, %swap3A_1085] {strides = array<i32>} : memref<3x5x8x1024xf32, #tpu.memory_space<vmem>>, vector<1x1x1x16xf32>,
        %swap3A_1087 = vector.shape_cast %swap3A_1086 : vector<1x1x1x16xf32> to vector<16xf32>
        %swap3A_1088 = vector.shape_cast %add3A_1078 : vector<16xf32> to vector<1x1x1x16xf32>
        tpu.vector_store %arg5[%swap3A_1082, %swap3A_1083, %swap3A_1084, %swap3A_1085], %swap3A_1088 {strides = array<i32>} : memref<3x5x8x1024xf32, #tpu.memory_space<vmem>>, vector<1x1x1x16xf32>,
        %get3A_1089 = arith.constant 2 : i32
        %get3A_1090 = arith.constant 0 : i32
        %get3A_1091 = arith.constant 6 : i32
        %get3A_1092 = arith.index_cast %get3A_1089 : i32 to index
        %get3A_1093 = arith.index_cast %get3A_1090 : i32 to index
        %get3A_1094 = arith.index_cast %get3A_1091 : i32 to index
        %get3A_1095 = arith.index_cast %mul3A_556 : i32 to index
        %get3A_1096 = tpu.vector_load %arg5[%get3A_1092, %get3A_1093, %get3A_1094, %get3A_1095] {strides = array<i32>} : memref<3x5x8x1024xf32, #tpu.memory_space<vmem>>, vector<1x1x1x16xf32>,
        %get3A_1097 = vector.shape_cast %get3A_1096 : vector<1x1x1x16xf32> to vector<16xf32>
        %get3A_1098 = arith.constant 2 : i32
        %get3A_1099 = arith.constant 1 : i32
        %get3A_1100 = arith.constant 6 : i32
        %get3A_1101 = arith.index_cast %get3A_1098 : i32 to index
        %get3A_1102 = arith.index_cast %get3A_1099 : i32 to index
        %get3A_1103 = arith.index_cast %get3A_1100 : i32 to index
        %get3A_1104 = arith.index_cast %mul3A_556 : i32 to index
        %get3A_1105 = tpu.vector_load %arg5[%get3A_1101, %get3A_1102, %get3A_1103, %get3A_1104] {strides = array<i32>} : memref<3x5x8x1024xf32, #tpu.memory_space<vmem>>, vector<1x1x1x16xf32>,
        %get3A_1106 = vector.shape_cast %get3A_1105 : vector<1x1x1x16xf32> to vector<16xf32>
        %add3A_1107 = arith.addf %get3A_1106, %get3A_1097 : vector<16xf32>
        %swap3A_1108 = arith.constant 2 : i32
        %swap3A_1109 = arith.constant 1 : i32
        %swap3A_1110 = arith.constant 6 : i32
        %swap3A_1111 = arith.index_cast %swap3A_1108 : i32 to index
        %swap3A_1112 = arith.index_cast %swap3A_1109 : i32 to index
        %swap3A_1113 = arith.index_cast %swap3A_1110 : i32 to index
        %swap3A_1114 = arith.index_cast %mul3A_556 : i32 to index
        %swap3A_1115 = tpu.vector_load %arg5[%swap3A_1111, %swap3A_1112, %swap3A_1113, %swap3A_1114] {strides = array<i32>} : memref<3x5x8x1024xf32, #tpu.memory_space<vmem>>, vector<1x1x1x16xf32>,
        %swap3A_1116 = vector.shape_cast %swap3A_1115 : vector<1x1x1x16xf32> to vector<16xf32>
        %swap3A_1117 = vector.shape_cast %add3A_1107 : vector<16xf32> to vector<1x1x1x16xf32>
        tpu.vector_store %arg5[%swap3A_1111, %swap3A_1112, %swap3A_1113, %swap3A_1114], %swap3A_1117 {strides = array<i32>} : memref<3x5x8x1024xf32, #tpu.memory_space<vmem>>, vector<1x1x1x16xf32>,
        %get3A_1118 = arith.constant 2 : i32
        %get3A_1119 = arith.constant 2 : i32
        %get3A_1120 = arith.constant 6 : i32
        %get3A_1121 = arith.index_cast %get3A_1118 : i32 to index
        %get3A_1122 = arith.index_cast %get3A_1119 : i32 to index
        %get3A_1123 = arith.index_cast %get3A_1120 : i32 to index
        %get3A_1124 = arith.index_cast %mul3A_556 : i32 to index
        %get3A_1125 = tpu.vector_load %arg5[%get3A_1121, %get3A_1122, %get3A_1123, %get3A_1124] {strides = array<i32>} : memref<3x5x8x1024xf32, #tpu.memory_space<vmem>>, vector<1x1x1x16xf32>,
        %get3A_1126 = vector.shape_cast %get3A_1125 : vector<1x1x1x16xf32> to vector<16xf32>
        %add3A_1127 = arith.addf %get3A_1126, %get3A_1097 : vector<16xf32>
        %swap3A_1128 = arith.constant 2 : i32
        %swap3A_1129 = arith.constant 2 : i32
        %swap3A_1130 = arith.constant 6 : i32
        %swap3A_1131 = arith.index_cast %swap3A_1128 : i32 to index
        %swap3A_1132 = arith.index_cast %swap3A_1129 : i32 to index
        %swap3A_1133 = arith.index_cast %swap3A_1130 : i32 to index
        %swap3A_1134 = arith.index_cast %mul3A_556 : i32 to index
        %swap3A_1135 = tpu.vector_load %arg5[%swap3A_1131, %swap3A_1132, %swap3A_1133, %swap3A_1134] {strides = array<i32>} : memref<3x5x8x1024xf32, #tpu.memory_space<vmem>>, vector<1x1x1x16xf32>,
        %swap3A_1136 = vector.shape_cast %swap3A_1135 : vector<1x1x1x16xf32> to vector<16xf32>
        %swap3A_1137 = vector.shape_cast %add3A_1127 : vector<16xf32> to vector<1x1x1x16xf32>
        tpu.vector_store %arg5[%swap3A_1131, %swap3A_1132, %swap3A_1133, %swap3A_1134], %swap3A_1137 {strides = array<i32>} : memref<3x5x8x1024xf32, #tpu.memory_space<vmem>>, vector<1x1x1x16xf32>,
        %get3A_1138 = arith.constant 2 : i32
        %get3A_1139 = arith.constant 3 : i32
        %get3A_1140 = arith.constant 6 : i32
        %get3A_1141 = arith.index_cast %get3A_1138 : i32 to index
        %get3A_1142 = arith.index_cast %get3A_1139 : i32 to index
        %get3A_1143 = arith.index_cast %get3A_1140 : i32 to index
        %get3A_1144 = arith.index_cast %mul3A_556 : i32 to index
        %get3A_1145 = tpu.vector_load %arg5[%get3A_1141, %get3A_1142, %get3A_1143, %get3A_1144] {strides = array<i32>} : memref<3x5x8x1024xf32, #tpu.memory_space<vmem>>, vector<1x1x1x16xf32>,
        %get3A_1146 = vector.shape_cast %get3A_1145 : vector<1x1x1x16xf32> to vector<16xf32>
        %add3A_1147 = arith.addf %get3A_1146, %get3A_1097 : vector<16xf32>
        %swap3A_1148 = arith.constant 2 : i32
        %swap3A_1149 = arith.constant 3 : i32
        %swap3A_1150 = arith.constant 6 : i32
        %swap3A_1151 = arith.index_cast %swap3A_1148 : i32 to index
        %swap3A_1152 = arith.index_cast %swap3A_1149 : i32 to index
        %swap3A_1153 = arith.index_cast %swap3A_1150 : i32 to index
        %swap3A_1154 = arith.index_cast %mul3A_556 : i32 to index
        %swap3A_1155 = tpu.vector_load %arg5[%swap3A_1151, %swap3A_1152, %swap3A_1153, %swap3A_1154] {strides = array<i32>} : memref<3x5x8x1024xf32, #tpu.memory_space<vmem>>, vector<1x1x1x16xf32>,
        %swap3A_1156 = vector.shape_cast %swap3A_1155 : vector<1x1x1x16xf32> to vector<16xf32>
        %swap3A_1157 = vector.shape_cast %add3A_1147 : vector<16xf32> to vector<1x1x1x16xf32>
        tpu.vector_store %arg5[%swap3A_1151, %swap3A_1152, %swap3A_1153, %swap3A_1154], %swap3A_1157 {strides = array<i32>} : memref<3x5x8x1024xf32, #tpu.memory_space<vmem>>, vector<1x1x1x16xf32>,
        %get3A_1158 = arith.constant 2 : i32
        %get3A_1159 = arith.constant 4 : i32
        %get3A_1160 = arith.constant 6 : i32
        %get3A_1161 = arith.index_cast %get3A_1158 : i32 to index
        %get3A_1162 = arith.index_cast %get3A_1159 : i32 to index
        %get3A_1163 = arith.index_cast %get3A_1160 : i32 to index
        %get3A_1164 = arith.index_cast %mul3A_556 : i32 to index
        %get3A_1165 = tpu.vector_load %arg5[%get3A_1161, %get3A_1162, %get3A_1163, %get3A_1164] {strides = array<i32>} : memref<3x5x8x1024xf32, #tpu.memory_space<vmem>>, vector<1x1x1x16xf32>,
        %get3A_1166 = vector.shape_cast %get3A_1165 : vector<1x1x1x16xf32> to vector<16xf32>
        %add3A_1167 = arith.addf %get3A_1166, %get3A_1097 : vector<16xf32>
        %swap3A_1168 = arith.constant 2 : i32
        %swap3A_1169 = arith.constant 4 : i32
        %swap3A_1170 = arith.constant 6 : i32
        %swap3A_1171 = arith.index_cast %swap3A_1168 : i32 to index
        %swap3A_1172 = arith.index_cast %swap3A_1169 : i32 to index
        %swap3A_1173 = arith.index_cast %swap3A_1170 : i32 to index
        %swap3A_1174 = arith.index_cast %mul3A_556 : i32 to index
        %swap3A_1175 = tpu.vector_load %arg5[%swap3A_1171, %swap3A_1172, %swap3A_1173, %swap3A_1174] {strides = array<i32>} : memref<3x5x8x1024xf32, #tpu.memory_space<vmem>>, vector<1x1x1x16xf32>,
        %swap3A_1176 = vector.shape_cast %swap3A_1175 : vector<1x1x1x16xf32> to vector<16xf32>
        %swap3A_1177 = vector.shape_cast %add3A_1167 : vector<16xf32> to vector<1x1x1x16xf32>
        tpu.vector_store %arg5[%swap3A_1171, %swap3A_1172, %swap3A_1173, %swap3A_1174], %swap3A_1177 {strides = array<i32>} : memref<3x5x8x1024xf32, #tpu.memory_space<vmem>>, vector<1x1x1x16xf32>,
        %get3A_1178 = arith.constant 2 : i32
        %get3A_1179 = arith.constant 0 : i32
        %get3A_1180 = arith.constant 7 : i32
        %get3A_1181 = arith.index_cast %get3A_1178 : i32 to index
        %get3A_1182 = arith.index_cast %get3A_1179 : i32 to index
        %get3A_1183 = arith.index_cast %get3A_1180 : i32 to index
        %get3A_1184 = arith.index_cast %mul3A_556 : i32 to index
        %get3A_1185 = tpu.vector_load %arg5[%get3A_1181, %get3A_1182, %get3A_1183, %get3A_1184] {strides = array<i32>} : memref<3x5x8x1024xf32, #tpu.memory_space<vmem>>, vector<1x1x1x16xf32>,
        %get3A_1186 = vector.shape_cast %get3A_1185 : vector<1x1x1x16xf32> to vector<16xf32>
        %get3A_1187 = arith.constant 2 : i32
        %get3A_1188 = arith.constant 1 : i32
        %get3A_1189 = arith.constant 7 : i32
        %get3A_1190 = arith.index_cast %get3A_1187 : i32 to index
        %get3A_1191 = arith.index_cast %get3A_1188 : i32 to index
        %get3A_1192 = arith.index_cast %get3A_1189 : i32 to index
        %get3A_1193 = arith.index_cast %mul3A_556 : i32 to index
        %get3A_1194 = tpu.vector_load %arg5[%get3A_1190, %get3A_1191, %get3A_1192, %get3A_1193] {strides = array<i32>} : memref<3x5x8x1024xf32, #tpu.memory_space<vmem>>, vector<1x1x1x16xf32>,
        %get3A_1195 = vector.shape_cast %get3A_1194 : vector<1x1x1x16xf32> to vector<16xf32>
        %add3A_1196 = arith.addf %get3A_1195, %get3A_1186 : vector<16xf32>
        %swap3A_1197 = arith.constant 2 : i32
        %swap3A_1198 = arith.constant 1 : i32
        %swap3A_1199 = arith.constant 7 : i32
        %swap3A_1200 = arith.index_cast %swap3A_1197 : i32 to index
        %swap3A_1201 = arith.index_cast %swap3A_1198 : i32 to index
        %swap3A_1202 = arith.index_cast %swap3A_1199 : i32 to index
        %swap3A_1203 = arith.index_cast %mul3A_556 : i32 to index
        %swap3A_1204 = tpu.vector_load %arg5[%swap3A_1200, %swap3A_1201, %swap3A_1202, %swap3A_1203] {strides = array<i32>} : memref<3x5x8x1024xf32, #tpu.memory_space<vmem>>, vector<1x1x1x16xf32>,
        %swap3A_1205 = vector.shape_cast %swap3A_1204 : vector<1x1x1x16xf32> to vector<16xf32>
        %swap3A_1206 = vector.shape_cast %add3A_1196 : vector<16xf32> to vector<1x1x1x16xf32>
        tpu.vector_store %arg5[%swap3A_1200, %swap3A_1201, %swap3A_1202, %swap3A_1203], %swap3A_1206 {strides = array<i32>} : memref<3x5x8x1024xf32, #tpu.memory_space<vmem>>, vector<1x1x1x16xf32>,
        %get3A_1207 = arith.constant 2 : i32
        %get3A_1208 = arith.constant 2 : i32
        %get3A_1209 = arith.constant 7 : i32
        %get3A_1210 = arith.index_cast %get3A_1207 : i32 to index
        %get3A_1211 = arith.index_cast %get3A_1208 : i32 to index
        %get3A_1212 = arith.index_cast %get3A_1209 : i32 to index
        %get3A_1213 = arith.index_cast %mul3A_556 : i32 to index
        %get3A_1214 = tpu.vector_load %arg5[%get3A_1210, %get3A_1211, %get3A_1212, %get3A_1213] {strides = array<i32>} : memref<3x5x8x1024xf32, #tpu.memory_space<vmem>>, vector<1x1x1x16xf32>,
        %get3A_1215 = vector.shape_cast %get3A_1214 : vector<1x1x1x16xf32> to vector<16xf32>
        %add3A_1216 = arith.addf %get3A_1215, %get3A_1186 : vector<16xf32>
        %swap3A_1217 = arith.constant 2 : i32
        %swap3A_1218 = arith.constant 2 : i32
        %swap3A_1219 = arith.constant 7 : i32
        %swap3A_1220 = arith.index_cast %swap3A_1217 : i32 to index
        %swap3A_1221 = arith.index_cast %swap3A_1218 : i32 to index
        %swap3A_1222 = arith.index_cast %swap3A_1219 : i32 to index
        %swap3A_1223 = arith.index_cast %mul3A_556 : i32 to index
        %swap3A_1224 = tpu.vector_load %arg5[%swap3A_1220, %swap3A_1221, %swap3A_1222, %swap3A_1223] {strides = array<i32>} : memref<3x5x8x1024xf32, #tpu.memory_space<vmem>>, vector<1x1x1x16xf32>,
        %swap3A_1225 = vector.shape_cast %swap3A_1224 : vector<1x1x1x16xf32> to vector<16xf32>
        %swap3A_1226 = vector.shape_cast %add3A_1216 : vector<16xf32> to vector<1x1x1x16xf32>
        tpu.vector_store %arg5[%swap3A_1220, %swap3A_1221, %swap3A_1222, %swap3A_1223], %swap3A_1226 {strides = array<i32>} : memref<3x5x8x1024xf32, #tpu.memory_space<vmem>>, vector<1x1x1x16xf32>,
        %get3A_1227 = arith.constant 2 : i32
        %get3A_1228 = arith.constant 3 : i32
        %get3A_1229 = arith.constant 7 : i32
        %get3A_1230 = arith.index_cast %get3A_1227 : i32 to index
        %get3A_1231 = arith.index_cast %get3A_1228 : i32 to index
        %get3A_1232 = arith.index_cast %get3A_1229 : i32 to index
        %get3A_1233 = arith.index_cast %mul3A_556 : i32 to index
        %get3A_1234 = tpu.vector_load %arg5[%get3A_1230, %get3A_1231, %get3A_1232, %get3A_1233] {strides = array<i32>} : memref<3x5x8x1024xf32, #tpu.memory_space<vmem>>, vector<1x1x1x16xf32>,
        %get3A_1235 = vector.shape_cast %get3A_1234 : vector<1x1x1x16xf32> to vector<16xf32>
        %add3A_1236 = arith.addf %get3A_1235, %get3A_1186 : vector<16xf32>
        %swap3A_1237 = arith.constant 2 : i32
        %swap3A_1238 = arith.constant 3 : i32
        %swap3A_1239 = arith.constant 7 : i32
        %swap3A_1240 = arith.index_cast %swap3A_1237 : i32 to index
        %swap3A_1241 = arith.index_cast %swap3A_1238 : i32 to index
        %swap3A_1242 = arith.index_cast %swap3A_1239 : i32 to index
        %swap3A_1243 = arith.index_cast %mul3A_556 : i32 to index
        %swap3A_1244 = tpu.vector_load %arg5[%swap3A_1240, %swap3A_1241, %swap3A_1242, %swap3A_1243] {strides = array<i32>} : memref<3x5x8x1024xf32, #tpu.memory_space<vmem>>, vector<1x1x1x16xf32>,
        %swap3A_1245 = vector.shape_cast %swap3A_1244 : vector<1x1x1x16xf32> to vector<16xf32>
        %swap3A_1246 = vector.shape_cast %add3A_1236 : vector<16xf32> to vector<1x1x1x16xf32>
        tpu.vector_store %arg5[%swap3A_1240, %swap3A_1241, %swap3A_1242, %swap3A_1243], %swap3A_1246 {strides = array<i32>} : memref<3x5x8x1024xf32, #tpu.memory_space<vmem>>, vector<1x1x1x16xf32>,
        %get3A_1247 = arith.constant 2 : i32
        %get3A_1248 = arith.constant 4 : i32
        %get3A_1249 = arith.constant 7 : i32
        %get3A_1250 = arith.index_cast %get3A_1247 : i32 to index
        %get3A_1251 = arith.index_cast %get3A_1248 : i32 to index
        %get3A_1252 = arith.index_cast %get3A_1249 : i32 to index
        %get3A_1253 = arith.index_cast %mul3A_556 : i32 to index
        %get3A_1254 = tpu.vector_load %arg5[%get3A_1250, %get3A_1251, %get3A_1252, %get3A_1253] {strides = array<i32>} : memref<3x5x8x1024xf32, #tpu.memory_space<vmem>>, vector<1x1x1x16xf32>,
        %get3A_1255 = vector.shape_cast %get3A_1254 : vector<1x1x1x16xf32> to vector<16xf32>
        %add3A_1256 = arith.addf %get3A_1255, %get3A_1186 : vector<16xf32>
        %swap3A_1257 = arith.constant 2 : i32
        %swap3A_1258 = arith.constant 4 : i32
        %swap3A_1259 = arith.constant 7 : i32
        %swap3A_1260 = arith.index_cast %swap3A_1257 : i32 to index
        %swap3A_1261 = arith.index_cast %swap3A_1258 : i32 to index
        %swap3A_1262 = arith.index_cast %swap3A_1259 : i32 to index
        %swap3A_1263 = arith.index_cast %mul3A_556 : i32 to index
        %swap3A_1264 = tpu.vector_load %arg5[%swap3A_1260, %swap3A_1261, %swap3A_1262, %swap3A_1263] {strides = array<i32>} : memref<3x5x8x1024xf32, #tpu.memory_space<vmem>>, vector<1x1x1x16xf32>,
        %swap3A_1265 = vector.shape_cast %swap3A_1264 : vector<1x1x1x16xf32> to vector<16xf32>
        %swap3A_1266 = vector.shape_cast %add3A_1256 : vector<16xf32> to vector<1x1x1x16xf32>
        tpu.vector_store %arg5[%swap3A_1260, %swap3A_1261, %swap3A_1262, %swap3A_1263], %swap3A_1266 {strides = array<i32>} : memref<3x5x8x1024xf32, #tpu.memory_space<vmem>>, vector<1x1x1x16xf32>,
      }
      %scan3A_494 = arith.constant 64 : i32
      %mul3A_495 = arith.constant 8 : i32
      %mul3A_496 = arith.muli %add3A_452, %mul3A_495 : i32
      %add3A_497 = arith.addi %mul3A_2, %mul3A_496 : i32
      %dma_start3A_498 = arith.constant 2 : i32
      %dma_start3A_499 = arith.constant 1 : i32
      %dma_start3A_500 = arith.constant 0 : i32
      %dma_start3A_501 = arith.constant 0 : i32
      %dma_start3A_502 = tpu.memref_slice %arg5[%dma_start3A_498, %dma_start3A_499, %dma_start3A_500, %dma_start3A_501] : memref<3x5x8x1024xf32, #tpu.memory_space<vmem>> -> memref<1x4x8x1024xf32, #tpu.memory_space<vmem>>
      %dma_start3A_503 = tpu.memref_squeeze %dma_start3A_502 : memref<1x4x8x1024xf32, #tpu.memory_space<vmem>> -> memref<4x8x1024xf32, #tpu.memory_space<vmem>>
      %dma_start3A_504 = arith.constant 0 : i32
      %dma_start3A_505 = arith.constant 0 : i32
      %dma_start3A_506 = tpu.memref_slice %arg4[%dma_start3A_504, %add3A_497, %dma_start3A_505] : memref<4x8192x1024xf32, #tpu.memory_space<hbm>> -> memref<4x8x1024xf32, #tpu.memory_space<hbm>>
      %dma_start3A_507 = arith.constant 0 : i32
      %dma_start3A_508 = arith.constant 0 : i32
      %dma_start3A_509 = tpu.memref_slice %arg4[%dma_start3A_507, %add3A_497, %dma_start3A_508] : memref<4x8192x1024xf32, #tpu.memory_space<hbm>> -> memref<4x8x1024xf32, #tpu.memory_space<hbm>>
      %dma_start3A_510 = arith.constant 1 : i32
      %dma_start3A_511 = arith.constant 0 : i32
      %dma_start3A_512 = arith.constant 0 : i32
      %dma_start3A_513 = tpu.memref_slice %arg5[%dma_start3A_498, %dma_start3A_510, %dma_start3A_511, %dma_start3A_512] : memref<3x5x8x1024xf32, #tpu.memory_space<vmem>> -> memref<1x4x8x1024xf32, #tpu.memory_space<vmem>>
      %dma_start3A_514 = tpu.memref_squeeze %dma_start3A_513 : memref<1x4x8x1024xf32, #tpu.memory_space<vmem>> -> memref<4x8x1024xf32, #tpu.memory_space<vmem>>
      tpu.enqueue_dma source(%dma_start3A_514 : memref<4x8x1024xf32, #tpu.memory_space<vmem>>) target(%dma_start3A_509 : memref<4x8x1024xf32, #tpu.memory_space<hbm>>) target_semaphore(%arg11 : memref<!tpu.dma_semaphore, #tpu.memory_space<semaphore_mem>>)
      %ge3A_515 = arith.constant 3 : i32
      %ge3A_516 = arith.cmpi sge, %add3A_454, %ge3A_515 : i32
      %convert_element_type3A_517 = arith.extui %ge3A_516 : i1 to i32
      %cond3A_518 = arith.constant 0 : i32
      %cond3A_519 = arith.cmpi ne, %convert_element_type3A_517, %cond3A_518 : i32
      scf.if %cond3A_519 {
        %sub3A = arith.constant 3 : i32
        %sub3A_554 = arith.subi %add3A_454, %sub3A : i32
        %mul3A_555 = arith.constant 8 : i32
        %mul3A_556 = arith.muli %sub3A_554, %mul3A_555 : i32
        %add3A_557 = arith.addi %mul3A_2, %mul3A_556 : i32
        %dma_wait3A_558 = arith.constant 1 : i32
        %dma_wait3A_559 = arith.constant 1 : i32
        %dma_wait3A_560 = arith.constant 0 : i32
        %dma_wait3A_561 = arith.constant 0 : i32
        %dma_wait3A_562 = tpu.memref_slice %arg5[%dma_wait3A_558, %dma_wait3A_559, %dma_wait3A_560, %dma_wait3A_561] : memref<3x5x8x1024xf32, #tpu.memory_space<vmem>> -> memref<1x4x8x1024xf32, #tpu.memory_space<vmem>>
        %dma_wait3A_563 = tpu.memref_squeeze %dma_wait3A_562 : memref<1x4x8x1024xf32, #tpu.memory_space<vmem>> -> memref<4x8x1024xf32, #tpu.memory_space<vmem>>
        %dma_wait3A_564 = arith.constant 0 : i32
        %dma_wait3A_565 = arith.constant 0 : i32
        %dma_wait3A_566 = tpu.memref_slice %arg4[%dma_wait3A_564, %add3A_557, %dma_wait3A_565] : memref<4x8192x1024xf32, #tpu.memory_space<hbm>> -> memref<4x8x1024xf32, #tpu.memory_space<hbm>>
        %dma_wait3A_567 = arith.constant 0 : i32
        %dma_wait3A_568 = arith.constant 0 : i32
        %dma_wait3A_569 = tpu.memref_slice %arg4[%dma_wait3A_567, %add3A_557, %dma_wait3A_568] : memref<4x8192x1024xf32, #tpu.memory_space<hbm>> -> memref<4x8x1024xf32, #tpu.memory_space<hbm>>
        %dma_wait3A_570 = arith.constant 1 : i32
        %dma_wait3A_571 = arith.constant 0 : i32
        %dma_wait3A_572 = arith.constant 0 : i32
        %dma_wait3A_573 = tpu.memref_slice %arg5[%dma_wait3A_558, %dma_wait3A_570, %dma_wait3A_571, %dma_wait3A_572] : memref<3x5x8x1024xf32, #tpu.memory_space<vmem>> -> memref<1x4x8x1024xf32, #tpu.memory_space<vmem>>
        %dma_wait3A_574 = tpu.memref_squeeze %dma_wait3A_573 : memref<1x4x8x1024xf32, #tpu.memory_space<vmem>> -> memref<4x8x1024xf32, #tpu.memory_space<vmem>>
        tpu.wait_dma2 semaphore(%arg10 : memref<!tpu.dma_semaphore, #tpu.memory_space<semaphore_mem>>) src(%dma_wait3A_574 : memref<4x8x1024xf32, #tpu.memory_space<vmem>>) dst(%dma_wait3A_569 : memref<4x8x1024xf32, #tpu.memory_space<hbm>>)
      } else {
      }
      %mul3A_520 = arith.constant 8 : i32
      %mul3A_521 = arith.muli %add3A_454, %mul3A_520 : i32
      %add3A_522 = arith.addi %mul3A_2, %mul3A_521 : i32
      %dma_start3A_523 = arith.constant 1 : i32
      %dma_start3A_524 = arith.constant 0 : i32
      %dma_start3A_525 = arith.constant 0 : i32
      %dma_start3A_526 = arith.constant 0 : i32
      %dma_start3A_527 = tpu.memref_slice %arg5[%dma_start3A_523, %dma_start3A_524, %dma_start3A_525, %dma_start3A_526] : memref<3x5x8x1024xf32, #tpu.memory_space<vmem>> -> memref<1x1x8x1024xf32, #tpu.memory_space<vmem>>
      %dma_start3A_528 = tpu.memref_squeeze %dma_start3A_527 : memref<1x1x8x1024xf32, #tpu.memory_space<vmem>> -> memref<8x1024xf32, #tpu.memory_space<vmem>>
      %dma_start3A_529 = arith.constant 0 : i32
      %dma_start3A_530 = tpu.memref_slice %arg3[%add3A_522, %dma_start3A_529] : memref<8192x1024xf32, #tpu.memory_space<hbm>> -> memref<8x1024xf32, #tpu.memory_space<hbm>>
      %dma_start3A_531 = arith.constant 0 : i32
      %dma_start3A_532 = arith.constant 0 : i32
      %dma_start3A_533 = tpu.memref_slice %arg5[%dma_start3A_523, %dma_start3A_524, %dma_start3A_531, %dma_start3A_532] : memref<3x5x8x1024xf32, #tpu.memory_space<vmem>> -> memref<1x1x8x1024xf32, #tpu.memory_space<vmem>>
      %dma_start3A_534 = tpu.memref_squeeze %dma_start3A_533 : memref<1x1x8x1024xf32, #tpu.memory_space<vmem>> -> memref<8x1024xf32, #tpu.memory_space<vmem>>
      %dma_start3A_535 = arith.constant 0 : i32
      %dma_start3A_536 = tpu.memref_slice %arg3[%add3A_522, %dma_start3A_535] : memref<8192x1024xf32, #tpu.memory_space<hbm>> -> memref<8x1024xf32, #tpu.memory_space<hbm>>
      tpu.enqueue_dma source(%dma_start3A_536 : memref<8x1024xf32, #tpu.memory_space<hbm>>) target(%dma_start3A_534 : memref<8x1024xf32, #tpu.memory_space<vmem>>) target_semaphore(%arg7 : memref<!tpu.dma_semaphore, #tpu.memory_space<semaphore_mem>>)
      %dma_start3A_537 = arith.constant 1 : i32
      %dma_start3A_538 = arith.constant 1 : i32
      %dma_start3A_539 = arith.constant 0 : i32
      %dma_start3A_540 = arith.constant 0 : i32
      %dma_start3A_541 = tpu.memref_slice %arg5[%dma_start3A_537, %dma_start3A_538, %dma_start3A_539, %dma_start3A_540] : memref<3x5x8x1024xf32, #tpu.memory_space<vmem>> -> memref<1x4x8x1024xf32, #tpu.memory_space<vmem>>
      %dma_start3A_542 = tpu.memref_squeeze %dma_start3A_541 : memref<1x4x8x1024xf32, #tpu.memory_space<vmem>> -> memref<4x8x1024xf32, #tpu.memory_space<vmem>>
      %dma_start3A_543 = arith.constant 0 : i32
      %dma_start3A_544 = arith.constant 0 : i32
      %dma_start3A_545 = tpu.memref_slice %arg2[%dma_start3A_543, %add3A_522, %dma_start3A_544] : memref<4x8192x1024xf32, #tpu.memory_space<hbm>> -> memref<4x8x1024xf32, #tpu.memory_space<hbm>>
      %dma_start3A_546 = arith.constant 1 : i32
      %dma_start3A_547 = arith.constant 0 : i32
      %dma_start3A_548 = arith.constant 0 : i32
      %dma_start3A_549 = tpu.memref_slice %arg5[%dma_start3A_537, %dma_start3A_546, %dma_start3A_547, %dma_start3A_548] : memref<3x5x8x1024xf32, #tpu.memory_space<vmem>> -> memref<1x4x8x1024xf32, #tpu.memory_space<vmem>>
      %dma_start3A_550 = tpu.memref_squeeze %dma_start3A_549 : memref<1x4x8x1024xf32, #tpu.memory_space<vmem>> -> memref<4x8x1024xf32, #tpu.memory_space<vmem>>
      %dma_start3A_551 = arith.constant 0 : i32
      %dma_start3A_552 = arith.constant 0 : i32
      %dma_start3A_553 = tpu.memref_slice %arg2[%dma_start3A_551, %add3A_522, %dma_start3A_552] : memref<4x8192x1024xf32, #tpu.memory_space<hbm>> -> memref<4x8x1024xf32, #tpu.memory_space<hbm>>
      tpu.enqueue_dma source(%dma_start3A_553 : memref<4x8x1024xf32, #tpu.memory_space<hbm>>) target(%dma_start3A_550 : memref<4x8x1024xf32, #tpu.memory_space<vmem>>) target_semaphore(%arg7 : memref<!tpu.dma_semaphore, #tpu.memory_space<semaphore_mem>>)
    }
    %scan3A_72 = arith.constant 10 : i32
    %add3A_73 = arith.constant 240 : i32
    %add3A_74 = arith.addi %mul3A_2, %add3A_73 : i32
    %dma_wait3A = arith.constant 0 : i32
    %dma_wait3A_75 = arith.constant 0 : i32
    %dma_wait3A_76 = arith.constant 0 : i32
    %dma_wait3A_77 = arith.constant 0 : i32
    %dma_wait3A_78 = tpu.memref_slice %arg5[%dma_wait3A, %dma_wait3A_75, %dma_wait3A_76, %dma_wait3A_77] : memref<3x5x8x1024xf32, #tpu.memory_space<vmem>> -> memref<1x1x8x1024xf32, #tpu.memory_space<vmem>>
    %dma_wait3A_79 = tpu.memref_squeeze %dma_wait3A_78 : memref<1x1x8x1024xf32, #tpu.memory_space<vmem>> -> memref<8x1024xf32, #tpu.memory_space<vmem>>
    %dma_wait3A_80 = arith.constant 0 : i32
    %dma_wait3A_81 = tpu.memref_slice %arg3[%add3A_74, %dma_wait3A_80] : memref<8192x1024xf32, #tpu.memory_space<hbm>> -> memref<8x1024xf32, #tpu.memory_space<hbm>>
    %dma_wait3A_82 = arith.constant 0 : i32
    %dma_wait3A_83 = arith.constant 0 : i32
    %dma_wait3A_84 = tpu.memref_slice %arg5[%dma_wait3A, %dma_wait3A_75, %dma_wait3A_82, %dma_wait3A_83] : memref<3x5x8x1024xf32, #tpu.memory_space<vmem>> -> memref<1x1x8x1024xf32, #tpu.memory_space<vmem>>
    %dma_wait3A_85 = tpu.memref_squeeze %dma_wait3A_84 : memref<1x1x8x1024xf32, #tpu.memory_space<vmem>> -> memref<8x1024xf32, #tpu.memory_space<vmem>>
    %dma_wait3A_86 = arith.constant 0 : i32
    %dma_wait3A_87 = tpu.memref_slice %arg3[%add3A_74, %dma_wait3A_86] : memref<8192x1024xf32, #tpu.memory_space<hbm>> -> memref<8x1024xf32, #tpu.memory_space<hbm>>
    tpu.wait_dma2 semaphore(%arg6 : memref<!tpu.dma_semaphore, #tpu.memory_space<semaphore_mem>>) src(%dma_wait3A_87 : memref<8x1024xf32, #tpu.memory_space<hbm>>) dst(%dma_wait3A_85 : memref<8x1024xf32, #tpu.memory_space<vmem>>)
    %dma_wait3A_88 = arith.constant 0 : i32
    %dma_wait3A_89 = arith.constant 1 : i32
    %dma_wait3A_90 = arith.constant 0 : i32
    %dma_wait3A_91 = arith.constant 0 : i32
    %dma_wait3A_92 = tpu.memref_slice %arg5[%dma_wait3A_88, %dma_wait3A_89, %dma_wait3A_90, %dma_wait3A_91] : memref<3x5x8x1024xf32, #tpu.memory_space<vmem>> -> memref<1x4x8x1024xf32, #tpu.memory_space<vmem>>
    %dma_wait3A_93 = tpu.memref_squeeze %dma_wait3A_92 : memref<1x4x8x1024xf32, #tpu.memory_space<vmem>> -> memref<4x8x1024xf32, #tpu.memory_space<vmem>>
    %dma_wait3A_94 = arith.constant 0 : i32
    %dma_wait3A_95 = arith.constant 0 : i32
    %dma_wait3A_96 = tpu.memref_slice %arg2[%dma_wait3A_94, %add3A_74, %dma_wait3A_95] : memref<4x8192x1024xf32, #tpu.memory_space<hbm>> -> memref<4x8x1024xf32, #tpu.memory_space<hbm>>
    %dma_wait3A_97 = arith.constant 1 : i32
    %dma_wait3A_98 = arith.constant 0 : i32
    %dma_wait3A_99 = arith.constant 0 : i32
    %dma_wait3A_100 = tpu.memref_slice %arg5[%dma_wait3A_88, %dma_wait3A_97, %dma_wait3A_98, %dma_wait3A_99] : memref<3x5x8x1024xf32, #tpu.memory_space<vmem>> -> memref<1x4x8x1024xf32, #tpu.memory_space<vmem>>
    %dma_wait3A_101 = tpu.memref_squeeze %dma_wait3A_100 : memref<1x4x8x1024xf32, #tpu.memory_space<vmem>> -> memref<4x8x1024xf32, #tpu.memory_space<vmem>>
    %dma_wait3A_102 = arith.constant 0 : i32
    %dma_wait3A_103 = arith.constant 0 : i32
    %dma_wait3A_104 = tpu.memref_slice %arg2[%dma_wait3A_102, %add3A_74, %dma_wait3A_103] : memref<4x8192x1024xf32, #tpu.memory_space<hbm>> -> memref<4x8x1024xf32, #tpu.memory_space<hbm>>
    tpu.wait_dma2 semaphore(%arg6 : memref<!tpu.dma_semaphore, #tpu.memory_space<semaphore_mem>>) src(%dma_wait3A_104 : memref<4x8x1024xf32, #tpu.memory_space<hbm>>) dst(%dma_wait3A_101 : memref<4x8x1024xf32, #tpu.memory_space<vmem>>)
    %scan3A_105 = arith.constant 0 : i32
    %scan3A_106 = arith.constant 0 : i32
    %scan3A_107 = arith.constant 64 : i32
    %scan3A_108 = arith.addi %scan3A_106, %scan3A_107 : i32
    %scan3A_109 = arith.constant 1 : i32
    scf.for %scan3A_245 = %scan3A_106 to %scan3A_108 step %scan3A_109  : i32 {
      %mul3A_246 = arith.constant 16 : i32
      %mul3A_247 = arith.muli %scan3A_245, %mul3A_246 : i32
      %get3A = arith.constant 0 : i32
      %get3A_248 = arith.constant 0 : i32
      %get3A_249 = arith.constant 0 : i32
      %get3A_250 = arith.index_cast %get3A : i32 to index
      %get3A_251 = arith.index_cast %get3A_248 : i32 to index
      %get3A_252 = arith.index_cast %get3A_249 : i32 to index
      %get3A_253 = arith.index_cast %mul3A_247 : i32 to index
      %get3A_254 = tpu.vector_load %arg5[%get3A_250, %get3A_251, %get3A_252, %get3A_253] {strides = array<i32>} : memref<3x5x8x1024xf32, #tpu.memory_space<vmem>>, vector<1x1x1x16xf32>,
      %get3A_255 = vector.shape_cast %get3A_254 : vector<1x1x1x16xf32> to vector<16xf32>
      %get3A_256 = arith.constant 0 : i32
      %get3A_257 = arith.constant 1 : i32
      %get3A_258 = arith.constant 0 : i32
      %get3A_259 = arith.index_cast %get3A_256 : i32 to index
      %get3A_260 = arith.index_cast %get3A_257 : i32 to index
      %get3A_261 = arith.index_cast %get3A_258 : i32 to index
      %get3A_262 = arith.index_cast %mul3A_247 : i32 to index
      %get3A_263 = tpu.vector_load %arg5[%get3A_259, %get3A_260, %get3A_261, %get3A_262] {strides = array<i32>} : memref<3x5x8x1024xf32, #tpu.memory_space<vmem>>, vector<1x1x1x16xf32>,
      %get3A_264 = vector.shape_cast %get3A_263 : vector<1x1x1x16xf32> to vector<16xf32>
      %add3A_265 = arith.addf %get3A_264, %get3A_255 : vector<16xf32>
      %swap3A = arith.constant 0 : i32
      %swap3A_266 = arith.constant 1 : i32
      %swap3A_267 = arith.constant 0 : i32
      %swap3A_268 = arith.index_cast %swap3A : i32 to index
      %swap3A_269 = arith.index_cast %swap3A_266 : i32 to index
      %swap3A_270 = arith.index_cast %swap3A_267 : i32 to index
      %swap3A_271 = arith.index_cast %mul3A_247 : i32 to index
      %swap3A_272 = tpu.vector_load %arg5[%swap3A_268, %swap3A_269, %swap3A_270, %swap3A_271] {strides = array<i32>} : memref<3x5x8x1024xf32, #tpu.memory_space<vmem>>, vector<1x1x1x16xf32>,
      %swap3A_273 = vector.shape_cast %swap3A_272 : vector<1x1x1x16xf32> to vector<16xf32>
      %swap3A_274 = vector.shape_cast %add3A_265 : vector<16xf32> to vector<1x1x1x16xf32>
      tpu.vector_store %arg5[%swap3A_268, %swap3A_269, %swap3A_270, %swap3A_271], %swap3A_274 {strides = array<i32>} : memref<3x5x8x1024xf32, #tpu.memory_space<vmem>>, vector<1x1x1x16xf32>,
      %get3A_275 = arith.constant 0 : i32
      %get3A_276 = arith.constant 2 : i32
      %get3A_277 = arith.constant 0 : i32
      %get3A_278 = arith.index_cast %get3A_275 : i32 to index
      %get3A_279 = arith.index_cast %get3A_276 : i32 to index
      %get3A_280 = arith.index_cast %get3A_277 : i32 to index
      %get3A_281 = arith.index_cast %mul3A_247 : i32 to index
      %get3A_282 = tpu.vector_load %arg5[%get3A_278, %get3A_279, %get3A_280, %get3A_281] {strides = array<i32>} : memref<3x5x8x1024xf32, #tpu.memory_space<vmem>>, vector<1x1x1x16xf32>,
      %get3A_283 = vector.shape_cast %get3A_282 : vector<1x1x1x16xf32> to vector<16xf32>
      %add3A_284 = arith.addf %get3A_283, %get3A_255 : vector<16xf32>
      %swap3A_285 = arith.constant 0 : i32
      %swap3A_286 = arith.constant 2 : i32
      %swap3A_287 = arith.constant 0 : i32
      %swap3A_288 = arith.index_cast %swap3A_285 : i32 to index
      %swap3A_289 = arith.index_cast %swap3A_286 : i32 to index
      %swap3A_290 = arith.index_cast %swap3A_287 : i32 to index
      %swap3A_291 = arith.index_cast %mul3A_247 : i32 to index
      %swap3A_292 = tpu.vector_load %arg5[%swap3A_288, %swap3A_289, %swap3A_290, %swap3A_291] {strides = array<i32>} : memref<3x5x8x1024xf32, #tpu.memory_space<vmem>>, vector<1x1x1x16xf32>,
      %swap3A_293 = vector.shape_cast %swap3A_292 : vector<1x1x1x16xf32> to vector<16xf32>
      %swap3A_294 = vector.shape_cast %add3A_284 : vector<16xf32> to vector<1x1x1x16xf32>
      tpu.vector_store %arg5[%swap3A_288, %swap3A_289, %swap3A_290, %swap3A_291], %swap3A_294 {strides = array<i32>} : memref<3x5x8x1024xf32, #tpu.memory_space<vmem>>, vector<1x1x1x16xf32>,
      %get3A_295 = arith.constant 0 : i32
      %get3A_296 = arith.constant 3 : i32
      %get3A_297 = arith.constant 0 : i32
      %get3A_298 = arith.index_cast %get3A_295 : i32 to index
      %get3A_299 = arith.index_cast %get3A_296 : i32 to index
      %get3A_300 = arith.index_cast %get3A_297 : i32 to index
      %get3A_301 = arith.index_cast %mul3A_247 : i32 to index
      %get3A_302 = tpu.vector_load %arg5[%get3A_298, %get3A_299, %get3A_300, %get3A_301] {strides = array<i32>} : memref<3x5x8x1024xf32, #tpu.memory_space<vmem>>, vector<1x1x1x16xf32>,
      %get3A_303 = vector.shape_cast %get3A_302 : vector<1x1x1x16xf32> to vector<16xf32>
      %add3A_304 = arith.addf %get3A_303, %get3A_255 : vector<16xf32>
      %swap3A_305 = arith.constant 0 : i32
      %swap3A_306 = arith.constant 3 : i32
      %swap3A_307 = arith.constant 0 : i32
      %swap3A_308 = arith.index_cast %swap3A_305 : i32 to index
      %swap3A_309 = arith.index_cast %swap3A_306 : i32 to index
      %swap3A_310 = arith.index_cast %swap3A_307 : i32 to index
      %swap3A_311 = arith.index_cast %mul3A_247 : i32 to index
      %swap3A_312 = tpu.vector_load %arg5[%swap3A_308, %swap3A_309, %swap3A_310, %swap3A_311] {strides = array<i32>} : memref<3x5x8x1024xf32, #tpu.memory_space<vmem>>, vector<1x1x1x16xf32>,
      %swap3A_313 = vector.shape_cast %swap3A_312 : vector<1x1x1x16xf32> to vector<16xf32>
      %swap3A_314 = vector.shape_cast %add3A_304 : vector<16xf32> to vector<1x1x1x16xf32>
      tpu.vector_store %arg5[%swap3A_308, %swap3A_309, %swap3A_310, %swap3A_311], %swap3A_314 {strides = array<i32>} : memref<3x5x8x1024xf32, #tpu.memory_space<vmem>>, vector<1x1x1x16xf32>,
      %get3A_315 = arith.constant 0 : i32
      %get3A_316 = arith.constant 4 : i32
      %get3A_317 = arith.constant 0 : i32
      %get3A_318 = arith.index_cast %get3A_315 : i32 to index
      %get3A_319 = arith.index_cast %get3A_316 : i32 to index
      %get3A_320 = arith.index_cast %get3A_317 : i32 to index
      %get3A_321 = arith.index_cast %mul3A_247 : i32 to index
      %get3A_322 = tpu.vector_load %arg5[%get3A_318, %get3A_319, %get3A_320, %get3A_321] {strides = array<i32>} : memref<3x5x8x1024xf32, #tpu.memory_space<vmem>>, vector<1x1x1x16xf32>,
      %get3A_323 = vector.shape_cast %get3A_322 : vector<1x1x1x16xf32> to vector<16xf32>
      %add3A_324 = arith.addf %get3A_323, %get3A_255 : vector<16xf32>
      %swap3A_325 = arith.constant 0 : i32
      %swap3A_326 = arith.constant 4 : i32
      %swap3A_327 = arith.constant 0 : i32
      %swap3A_328 = arith.index_cast %swap3A_325 : i32 to index
      %swap3A_329 = arith.index_cast %swap3A_326 : i32 to index
      %swap3A_330 = arith.index_cast %swap3A_327 : i32 to index
      %swap3A_331 = arith.index_cast %mul3A_247 : i32 to index
      %swap3A_332 = tpu.vector_load %arg5[%swap3A_328, %swap3A_329, %swap3A_330, %swap3A_331] {strides = array<i32>} : memref<3x5x8x1024xf32, #tpu.memory_space<vmem>>, vector<1x1x1x16xf32>,
      %swap3A_333 = vector.shape_cast %swap3A_332 : vector<1x1x1x16xf32> to vector<16xf32>
      %swap3A_334 = vector.shape_cast %add3A_324 : vector<16xf32> to vector<1x1x1x16xf32>
      tpu.vector_store %arg5[%swap3A_328, %swap3A_329, %swap3A_330, %swap3A_331], %swap3A_334 {strides = array<i32>} : memref<3x5x8x1024xf32, #tpu.memory_space<vmem>>, vector<1x1x1x16xf32>,
      %get3A_335 = arith.constant 0 : i32
      %get3A_336 = arith.constant 0 : i32
      %get3A_337 = arith.constant 1 : i32
      %get3A_338 = arith.index_cast %get3A_335 : i32 to index
      %get3A_339 = arith.index_cast %get3A_336 : i32 to index
      %get3A_340 = arith.index_cast %get3A_337 : i32 to index
      %get3A_341 = arith.index_cast %mul3A_247 : i32 to index
      %get3A_342 = tpu.vector_load %arg5[%get3A_338, %get3A_339, %get3A_340, %get3A_341] {strides = array<i32>} : memref<3x5x8x1024xf32, #tpu.memory_space<vmem>>, vector<1x1x1x16xf32>,
      %get3A_343 = vector.shape_cast %get3A_342 : vector<1x1x1x16xf32> to vector<16xf32>
      %get3A_344 = arith.constant 0 : i32
      %get3A_345 = arith.constant 1 : i32
      %get3A_346 = arith.constant 1 : i32
      %get3A_347 = arith.index_cast %get3A_344 : i32 to index
      %get3A_348 = arith.index_cast %get3A_345 : i32 to index
      %get3A_349 = arith.index_cast %get3A_346 : i32 to index
      %get3A_350 = arith.index_cast %mul3A_247 : i32 to index
      %get3A_351 = tpu.vector_load %arg5[%get3A_347, %get3A_348, %get3A_349, %get3A_350] {strides = array<i32>} : memref<3x5x8x1024xf32, #tpu.memory_space<vmem>>, vector<1x1x1x16xf32>,
      %get3A_352 = vector.shape_cast %get3A_351 : vector<1x1x1x16xf32> to vector<16xf32>
      %add3A_353 = arith.addf %get3A_352, %get3A_343 : vector<16xf32>
      %swap3A_354 = arith.constant 0 : i32
      %swap3A_355 = arith.constant 1 : i32
      %swap3A_356 = arith.constant 1 : i32
      %swap3A_357 = arith.index_cast %swap3A_354 : i32 to index
      %swap3A_358 = arith.index_cast %swap3A_355 : i32 to index
      %swap3A_359 = arith.index_cast %swap3A_356 : i32 to index
      %swap3A_360 = arith.index_cast %mul3A_247 : i32 to index
      %swap3A_361 = tpu.vector_load %arg5[%swap3A_357, %swap3A_358, %swap3A_359, %swap3A_360] {strides = array<i32>} : memref<3x5x8x1024xf32, #tpu.memory_space<vmem>>, vector<1x1x1x16xf32>,
      %swap3A_362 = vector.shape_cast %swap3A_361 : vector<1x1x1x16xf32> to vector<16xf32>
      %swap3A_363 = vector.shape_cast %add3A_353 : vector<16xf32> to vector<1x1x1x16xf32>
      tpu.vector_store %arg5[%swap3A_357, %swap3A_358, %swap3A_359, %swap3A_360], %swap3A_363 {strides = array<i32>} : memref<3x5x8x1024xf32, #tpu.memory_space<vmem>>, vector<1x1x1x16xf32>,
      %get3A_364 = arith.constant 0 : i32
      %get3A_365 = arith.constant 2 : i32
      %get3A_366 = arith.constant 1 : i32
      %get3A_367 = arith.index_cast %get3A_364 : i32 to index
      %get3A_368 = arith.index_cast %get3A_365 : i32 to index
      %get3A_369 = arith.index_cast %get3A_366 : i32 to index
      %get3A_370 = arith.index_cast %mul3A_247 : i32 to index
      %get3A_371 = tpu.vector_load %arg5[%get3A_367, %get3A_368, %get3A_369, %get3A_370] {strides = array<i32>} : memref<3x5x8x1024xf32, #tpu.memory_space<vmem>>, vector<1x1x1x16xf32>,
      %get3A_372 = vector.shape_cast %get3A_371 : vector<1x1x1x16xf32> to vector<16xf32>
      %add3A_373 = arith.addf %get3A_372, %get3A_343 : vector<16xf32>
      %swap3A_374 = arith.constant 0 : i32
      %swap3A_375 = arith.constant 2 : i32
      %swap3A_376 = arith.constant 1 : i32
      %swap3A_377 = arith.index_cast %swap3A_374 : i32 to index
      %swap3A_378 = arith.index_cast %swap3A_375 : i32 to index
      %swap3A_379 = arith.index_cast %swap3A_376 : i32 to index
      %swap3A_380 = arith.index_cast %mul3A_247 : i32 to index
      %swap3A_381 = tpu.vector_load %arg5[%swap3A_377, %swap3A_378, %swap3A_379, %swap3A_380] {strides = array<i32>} : memref<3x5x8x1024xf32, #tpu.memory_space<vmem>>, vector<1x1x1x16xf32>,
      %swap3A_382 = vector.shape_cast %swap3A_381 : vector<1x1x1x16xf32> to vector<16xf32>
      %swap3A_383 = vector.shape_cast %add3A_373 : vector<16xf32> to vector<1x1x1x16xf32>
      tpu.vector_store %arg5[%swap3A_377, %swap3A_378, %swap3A_379, %swap3A_380], %swap3A_383 {strides = array<i32>} : memref<3x5x8x1024xf32, #tpu.memory_space<vmem>>, vector<1x1x1x16xf32>,
      %get3A_384 = arith.constant 0 : i32
      %get3A_385 = arith.constant 3 : i32
      %get3A_386 = arith.constant 1 : i32
      %get3A_387 = arith.index_cast %get3A_384 : i32 to index
      %get3A_388 = arith.index_cast %get3A_385 : i32 to index
      %get3A_389 = arith.index_cast %get3A_386 : i32 to index
      %get3A_390 = arith.index_cast %mul3A_247 : i32 to index
      %get3A_391 = tpu.vector_load %arg5[%get3A_387, %get3A_388, %get3A_389, %get3A_390] {strides = array<i32>} : memref<3x5x8x1024xf32, #tpu.memory_space<vmem>>, vector<1x1x1x16xf32>,
      %get3A_392 = vector.shape_cast %get3A_391 : vector<1x1x1x16xf32> to vector<16xf32>
      %add3A_393 = arith.addf %get3A_392, %get3A_343 : vector<16xf32>
      %swap3A_394 = arith.constant 0 : i32
      %swap3A_395 = arith.constant 3 : i32
      %swap3A_396 = arith.constant 1 : i32
      %swap3A_397 = arith.index_cast %swap3A_394 : i32 to index
      %swap3A_398 = arith.index_cast %swap3A_395 : i32 to index
      %swap3A_399 = arith.index_cast %swap3A_396 : i32 to index
      %swap3A_400 = arith.index_cast %mul3A_247 : i32 to index
      %swap3A_401 = tpu.vector_load %arg5[%swap3A_397, %swap3A_398, %swap3A_399, %swap3A_400] {strides = array<i32>} : memref<3x5x8x1024xf32, #tpu.memory_space<vmem>>, vector<1x1x1x16xf32>,
      %swap3A_402 = vector.shape_cast %swap3A_401 : vector<1x1x1x16xf32> to vector<16xf32>
      %swap3A_403 = vector.shape_cast %add3A_393 : vector<16xf32> to vector<1x1x1x16xf32>
      tpu.vector_store %arg5[%swap3A_397, %swap3A_398, %swap3A_399, %swap3A_400], %swap3A_403 {strides = array<i32>} : memref<3x5x8x1024xf32, #tpu.memory_space<vmem>>, vector<1x1x1x16xf32>,
      %get3A_404 = arith.constant 0 : i32
      %get3A_405 = arith.constant 4 : i32
      %get3A_406 = arith.constant 1 : i32
      %get3A_407 = arith.index_cast %get3A_404 : i32 to index
      %get3A_408 = arith.index_cast %get3A_405 : i32 to index
      %get3A_409 = arith.index_cast %get3A_406 : i32 to index
      %get3A_410 = arith.index_cast %mul3A_247 : i32 to index
      %get3A_411 = tpu.vector_load %arg5[%get3A_407, %get3A_408, %get3A_409, %get3A_410] {strides = array<i32>} : memref<3x5x8x1024xf32, #tpu.memory_space<vmem>>, vector<1x1x1x16xf32>,
      %get3A_412 = vector.shape_cast %get3A_411 : vector<1x1x1x16xf32> to vector<16xf32>
      %add3A_413 = arith.addf %get3A_412, %get3A_343 : vector<16xf32>
      %swap3A_414 = arith.constant 0 : i32
      %swap3A_415 = arith.constant 4 : i32
      %swap3A_416 = arith.constant 1 : i32
      %swap3A_417 = arith.index_cast %swap3A_414 : i32 to index
      %swap3A_418 = arith.index_cast %swap3A_415 : i32 to index
      %swap3A_419 = arith.index_cast %swap3A_416 : i32 to index
      %swap3A_420 = arith.index_cast %mul3A_247 : i32 to index
      %swap3A_421 = tpu.vector_load %arg5[%swap3A_417, %swap3A_418, %swap3A_419, %swap3A_420] {strides = array<i32>} : memref<3x5x8x1024xf32, #tpu.memory_space<vmem>>, vector<1x1x1x16xf32>,
      %swap3A_422 = vector.shape_cast %swap3A_421 : vector<1x1x1x16xf32> to vector<16xf32>
      %swap3A_423 = vector.shape_cast %add3A_413 : vector<16xf32> to vector<1x1x1x16xf32>
      tpu.vector_store %arg5[%swap3A_417, %swap3A_418, %swap3A_419, %swap3A_420], %swap3A_423 {strides = array<i32>} : memref<3x5x8x1024xf32, #tpu.memory_space<vmem>>, vector<1x1x1x16xf32>,
      %get3A_424 = arith.constant 0 : i32
      %get3A_425 = arith.constant 0 : i32
      %get3A_426 = arith.constant 2 : i32
      %get3A_427 = arith.index_cast %get3A_424 : i32 to index
      %get3A_428 = arith.index_cast %get3A_425 : i32 to index
      %get3A_429 = arith.index_cast %get3A_426 : i32 to index
      %get3A_430 = arith.index_cast %mul3A_247 : i32 to index
      %get3A_431 = tpu.vector_load %arg5[%get3A_427, %get3A_428, %get3A_429, %get3A_430] {strides = array<i32>} : memref<3x5x8x1024xf32, #tpu.memory_space<vmem>>, vector<1x1x1x16xf32>,
      %get3A_432 = vector.shape_cast %get3A_431 : vector<1x1x1x16xf32> to vector<16xf32>
      %get3A_433 = arith.constant 0 : i32
      %get3A_434 = arith.constant 1 : i32
      %get3A_435 = arith.constant 2 : i32
      %get3A_436 = arith.index_cast %get3A_433 : i32 to index
      %get3A_437 = arith.index_cast %get3A_434 : i32 to index
      %get3A_438 = arith.index_cast %get3A_435 : i32 to index
      %get3A_439 = arith.index_cast %mul3A_247 : i32 to index
      %get3A_440 = tpu.vector_load %arg5[%get3A_436, %get3A_437, %get3A_438, %get3A_439] {strides = array<i32>} : memref<3x5x8x1024xf32, #tpu.memory_space<vmem>>, vector<1x1x1x16xf32>,
      %get3A_441 = vector.shape_cast %get3A_440 : vector<1x1x1x16xf32> to vector<16xf32>
      %add3A_442 = arith.addf %get3A_441, %get3A_432 : vector<16xf32>
      %swap3A_443 = arith.constant 0 : i32
      %swap3A_444 = arith.constant 1 : i32
      %swap3A_445 = arith.constant 2 : i32
      %swap3A_446 = arith.index_cast %swap3A_443 : i32 to index
      %swap3A_447 = arith.index_cast %swap3A_444 : i32 to index
      %swap3A_448 = arith.index_cast %swap3A_445 : i32 to index
      %swap3A_449 = arith.index_cast %mul3A_247 : i32 to index
      %swap3A_450 = tpu.vector_load %arg5[%swap3A_446, %swap3A_447, %swap3A_448, %swap3A_449] {strides = array<i32>} : memref<3x5x8x1024xf32, #tpu.memory_space<vmem>>, vector<1x1x1x16xf32>,
      %swap3A_451 = vector.shape_cast %swap3A_450 : vector<1x1x1x16xf32> to vector<16xf32>
      %swap3A_452 = vector.shape_cast %add3A_442 : vector<16xf32> to vector<1x1x1x16xf32>
      tpu.vector_store %arg5[%swap3A_446, %swap3A_447, %swap3A_448, %swap3A_449], %swap3A_452 {strides = array<i32>} : memref<3x5x8x1024xf32, #tpu.memory_space<vmem>>, vector<1x1x1x16xf32>,
      %get3A_453 = arith.constant 0 : i32
      %get3A_454 = arith.constant 2 : i32
      %get3A_455 = arith.constant 2 : i32
      %get3A_456 = arith.index_cast %get3A_453 : i32 to index
      %get3A_457 = arith.index_cast %get3A_454 : i32 to index
      %get3A_458 = arith.index_cast %get3A_455 : i32 to index
      %get3A_459 = arith.index_cast %mul3A_247 : i32 to index
      %get3A_460 = tpu.vector_load %arg5[%get3A_456, %get3A_457, %get3A_458, %get3A_459] {strides = array<i32>} : memref<3x5x8x1024xf32, #tpu.memory_space<vmem>>, vector<1x1x1x16xf32>,
      %get3A_461 = vector.shape_cast %get3A_460 : vector<1x1x1x16xf32> to vector<16xf32>
      %add3A_462 = arith.addf %get3A_461, %get3A_432 : vector<16xf32>
      %swap3A_463 = arith.constant 0 : i32
      %swap3A_464 = arith.constant 2 : i32
      %swap3A_465 = arith.constant 2 : i32
      %swap3A_466 = arith.index_cast %swap3A_463 : i32 to index
      %swap3A_467 = arith.index_cast %swap3A_464 : i32 to index
      %swap3A_468 = arith.index_cast %swap3A_465 : i32 to index
      %swap3A_469 = arith.index_cast %mul3A_247 : i32 to index
      %swap3A_470 = tpu.vector_load %arg5[%swap3A_466, %swap3A_467, %swap3A_468, %swap3A_469] {strides = array<i32>} : memref<3x5x8x1024xf32, #tpu.memory_space<vmem>>, vector<1x1x1x16xf32>,
      %swap3A_471 = vector.shape_cast %swap3A_470 : vector<1x1x1x16xf32> to vector<16xf32>
      %swap3A_472 = vector.shape_cast %add3A_462 : vector<16xf32> to vector<1x1x1x16xf32>
      tpu.vector_store %arg5[%swap3A_466, %swap3A_467, %swap3A_468, %swap3A_469], %swap3A_472 {strides = array<i32>} : memref<3x5x8x1024xf32, #tpu.memory_space<vmem>>, vector<1x1x1x16xf32>,
      %get3A_473 = arith.constant 0 : i32
      %get3A_474 = arith.constant 3 : i32
      %get3A_475 = arith.constant 2 : i32
      %get3A_476 = arith.index_cast %get3A_473 : i32 to index
      %get3A_477 = arith.index_cast %get3A_474 : i32 to index
      %get3A_478 = arith.index_cast %get3A_475 : i32 to index
      %get3A_479 = arith.index_cast %mul3A_247 : i32 to index
      %get3A_480 = tpu.vector_load %arg5[%get3A_476, %get3A_477, %get3A_478, %get3A_479] {strides = array<i32>} : memref<3x5x8x1024xf32, #tpu.memory_space<vmem>>, vector<1x1x1x16xf32>,
      %get3A_481 = vector.shape_cast %get3A_480 : vector<1x1x1x16xf32> to vector<16xf32>
      %add3A_482 = arith.addf %get3A_481, %get3A_432 : vector<16xf32>
      %swap3A_483 = arith.constant 0 : i32
      %swap3A_484 = arith.constant 3 : i32
      %swap3A_485 = arith.constant 2 : i32
      %swap3A_486 = arith.index_cast %swap3A_483 : i32 to index
      %swap3A_487 = arith.index_cast %swap3A_484 : i32 to index
      %swap3A_488 = arith.index_cast %swap3A_485 : i32 to index
      %swap3A_489 = arith.index_cast %mul3A_247 : i32 to index
      %swap3A_490 = tpu.vector_load %arg5[%swap3A_486, %swap3A_487, %swap3A_488, %swap3A_489] {strides = array<i32>} : memref<3x5x8x1024xf32, #tpu.memory_space<vmem>>, vector<1x1x1x16xf32>,
      %swap3A_491 = vector.shape_cast %swap3A_490 : vector<1x1x1x16xf32> to vector<16xf32>
      %swap3A_492 = vector.shape_cast %add3A_482 : vector<16xf32> to vector<1x1x1x16xf32>
      tpu.vector_store %arg5[%swap3A_486, %swap3A_487, %swap3A_488, %swap3A_489], %swap3A_492 {strides = array<i32>} : memref<3x5x8x1024xf32, #tpu.memory_space<vmem>>, vector<1x1x1x16xf32>,
      %get3A_493 = arith.constant 0 : i32
      %get3A_494 = arith.constant 4 : i32
      %get3A_495 = arith.constant 2 : i32
      %get3A_496 = arith.index_cast %get3A_493 : i32 to index
      %get3A_497 = arith.index_cast %get3A_494 : i32 to index
      %get3A_498 = arith.index_cast %get3A_495 : i32 to index
      %get3A_499 = arith.index_cast %mul3A_247 : i32 to index
      %get3A_500 = tpu.vector_load %arg5[%get3A_496, %get3A_497, %get3A_498, %get3A_499] {strides = array<i32>} : memref<3x5x8x1024xf32, #tpu.memory_space<vmem>>, vector<1x1x1x16xf32>,
      %get3A_501 = vector.shape_cast %get3A_500 : vector<1x1x1x16xf32> to vector<16xf32>
      %add3A_502 = arith.addf %get3A_501, %get3A_432 : vector<16xf32>
      %swap3A_503 = arith.constant 0 : i32
      %swap3A_504 = arith.constant 4 : i32
      %swap3A_505 = arith.constant 2 : i32
      %swap3A_506 = arith.index_cast %swap3A_503 : i32 to index
      %swap3A_507 = arith.index_cast %swap3A_504 : i32 to index
      %swap3A_508 = arith.index_cast %swap3A_505 : i32 to index
      %swap3A_509 = arith.index_cast %mul3A_247 : i32 to index
      %swap3A_510 = tpu.vector_load %arg5[%swap3A_506, %swap3A_507, %swap3A_508, %swap3A_509] {strides = array<i32>} : memref<3x5x8x1024xf32, #tpu.memory_space<vmem>>, vector<1x1x1x16xf32>,
      %swap3A_511 = vector.shape_cast %swap3A_510 : vector<1x1x1x16xf32> to vector<16xf32>
      %swap3A_512 = vector.shape_cast %add3A_502 : vector<16xf32> to vector<1x1x1x16xf32>
      tpu.vector_store %arg5[%swap3A_506, %swap3A_507, %swap3A_508, %swap3A_509], %swap3A_512 {strides = array<i32>} : memref<3x5x8x1024xf32, #tpu.memory_space<vmem>>, vector<1x1x1x16xf32>,
      %get3A_513 = arith.constant 0 : i32
      %get3A_514 = arith.constant 0 : i32
      %get3A_515 = arith.constant 3 : i32
      %get3A_516 = arith.index_cast %get3A_513 : i32 to index
      %get3A_517 = arith.index_cast %get3A_514 : i32 to index
      %get3A_518 = arith.index_cast %get3A_515 : i32 to index
      %get3A_519 = arith.index_cast %mul3A_247 : i32 to index
      %get3A_520 = tpu.vector_load %arg5[%get3A_516, %get3A_517, %get3A_518, %get3A_519] {strides = array<i32>} : memref<3x5x8x1024xf32, #tpu.memory_space<vmem>>, vector<1x1x1x16xf32>,
      %get3A_521 = vector.shape_cast %get3A_520 : vector<1x1x1x16xf32> to vector<16xf32>
      %get3A_522 = arith.constant 0 : i32
      %get3A_523 = arith.constant 1 : i32
      %get3A_524 = arith.constant 3 : i32
      %get3A_525 = arith.index_cast %get3A_522 : i32 to index
      %get3A_526 = arith.index_cast %get3A_523 : i32 to index
      %get3A_527 = arith.index_cast %get3A_524 : i32 to index
      %get3A_528 = arith.index_cast %mul3A_247 : i32 to index
      %get3A_529 = tpu.vector_load %arg5[%get3A_525, %get3A_526, %get3A_527, %get3A_528] {strides = array<i32>} : memref<3x5x8x1024xf32, #tpu.memory_space<vmem>>, vector<1x1x1x16xf32>,
      %get3A_530 = vector.shape_cast %get3A_529 : vector<1x1x1x16xf32> to vector<16xf32>
      %add3A_531 = arith.addf %get3A_530, %get3A_521 : vector<16xf32>
      %swap3A_532 = arith.constant 0 : i32
      %swap3A_533 = arith.constant 1 : i32
      %swap3A_534 = arith.constant 3 : i32
      %swap3A_535 = arith.index_cast %swap3A_532 : i32 to index
      %swap3A_536 = arith.index_cast %swap3A_533 : i32 to index
      %swap3A_537 = arith.index_cast %swap3A_534 : i32 to index
      %swap3A_538 = arith.index_cast %mul3A_247 : i32 to index
      %swap3A_539 = tpu.vector_load %arg5[%swap3A_535, %swap3A_536, %swap3A_537, %swap3A_538] {strides = array<i32>} : memref<3x5x8x1024xf32, #tpu.memory_space<vmem>>, vector<1x1x1x16xf32>,
      %swap3A_540 = vector.shape_cast %swap3A_539 : vector<1x1x1x16xf32> to vector<16xf32>
      %swap3A_541 = vector.shape_cast %add3A_531 : vector<16xf32> to vector<1x1x1x16xf32>
      tpu.vector_store %arg5[%swap3A_535, %swap3A_536, %swap3A_537, %swap3A_538], %swap3A_541 {strides = array<i32>} : memref<3x5x8x1024xf32, #tpu.memory_space<vmem>>, vector<1x1x1x16xf32>,
      %get3A_542 = arith.constant 0 : i32
      %get3A_543 = arith.constant 2 : i32
      %get3A_544 = arith.constant 3 : i32
      %get3A_545 = arith.index_cast %get3A_542 : i32 to index
      %get3A_546 = arith.index_cast %get3A_543 : i32 to index
      %get3A_547 = arith.index_cast %get3A_544 : i32 to index
      %get3A_548 = arith.index_cast %mul3A_247 : i32 to index
      %get3A_549 = tpu.vector_load %arg5[%get3A_545, %get3A_546, %get3A_547, %get3A_548] {strides = array<i32>} : memref<3x5x8x1024xf32, #tpu.memory_space<vmem>>, vector<1x1x1x16xf32>,
      %get3A_550 = vector.shape_cast %get3A_549 : vector<1x1x1x16xf32> to vector<16xf32>
      %add3A_551 = arith.addf %get3A_550, %get3A_521 : vector<16xf32>
      %swap3A_552 = arith.constant 0 : i32
      %swap3A_553 = arith.constant 2 : i32
      %swap3A_554 = arith.constant 3 : i32
      %swap3A_555 = arith.index_cast %swap3A_552 : i32 to index
      %swap3A_556 = arith.index_cast %swap3A_553 : i32 to index
      %swap3A_557 = arith.index_cast %swap3A_554 : i32 to index
      %swap3A_558 = arith.index_cast %mul3A_247 : i32 to index
      %swap3A_559 = tpu.vector_load %arg5[%swap3A_555, %swap3A_556, %swap3A_557, %swap3A_558] {strides = array<i32>} : memref<3x5x8x1024xf32, #tpu.memory_space<vmem>>, vector<1x1x1x16xf32>,
      %swap3A_560 = vector.shape_cast %swap3A_559 : vector<1x1x1x16xf32> to vector<16xf32>
      %swap3A_561 = vector.shape_cast %add3A_551 : vector<16xf32> to vector<1x1x1x16xf32>
      tpu.vector_store %arg5[%swap3A_555, %swap3A_556, %swap3A_557, %swap3A_558], %swap3A_561 {strides = array<i32>} : memref<3x5x8x1024xf32, #tpu.memory_space<vmem>>, vector<1x1x1x16xf32>,
      %get3A_562 = arith.constant 0 : i32
      %get3A_563 = arith.constant 3 : i32
      %get3A_564 = arith.constant 3 : i32
      %get3A_565 = arith.index_cast %get3A_562 : i32 to index
      %get3A_566 = arith.index_cast %get3A_563 : i32 to index
      %get3A_567 = arith.index_cast %get3A_564 : i32 to index
      %get3A_568 = arith.index_cast %mul3A_247 : i32 to index
      %get3A_569 = tpu.vector_load %arg5[%get3A_565, %get3A_566, %get3A_567, %get3A_568] {strides = array<i32>} : memref<3x5x8x1024xf32, #tpu.memory_space<vmem>>, vector<1x1x1x16xf32>,
      %get3A_570 = vector.shape_cast %get3A_569 : vector<1x1x1x16xf32> to vector<16xf32>
      %add3A_571 = arith.addf %get3A_570, %get3A_521 : vector<16xf32>
      %swap3A_572 = arith.constant 0 : i32
      %swap3A_573 = arith.constant 3 : i32
      %swap3A_574 = arith.constant 3 : i32
      %swap3A_575 = arith.index_cast %swap3A_572 : i32 to index
      %swap3A_576 = arith.index_cast %swap3A_573 : i32 to index
      %swap3A_577 = arith.index_cast %swap3A_574 : i32 to index
      %swap3A_578 = arith.index_cast %mul3A_247 : i32 to index
      %swap3A_579 = tpu.vector_load %arg5[%swap3A_575, %swap3A_576, %swap3A_577, %swap3A_578] {strides = array<i32>} : memref<3x5x8x1024xf32, #tpu.memory_space<vmem>>, vector<1x1x1x16xf32>,
      %swap3A_580 = vector.shape_cast %swap3A_579 : vector<1x1x1x16xf32> to vector<16xf32>
      %swap3A_581 = vector.shape_cast %add3A_571 : vector<16xf32> to vector<1x1x1x16xf32>
      tpu.vector_store %arg5[%swap3A_575, %swap3A_576, %swap3A_577, %swap3A_578], %swap3A_581 {strides = array<i32>} : memref<3x5x8x1024xf32, #tpu.memory_space<vmem>>, vector<1x1x1x16xf32>,
      %get3A_582 = arith.constant 0 : i32
      %get3A_583 = arith.constant 4 : i32
      %get3A_584 = arith.constant 3 : i32
      %get3A_585 = arith.index_cast %get3A_582 : i32 to index
      %get3A_586 = arith.index_cast %get3A_583 : i32 to index
      %get3A_587 = arith.index_cast %get3A_584 : i32 to index
      %get3A_588 = arith.index_cast %mul3A_247 : i32 to index
      %get3A_589 = tpu.vector_load %arg5[%get3A_585, %get3A_586, %get3A_587, %get3A_588] {strides = array<i32>} : memref<3x5x8x1024xf32, #tpu.memory_space<vmem>>, vector<1x1x1x16xf32>,
      %get3A_590 = vector.shape_cast %get3A_589 : vector<1x1x1x16xf32> to vector<16xf32>
      %add3A_591 = arith.addf %get3A_590, %get3A_521 : vector<16xf32>
      %swap3A_592 = arith.constant 0 : i32
      %swap3A_593 = arith.constant 4 : i32
      %swap3A_594 = arith.constant 3 : i32
      %swap3A_595 = arith.index_cast %swap3A_592 : i32 to index
      %swap3A_596 = arith.index_cast %swap3A_593 : i32 to index
      %swap3A_597 = arith.index_cast %swap3A_594 : i32 to index
      %swap3A_598 = arith.index_cast %mul3A_247 : i32 to index
      %swap3A_599 = tpu.vector_load %arg5[%swap3A_595, %swap3A_596, %swap3A_597, %swap3A_598] {strides = array<i32>} : memref<3x5x8x1024xf32, #tpu.memory_space<vmem>>, vector<1x1x1x16xf32>,
      %swap3A_600 = vector.shape_cast %swap3A_599 : vector<1x1x1x16xf32> to vector<16xf32>
      %swap3A_601 = vector.shape_cast %add3A_591 : vector<16xf32> to vector<1x1x1x16xf32>
      tpu.vector_store %arg5[%swap3A_595, %swap3A_596, %swap3A_597, %swap3A_598], %swap3A_601 {strides = array<i32>} : memref<3x5x8x1024xf32, #tpu.memory_space<vmem>>, vector<1x1x1x16xf32>,
      %get3A_602 = arith.constant 0 : i32
      %get3A_603 = arith.constant 0 : i32
      %get3A_604 = arith.constant 4 : i32
      %get3A_605 = arith.index_cast %get3A_602 : i32 to index
      %get3A_606 = arith.index_cast %get3A_603 : i32 to index
      %get3A_607 = arith.index_cast %get3A_604 : i32 to index
      %get3A_608 = arith.index_cast %mul3A_247 : i32 to index
      %get3A_609 = tpu.vector_load %arg5[%get3A_605, %get3A_606, %get3A_607, %get3A_608] {strides = array<i32>} : memref<3x5x8x1024xf32, #tpu.memory_space<vmem>>, vector<1x1x1x16xf32>,
      %get3A_610 = vector.shape_cast %get3A_609 : vector<1x1x1x16xf32> to vector<16xf32>
      %get3A_611 = arith.constant 0 : i32
      %get3A_612 = arith.constant 1 : i32
      %get3A_613 = arith.constant 4 : i32
      %get3A_614 = arith.index_cast %get3A_611 : i32 to index
      %get3A_615 = arith.index_cast %get3A_612 : i32 to index
      %get3A_616 = arith.index_cast %get3A_613 : i32 to index
      %get3A_617 = arith.index_cast %mul3A_247 : i32 to index
      %get3A_618 = tpu.vector_load %arg5[%get3A_614, %get3A_615, %get3A_616, %get3A_617] {strides = array<i32>} : memref<3x5x8x1024xf32, #tpu.memory_space<vmem>>, vector<1x1x1x16xf32>,
      %get3A_619 = vector.shape_cast %get3A_618 : vector<1x1x1x16xf32> to vector<16xf32>
      %add3A_620 = arith.addf %get3A_619, %get3A_610 : vector<16xf32>
      %swap3A_621 = arith.constant 0 : i32
      %swap3A_622 = arith.constant 1 : i32
      %swap3A_623 = arith.constant 4 : i32
      %swap3A_624 = arith.index_cast %swap3A_621 : i32 to index
      %swap3A_625 = arith.index_cast %swap3A_622 : i32 to index
      %swap3A_626 = arith.index_cast %swap3A_623 : i32 to index
      %swap3A_627 = arith.index_cast %mul3A_247 : i32 to index
      %swap3A_628 = tpu.vector_load %arg5[%swap3A_624, %swap3A_625, %swap3A_626, %swap3A_627] {strides = array<i32>} : memref<3x5x8x1024xf32, #tpu.memory_space<vmem>>, vector<1x1x1x16xf32>,
      %swap3A_629 = vector.shape_cast %swap3A_628 : vector<1x1x1x16xf32> to vector<16xf32>
      %swap3A_630 = vector.shape_cast %add3A_620 : vector<16xf32> to vector<1x1x1x16xf32>
      tpu.vector_store %arg5[%swap3A_624, %swap3A_625, %swap3A_626, %swap3A_627], %swap3A_630 {strides = array<i32>} : memref<3x5x8x1024xf32, #tpu.memory_space<vmem>>, vector<1x1x1x16xf32>,
      %get3A_631 = arith.constant 0 : i32
      %get3A_632 = arith.constant 2 : i32
      %get3A_633 = arith.constant 4 : i32
      %get3A_634 = arith.index_cast %get3A_631 : i32 to index
      %get3A_635 = arith.index_cast %get3A_632 : i32 to index
      %get3A_636 = arith.index_cast %get3A_633 : i32 to index
      %get3A_637 = arith.index_cast %mul3A_247 : i32 to index
      %get3A_638 = tpu.vector_load %arg5[%get3A_634, %get3A_635, %get3A_636, %get3A_637] {strides = array<i32>} : memref<3x5x8x1024xf32, #tpu.memory_space<vmem>>, vector<1x1x1x16xf32>,
      %get3A_639 = vector.shape_cast %get3A_638 : vector<1x1x1x16xf32> to vector<16xf32>
      %add3A_640 = arith.addf %get3A_639, %get3A_610 : vector<16xf32>
      %swap3A_641 = arith.constant 0 : i32
      %swap3A_642 = arith.constant 2 : i32
      %swap3A_643 = arith.constant 4 : i32
      %swap3A_644 = arith.index_cast %swap3A_641 : i32 to index
      %swap3A_645 = arith.index_cast %swap3A_642 : i32 to index
      %swap3A_646 = arith.index_cast %swap3A_643 : i32 to index
      %swap3A_647 = arith.index_cast %mul3A_247 : i32 to index
      %swap3A_648 = tpu.vector_load %arg5[%swap3A_644, %swap3A_645, %swap3A_646, %swap3A_647] {strides = array<i32>} : memref<3x5x8x1024xf32, #tpu.memory_space<vmem>>, vector<1x1x1x16xf32>,
      %swap3A_649 = vector.shape_cast %swap3A_648 : vector<1x1x1x16xf32> to vector<16xf32>
      %swap3A_650 = vector.shape_cast %add3A_640 : vector<16xf32> to vector<1x1x1x16xf32>
      tpu.vector_store %arg5[%swap3A_644, %swap3A_645, %swap3A_646, %swap3A_647], %swap3A_650 {strides = array<i32>} : memref<3x5x8x1024xf32, #tpu.memory_space<vmem>>, vector<1x1x1x16xf32>,
      %get3A_651 = arith.constant 0 : i32
      %get3A_652 = arith.constant 3 : i32
      %get3A_653 = arith.constant 4 : i32
      %get3A_654 = arith.index_cast %get3A_651 : i32 to index
      %get3A_655 = arith.index_cast %get3A_652 : i32 to index
      %get3A_656 = arith.index_cast %get3A_653 : i32 to index
      %get3A_657 = arith.index_cast %mul3A_247 : i32 to index
      %get3A_658 = tpu.vector_load %arg5[%get3A_654, %get3A_655, %get3A_656, %get3A_657] {strides = array<i32>} : memref<3x5x8x1024xf32, #tpu.memory_space<vmem>>, vector<1x1x1x16xf32>,
      %get3A_659 = vector.shape_cast %get3A_658 : vector<1x1x1x16xf32> to vector<16xf32>
      %add3A_660 = arith.addf %get3A_659, %get3A_610 : vector<16xf32>
      %swap3A_661 = arith.constant 0 : i32
      %swap3A_662 = arith.constant 3 : i32
      %swap3A_663 = arith.constant 4 : i32
      %swap3A_664 = arith.index_cast %swap3A_661 : i32 to index
      %swap3A_665 = arith.index_cast %swap3A_662 : i32 to index
      %swap3A_666 = arith.index_cast %swap3A_663 : i32 to index
      %swap3A_667 = arith.index_cast %mul3A_247 : i32 to index
      %swap3A_668 = tpu.vector_load %arg5[%swap3A_664, %swap3A_665, %swap3A_666, %swap3A_667] {strides = array<i32>} : memref<3x5x8x1024xf32, #tpu.memory_space<vmem>>, vector<1x1x1x16xf32>,
      %swap3A_669 = vector.shape_cast %swap3A_668 : vector<1x1x1x16xf32> to vector<16xf32>
      %swap3A_670 = vector.shape_cast %add3A_660 : vector<16xf32> to vector<1x1x1x16xf32>
      tpu.vector_store %arg5[%swap3A_664, %swap3A_665, %swap3A_666, %swap3A_667], %swap3A_670 {strides = array<i32>} : memref<3x5x8x1024xf32, #tpu.memory_space<vmem>>, vector<1x1x1x16xf32>,
      %get3A_671 = arith.constant 0 : i32
      %get3A_672 = arith.constant 4 : i32
      %get3A_673 = arith.constant 4 : i32
      %get3A_674 = arith.index_cast %get3A_671 : i32 to index
      %get3A_675 = arith.index_cast %get3A_672 : i32 to index
      %get3A_676 = arith.index_cast %get3A_673 : i32 to index
      %get3A_677 = arith.index_cast %mul3A_247 : i32 to index
      %get3A_678 = tpu.vector_load %arg5[%get3A_674, %get3A_675, %get3A_676, %get3A_677] {strides = array<i32>} : memref<3x5x8x1024xf32, #tpu.memory_space<vmem>>, vector<1x1x1x16xf32>,
      %get3A_679 = vector.shape_cast %get3A_678 : vector<1x1x1x16xf32> to vector<16xf32>
      %add3A_680 = arith.addf %get3A_679, %get3A_610 : vector<16xf32>
      %swap3A_681 = arith.constant 0 : i32
      %swap3A_682 = arith.constant 4 : i32
      %swap3A_683 = arith.constant 4 : i32
      %swap3A_684 = arith.index_cast %swap3A_681 : i32 to index
      %swap3A_685 = arith.index_cast %swap3A_682 : i32 to index
      %swap3A_686 = arith.index_cast %swap3A_683 : i32 to index
      %swap3A_687 = arith.index_cast %mul3A_247 : i32 to index
      %swap3A_688 = tpu.vector_load %arg5[%swap3A_684, %swap3A_685, %swap3A_686, %swap3A_687] {strides = array<i32>} : memref<3x5x8x1024xf32, #tpu.memory_space<vmem>>, vector<1x1x1x16xf32>,
      %swap3A_689 = vector.shape_cast %swap3A_688 : vector<1x1x1x16xf32> to vector<16xf32>
      %swap3A_690 = vector.shape_cast %add3A_680 : vector<16xf32> to vector<1x1x1x16xf32>
      tpu.vector_store %arg5[%swap3A_684, %swap3A_685, %swap3A_686, %swap3A_687], %swap3A_690 {strides = array<i32>} : memref<3x5x8x1024xf32, #tpu.memory_space<vmem>>, vector<1x1x1x16xf32>,
      %get3A_691 = arith.constant 0 : i32
      %get3A_692 = arith.constant 0 : i32
      %get3A_693 = arith.constant 5 : i32
      %get3A_694 = arith.index_cast %get3A_691 : i32 to index
      %get3A_695 = arith.index_cast %get3A_692 : i32 to index
      %get3A_696 = arith.index_cast %get3A_693 : i32 to index
      %get3A_697 = arith.index_cast %mul3A_247 : i32 to index
      %get3A_698 = tpu.vector_load %arg5[%get3A_694, %get3A_695, %get3A_696, %get3A_697] {strides = array<i32>} : memref<3x5x8x1024xf32, #tpu.memory_space<vmem>>, vector<1x1x1x16xf32>,
      %get3A_699 = vector.shape_cast %get3A_698 : vector<1x1x1x16xf32> to vector<16xf32>
      %get3A_700 = arith.constant 0 : i32
      %get3A_701 = arith.constant 1 : i32
      %get3A_702 = arith.constant 5 : i32
      %get3A_703 = arith.index_cast %get3A_700 : i32 to index
      %get3A_704 = arith.index_cast %get3A_701 : i32 to index
      %get3A_705 = arith.index_cast %get3A_702 : i32 to index
      %get3A_706 = arith.index_cast %mul3A_247 : i32 to index
      %get3A_707 = tpu.vector_load %arg5[%get3A_703, %get3A_704, %get3A_705, %get3A_706] {strides = array<i32>} : memref<3x5x8x1024xf32, #tpu.memory_space<vmem>>, vector<1x1x1x16xf32>,
      %get3A_708 = vector.shape_cast %get3A_707 : vector<1x1x1x16xf32> to vector<16xf32>
      %add3A_709 = arith.addf %get3A_708, %get3A_699 : vector<16xf32>
      %swap3A_710 = arith.constant 0 : i32
      %swap3A_711 = arith.constant 1 : i32
      %swap3A_712 = arith.constant 5 : i32
      %swap3A_713 = arith.index_cast %swap3A_710 : i32 to index
      %swap3A_714 = arith.index_cast %swap3A_711 : i32 to index
      %swap3A_715 = arith.index_cast %swap3A_712 : i32 to index
      %swap3A_716 = arith.index_cast %mul3A_247 : i32 to index
      %swap3A_717 = tpu.vector_load %arg5[%swap3A_713, %swap3A_714, %swap3A_715, %swap3A_716] {strides = array<i32>} : memref<3x5x8x1024xf32, #tpu.memory_space<vmem>>, vector<1x1x1x16xf32>,
      %swap3A_718 = vector.shape_cast %swap3A_717 : vector<1x1x1x16xf32> to vector<16xf32>
      %swap3A_719 = vector.shape_cast %add3A_709 : vector<16xf32> to vector<1x1x1x16xf32>
      tpu.vector_store %arg5[%swap3A_713, %swap3A_714, %swap3A_715, %swap3A_716], %swap3A_719 {strides = array<i32>} : memref<3x5x8x1024xf32, #tpu.memory_space<vmem>>, vector<1x1x1x16xf32>,
      %get3A_720 = arith.constant 0 : i32
      %get3A_721 = arith.constant 2 : i32
      %get3A_722 = arith.constant 5 : i32
      %get3A_723 = arith.index_cast %get3A_720 : i32 to index
      %get3A_724 = arith.index_cast %get3A_721 : i32 to index
      %get3A_725 = arith.index_cast %get3A_722 : i32 to index
      %get3A_726 = arith.index_cast %mul3A_247 : i32 to index
      %get3A_727 = tpu.vector_load %arg5[%get3A_723, %get3A_724, %get3A_725, %get3A_726] {strides = array<i32>} : memref<3x5x8x1024xf32, #tpu.memory_space<vmem>>, vector<1x1x1x16xf32>,
      %get3A_728 = vector.shape_cast %get3A_727 : vector<1x1x1x16xf32> to vector<16xf32>
      %add3A_729 = arith.addf %get3A_728, %get3A_699 : vector<16xf32>
      %swap3A_730 = arith.constant 0 : i32
      %swap3A_731 = arith.constant 2 : i32
      %swap3A_732 = arith.constant 5 : i32
      %swap3A_733 = arith.index_cast %swap3A_730 : i32 to index
      %swap3A_734 = arith.index_cast %swap3A_731 : i32 to index
      %swap3A_735 = arith.index_cast %swap3A_732 : i32 to index
      %swap3A_736 = arith.index_cast %mul3A_247 : i32 to index
      %swap3A_737 = tpu.vector_load %arg5[%swap3A_733, %swap3A_734, %swap3A_735, %swap3A_736] {strides = array<i32>} : memref<3x5x8x1024xf32, #tpu.memory_space<vmem>>, vector<1x1x1x16xf32>,
      %swap3A_738 = vector.shape_cast %swap3A_737 : vector<1x1x1x16xf32> to vector<16xf32>
      %swap3A_739 = vector.shape_cast %add3A_729 : vector<16xf32> to vector<1x1x1x16xf32>
      tpu.vector_store %arg5[%swap3A_733, %swap3A_734, %swap3A_735, %swap3A_736], %swap3A_739 {strides = array<i32>} : memref<3x5x8x1024xf32, #tpu.memory_space<vmem>>, vector<1x1x1x16xf32>,
      %get3A_740 = arith.constant 0 : i32
      %get3A_741 = arith.constant 3 : i32
      %get3A_742 = arith.constant 5 : i32
      %get3A_743 = arith.index_cast %get3A_740 : i32 to index
      %get3A_744 = arith.index_cast %get3A_741 : i32 to index
      %get3A_745 = arith.index_cast %get3A_742 : i32 to index
      %get3A_746 = arith.index_cast %mul3A_247 : i32 to index
      %get3A_747 = tpu.vector_load %arg5[%get3A_743, %get3A_744, %get3A_745, %get3A_746] {strides = array<i32>} : memref<3x5x8x1024xf32, #tpu.memory_space<vmem>>, vector<1x1x1x16xf32>,
      %get3A_748 = vector.shape_cast %get3A_747 : vector<1x1x1x16xf32> to vector<16xf32>
      %add3A_749 = arith.addf %get3A_748, %get3A_699 : vector<16xf32>
      %swap3A_750 = arith.constant 0 : i32
      %swap3A_751 = arith.constant 3 : i32
      %swap3A_752 = arith.constant 5 : i32
      %swap3A_753 = arith.index_cast %swap3A_750 : i32 to index
      %swap3A_754 = arith.index_cast %swap3A_751 : i32 to index
      %swap3A_755 = arith.index_cast %swap3A_752 : i32 to index
      %swap3A_756 = arith.index_cast %mul3A_247 : i32 to index
      %swap3A_757 = tpu.vector_load %arg5[%swap3A_753, %swap3A_754, %swap3A_755, %swap3A_756] {strides = array<i32>} : memref<3x5x8x1024xf32, #tpu.memory_space<vmem>>, vector<1x1x1x16xf32>,
      %swap3A_758 = vector.shape_cast %swap3A_757 : vector<1x1x1x16xf32> to vector<16xf32>
      %swap3A_759 = vector.shape_cast %add3A_749 : vector<16xf32> to vector<1x1x1x16xf32>
      tpu.vector_store %arg5[%swap3A_753, %swap3A_754, %swap3A_755, %swap3A_756], %swap3A_759 {strides = array<i32>} : memref<3x5x8x1024xf32, #tpu.memory_space<vmem>>, vector<1x1x1x16xf32>,
      %get3A_760 = arith.constant 0 : i32
      %get3A_761 = arith.constant 4 : i32
      %get3A_762 = arith.constant 5 : i32
      %get3A_763 = arith.index_cast %get3A_760 : i32 to index
      %get3A_764 = arith.index_cast %get3A_761 : i32 to index
      %get3A_765 = arith.index_cast %get3A_762 : i32 to index
      %get3A_766 = arith.index_cast %mul3A_247 : i32 to index
      %get3A_767 = tpu.vector_load %arg5[%get3A_763, %get3A_764, %get3A_765, %get3A_766] {strides = array<i32>} : memref<3x5x8x1024xf32, #tpu.memory_space<vmem>>, vector<1x1x1x16xf32>,
      %get3A_768 = vector.shape_cast %get3A_767 : vector<1x1x1x16xf32> to vector<16xf32>
      %add3A_769 = arith.addf %get3A_768, %get3A_699 : vector<16xf32>
      %swap3A_770 = arith.constant 0 : i32
      %swap3A_771 = arith.constant 4 : i32
      %swap3A_772 = arith.constant 5 : i32
      %swap3A_773 = arith.index_cast %swap3A_770 : i32 to index
      %swap3A_774 = arith.index_cast %swap3A_771 : i32 to index
      %swap3A_775 = arith.index_cast %swap3A_772 : i32 to index
      %swap3A_776 = arith.index_cast %mul3A_247 : i32 to index
      %swap3A_777 = tpu.vector_load %arg5[%swap3A_773, %swap3A_774, %swap3A_775, %swap3A_776] {strides = array<i32>} : memref<3x5x8x1024xf32, #tpu.memory_space<vmem>>, vector<1x1x1x16xf32>,
      %swap3A_778 = vector.shape_cast %swap3A_777 : vector<1x1x1x16xf32> to vector<16xf32>
      %swap3A_779 = vector.shape_cast %add3A_769 : vector<16xf32> to vector<1x1x1x16xf32>
      tpu.vector_store %arg5[%swap3A_773, %swap3A_774, %swap3A_775, %swap3A_776], %swap3A_779 {strides = array<i32>} : memref<3x5x8x1024xf32, #tpu.memory_space<vmem>>, vector<1x1x1x16xf32>,
      %get3A_780 = arith.constant 0 : i32
      %get3A_781 = arith.constant 0 : i32
      %get3A_782 = arith.constant 6 : i32
      %get3A_783 = arith.index_cast %get3A_780 : i32 to index
      %get3A_784 = arith.index_cast %get3A_781 : i32 to index
      %get3A_785 = arith.index_cast %get3A_782 : i32 to index
      %get3A_786 = arith.index_cast %mul3A_247 : i32 to index
      %get3A_787 = tpu.vector_load %arg5[%get3A_783, %get3A_784, %get3A_785, %get3A_786] {strides = array<i32>} : memref<3x5x8x1024xf32, #tpu.memory_space<vmem>>, vector<1x1x1x16xf32>,
      %get3A_788 = vector.shape_cast %get3A_787 : vector<1x1x1x16xf32> to vector<16xf32>
      %get3A_789 = arith.constant 0 : i32
      %get3A_790 = arith.constant 1 : i32
      %get3A_791 = arith.constant 6 : i32
      %get3A_792 = arith.index_cast %get3A_789 : i32 to index
      %get3A_793 = arith.index_cast %get3A_790 : i32 to index
      %get3A_794 = arith.index_cast %get3A_791 : i32 to index
      %get3A_795 = arith.index_cast %mul3A_247 : i32 to index
      %get3A_796 = tpu.vector_load %arg5[%get3A_792, %get3A_793, %get3A_794, %get3A_795] {strides = array<i32>} : memref<3x5x8x1024xf32, #tpu.memory_space<vmem>>, vector<1x1x1x16xf32>,
      %get3A_797 = vector.shape_cast %get3A_796 : vector<1x1x1x16xf32> to vector<16xf32>
      %add3A_798 = arith.addf %get3A_797, %get3A_788 : vector<16xf32>
      %swap3A_799 = arith.constant 0 : i32
      %swap3A_800 = arith.constant 1 : i32
      %swap3A_801 = arith.constant 6 : i32
      %swap3A_802 = arith.index_cast %swap3A_799 : i32 to index
      %swap3A_803 = arith.index_cast %swap3A_800 : i32 to index
      %swap3A_804 = arith.index_cast %swap3A_801 : i32 to index
      %swap3A_805 = arith.index_cast %mul3A_247 : i32 to index
      %swap3A_806 = tpu.vector_load %arg5[%swap3A_802, %swap3A_803, %swap3A_804, %swap3A_805] {strides = array<i32>} : memref<3x5x8x1024xf32, #tpu.memory_space<vmem>>, vector<1x1x1x16xf32>,
      %swap3A_807 = vector.shape_cast %swap3A_806 : vector<1x1x1x16xf32> to vector<16xf32>
      %swap3A_808 = vector.shape_cast %add3A_798 : vector<16xf32> to vector<1x1x1x16xf32>
      tpu.vector_store %arg5[%swap3A_802, %swap3A_803, %swap3A_804, %swap3A_805], %swap3A_808 {strides = array<i32>} : memref<3x5x8x1024xf32, #tpu.memory_space<vmem>>, vector<1x1x1x16xf32>,
      %get3A_809 = arith.constant 0 : i32
      %get3A_810 = arith.constant 2 : i32
      %get3A_811 = arith.constant 6 : i32
      %get3A_812 = arith.index_cast %get3A_809 : i32 to index
      %get3A_813 = arith.index_cast %get3A_810 : i32 to index
      %get3A_814 = arith.index_cast %get3A_811 : i32 to index
      %get3A_815 = arith.index_cast %mul3A_247 : i32 to index
      %get3A_816 = tpu.vector_load %arg5[%get3A_812, %get3A_813, %get3A_814, %get3A_815] {strides = array<i32>} : memref<3x5x8x1024xf32, #tpu.memory_space<vmem>>, vector<1x1x1x16xf32>,
      %get3A_817 = vector.shape_cast %get3A_816 : vector<1x1x1x16xf32> to vector<16xf32>
      %add3A_818 = arith.addf %get3A_817, %get3A_788 : vector<16xf32>
      %swap3A_819 = arith.constant 0 : i32
      %swap3A_820 = arith.constant 2 : i32
      %swap3A_821 = arith.constant 6 : i32
      %swap3A_822 = arith.index_cast %swap3A_819 : i32 to index
      %swap3A_823 = arith.index_cast %swap3A_820 : i32 to index
      %swap3A_824 = arith.index_cast %swap3A_821 : i32 to index
      %swap3A_825 = arith.index_cast %mul3A_247 : i32 to index
      %swap3A_826 = tpu.vector_load %arg5[%swap3A_822, %swap3A_823, %swap3A_824, %swap3A_825] {strides = array<i32>} : memref<3x5x8x1024xf32, #tpu.memory_space<vmem>>, vector<1x1x1x16xf32>,
      %swap3A_827 = vector.shape_cast %swap3A_826 : vector<1x1x1x16xf32> to vector<16xf32>
      %swap3A_828 = vector.shape_cast %add3A_818 : vector<16xf32> to vector<1x1x1x16xf32>
      tpu.vector_store %arg5[%swap3A_822, %swap3A_823, %swap3A_824, %swap3A_825], %swap3A_828 {strides = array<i32>} : memref<3x5x8x1024xf32, #tpu.memory_space<vmem>>, vector<1x1x1x16xf32>,
      %get3A_829 = arith.constant 0 : i32
      %get3A_830 = arith.constant 3 : i32
      %get3A_831 = arith.constant 6 : i32
      %get3A_832 = arith.index_cast %get3A_829 : i32 to index
      %get3A_833 = arith.index_cast %get3A_830 : i32 to index
      %get3A_834 = arith.index_cast %get3A_831 : i32 to index
      %get3A_835 = arith.index_cast %mul3A_247 : i32 to index
      %get3A_836 = tpu.vector_load %arg5[%get3A_832, %get3A_833, %get3A_834, %get3A_835] {strides = array<i32>} : memref<3x5x8x1024xf32, #tpu.memory_space<vmem>>, vector<1x1x1x16xf32>,
      %get3A_837 = vector.shape_cast %get3A_836 : vector<1x1x1x16xf32> to vector<16xf32>
      %add3A_838 = arith.addf %get3A_837, %get3A_788 : vector<16xf32>
      %swap3A_839 = arith.constant 0 : i32
      %swap3A_840 = arith.constant 3 : i32
      %swap3A_841 = arith.constant 6 : i32
      %swap3A_842 = arith.index_cast %swap3A_839 : i32 to index
      %swap3A_843 = arith.index_cast %swap3A_840 : i32 to index
      %swap3A_844 = arith.index_cast %swap3A_841 : i32 to index
      %swap3A_845 = arith.index_cast %mul3A_247 : i32 to index
      %swap3A_846 = tpu.vector_load %arg5[%swap3A_842, %swap3A_843, %swap3A_844, %swap3A_845] {strides = array<i32>} : memref<3x5x8x1024xf32, #tpu.memory_space<vmem>>, vector<1x1x1x16xf32>,
      %swap3A_847 = vector.shape_cast %swap3A_846 : vector<1x1x1x16xf32> to vector<16xf32>
      %swap3A_848 = vector.shape_cast %add3A_838 : vector<16xf32> to vector<1x1x1x16xf32>
      tpu.vector_store %arg5[%swap3A_842, %swap3A_843, %swap3A_844, %swap3A_845], %swap3A_848 {strides = array<i32>} : memref<3x5x8x1024xf32, #tpu.memory_space<vmem>>, vector<1x1x1x16xf32>,
      %get3A_849 = arith.constant 0 : i32
      %get3A_850 = arith.constant 4 : i32
      %get3A_851 = arith.constant 6 : i32
      %get3A_852 = arith.index_cast %get3A_849 : i32 to index
      %get3A_853 = arith.index_cast %get3A_850 : i32 to index
      %get3A_854 = arith.index_cast %get3A_851 : i32 to index
      %get3A_855 = arith.index_cast %mul3A_247 : i32 to index
      %get3A_856 = tpu.vector_load %arg5[%get3A_852, %get3A_853, %get3A_854, %get3A_855] {strides = array<i32>} : memref<3x5x8x1024xf32, #tpu.memory_space<vmem>>, vector<1x1x1x16xf32>,
      %get3A_857 = vector.shape_cast %get3A_856 : vector<1x1x1x16xf32> to vector<16xf32>
      %add3A_858 = arith.addf %get3A_857, %get3A_788 : vector<16xf32>
      %swap3A_859 = arith.constant 0 : i32
      %swap3A_860 = arith.constant 4 : i32
      %swap3A_861 = arith.constant 6 : i32
      %swap3A_862 = arith.index_cast %swap3A_859 : i32 to index
      %swap3A_863 = arith.index_cast %swap3A_860 : i32 to index
      %swap3A_864 = arith.index_cast %swap3A_861 : i32 to index
      %swap3A_865 = arith.index_cast %mul3A_247 : i32 to index
      %swap3A_866 = tpu.vector_load %arg5[%swap3A_862, %swap3A_863, %swap3A_864, %swap3A_865] {strides = array<i32>} : memref<3x5x8x1024xf32, #tpu.memory_space<vmem>>, vector<1x1x1x16xf32>,
      %swap3A_867 = vector.shape_cast %swap3A_866 : vector<1x1x1x16xf32> to vector<16xf32>
      %swap3A_868 = vector.shape_cast %add3A_858 : vector<16xf32> to vector<1x1x1x16xf32>
      tpu.vector_store %arg5[%swap3A_862, %swap3A_863, %swap3A_864, %swap3A_865], %swap3A_868 {strides = array<i32>} : memref<3x5x8x1024xf32, #tpu.memory_space<vmem>>, vector<1x1x1x16xf32>,
      %get3A_869 = arith.constant 0 : i32
      %get3A_870 = arith.constant 0 : i32
      %get3A_871 = arith.constant 7 : i32
      %get3A_872 = arith.index_cast %get3A_869 : i32 to index
      %get3A_873 = arith.index_cast %get3A_870 : i32 to index
      %get3A_874 = arith.index_cast %get3A_871 : i32 to index
      %get3A_875 = arith.index_cast %mul3A_247 : i32 to index
      %get3A_876 = tpu.vector_load %arg5[%get3A_872, %get3A_873, %get3A_874, %get3A_875] {strides = array<i32>} : memref<3x5x8x1024xf32, #tpu.memory_space<vmem>>, vector<1x1x1x16xf32>,
      %get3A_877 = vector.shape_cast %get3A_876 : vector<1x1x1x16xf32> to vector<16xf32>
      %get3A_878 = arith.constant 0 : i32
      %get3A_879 = arith.constant 1 : i32
      %get3A_880 = arith.constant 7 : i32
      %get3A_881 = arith.index_cast %get3A_878 : i32 to index
      %get3A_882 = arith.index_cast %get3A_879 : i32 to index
      %get3A_883 = arith.index_cast %get3A_880 : i32 to index
      %get3A_884 = arith.index_cast %mul3A_247 : i32 to index
      %get3A_885 = tpu.vector_load %arg5[%get3A_881, %get3A_882, %get3A_883, %get3A_884] {strides = array<i32>} : memref<3x5x8x1024xf32, #tpu.memory_space<vmem>>, vector<1x1x1x16xf32>,
      %get3A_886 = vector.shape_cast %get3A_885 : vector<1x1x1x16xf32> to vector<16xf32>
      %add3A_887 = arith.addf %get3A_886, %get3A_877 : vector<16xf32>
      %swap3A_888 = arith.constant 0 : i32
      %swap3A_889 = arith.constant 1 : i32
      %swap3A_890 = arith.constant 7 : i32
      %swap3A_891 = arith.index_cast %swap3A_888 : i32 to index
      %swap3A_892 = arith.index_cast %swap3A_889 : i32 to index
      %swap3A_893 = arith.index_cast %swap3A_890 : i32 to index
      %swap3A_894 = arith.index_cast %mul3A_247 : i32 to index
      %swap3A_895 = tpu.vector_load %arg5[%swap3A_891, %swap3A_892, %swap3A_893, %swap3A_894] {strides = array<i32>} : memref<3x5x8x1024xf32, #tpu.memory_space<vmem>>, vector<1x1x1x16xf32>,
      %swap3A_896 = vector.shape_cast %swap3A_895 : vector<1x1x1x16xf32> to vector<16xf32>
      %swap3A_897 = vector.shape_cast %add3A_887 : vector<16xf32> to vector<1x1x1x16xf32>
      tpu.vector_store %arg5[%swap3A_891, %swap3A_892, %swap3A_893, %swap3A_894], %swap3A_897 {strides = array<i32>} : memref<3x5x8x1024xf32, #tpu.memory_space<vmem>>, vector<1x1x1x16xf32>,
      %get3A_898 = arith.constant 0 : i32
      %get3A_899 = arith.constant 2 : i32
      %get3A_900 = arith.constant 7 : i32
      %get3A_901 = arith.index_cast %get3A_898 : i32 to index
      %get3A_902 = arith.index_cast %get3A_899 : i32 to index
      %get3A_903 = arith.index_cast %get3A_900 : i32 to index
      %get3A_904 = arith.index_cast %mul3A_247 : i32 to index
      %get3A_905 = tpu.vector_load %arg5[%get3A_901, %get3A_902, %get3A_903, %get3A_904] {strides = array<i32>} : memref<3x5x8x1024xf32, #tpu.memory_space<vmem>>, vector<1x1x1x16xf32>,
      %get3A_906 = vector.shape_cast %get3A_905 : vector<1x1x1x16xf32> to vector<16xf32>
      %add3A_907 = arith.addf %get3A_906, %get3A_877 : vector<16xf32>
      %swap3A_908 = arith.constant 0 : i32
      %swap3A_909 = arith.constant 2 : i32
      %swap3A_910 = arith.constant 7 : i32
      %swap3A_911 = arith.index_cast %swap3A_908 : i32 to index
      %swap3A_912 = arith.index_cast %swap3A_909 : i32 to index
      %swap3A_913 = arith.index_cast %swap3A_910 : i32 to index
      %swap3A_914 = arith.index_cast %mul3A_247 : i32 to index
      %swap3A_915 = tpu.vector_load %arg5[%swap3A_911, %swap3A_912, %swap3A_913, %swap3A_914] {strides = array<i32>} : memref<3x5x8x1024xf32, #tpu.memory_space<vmem>>, vector<1x1x1x16xf32>,
      %swap3A_916 = vector.shape_cast %swap3A_915 : vector<1x1x1x16xf32> to vector<16xf32>
      %swap3A_917 = vector.shape_cast %add3A_907 : vector<16xf32> to vector<1x1x1x16xf32>
      tpu.vector_store %arg5[%swap3A_911, %swap3A_912, %swap3A_913, %swap3A_914], %swap3A_917 {strides = array<i32>} : memref<3x5x8x1024xf32, #tpu.memory_space<vmem>>, vector<1x1x1x16xf32>,
      %get3A_918 = arith.constant 0 : i32
      %get3A_919 = arith.constant 3 : i32
      %get3A_920 = arith.constant 7 : i32
      %get3A_921 = arith.index_cast %get3A_918 : i32 to index
      %get3A_922 = arith.index_cast %get3A_919 : i32 to index
      %get3A_923 = arith.index_cast %get3A_920 : i32 to index
      %get3A_924 = arith.index_cast %mul3A_247 : i32 to index
      %get3A_925 = tpu.vector_load %arg5[%get3A_921, %get3A_922, %get3A_923, %get3A_924] {strides = array<i32>} : memref<3x5x8x1024xf32, #tpu.memory_space<vmem>>, vector<1x1x1x16xf32>,
      %get3A_926 = vector.shape_cast %get3A_925 : vector<1x1x1x16xf32> to vector<16xf32>
      %add3A_927 = arith.addf %get3A_926, %get3A_877 : vector<16xf32>
      %swap3A_928 = arith.constant 0 : i32
      %swap3A_929 = arith.constant 3 : i32
      %swap3A_930 = arith.constant 7 : i32
      %swap3A_931 = arith.index_cast %swap3A_928 : i32 to index
      %swap3A_932 = arith.index_cast %swap3A_929 : i32 to index
      %swap3A_933 = arith.index_cast %swap3A_930 : i32 to index
      %swap3A_934 = arith.index_cast %mul3A_247 : i32 to index
      %swap3A_935 = tpu.vector_load %arg5[%swap3A_931, %swap3A_932, %swap3A_933, %swap3A_934] {strides = array<i32>} : memref<3x5x8x1024xf32, #tpu.memory_space<vmem>>, vector<1x1x1x16xf32>,
      %swap3A_936 = vector.shape_cast %swap3A_935 : vector<1x1x1x16xf32> to vector<16xf32>
      %swap3A_937 = vector.shape_cast %add3A_927 : vector<16xf32> to vector<1x1x1x16xf32>
      tpu.vector_store %arg5[%swap3A_931, %swap3A_932, %swap3A_933, %swap3A_934], %swap3A_937 {strides = array<i32>} : memref<3x5x8x1024xf32, #tpu.memory_space<vmem>>, vector<1x1x1x16xf32>,
      %get3A_938 = arith.constant 0 : i32
      %get3A_939 = arith.constant 4 : i32
      %get3A_940 = arith.constant 7 : i32
      %get3A_941 = arith.index_cast %get3A_938 : i32 to index
      %get3A_942 = arith.index_cast %get3A_939 : i32 to index
      %get3A_943 = arith.index_cast %get3A_940 : i32 to index
      %get3A_944 = arith.index_cast %mul3A_247 : i32 to index
      %get3A_945 = tpu.vector_load %arg5[%get3A_941, %get3A_942, %get3A_943, %get3A_944] {strides = array<i32>} : memref<3x5x8x1024xf32, #tpu.memory_space<vmem>>, vector<1x1x1x16xf32>,
      %get3A_946 = vector.shape_cast %get3A_945 : vector<1x1x1x16xf32> to vector<16xf32>
      %add3A_947 = arith.addf %get3A_946, %get3A_877 : vector<16xf32>
      %swap3A_948 = arith.constant 0 : i32
      %swap3A_949 = arith.constant 4 : i32
      %swap3A_950 = arith.constant 7 : i32
      %swap3A_951 = arith.index_cast %swap3A_948 : i32 to index
      %swap3A_952 = arith.index_cast %swap3A_949 : i32 to index
      %swap3A_953 = arith.index_cast %swap3A_950 : i32 to index
      %swap3A_954 = arith.index_cast %mul3A_247 : i32 to index
      %swap3A_955 = tpu.vector_load %arg5[%swap3A_951, %swap3A_952, %swap3A_953, %swap3A_954] {strides = array<i32>} : memref<3x5x8x1024xf32, #tpu.memory_space<vmem>>, vector<1x1x1x16xf32>,
      %swap3A_956 = vector.shape_cast %swap3A_955 : vector<1x1x1x16xf32> to vector<16xf32>
      %swap3A_957 = vector.shape_cast %add3A_947 : vector<16xf32> to vector<1x1x1x16xf32>
      tpu.vector_store %arg5[%swap3A_951, %swap3A_952, %swap3A_953, %swap3A_954], %swap3A_957 {strides = array<i32>} : memref<3x5x8x1024xf32, #tpu.memory_space<vmem>>, vector<1x1x1x16xf32>,
    }
    %scan3A_110 = arith.constant 64 : i32
    %add3A_111 = arith.constant 240 : i32
    %add3A_112 = arith.addi %mul3A_2, %add3A_111 : i32
    %dma_start3A_113 = arith.constant 0 : i32
    %dma_start3A_114 = arith.constant 1 : i32
    %dma_start3A_115 = arith.constant 0 : i32
    %dma_start3A_116 = arith.constant 0 : i32
    %dma_start3A_117 = tpu.memref_slice %arg5[%dma_start3A_113, %dma_start3A_114, %dma_start3A_115, %dma_start3A_116] : memref<3x5x8x1024xf32, #tpu.memory_space<vmem>> -> memref<1x4x8x1024xf32, #tpu.memory_space<vmem>>
    %dma_start3A_118 = tpu.memref_squeeze %dma_start3A_117 : memref<1x4x8x1024xf32, #tpu.memory_space<vmem>> -> memref<4x8x1024xf32, #tpu.memory_space<vmem>>
    %dma_start3A_119 = arith.constant 0 : i32
    %dma_start3A_120 = arith.constant 0 : i32
    %dma_start3A_121 = tpu.memref_slice %arg4[%dma_start3A_119, %add3A_112, %dma_start3A_120] : memref<4x8192x1024xf32, #tpu.memory_space<hbm>> -> memref<4x8x1024xf32, #tpu.memory_space<hbm>>
    %dma_start3A_122 = arith.constant 0 : i32
    %dma_start3A_123 = arith.constant 0 : i32
    %dma_start3A_124 = tpu.memref_slice %arg4[%dma_start3A_122, %add3A_112, %dma_start3A_123] : memref<4x8192x1024xf32, #tpu.memory_space<hbm>> -> memref<4x8x1024xf32, #tpu.memory_space<hbm>>
    %dma_start3A_125 = arith.constant 1 : i32
    %dma_start3A_126 = arith.constant 0 : i32
    %dma_start3A_127 = arith.constant 0 : i32
    %dma_start3A_128 = tpu.memref_slice %arg5[%dma_start3A_113, %dma_start3A_125, %dma_start3A_126, %dma_start3A_127] : memref<3x5x8x1024xf32, #tpu.memory_space<vmem>> -> memref<1x4x8x1024xf32, #tpu.memory_space<vmem>>
    %dma_start3A_129 = tpu.memref_squeeze %dma_start3A_128 : memref<1x4x8x1024xf32, #tpu.memory_space<vmem>> -> memref<4x8x1024xf32, #tpu.memory_space<vmem>>
    tpu.enqueue_dma source(%dma_start3A_129 : memref<4x8x1024xf32, #tpu.memory_space<vmem>>) target(%dma_start3A_124 : memref<4x8x1024xf32, #tpu.memory_space<hbm>>) target_semaphore(%arg9 : memref<!tpu.dma_semaphore, #tpu.memory_space<semaphore_mem>>)
    %add3A_130 = arith.constant 248 : i32
    %add3A_131 = arith.addi %mul3A_2, %add3A_130 : i32
    %dma_wait3A_132 = arith.constant 1 : i32
    %dma_wait3A_133 = arith.constant 0 : i32
    %dma_wait3A_134 = arith.constant 0 : i32
    %dma_wait3A_135 = arith.constant 0 : i32
    %dma_wait3A_136 = tpu.memref_slice %arg5[%dma_wait3A_132, %dma_wait3A_133, %dma_wait3A_134, %dma_wait3A_135] : memref<3x5x8x1024xf32, #tpu.memory_space<vmem>> -> memref<1x1x8x1024xf32, #tpu.memory_space<vmem>>
    %dma_wait3A_137 = tpu.memref_squeeze %dma_wait3A_136 : memref<1x1x8x1024xf32, #tpu.memory_space<vmem>> -> memref<8x1024xf32, #tpu.memory_space<vmem>>
    %dma_wait3A_138 = arith.constant 0 : i32
    %dma_wait3A_139 = tpu.memref_slice %arg3[%add3A_131, %dma_wait3A_138] : memref<8192x1024xf32, #tpu.memory_space<hbm>> -> memref<8x1024xf32, #tpu.memory_space<hbm>>
    %dma_wait3A_140 = arith.constant 0 : i32
    %dma_wait3A_141 = arith.constant 0 : i32
    %dma_wait3A_142 = tpu.memref_slice %arg5[%dma_wait3A_132, %dma_wait3A_133, %dma_wait3A_140, %dma_wait3A_141] : memref<3x5x8x1024xf32, #tpu.memory_space<vmem>> -> memref<1x1x8x1024xf32, #tpu.memory_space<vmem>>
    %dma_wait3A_143 = tpu.memref_squeeze %dma_wait3A_142 : memref<1x1x8x1024xf32, #tpu.memory_space<vmem>> -> memref<8x1024xf32, #tpu.memory_space<vmem>>
    %dma_wait3A_144 = arith.constant 0 : i32
    %dma_wait3A_145 = tpu.memref_slice %arg3[%add3A_131, %dma_wait3A_144] : memref<8192x1024xf32, #tpu.memory_space<hbm>> -> memref<8x1024xf32, #tpu.memory_space<hbm>>
    tpu.wait_dma2 semaphore(%arg7 : memref<!tpu.dma_semaphore, #tpu.memory_space<semaphore_mem>>) src(%dma_wait3A_145 : memref<8x1024xf32, #tpu.memory_space<hbm>>) dst(%dma_wait3A_143 : memref<8x1024xf32, #tpu.memory_space<vmem>>)
    %dma_wait3A_146 = arith.constant 1 : i32
    %dma_wait3A_147 = arith.constant 1 : i32
    %dma_wait3A_148 = arith.constant 0 : i32
    %dma_wait3A_149 = arith.constant 0 : i32
    %dma_wait3A_150 = tpu.memref_slice %arg5[%dma_wait3A_146, %dma_wait3A_147, %dma_wait3A_148, %dma_wait3A_149] : memref<3x5x8x1024xf32, #tpu.memory_space<vmem>> -> memref<1x4x8x1024xf32, #tpu.memory_space<vmem>>
    %dma_wait3A_151 = tpu.memref_squeeze %dma_wait3A_150 : memref<1x4x8x1024xf32, #tpu.memory_space<vmem>> -> memref<4x8x1024xf32, #tpu.memory_space<vmem>>
    %dma_wait3A_152 = arith.constant 0 : i32
    %dma_wait3A_153 = arith.constant 0 : i32
    %dma_wait3A_154 = tpu.memref_slice %arg2[%dma_wait3A_152, %add3A_131, %dma_wait3A_153] : memref<4x8192x1024xf32, #tpu.memory_space<hbm>> -> memref<4x8x1024xf32, #tpu.memory_space<hbm>>
    %dma_wait3A_155 = arith.constant 1 : i32
    %dma_wait3A_156 = arith.constant 0 : i32
    %dma_wait3A_157 = arith.constant 0 : i32
    %dma_wait3A_158 = tpu.memref_slice %arg5[%dma_wait3A_146, %dma_wait3A_155, %dma_wait3A_156, %dma_wait3A_157] : memref<3x5x8x1024xf32, #tpu.memory_space<vmem>> -> memref<1x4x8x1024xf32, #tpu.memory_space<vmem>>
    %dma_wait3A_159 = tpu.memref_squeeze %dma_wait3A_158 : memref<1x4x8x1024xf32, #tpu.memory_space<vmem>> -> memref<4x8x1024xf32, #tpu.memory_space<vmem>>
    %dma_wait3A_160 = arith.constant 0 : i32
    %dma_wait3A_161 = arith.constant 0 : i32
    %dma_wait3A_162 = tpu.memref_slice %arg2[%dma_wait3A_160, %add3A_131, %dma_wait3A_161] : memref<4x8192x1024xf32, #tpu.memory_space<hbm>> -> memref<4x8x1024xf32, #tpu.memory_space<hbm>>
    tpu.wait_dma2 semaphore(%arg7 : memref<!tpu.dma_semaphore, #tpu.memory_space<semaphore_mem>>) src(%dma_wait3A_162 : memref<4x8x1024xf32, #tpu.memory_space<hbm>>) dst(%dma_wait3A_159 : memref<4x8x1024xf32, #tpu.memory_space<vmem>>)
    %scan3A_163 = arith.constant 0 : i32
    %scan3A_164 = arith.constant 0 : i32
    %scan3A_165 = arith.constant 64 : i32
    %scan3A_166 = arith.addi %scan3A_164, %scan3A_165 : i32
    %scan3A_167 = arith.constant 1 : i32
    scf.for %scan3A_245 = %scan3A_164 to %scan3A_166 step %scan3A_167  : i32 {
      %mul3A_246 = arith.constant 16 : i32
      %mul3A_247 = arith.muli %scan3A_245, %mul3A_246 : i32
      %get3A = arith.constant 1 : i32
      %get3A_248 = arith.constant 0 : i32
      %get3A_249 = arith.constant 0 : i32
      %get3A_250 = arith.index_cast %get3A : i32 to index
      %get3A_251 = arith.index_cast %get3A_248 : i32 to index
      %get3A_252 = arith.index_cast %get3A_249 : i32 to index
      %get3A_253 = arith.index_cast %mul3A_247 : i32 to index
      %get3A_254 = tpu.vector_load %arg5[%get3A_250, %get3A_251, %get3A_252, %get3A_253] {strides = array<i32>} : memref<3x5x8x1024xf32, #tpu.memory_space<vmem>>, vector<1x1x1x16xf32>,
      %get3A_255 = vector.shape_cast %get3A_254 : vector<1x1x1x16xf32> to vector<16xf32>
      %get3A_256 = arith.constant 1 : i32
      %get3A_257 = arith.constant 1 : i32
      %get3A_258 = arith.constant 0 : i32
      %get3A_259 = arith.index_cast %get3A_256 : i32 to index
      %get3A_260 = arith.index_cast %get3A_257 : i32 to index
      %get3A_261 = arith.index_cast %get3A_258 : i32 to index
      %get3A_262 = arith.index_cast %mul3A_247 : i32 to index
      %get3A_263 = tpu.vector_load %arg5[%get3A_259, %get3A_260, %get3A_261, %get3A_262] {strides = array<i32>} : memref<3x5x8x1024xf32, #tpu.memory_space<vmem>>, vector<1x1x1x16xf32>,
      %get3A_264 = vector.shape_cast %get3A_263 : vector<1x1x1x16xf32> to vector<16xf32>
      %add3A_265 = arith.addf %get3A_264, %get3A_255 : vector<16xf32>
      %swap3A = arith.constant 1 : i32
      %swap3A_266 = arith.constant 1 : i32
      %swap3A_267 = arith.constant 0 : i32
      %swap3A_268 = arith.index_cast %swap3A : i32 to index
      %swap3A_269 = arith.index_cast %swap3A_266 : i32 to index
      %swap3A_270 = arith.index_cast %swap3A_267 : i32 to index
      %swap3A_271 = arith.index_cast %mul3A_247 : i32 to index
      %swap3A_272 = tpu.vector_load %arg5[%swap3A_268, %swap3A_269, %swap3A_270, %swap3A_271] {strides = array<i32>} : memref<3x5x8x1024xf32, #tpu.memory_space<vmem>>, vector<1x1x1x16xf32>,
      %swap3A_273 = vector.shape_cast %swap3A_272 : vector<1x1x1x16xf32> to vector<16xf32>
      %swap3A_274 = vector.shape_cast %add3A_265 : vector<16xf32> to vector<1x1x1x16xf32>
      tpu.vector_store %arg5[%swap3A_268, %swap3A_269, %swap3A_270, %swap3A_271], %swap3A_274 {strides = array<i32>} : memref<3x5x8x1024xf32, #tpu.memory_space<vmem>>, vector<1x1x1x16xf32>,
      %get3A_275 = arith.constant 1 : i32
      %get3A_276 = arith.constant 2 : i32
      %get3A_277 = arith.constant 0 : i32
      %get3A_278 = arith.index_cast %get3A_275 : i32 to index
      %get3A_279 = arith.index_cast %get3A_276 : i32 to index
      %get3A_280 = arith.index_cast %get3A_277 : i32 to index
      %get3A_281 = arith.index_cast %mul3A_247 : i32 to index
      %get3A_282 = tpu.vector_load %arg5[%get3A_278, %get3A_279, %get3A_280, %get3A_281] {strides = array<i32>} : memref<3x5x8x1024xf32, #tpu.memory_space<vmem>>, vector<1x1x1x16xf32>,
      %get3A_283 = vector.shape_cast %get3A_282 : vector<1x1x1x16xf32> to vector<16xf32>
      %add3A_284 = arith.addf %get3A_283, %get3A_255 : vector<16xf32>
      %swap3A_285 = arith.constant 1 : i32
      %swap3A_286 = arith.constant 2 : i32
      %swap3A_287 = arith.constant 0 : i32
      %swap3A_288 = arith.index_cast %swap3A_285 : i32 to index
      %swap3A_289 = arith.index_cast %swap3A_286 : i32 to index
      %swap3A_290 = arith.index_cast %swap3A_287 : i32 to index
      %swap3A_291 = arith.index_cast %mul3A_247 : i32 to index
      %swap3A_292 = tpu.vector_load %arg5[%swap3A_288, %swap3A_289, %swap3A_290, %swap3A_291] {strides = array<i32>} : memref<3x5x8x1024xf32, #tpu.memory_space<vmem>>, vector<1x1x1x16xf32>,
      %swap3A_293 = vector.shape_cast %swap3A_292 : vector<1x1x1x16xf32> to vector<16xf32>
      %swap3A_294 = vector.shape_cast %add3A_284 : vector<16xf32> to vector<1x1x1x16xf32>
      tpu.vector_store %arg5[%swap3A_288, %swap3A_289, %swap3A_290, %swap3A_291], %swap3A_294 {strides = array<i32>} : memref<3x5x8x1024xf32, #tpu.memory_space<vmem>>, vector<1x1x1x16xf32>,
      %get3A_295 = arith.constant 1 : i32
      %get3A_296 = arith.constant 3 : i32
      %get3A_297 = arith.constant 0 : i32
      %get3A_298 = arith.index_cast %get3A_295 : i32 to index
      %get3A_299 = arith.index_cast %get3A_296 : i32 to index
      %get3A_300 = arith.index_cast %get3A_297 : i32 to index
      %get3A_301 = arith.index_cast %mul3A_247 : i32 to index
      %get3A_302 = tpu.vector_load %arg5[%get3A_298, %get3A_299, %get3A_300, %get3A_301] {strides = array<i32>} : memref<3x5x8x1024xf32, #tpu.memory_space<vmem>>, vector<1x1x1x16xf32>,
      %get3A_303 = vector.shape_cast %get3A_302 : vector<1x1x1x16xf32> to vector<16xf32>
      %add3A_304 = arith.addf %get3A_303, %get3A_255 : vector<16xf32>
      %swap3A_305 = arith.constant 1 : i32
      %swap3A_306 = arith.constant 3 : i32
      %swap3A_307 = arith.constant 0 : i32
      %swap3A_308 = arith.index_cast %swap3A_305 : i32 to index
      %swap3A_309 = arith.index_cast %swap3A_306 : i32 to index
      %swap3A_310 = arith.index_cast %swap3A_307 : i32 to index
      %swap3A_311 = arith.index_cast %mul3A_247 : i32 to index
      %swap3A_312 = tpu.vector_load %arg5[%swap3A_308, %swap3A_309, %swap3A_310, %swap3A_311] {strides = array<i32>} : memref<3x5x8x1024xf32, #tpu.memory_space<vmem>>, vector<1x1x1x16xf32>,
      %swap3A_313 = vector.shape_cast %swap3A_312 : vector<1x1x1x16xf32> to vector<16xf32>
      %swap3A_314 = vector.shape_cast %add3A_304 : vector<16xf32> to vector<1x1x1x16xf32>
      tpu.vector_store %arg5[%swap3A_308, %swap3A_309, %swap3A_310, %swap3A_311], %swap3A_314 {strides = array<i32>} : memref<3x5x8x1024xf32, #tpu.memory_space<vmem>>, vector<1x1x1x16xf32>,
      %get3A_315 = arith.constant 1 : i32
      %get3A_316 = arith.constant 4 : i32
      %get3A_317 = arith.constant 0 : i32
      %get3A_318 = arith.index_cast %get3A_315 : i32 to index
      %get3A_319 = arith.index_cast %get3A_316 : i32 to index
      %get3A_320 = arith.index_cast %get3A_317 : i32 to index
      %get3A_321 = arith.index_cast %mul3A_247 : i32 to index
      %get3A_322 = tpu.vector_load %arg5[%get3A_318, %get3A_319, %get3A_320, %get3A_321] {strides = array<i32>} : memref<3x5x8x1024xf32, #tpu.memory_space<vmem>>, vector<1x1x1x16xf32>,
      %get3A_323 = vector.shape_cast %get3A_322 : vector<1x1x1x16xf32> to vector<16xf32>
      %add3A_324 = arith.addf %get3A_323, %get3A_255 : vector<16xf32>
      %swap3A_325 = arith.constant 1 : i32
      %swap3A_326 = arith.constant 4 : i32
      %swap3A_327 = arith.constant 0 : i32
      %swap3A_328 = arith.index_cast %swap3A_325 : i32 to index
      %swap3A_329 = arith.index_cast %swap3A_326 : i32 to index
      %swap3A_330 = arith.index_cast %swap3A_327 : i32 to index
      %swap3A_331 = arith.index_cast %mul3A_247 : i32 to index
      %swap3A_332 = tpu.vector_load %arg5[%swap3A_328, %swap3A_329, %swap3A_330, %swap3A_331] {strides = array<i32>} : memref<3x5x8x1024xf32, #tpu.memory_space<vmem>>, vector<1x1x1x16xf32>,
      %swap3A_333 = vector.shape_cast %swap3A_332 : vector<1x1x1x16xf32> to vector<16xf32>
      %swap3A_334 = vector.shape_cast %add3A_324 : vector<16xf32> to vector<1x1x1x16xf32>
      tpu.vector_store %arg5[%swap3A_328, %swap3A_329, %swap3A_330, %swap3A_331], %swap3A_334 {strides = array<i32>} : memref<3x5x8x1024xf32, #tpu.memory_space<vmem>>, vector<1x1x1x16xf32>,
      %get3A_335 = arith.constant 1 : i32
      %get3A_336 = arith.constant 0 : i32
      %get3A_337 = arith.constant 1 : i32
      %get3A_338 = arith.index_cast %get3A_335 : i32 to index
      %get3A_339 = arith.index_cast %get3A_336 : i32 to index
      %get3A_340 = arith.index_cast %get3A_337 : i32 to index
      %get3A_341 = arith.index_cast %mul3A_247 : i32 to index
      %get3A_342 = tpu.vector_load %arg5[%get3A_338, %get3A_339, %get3A_340, %get3A_341] {strides = array<i32>} : memref<3x5x8x1024xf32, #tpu.memory_space<vmem>>, vector<1x1x1x16xf32>,
      %get3A_343 = vector.shape_cast %get3A_342 : vector<1x1x1x16xf32> to vector<16xf32>
      %get3A_344 = arith.constant 1 : i32
      %get3A_345 = arith.constant 1 : i32
      %get3A_346 = arith.constant 1 : i32
      %get3A_347 = arith.index_cast %get3A_344 : i32 to index
      %get3A_348 = arith.index_cast %get3A_345 : i32 to index
      %get3A_349 = arith.index_cast %get3A_346 : i32 to index
      %get3A_350 = arith.index_cast %mul3A_247 : i32 to index
      %get3A_351 = tpu.vector_load %arg5[%get3A_347, %get3A_348, %get3A_349, %get3A_350] {strides = array<i32>} : memref<3x5x8x1024xf32, #tpu.memory_space<vmem>>, vector<1x1x1x16xf32>,
      %get3A_352 = vector.shape_cast %get3A_351 : vector<1x1x1x16xf32> to vector<16xf32>
      %add3A_353 = arith.addf %get3A_352, %get3A_343 : vector<16xf32>
      %swap3A_354 = arith.constant 1 : i32
      %swap3A_355 = arith.constant 1 : i32
      %swap3A_356 = arith.constant 1 : i32
      %swap3A_357 = arith.index_cast %swap3A_354 : i32 to index
      %swap3A_358 = arith.index_cast %swap3A_355 : i32 to index
      %swap3A_359 = arith.index_cast %swap3A_356 : i32 to index
      %swap3A_360 = arith.index_cast %mul3A_247 : i32 to index
      %swap3A_361 = tpu.vector_load %arg5[%swap3A_357, %swap3A_358, %swap3A_359, %swap3A_360] {strides = array<i32>} : memref<3x5x8x1024xf32, #tpu.memory_space<vmem>>, vector<1x1x1x16xf32>,
      %swap3A_362 = vector.shape_cast %swap3A_361 : vector<1x1x1x16xf32> to vector<16xf32>
      %swap3A_363 = vector.shape_cast %add3A_353 : vector<16xf32> to vector<1x1x1x16xf32>
      tpu.vector_store %arg5[%swap3A_357, %swap3A_358, %swap3A_359, %swap3A_360], %swap3A_363 {strides = array<i32>} : memref<3x5x8x1024xf32, #tpu.memory_space<vmem>>, vector<1x1x1x16xf32>,
      %get3A_364 = arith.constant 1 : i32
      %get3A_365 = arith.constant 2 : i32
      %get3A_366 = arith.constant 1 : i32
      %get3A_367 = arith.index_cast %get3A_364 : i32 to index
      %get3A_368 = arith.index_cast %get3A_365 : i32 to index
      %get3A_369 = arith.index_cast %get3A_366 : i32 to index
      %get3A_370 = arith.index_cast %mul3A_247 : i32 to index
      %get3A_371 = tpu.vector_load %arg5[%get3A_367, %get3A_368, %get3A_369, %get3A_370] {strides = array<i32>} : memref<3x5x8x1024xf32, #tpu.memory_space<vmem>>, vector<1x1x1x16xf32>,
      %get3A_372 = vector.shape_cast %get3A_371 : vector<1x1x1x16xf32> to vector<16xf32>
      %add3A_373 = arith.addf %get3A_372, %get3A_343 : vector<16xf32>
      %swap3A_374 = arith.constant 1 : i32
      %swap3A_375 = arith.constant 2 : i32
      %swap3A_376 = arith.constant 1 : i32
      %swap3A_377 = arith.index_cast %swap3A_374 : i32 to index
      %swap3A_378 = arith.index_cast %swap3A_375 : i32 to index
      %swap3A_379 = arith.index_cast %swap3A_376 : i32 to index
      %swap3A_380 = arith.index_cast %mul3A_247 : i32 to index
      %swap3A_381 = tpu.vector_load %arg5[%swap3A_377, %swap3A_378, %swap3A_379, %swap3A_380] {strides = array<i32>} : memref<3x5x8x1024xf32, #tpu.memory_space<vmem>>, vector<1x1x1x16xf32>,
      %swap3A_382 = vector.shape_cast %swap3A_381 : vector<1x1x1x16xf32> to vector<16xf32>
      %swap3A_383 = vector.shape_cast %add3A_373 : vector<16xf32> to vector<1x1x1x16xf32>
      tpu.vector_store %arg5[%swap3A_377, %swap3A_378, %swap3A_379, %swap3A_380], %swap3A_383 {strides = array<i32>} : memref<3x5x8x1024xf32, #tpu.memory_space<vmem>>, vector<1x1x1x16xf32>,
      %get3A_384 = arith.constant 1 : i32
      %get3A_385 = arith.constant 3 : i32
      %get3A_386 = arith.constant 1 : i32
      %get3A_387 = arith.index_cast %get3A_384 : i32 to index
      %get3A_388 = arith.index_cast %get3A_385 : i32 to index
      %get3A_389 = arith.index_cast %get3A_386 : i32 to index
      %get3A_390 = arith.index_cast %mul3A_247 : i32 to index
      %get3A_391 = tpu.vector_load %arg5[%get3A_387, %get3A_388, %get3A_389, %get3A_390] {strides = array<i32>} : memref<3x5x8x1024xf32, #tpu.memory_space<vmem>>, vector<1x1x1x16xf32>,
      %get3A_392 = vector.shape_cast %get3A_391 : vector<1x1x1x16xf32> to vector<16xf32>
      %add3A_393 = arith.addf %get3A_392, %get3A_343 : vector<16xf32>
      %swap3A_394 = arith.constant 1 : i32
      %swap3A_395 = arith.constant 3 : i32
      %swap3A_396 = arith.constant 1 : i32
      %swap3A_397 = arith.index_cast %swap3A_394 : i32 to index
      %swap3A_398 = arith.index_cast %swap3A_395 : i32 to index
      %swap3A_399 = arith.index_cast %swap3A_396 : i32 to index
      %swap3A_400 = arith.index_cast %mul3A_247 : i32 to index
      %swap3A_401 = tpu.vector_load %arg5[%swap3A_397, %swap3A_398, %swap3A_399, %swap3A_400] {strides = array<i32>} : memref<3x5x8x1024xf32, #tpu.memory_space<vmem>>, vector<1x1x1x16xf32>,
      %swap3A_402 = vector.shape_cast %swap3A_401 : vector<1x1x1x16xf32> to vector<16xf32>
      %swap3A_403 = vector.shape_cast %add3A_393 : vector<16xf32> to vector<1x1x1x16xf32>
      tpu.vector_store %arg5[%swap3A_397, %swap3A_398, %swap3A_399, %swap3A_400], %swap3A_403 {strides = array<i32>} : memref<3x5x8x1024xf32, #tpu.memory_space<vmem>>, vector<1x1x1x16xf32>,
      %get3A_404 = arith.constant 1 : i32
      %get3A_405 = arith.constant 4 : i32
      %get3A_406 = arith.constant 1 : i32
      %get3A_407 = arith.index_cast %get3A_404 : i32 to index
      %get3A_408 = arith.index_cast %get3A_405 : i32 to index
      %get3A_409 = arith.index_cast %get3A_406 : i32 to index
      %get3A_410 = arith.index_cast %mul3A_247 : i32 to index
      %get3A_411 = tpu.vector_load %arg5[%get3A_407, %get3A_408, %get3A_409, %get3A_410] {strides = array<i32>} : memref<3x5x8x1024xf32, #tpu.memory_space<vmem>>, vector<1x1x1x16xf32>,
      %get3A_412 = vector.shape_cast %get3A_411 : vector<1x1x1x16xf32> to vector<16xf32>
      %add3A_413 = arith.addf %get3A_412, %get3A_343 : vector<16xf32>
      %swap3A_414 = arith.constant 1 : i32
      %swap3A_415 = arith.constant 4 : i32
      %swap3A_416 = arith.constant 1 : i32
      %swap3A_417 = arith.index_cast %swap3A_414 : i32 to index
      %swap3A_418 = arith.index_cast %swap3A_415 : i32 to index
      %swap3A_419 = arith.index_cast %swap3A_416 : i32 to index
      %swap3A_420 = arith.index_cast %mul3A_247 : i32 to index
      %swap3A_421 = tpu.vector_load %arg5[%swap3A_417, %swap3A_418, %swap3A_419, %swap3A_420] {strides = array<i32>} : memref<3x5x8x1024xf32, #tpu.memory_space<vmem>>, vector<1x1x1x16xf32>,
      %swap3A_422 = vector.shape_cast %swap3A_421 : vector<1x1x1x16xf32> to vector<16xf32>
      %swap3A_423 = vector.shape_cast %add3A_413 : vector<16xf32> to vector<1x1x1x16xf32>
      tpu.vector_store %arg5[%swap3A_417, %swap3A_418, %swap3A_419, %swap3A_420], %swap3A_423 {strides = array<i32>} : memref<3x5x8x1024xf32, #tpu.memory_space<vmem>>, vector<1x1x1x16xf32>,
      %get3A_424 = arith.constant 1 : i32
      %get3A_425 = arith.constant 0 : i32
      %get3A_426 = arith.constant 2 : i32
      %get3A_427 = arith.index_cast %get3A_424 : i32 to index
      %get3A_428 = arith.index_cast %get3A_425 : i32 to index
      %get3A_429 = arith.index_cast %get3A_426 : i32 to index
      %get3A_430 = arith.index_cast %mul3A_247 : i32 to index
      %get3A_431 = tpu.vector_load %arg5[%get3A_427, %get3A_428, %get3A_429, %get3A_430] {strides = array<i32>} : memref<3x5x8x1024xf32, #tpu.memory_space<vmem>>, vector<1x1x1x16xf32>,
      %get3A_432 = vector.shape_cast %get3A_431 : vector<1x1x1x16xf32> to vector<16xf32>
      %get3A_433 = arith.constant 1 : i32
      %get3A_434 = arith.constant 1 : i32
      %get3A_435 = arith.constant 2 : i32
      %get3A_436 = arith.index_cast %get3A_433 : i32 to index
      %get3A_437 = arith.index_cast %get3A_434 : i32 to index
      %get3A_438 = arith.index_cast %get3A_435 : i32 to index
      %get3A_439 = arith.index_cast %mul3A_247 : i32 to index
      %get3A_440 = tpu.vector_load %arg5[%get3A_436, %get3A_437, %get3A_438, %get3A_439] {strides = array<i32>} : memref<3x5x8x1024xf32, #tpu.memory_space<vmem>>, vector<1x1x1x16xf32>,
      %get3A_441 = vector.shape_cast %get3A_440 : vector<1x1x1x16xf32> to vector<16xf32>
      %add3A_442 = arith.addf %get3A_441, %get3A_432 : vector<16xf32>
      %swap3A_443 = arith.constant 1 : i32
      %swap3A_444 = arith.constant 1 : i32
      %swap3A_445 = arith.constant 2 : i32
      %swap3A_446 = arith.index_cast %swap3A_443 : i32 to index
      %swap3A_447 = arith.index_cast %swap3A_444 : i32 to index
      %swap3A_448 = arith.index_cast %swap3A_445 : i32 to index
      %swap3A_449 = arith.index_cast %mul3A_247 : i32 to index
      %swap3A_450 = tpu.vector_load %arg5[%swap3A_446, %swap3A_447, %swap3A_448, %swap3A_449] {strides = array<i32>} : memref<3x5x8x1024xf32, #tpu.memory_space<vmem>>, vector<1x1x1x16xf32>,
      %swap3A_451 = vector.shape_cast %swap3A_450 : vector<1x1x1x16xf32> to vector<16xf32>
      %swap3A_452 = vector.shape_cast %add3A_442 : vector<16xf32> to vector<1x1x1x16xf32>
      tpu.vector_store %arg5[%swap3A_446, %swap3A_447, %swap3A_448, %swap3A_449], %swap3A_452 {strides = array<i32>} : memref<3x5x8x1024xf32, #tpu.memory_space<vmem>>, vector<1x1x1x16xf32>,
      %get3A_453 = arith.constant 1 : i32
      %get3A_454 = arith.constant 2 : i32
      %get3A_455 = arith.constant 2 : i32
      %get3A_456 = arith.index_cast %get3A_453 : i32 to index
      %get3A_457 = arith.index_cast %get3A_454 : i32 to index
      %get3A_458 = arith.index_cast %get3A_455 : i32 to index
      %get3A_459 = arith.index_cast %mul3A_247 : i32 to index
      %get3A_460 = tpu.vector_load %arg5[%get3A_456, %get3A_457, %get3A_458, %get3A_459] {strides = array<i32>} : memref<3x5x8x1024xf32, #tpu.memory_space<vmem>>, vector<1x1x1x16xf32>,
      %get3A_461 = vector.shape_cast %get3A_460 : vector<1x1x1x16xf32> to vector<16xf32>
      %add3A_462 = arith.addf %get3A_461, %get3A_432 : vector<16xf32>
      %swap3A_463 = arith.constant 1 : i32
      %swap3A_464 = arith.constant 2 : i32
      %swap3A_465 = arith.constant 2 : i32
      %swap3A_466 = arith.index_cast %swap3A_463 : i32 to index
      %swap3A_467 = arith.index_cast %swap3A_464 : i32 to index
      %swap3A_468 = arith.index_cast %swap3A_465 : i32 to index
      %swap3A_469 = arith.index_cast %mul3A_247 : i32 to index
      %swap3A_470 = tpu.vector_load %arg5[%swap3A_466, %swap3A_467, %swap3A_468, %swap3A_469] {strides = array<i32>} : memref<3x5x8x1024xf32, #tpu.memory_space<vmem>>, vector<1x1x1x16xf32>,
      %swap3A_471 = vector.shape_cast %swap3A_470 : vector<1x1x1x16xf32> to vector<16xf32>
      %swap3A_472 = vector.shape_cast %add3A_462 : vector<16xf32> to vector<1x1x1x16xf32>
      tpu.vector_store %arg5[%swap3A_466, %swap3A_467, %swap3A_468, %swap3A_469], %swap3A_472 {strides = array<i32>} : memref<3x5x8x1024xf32, #tpu.memory_space<vmem>>, vector<1x1x1x16xf32>,
      %get3A_473 = arith.constant 1 : i32
      %get3A_474 = arith.constant 3 : i32
      %get3A_475 = arith.constant 2 : i32
      %get3A_476 = arith.index_cast %get3A_473 : i32 to index
      %get3A_477 = arith.index_cast %get3A_474 : i32 to index
      %get3A_478 = arith.index_cast %get3A_475 : i32 to index
      %get3A_479 = arith.index_cast %mul3A_247 : i32 to index
      %get3A_480 = tpu.vector_load %arg5[%get3A_476, %get3A_477, %get3A_478, %get3A_479] {strides = array<i32>} : memref<3x5x8x1024xf32, #tpu.memory_space<vmem>>, vector<1x1x1x16xf32>,
      %get3A_481 = vector.shape_cast %get3A_480 : vector<1x1x1x16xf32> to vector<16xf32>
      %add3A_482 = arith.addf %get3A_481, %get3A_432 : vector<16xf32>
      %swap3A_483 = arith.constant 1 : i32
      %swap3A_484 = arith.constant 3 : i32
      %swap3A_485 = arith.constant 2 : i32
      %swap3A_486 = arith.index_cast %swap3A_483 : i32 to index
      %swap3A_487 = arith.index_cast %swap3A_484 : i32 to index
      %swap3A_488 = arith.index_cast %swap3A_485 : i32 to index
      %swap3A_489 = arith.index_cast %mul3A_247 : i32 to index
      %swap3A_490 = tpu.vector_load %arg5[%swap3A_486, %swap3A_487, %swap3A_488, %swap3A_489] {strides = array<i32>} : memref<3x5x8x1024xf32, #tpu.memory_space<vmem>>, vector<1x1x1x16xf32>,
      %swap3A_491 = vector.shape_cast %swap3A_490 : vector<1x1x1x16xf32> to vector<16xf32>
      %swap3A_492 = vector.shape_cast %add3A_482 : vector<16xf32> to vector<1x1x1x16xf32>
      tpu.vector_store %arg5[%swap3A_486, %swap3A_487, %swap3A_488, %swap3A_489], %swap3A_492 {strides = array<i32>} : memref<3x5x8x1024xf32, #tpu.memory_space<vmem>>, vector<1x1x1x16xf32>,
      %get3A_493 = arith.constant 1 : i32
      %get3A_494 = arith.constant 4 : i32
      %get3A_495 = arith.constant 2 : i32
      %get3A_496 = arith.index_cast %get3A_493 : i32 to index
      %get3A_497 = arith.index_cast %get3A_494 : i32 to index
      %get3A_498 = arith.index_cast %get3A_495 : i32 to index
      %get3A_499 = arith.index_cast %mul3A_247 : i32 to index
      %get3A_500 = tpu.vector_load %arg5[%get3A_496, %get3A_497, %get3A_498, %get3A_499] {strides = array<i32>} : memref<3x5x8x1024xf32, #tpu.memory_space<vmem>>, vector<1x1x1x16xf32>,
      %get3A_501 = vector.shape_cast %get3A_500 : vector<1x1x1x16xf32> to vector<16xf32>
      %add3A_502 = arith.addf %get3A_501, %get3A_432 : vector<16xf32>
      %swap3A_503 = arith.constant 1 : i32
      %swap3A_504 = arith.constant 4 : i32
      %swap3A_505 = arith.constant 2 : i32
      %swap3A_506 = arith.index_cast %swap3A_503 : i32 to index
      %swap3A_507 = arith.index_cast %swap3A_504 : i32 to index
      %swap3A_508 = arith.index_cast %swap3A_505 : i32 to index
      %swap3A_509 = arith.index_cast %mul3A_247 : i32 to index
      %swap3A_510 = tpu.vector_load %arg5[%swap3A_506, %swap3A_507, %swap3A_508, %swap3A_509] {strides = array<i32>} : memref<3x5x8x1024xf32, #tpu.memory_space<vmem>>, vector<1x1x1x16xf32>,
      %swap3A_511 = vector.shape_cast %swap3A_510 : vector<1x1x1x16xf32> to vector<16xf32>
      %swap3A_512 = vector.shape_cast %add3A_502 : vector<16xf32> to vector<1x1x1x16xf32>
      tpu.vector_store %arg5[%swap3A_506, %swap3A_507, %swap3A_508, %swap3A_509], %swap3A_512 {strides = array<i32>} : memref<3x5x8x1024xf32, #tpu.memory_space<vmem>>, vector<1x1x1x16xf32>,
      %get3A_513 = arith.constant 1 : i32
      %get3A_514 = arith.constant 0 : i32
      %get3A_515 = arith.constant 3 : i32
      %get3A_516 = arith.index_cast %get3A_513 : i32 to index
      %get3A_517 = arith.index_cast %get3A_514 : i32 to index
      %get3A_518 = arith.index_cast %get3A_515 : i32 to index
      %get3A_519 = arith.index_cast %mul3A_247 : i32 to index
      %get3A_520 = tpu.vector_load %arg5[%get3A_516, %get3A_517, %get3A_518, %get3A_519] {strides = array<i32>} : memref<3x5x8x1024xf32, #tpu.memory_space<vmem>>, vector<1x1x1x16xf32>,
      %get3A_521 = vector.shape_cast %get3A_520 : vector<1x1x1x16xf32> to vector<16xf32>
      %get3A_522 = arith.constant 1 : i32
      %get3A_523 = arith.constant 1 : i32
      %get3A_524 = arith.constant 3 : i32
      %get3A_525 = arith.index_cast %get3A_522 : i32 to index
      %get3A_526 = arith.index_cast %get3A_523 : i32 to index
      %get3A_527 = arith.index_cast %get3A_524 : i32 to index
      %get3A_528 = arith.index_cast %mul3A_247 : i32 to index
      %get3A_529 = tpu.vector_load %arg5[%get3A_525, %get3A_526, %get3A_527, %get3A_528] {strides = array<i32>} : memref<3x5x8x1024xf32, #tpu.memory_space<vmem>>, vector<1x1x1x16xf32>,
      %get3A_530 = vector.shape_cast %get3A_529 : vector<1x1x1x16xf32> to vector<16xf32>
      %add3A_531 = arith.addf %get3A_530, %get3A_521 : vector<16xf32>
      %swap3A_532 = arith.constant 1 : i32
      %swap3A_533 = arith.constant 1 : i32
      %swap3A_534 = arith.constant 3 : i32
      %swap3A_535 = arith.index_cast %swap3A_532 : i32 to index
      %swap3A_536 = arith.index_cast %swap3A_533 : i32 to index
      %swap3A_537 = arith.index_cast %swap3A_534 : i32 to index
      %swap3A_538 = arith.index_cast %mul3A_247 : i32 to index
      %swap3A_539 = tpu.vector_load %arg5[%swap3A_535, %swap3A_536, %swap3A_537, %swap3A_538] {strides = array<i32>} : memref<3x5x8x1024xf32, #tpu.memory_space<vmem>>, vector<1x1x1x16xf32>,
      %swap3A_540 = vector.shape_cast %swap3A_539 : vector<1x1x1x16xf32> to vector<16xf32>
      %swap3A_541 = vector.shape_cast %add3A_531 : vector<16xf32> to vector<1x1x1x16xf32>
      tpu.vector_store %arg5[%swap3A_535, %swap3A_536, %swap3A_537, %swap3A_538], %swap3A_541 {strides = array<i32>} : memref<3x5x8x1024xf32, #tpu.memory_space<vmem>>, vector<1x1x1x16xf32>,
      %get3A_542 = arith.constant 1 : i32
      %get3A_543 = arith.constant 2 : i32
      %get3A_544 = arith.constant 3 : i32
      %get3A_545 = arith.index_cast %get3A_542 : i32 to index
      %get3A_546 = arith.index_cast %get3A_543 : i32 to index
      %get3A_547 = arith.index_cast %get3A_544 : i32 to index
      %get3A_548 = arith.index_cast %mul3A_247 : i32 to index
      %get3A_549 = tpu.vector_load %arg5[%get3A_545, %get3A_546, %get3A_547, %get3A_548] {strides = array<i32>} : memref<3x5x8x1024xf32, #tpu.memory_space<vmem>>, vector<1x1x1x16xf32>,
      %get3A_550 = vector.shape_cast %get3A_549 : vector<1x1x1x16xf32> to vector<16xf32>
      %add3A_551 = arith.addf %get3A_550, %get3A_521 : vector<16xf32>
      %swap3A_552 = arith.constant 1 : i32
      %swap3A_553 = arith.constant 2 : i32
      %swap3A_554 = arith.constant 3 : i32
      %swap3A_555 = arith.index_cast %swap3A_552 : i32 to index
      %swap3A_556 = arith.index_cast %swap3A_553 : i32 to index
      %swap3A_557 = arith.index_cast %swap3A_554 : i32 to index
      %swap3A_558 = arith.index_cast %mul3A_247 : i32 to index
      %swap3A_559 = tpu.vector_load %arg5[%swap3A_555, %swap3A_556, %swap3A_557, %swap3A_558] {strides = array<i32>} : memref<3x5x8x1024xf32, #tpu.memory_space<vmem>>, vector<1x1x1x16xf32>,
      %swap3A_560 = vector.shape_cast %swap3A_559 : vector<1x1x1x16xf32> to vector<16xf32>
      %swap3A_561 = vector.shape_cast %add3A_551 : vector<16xf32> to vector<1x1x1x16xf32>
      tpu.vector_store %arg5[%swap3A_555, %swap3A_556, %swap3A_557, %swap3A_558], %swap3A_561 {strides = array<i32>} : memref<3x5x8x1024xf32, #tpu.memory_space<vmem>>, vector<1x1x1x16xf32>,
      %get3A_562 = arith.constant 1 : i32
      %get3A_563 = arith.constant 3 : i32
      %get3A_564 = arith.constant 3 : i32
      %get3A_565 = arith.index_cast %get3A_562 : i32 to index
      %get3A_566 = arith.index_cast %get3A_563 : i32 to index
      %get3A_567 = arith.index_cast %get3A_564 : i32 to index
      %get3A_568 = arith.index_cast %mul3A_247 : i32 to index
      %get3A_569 = tpu.vector_load %arg5[%get3A_565, %get3A_566, %get3A_567, %get3A_568] {strides = array<i32>} : memref<3x5x8x1024xf32, #tpu.memory_space<vmem>>, vector<1x1x1x16xf32>,
      %get3A_570 = vector.shape_cast %get3A_569 : vector<1x1x1x16xf32> to vector<16xf32>
      %add3A_571 = arith.addf %get3A_570, %get3A_521 : vector<16xf32>
      %swap3A_572 = arith.constant 1 : i32
      %swap3A_573 = arith.constant 3 : i32
      %swap3A_574 = arith.constant 3 : i32
      %swap3A_575 = arith.index_cast %swap3A_572 : i32 to index
      %swap3A_576 = arith.index_cast %swap3A_573 : i32 to index
      %swap3A_577 = arith.index_cast %swap3A_574 : i32 to index
      %swap3A_578 = arith.index_cast %mul3A_247 : i32 to index
      %swap3A_579 = tpu.vector_load %arg5[%swap3A_575, %swap3A_576, %swap3A_577, %swap3A_578] {strides = array<i32>} : memref<3x5x8x1024xf32, #tpu.memory_space<vmem>>, vector<1x1x1x16xf32>,
      %swap3A_580 = vector.shape_cast %swap3A_579 : vector<1x1x1x16xf32> to vector<16xf32>
      %swap3A_581 = vector.shape_cast %add3A_571 : vector<16xf32> to vector<1x1x1x16xf32>
      tpu.vector_store %arg5[%swap3A_575, %swap3A_576, %swap3A_577, %swap3A_578], %swap3A_581 {strides = array<i32>} : memref<3x5x8x1024xf32, #tpu.memory_space<vmem>>, vector<1x1x1x16xf32>,
      %get3A_582 = arith.constant 1 : i32
      %get3A_583 = arith.constant 4 : i32
      %get3A_584 = arith.constant 3 : i32
      %get3A_585 = arith.index_cast %get3A_582 : i32 to index
      %get3A_586 = arith.index_cast %get3A_583 : i32 to index
      %get3A_587 = arith.index_cast %get3A_584 : i32 to index
      %get3A_588 = arith.index_cast %mul3A_247 : i32 to index
      %get3A_589 = tpu.vector_load %arg5[%get3A_585, %get3A_586, %get3A_587, %get3A_588] {strides = array<i32>} : memref<3x5x8x1024xf32, #tpu.memory_space<vmem>>, vector<1x1x1x16xf32>,
      %get3A_590 = vector.shape_cast %get3A_589 : vector<1x1x1x16xf32> to vector<16xf32>
      %add3A_591 = arith.addf %get3A_590, %get3A_521 : vector<16xf32>
      %swap3A_592 = arith.constant 1 : i32
      %swap3A_593 = arith.constant 4 : i32
      %swap3A_594 = arith.constant 3 : i32
      %swap3A_595 = arith.index_cast %swap3A_592 : i32 to index
      %swap3A_596 = arith.index_cast %swap3A_593 : i32 to index
      %swap3A_597 = arith.index_cast %swap3A_594 : i32 to index
      %swap3A_598 = arith.index_cast %mul3A_247 : i32 to index
      %swap3A_599 = tpu.vector_load %arg5[%swap3A_595, %swap3A_596, %swap3A_597, %swap3A_598] {strides = array<i32>} : memref<3x5x8x1024xf32, #tpu.memory_space<vmem>>, vector<1x1x1x16xf32>,
      %swap3A_600 = vector.shape_cast %swap3A_599 : vector<1x1x1x16xf32> to vector<16xf32>
      %swap3A_601 = vector.shape_cast %add3A_591 : vector<16xf32> to vector<1x1x1x16xf32>
      tpu.vector_store %arg5[%swap3A_595, %swap3A_596, %swap3A_597, %swap3A_598], %swap3A_601 {strides = array<i32>} : memref<3x5x8x1024xf32, #tpu.memory_space<vmem>>, vector<1x1x1x16xf32>,
      %get3A_602 = arith.constant 1 : i32
      %get3A_603 = arith.constant 0 : i32
      %get3A_604 = arith.constant 4 : i32
      %get3A_605 = arith.index_cast %get3A_602 : i32 to index
      %get3A_606 = arith.index_cast %get3A_603 : i32 to index
      %get3A_607 = arith.index_cast %get3A_604 : i32 to index
      %get3A_608 = arith.index_cast %mul3A_247 : i32 to index
      %get3A_609 = tpu.vector_load %arg5[%get3A_605, %get3A_606, %get3A_607, %get3A_608] {strides = array<i32>} : memref<3x5x8x1024xf32, #tpu.memory_space<vmem>>, vector<1x1x1x16xf32>,
      %get3A_610 = vector.shape_cast %get3A_609 : vector<1x1x1x16xf32> to vector<16xf32>
      %get3A_611 = arith.constant 1 : i32
      %get3A_612 = arith.constant 1 : i32
      %get3A_613 = arith.constant 4 : i32
      %get3A_614 = arith.index_cast %get3A_611 : i32 to index
      %get3A_615 = arith.index_cast %get3A_612 : i32 to index
      %get3A_616 = arith.index_cast %get3A_613 : i32 to index
      %get3A_617 = arith.index_cast %mul3A_247 : i32 to index
      %get3A_618 = tpu.vector_load %arg5[%get3A_614, %get3A_615, %get3A_616, %get3A_617] {strides = array<i32>} : memref<3x5x8x1024xf32, #tpu.memory_space<vmem>>, vector<1x1x1x16xf32>,
      %get3A_619 = vector.shape_cast %get3A_618 : vector<1x1x1x16xf32> to vector<16xf32>
      %add3A_620 = arith.addf %get3A_619, %get3A_610 : vector<16xf32>
      %swap3A_621 = arith.constant 1 : i32
      %swap3A_622 = arith.constant 1 : i32
      %swap3A_623 = arith.constant 4 : i32
      %swap3A_624 = arith.index_cast %swap3A_621 : i32 to index
      %swap3A_625 = arith.index_cast %swap3A_622 : i32 to index
      %swap3A_626 = arith.index_cast %swap3A_623 : i32 to index
      %swap3A_627 = arith.index_cast %mul3A_247 : i32 to index
      %swap3A_628 = tpu.vector_load %arg5[%swap3A_624, %swap3A_625, %swap3A_626, %swap3A_627] {strides = array<i32>} : memref<3x5x8x1024xf32, #tpu.memory_space<vmem>>, vector<1x1x1x16xf32>,
      %swap3A_629 = vector.shape_cast %swap3A_628 : vector<1x1x1x16xf32> to vector<16xf32>
      %swap3A_630 = vector.shape_cast %add3A_620 : vector<16xf32> to vector<1x1x1x16xf32>
      tpu.vector_store %arg5[%swap3A_624, %swap3A_625, %swap3A_626, %swap3A_627], %swap3A_630 {strides = array<i32>} : memref<3x5x8x1024xf32, #tpu.memory_space<vmem>>, vector<1x1x1x16xf32>,
      %get3A_631 = arith.constant 1 : i32
      %get3A_632 = arith.constant 2 : i32
      %get3A_633 = arith.constant 4 : i32
      %get3A_634 = arith.index_cast %get3A_631 : i32 to index
      %get3A_635 = arith.index_cast %get3A_632 : i32 to index
      %get3A_636 = arith.index_cast %get3A_633 : i32 to index
      %get3A_637 = arith.index_cast %mul3A_247 : i32 to index
      %get3A_638 = tpu.vector_load %arg5[%get3A_634, %get3A_635, %get3A_636, %get3A_637] {strides = array<i32>} : memref<3x5x8x1024xf32, #tpu.memory_space<vmem>>, vector<1x1x1x16xf32>,
      %get3A_639 = vector.shape_cast %get3A_638 : vector<1x1x1x16xf32> to vector<16xf32>
      %add3A_640 = arith.addf %get3A_639, %get3A_610 : vector<16xf32>
      %swap3A_641 = arith.constant 1 : i32
      %swap3A_642 = arith.constant 2 : i32
      %swap3A_643 = arith.constant 4 : i32
      %swap3A_644 = arith.index_cast %swap3A_641 : i32 to index
      %swap3A_645 = arith.index_cast %swap3A_642 : i32 to index
      %swap3A_646 = arith.index_cast %swap3A_643 : i32 to index
      %swap3A_647 = arith.index_cast %mul3A_247 : i32 to index
      %swap3A_648 = tpu.vector_load %arg5[%swap3A_644, %swap3A_645, %swap3A_646, %swap3A_647] {strides = array<i32>} : memref<3x5x8x1024xf32, #tpu.memory_space<vmem>>, vector<1x1x1x16xf32>,
      %swap3A_649 = vector.shape_cast %swap3A_648 : vector<1x1x1x16xf32> to vector<16xf32>
      %swap3A_650 = vector.shape_cast %add3A_640 : vector<16xf32> to vector<1x1x1x16xf32>
      tpu.vector_store %arg5[%swap3A_644, %swap3A_645, %swap3A_646, %swap3A_647], %swap3A_650 {strides = array<i32>} : memref<3x5x8x1024xf32, #tpu.memory_space<vmem>>, vector<1x1x1x16xf32>,
      %get3A_651 = arith.constant 1 : i32
      %get3A_652 = arith.constant 3 : i32
      %get3A_653 = arith.constant 4 : i32
      %get3A_654 = arith.index_cast %get3A_651 : i32 to index
      %get3A_655 = arith.index_cast %get3A_652 : i32 to index
      %get3A_656 = arith.index_cast %get3A_653 : i32 to index
      %get3A_657 = arith.index_cast %mul3A_247 : i32 to index
      %get3A_658 = tpu.vector_load %arg5[%get3A_654, %get3A_655, %get3A_656, %get3A_657] {strides = array<i32>} : memref<3x5x8x1024xf32, #tpu.memory_space<vmem>>, vector<1x1x1x16xf32>,
      %get3A_659 = vector.shape_cast %get3A_658 : vector<1x1x1x16xf32> to vector<16xf32>
      %add3A_660 = arith.addf %get3A_659, %get3A_610 : vector<16xf32>
      %swap3A_661 = arith.constant 1 : i32
      %swap3A_662 = arith.constant 3 : i32
      %swap3A_663 = arith.constant 4 : i32
      %swap3A_664 = arith.index_cast %swap3A_661 : i32 to index
      %swap3A_665 = arith.index_cast %swap3A_662 : i32 to index
      %swap3A_666 = arith.index_cast %swap3A_663 : i32 to index
      %swap3A_667 = arith.index_cast %mul3A_247 : i32 to index
      %swap3A_668 = tpu.vector_load %arg5[%swap3A_664, %swap3A_665, %swap3A_666, %swap3A_667] {strides = array<i32>} : memref<3x5x8x1024xf32, #tpu.memory_space<vmem>>, vector<1x1x1x16xf32>,
      %swap3A_669 = vector.shape_cast %swap3A_668 : vector<1x1x1x16xf32> to vector<16xf32>
      %swap3A_670 = vector.shape_cast %add3A_660 : vector<16xf32> to vector<1x1x1x16xf32>
      tpu.vector_store %arg5[%swap3A_664, %swap3A_665, %swap3A_666, %swap3A_667], %swap3A_670 {strides = array<i32>} : memref<3x5x8x1024xf32, #tpu.memory_space<vmem>>, vector<1x1x1x16xf32>,
      %get3A_671 = arith.constant 1 : i32
      %get3A_672 = arith.constant 4 : i32
      %get3A_673 = arith.constant 4 : i32
      %get3A_674 = arith.index_cast %get3A_671 : i32 to index
      %get3A_675 = arith.index_cast %get3A_672 : i32 to index
      %get3A_676 = arith.index_cast %get3A_673 : i32 to index
      %get3A_677 = arith.index_cast %mul3A_247 : i32 to index
      %get3A_678 = tpu.vector_load %arg5[%get3A_674, %get3A_675, %get3A_676, %get3A_677] {strides = array<i32>} : memref<3x5x8x1024xf32, #tpu.memory_space<vmem>>, vector<1x1x1x16xf32>,
      %get3A_679 = vector.shape_cast %get3A_678 : vector<1x1x1x16xf32> to vector<16xf32>
      %add3A_680 = arith.addf %get3A_679, %get3A_610 : vector<16xf32>
      %swap3A_681 = arith.constant 1 : i32
      %swap3A_682 = arith.constant 4 : i32
      %swap3A_683 = arith.constant 4 : i32
      %swap3A_684 = arith.index_cast %swap3A_681 : i32 to index
      %swap3A_685 = arith.index_cast %swap3A_682 : i32 to index
      %swap3A_686 = arith.index_cast %swap3A_683 : i32 to index
      %swap3A_687 = arith.index_cast %mul3A_247 : i32 to index
      %swap3A_688 = tpu.vector_load %arg5[%swap3A_684, %swap3A_685, %swap3A_686, %swap3A_687] {strides = array<i32>} : memref<3x5x8x1024xf32, #tpu.memory_space<vmem>>, vector<1x1x1x16xf32>,
      %swap3A_689 = vector.shape_cast %swap3A_688 : vector<1x1x1x16xf32> to vector<16xf32>
      %swap3A_690 = vector.shape_cast %add3A_680 : vector<16xf32> to vector<1x1x1x16xf32>
      tpu.vector_store %arg5[%swap3A_684, %swap3A_685, %swap3A_686, %swap3A_687], %swap3A_690 {strides = array<i32>} : memref<3x5x8x1024xf32, #tpu.memory_space<vmem>>, vector<1x1x1x16xf32>,
      %get3A_691 = arith.constant 1 : i32
      %get3A_692 = arith.constant 0 : i32
      %get3A_693 = arith.constant 5 : i32
      %get3A_694 = arith.index_cast %get3A_691 : i32 to index
      %get3A_695 = arith.index_cast %get3A_692 : i32 to index
      %get3A_696 = arith.index_cast %get3A_693 : i32 to index
      %get3A_697 = arith.index_cast %mul3A_247 : i32 to index
      %get3A_698 = tpu.vector_load %arg5[%get3A_694, %get3A_695, %get3A_696, %get3A_697] {strides = array<i32>} : memref<3x5x8x1024xf32, #tpu.memory_space<vmem>>, vector<1x1x1x16xf32>,
      %get3A_699 = vector.shape_cast %get3A_698 : vector<1x1x1x16xf32> to vector<16xf32>
      %get3A_700 = arith.constant 1 : i32
      %get3A_701 = arith.constant 1 : i32
      %get3A_702 = arith.constant 5 : i32
      %get3A_703 = arith.index_cast %get3A_700 : i32 to index
      %get3A_704 = arith.index_cast %get3A_701 : i32 to index
      %get3A_705 = arith.index_cast %get3A_702 : i32 to index
      %get3A_706 = arith.index_cast %mul3A_247 : i32 to index
      %get3A_707 = tpu.vector_load %arg5[%get3A_703, %get3A_704, %get3A_705, %get3A_706] {strides = array<i32>} : memref<3x5x8x1024xf32, #tpu.memory_space<vmem>>, vector<1x1x1x16xf32>,
      %get3A_708 = vector.shape_cast %get3A_707 : vector<1x1x1x16xf32> to vector<16xf32>
      %add3A_709 = arith.addf %get3A_708, %get3A_699 : vector<16xf32>
      %swap3A_710 = arith.constant 1 : i32
      %swap3A_711 = arith.constant 1 : i32
      %swap3A_712 = arith.constant 5 : i32
      %swap3A_713 = arith.index_cast %swap3A_710 : i32 to index
      %swap3A_714 = arith.index_cast %swap3A_711 : i32 to index
      %swap3A_715 = arith.index_cast %swap3A_712 : i32 to index
      %swap3A_716 = arith.index_cast %mul3A_247 : i32 to index
      %swap3A_717 = tpu.vector_load %arg5[%swap3A_713, %swap3A_714, %swap3A_715, %swap3A_716] {strides = array<i32>} : memref<3x5x8x1024xf32, #tpu.memory_space<vmem>>, vector<1x1x1x16xf32>,
      %swap3A_718 = vector.shape_cast %swap3A_717 : vector<1x1x1x16xf32> to vector<16xf32>
      %swap3A_719 = vector.shape_cast %add3A_709 : vector<16xf32> to vector<1x1x1x16xf32>
      tpu.vector_store %arg5[%swap3A_713, %swap3A_714, %swap3A_715, %swap3A_716], %swap3A_719 {strides = array<i32>} : memref<3x5x8x1024xf32, #tpu.memory_space<vmem>>, vector<1x1x1x16xf32>,
      %get3A_720 = arith.constant 1 : i32
      %get3A_721 = arith.constant 2 : i32
      %get3A_722 = arith.constant 5 : i32
      %get3A_723 = arith.index_cast %get3A_720 : i32 to index
      %get3A_724 = arith.index_cast %get3A_721 : i32 to index
      %get3A_725 = arith.index_cast %get3A_722 : i32 to index
      %get3A_726 = arith.index_cast %mul3A_247 : i32 to index
      %get3A_727 = tpu.vector_load %arg5[%get3A_723, %get3A_724, %get3A_725, %get3A_726] {strides = array<i32>} : memref<3x5x8x1024xf32, #tpu.memory_space<vmem>>, vector<1x1x1x16xf32>,
      %get3A_728 = vector.shape_cast %get3A_727 : vector<1x1x1x16xf32> to vector<16xf32>
      %add3A_729 = arith.addf %get3A_728, %get3A_699 : vector<16xf32>
      %swap3A_730 = arith.constant 1 : i32
      %swap3A_731 = arith.constant 2 : i32
      %swap3A_732 = arith.constant 5 : i32
      %swap3A_733 = arith.index_cast %swap3A_730 : i32 to index
      %swap3A_734 = arith.index_cast %swap3A_731 : i32 to index
      %swap3A_735 = arith.index_cast %swap3A_732 : i32 to index
      %swap3A_736 = arith.index_cast %mul3A_247 : i32 to index
      %swap3A_737 = tpu.vector_load %arg5[%swap3A_733, %swap3A_734, %swap3A_735, %swap3A_736] {strides = array<i32>} : memref<3x5x8x1024xf32, #tpu.memory_space<vmem>>, vector<1x1x1x16xf32>,
      %swap3A_738 = vector.shape_cast %swap3A_737 : vector<1x1x1x16xf32> to vector<16xf32>
      %swap3A_739 = vector.shape_cast %add3A_729 : vector<16xf32> to vector<1x1x1x16xf32>
      tpu.vector_store %arg5[%swap3A_733, %swap3A_734, %swap3A_735, %swap3A_736], %swap3A_739 {strides = array<i32>} : memref<3x5x8x1024xf32, #tpu.memory_space<vmem>>, vector<1x1x1x16xf32>,
      %get3A_740 = arith.constant 1 : i32
      %get3A_741 = arith.constant 3 : i32
      %get3A_742 = arith.constant 5 : i32
      %get3A_743 = arith.index_cast %get3A_740 : i32 to index
      %get3A_744 = arith.index_cast %get3A_741 : i32 to index
      %get3A_745 = arith.index_cast %get3A_742 : i32 to index
      %get3A_746 = arith.index_cast %mul3A_247 : i32 to index
      %get3A_747 = tpu.vector_load %arg5[%get3A_743, %get3A_744, %get3A_745, %get3A_746] {strides = array<i32>} : memref<3x5x8x1024xf32, #tpu.memory_space<vmem>>, vector<1x1x1x16xf32>,
      %get3A_748 = vector.shape_cast %get3A_747 : vector<1x1x1x16xf32> to vector<16xf32>
      %add3A_749 = arith.addf %get3A_748, %get3A_699 : vector<16xf32>
      %swap3A_750 = arith.constant 1 : i32
      %swap3A_751 = arith.constant 3 : i32
      %swap3A_752 = arith.constant 5 : i32
      %swap3A_753 = arith.index_cast %swap3A_750 : i32 to index
      %swap3A_754 = arith.index_cast %swap3A_751 : i32 to index
      %swap3A_755 = arith.index_cast %swap3A_752 : i32 to index
      %swap3A_756 = arith.index_cast %mul3A_247 : i32 to index
      %swap3A_757 = tpu.vector_load %arg5[%swap3A_753, %swap3A_754, %swap3A_755, %swap3A_756] {strides = array<i32>} : memref<3x5x8x1024xf32, #tpu.memory_space<vmem>>, vector<1x1x1x16xf32>,
      %swap3A_758 = vector.shape_cast %swap3A_757 : vector<1x1x1x16xf32> to vector<16xf32>
      %swap3A_759 = vector.shape_cast %add3A_749 : vector<16xf32> to vector<1x1x1x16xf32>
      tpu.vector_store %arg5[%swap3A_753, %swap3A_754, %swap3A_755, %swap3A_756], %swap3A_759 {strides = array<i32>} : memref<3x5x8x1024xf32, #tpu.memory_space<vmem>>, vector<1x1x1x16xf32>,
      %get3A_760 = arith.constant 1 : i32
      %get3A_761 = arith.constant 4 : i32
      %get3A_762 = arith.constant 5 : i32
      %get3A_763 = arith.index_cast %get3A_760 : i32 to index
      %get3A_764 = arith.index_cast %get3A_761 : i32 to index
      %get3A_765 = arith.index_cast %get3A_762 : i32 to index
      %get3A_766 = arith.index_cast %mul3A_247 : i32 to index
      %get3A_767 = tpu.vector_load %arg5[%get3A_763, %get3A_764, %get3A_765, %get3A_766] {strides = array<i32>} : memref<3x5x8x1024xf32, #tpu.memory_space<vmem>>, vector<1x1x1x16xf32>,
      %get3A_768 = vector.shape_cast %get3A_767 : vector<1x1x1x16xf32> to vector<16xf32>
      %add3A_769 = arith.addf %get3A_768, %get3A_699 : vector<16xf32>
      %swap3A_770 = arith.constant 1 : i32
      %swap3A_771 = arith.constant 4 : i32
      %swap3A_772 = arith.constant 5 : i32
      %swap3A_773 = arith.index_cast %swap3A_770 : i32 to index
      %swap3A_774 = arith.index_cast %swap3A_771 : i32 to index
      %swap3A_775 = arith.index_cast %swap3A_772 : i32 to index
      %swap3A_776 = arith.index_cast %mul3A_247 : i32 to index
      %swap3A_777 = tpu.vector_load %arg5[%swap3A_773, %swap3A_774, %swap3A_775, %swap3A_776] {strides = array<i32>} : memref<3x5x8x1024xf32, #tpu.memory_space<vmem>>, vector<1x1x1x16xf32>,
      %swap3A_778 = vector.shape_cast %swap3A_777 : vector<1x1x1x16xf32> to vector<16xf32>
      %swap3A_779 = vector.shape_cast %add3A_769 : vector<16xf32> to vector<1x1x1x16xf32>
      tpu.vector_store %arg5[%swap3A_773, %swap3A_774, %swap3A_775, %swap3A_776], %swap3A_779 {strides = array<i32>} : memref<3x5x8x1024xf32, #tpu.memory_space<vmem>>, vector<1x1x1x16xf32>,
      %get3A_780 = arith.constant 1 : i32
      %get3A_781 = arith.constant 0 : i32
      %get3A_782 = arith.constant 6 : i32
      %get3A_783 = arith.index_cast %get3A_780 : i32 to index
      %get3A_784 = arith.index_cast %get3A_781 : i32 to index
      %get3A_785 = arith.index_cast %get3A_782 : i32 to index
      %get3A_786 = arith.index_cast %mul3A_247 : i32 to index
      %get3A_787 = tpu.vector_load %arg5[%get3A_783, %get3A_784, %get3A_785, %get3A_786] {strides = array<i32>} : memref<3x5x8x1024xf32, #tpu.memory_space<vmem>>, vector<1x1x1x16xf32>,
      %get3A_788 = vector.shape_cast %get3A_787 : vector<1x1x1x16xf32> to vector<16xf32>
      %get3A_789 = arith.constant 1 : i32
      %get3A_790 = arith.constant 1 : i32
      %get3A_791 = arith.constant 6 : i32
      %get3A_792 = arith.index_cast %get3A_789 : i32 to index
      %get3A_793 = arith.index_cast %get3A_790 : i32 to index
      %get3A_794 = arith.index_cast %get3A_791 : i32 to index
      %get3A_795 = arith.index_cast %mul3A_247 : i32 to index
      %get3A_796 = tpu.vector_load %arg5[%get3A_792, %get3A_793, %get3A_794, %get3A_795] {strides = array<i32>} : memref<3x5x8x1024xf32, #tpu.memory_space<vmem>>, vector<1x1x1x16xf32>,
      %get3A_797 = vector.shape_cast %get3A_796 : vector<1x1x1x16xf32> to vector<16xf32>
      %add3A_798 = arith.addf %get3A_797, %get3A_788 : vector<16xf32>
      %swap3A_799 = arith.constant 1 : i32
      %swap3A_800 = arith.constant 1 : i32
      %swap3A_801 = arith.constant 6 : i32
      %swap3A_802 = arith.index_cast %swap3A_799 : i32 to index
      %swap3A_803 = arith.index_cast %swap3A_800 : i32 to index
      %swap3A_804 = arith.index_cast %swap3A_801 : i32 to index
      %swap3A_805 = arith.index_cast %mul3A_247 : i32 to index
      %swap3A_806 = tpu.vector_load %arg5[%swap3A_802, %swap3A_803, %swap3A_804, %swap3A_805] {strides = array<i32>} : memref<3x5x8x1024xf32, #tpu.memory_space<vmem>>, vector<1x1x1x16xf32>,
      %swap3A_807 = vector.shape_cast %swap3A_806 : vector<1x1x1x16xf32> to vector<16xf32>
      %swap3A_808 = vector.shape_cast %add3A_798 : vector<16xf32> to vector<1x1x1x16xf32>
      tpu.vector_store %arg5[%swap3A_802, %swap3A_803, %swap3A_804, %swap3A_805], %swap3A_808 {strides = array<i32>} : memref<3x5x8x1024xf32, #tpu.memory_space<vmem>>, vector<1x1x1x16xf32>,
      %get3A_809 = arith.constant 1 : i32
      %get3A_810 = arith.constant 2 : i32
      %get3A_811 = arith.constant 6 : i32
      %get3A_812 = arith.index_cast %get3A_809 : i32 to index
      %get3A_813 = arith.index_cast %get3A_810 : i32 to index
      %get3A_814 = arith.index_cast %get3A_811 : i32 to index
      %get3A_815 = arith.index_cast %mul3A_247 : i32 to index
      %get3A_816 = tpu.vector_load %arg5[%get3A_812, %get3A_813, %get3A_814, %get3A_815] {strides = array<i32>} : memref<3x5x8x1024xf32, #tpu.memory_space<vmem>>, vector<1x1x1x16xf32>,
      %get3A_817 = vector.shape_cast %get3A_816 : vector<1x1x1x16xf32> to vector<16xf32>
      %add3A_818 = arith.addf %get3A_817, %get3A_788 : vector<16xf32>
      %swap3A_819 = arith.constant 1 : i32
      %swap3A_820 = arith.constant 2 : i32
      %swap3A_821 = arith.constant 6 : i32
      %swap3A_822 = arith.index_cast %swap3A_819 : i32 to index
      %swap3A_823 = arith.index_cast %swap3A_820 : i32 to index
      %swap3A_824 = arith.index_cast %swap3A_821 : i32 to index
      %swap3A_825 = arith.index_cast %mul3A_247 : i32 to index
      %swap3A_826 = tpu.vector_load %arg5[%swap3A_822, %swap3A_823, %swap3A_824, %swap3A_825] {strides = array<i32>} : memref<3x5x8x1024xf32, #tpu.memory_space<vmem>>, vector<1x1x1x16xf32>,
      %swap3A_827 = vector.shape_cast %swap3A_826 : vector<1x1x1x16xf32> to vector<16xf32>
      %swap3A_828 = vector.shape_cast %add3A_818 : vector<16xf32> to vector<1x1x1x16xf32>
      tpu.vector_store %arg5[%swap3A_822, %swap3A_823, %swap3A_824, %swap3A_825], %swap3A_828 {strides = array<i32>} : memref<3x5x8x1024xf32, #tpu.memory_space<vmem>>, vector<1x1x1x16xf32>,
      %get3A_829 = arith.constant 1 : i32
      %get3A_830 = arith.constant 3 : i32
      %get3A_831 = arith.constant 6 : i32
      %get3A_832 = arith.index_cast %get3A_829 : i32 to index
      %get3A_833 = arith.index_cast %get3A_830 : i32 to index
      %get3A_834 = arith.index_cast %get3A_831 : i32 to index
      %get3A_835 = arith.index_cast %mul3A_247 : i32 to index
      %get3A_836 = tpu.vector_load %arg5[%get3A_832, %get3A_833, %get3A_834, %get3A_835] {strides = array<i32>} : memref<3x5x8x1024xf32, #tpu.memory_space<vmem>>, vector<1x1x1x16xf32>,
      %get3A_837 = vector.shape_cast %get3A_836 : vector<1x1x1x16xf32> to vector<16xf32>
      %add3A_838 = arith.addf %get3A_837, %get3A_788 : vector<16xf32>
      %swap3A_839 = arith.constant 1 : i32
      %swap3A_840 = arith.constant 3 : i32
      %swap3A_841 = arith.constant 6 : i32
      %swap3A_842 = arith.index_cast %swap3A_839 : i32 to index
      %swap3A_843 = arith.index_cast %swap3A_840 : i32 to index
      %swap3A_844 = arith.index_cast %swap3A_841 : i32 to index
      %swap3A_845 = arith.index_cast %mul3A_247 : i32 to index
      %swap3A_846 = tpu.vector_load %arg5[%swap3A_842, %swap3A_843, %swap3A_844, %swap3A_845] {strides = array<i32>} : memref<3x5x8x1024xf32, #tpu.memory_space<vmem>>, vector<1x1x1x16xf32>,
      %swap3A_847 = vector.shape_cast %swap3A_846 : vector<1x1x1x16xf32> to vector<16xf32>
      %swap3A_848 = vector.shape_cast %add3A_838 : vector<16xf32> to vector<1x1x1x16xf32>
      tpu.vector_store %arg5[%swap3A_842, %swap3A_843, %swap3A_844, %swap3A_845], %swap3A_848 {strides = array<i32>} : memref<3x5x8x1024xf32, #tpu.memory_space<vmem>>, vector<1x1x1x16xf32>,
      %get3A_849 = arith.constant 1 : i32
      %get3A_850 = arith.constant 4 : i32
      %get3A_851 = arith.constant 6 : i32
      %get3A_852 = arith.index_cast %get3A_849 : i32 to index
      %get3A_853 = arith.index_cast %get3A_850 : i32 to index
      %get3A_854 = arith.index_cast %get3A_851 : i32 to index
      %get3A_855 = arith.index_cast %mul3A_247 : i32 to index
      %get3A_856 = tpu.vector_load %arg5[%get3A_852, %get3A_853, %get3A_854, %get3A_855] {strides = array<i32>} : memref<3x5x8x1024xf32, #tpu.memory_space<vmem>>, vector<1x1x1x16xf32>,
      %get3A_857 = vector.shape_cast %get3A_856 : vector<1x1x1x16xf32> to vector<16xf32>
      %add3A_858 = arith.addf %get3A_857, %get3A_788 : vector<16xf32>
      %swap3A_859 = arith.constant 1 : i32
      %swap3A_860 = arith.constant 4 : i32
      %swap3A_861 = arith.constant 6 : i32
      %swap3A_862 = arith.index_cast %swap3A_859 : i32 to index
      %swap3A_863 = arith.index_cast %swap3A_860 : i32 to index
      %swap3A_864 = arith.index_cast %swap3A_861 : i32 to index
      %swap3A_865 = arith.index_cast %mul3A_247 : i32 to index
      %swap3A_866 = tpu.vector_load %arg5[%swap3A_862, %swap3A_863, %swap3A_864, %swap3A_865] {strides = array<i32>} : memref<3x5x8x1024xf32, #tpu.memory_space<vmem>>, vector<1x1x1x16xf32>,
      %swap3A_867 = vector.shape_cast %swap3A_866 : vector<1x1x1x16xf32> to vector<16xf32>
      %swap3A_868 = vector.shape_cast %add3A_858 : vector<16xf32> to vector<1x1x1x16xf32>
      tpu.vector_store %arg5[%swap3A_862, %swap3A_863, %swap3A_864, %swap3A_865], %swap3A_868 {strides = array<i32>} : memref<3x5x8x1024xf32, #tpu.memory_space<vmem>>, vector<1x1x1x16xf32>,
      %get3A_869 = arith.constant 1 : i32
      %get3A_870 = arith.constant 0 : i32
      %get3A_871 = arith.constant 7 : i32
      %get3A_872 = arith.index_cast %get3A_869 : i32 to index
      %get3A_873 = arith.index_cast %get3A_870 : i32 to index
      %get3A_874 = arith.index_cast %get3A_871 : i32 to index
      %get3A_875 = arith.index_cast %mul3A_247 : i32 to index
      %get3A_876 = tpu.vector_load %arg5[%get3A_872, %get3A_873, %get3A_874, %get3A_875] {strides = array<i32>} : memref<3x5x8x1024xf32, #tpu.memory_space<vmem>>, vector<1x1x1x16xf32>,
      %get3A_877 = vector.shape_cast %get3A_876 : vector<1x1x1x16xf32> to vector<16xf32>
      %get3A_878 = arith.constant 1 : i32
      %get3A_879 = arith.constant 1 : i32
      %get3A_880 = arith.constant 7 : i32
      %get3A_881 = arith.index_cast %get3A_878 : i32 to index
      %get3A_882 = arith.index_cast %get3A_879 : i32 to index
      %get3A_883 = arith.index_cast %get3A_880 : i32 to index
      %get3A_884 = arith.index_cast %mul3A_247 : i32 to index
      %get3A_885 = tpu.vector_load %arg5[%get3A_881, %get3A_882, %get3A_883, %get3A_884] {strides = array<i32>} : memref<3x5x8x1024xf32, #tpu.memory_space<vmem>>, vector<1x1x1x16xf32>,
      %get3A_886 = vector.shape_cast %get3A_885 : vector<1x1x1x16xf32> to vector<16xf32>
      %add3A_887 = arith.addf %get3A_886, %get3A_877 : vector<16xf32>
      %swap3A_888 = arith.constant 1 : i32
      %swap3A_889 = arith.constant 1 : i32
      %swap3A_890 = arith.constant 7 : i32
      %swap3A_891 = arith.index_cast %swap3A_888 : i32 to index
      %swap3A_892 = arith.index_cast %swap3A_889 : i32 to index
      %swap3A_893 = arith.index_cast %swap3A_890 : i32 to index
      %swap3A_894 = arith.index_cast %mul3A_247 : i32 to index
      %swap3A_895 = tpu.vector_load %arg5[%swap3A_891, %swap3A_892, %swap3A_893, %swap3A_894] {strides = array<i32>} : memref<3x5x8x1024xf32, #tpu.memory_space<vmem>>, vector<1x1x1x16xf32>,
      %swap3A_896 = vector.shape_cast %swap3A_895 : vector<1x1x1x16xf32> to vector<16xf32>
      %swap3A_897 = vector.shape_cast %add3A_887 : vector<16xf32> to vector<1x1x1x16xf32>
      tpu.vector_store %arg5[%swap3A_891, %swap3A_892, %swap3A_893, %swap3A_894], %swap3A_897 {strides = array<i32>} : memref<3x5x8x1024xf32, #tpu.memory_space<vmem>>, vector<1x1x1x16xf32>,
      %get3A_898 = arith.constant 1 : i32
      %get3A_899 = arith.constant 2 : i32
      %get3A_900 = arith.constant 7 : i32
      %get3A_901 = arith.index_cast %get3A_898 : i32 to index
      %get3A_902 = arith.index_cast %get3A_899 : i32 to index
      %get3A_903 = arith.index_cast %get3A_900 : i32 to index
      %get3A_904 = arith.index_cast %mul3A_247 : i32 to index
      %get3A_905 = tpu.vector_load %arg5[%get3A_901, %get3A_902, %get3A_903, %get3A_904] {strides = array<i32>} : memref<3x5x8x1024xf32, #tpu.memory_space<vmem>>, vector<1x1x1x16xf32>,
      %get3A_906 = vector.shape_cast %get3A_905 : vector<1x1x1x16xf32> to vector<16xf32>
      %add3A_907 = arith.addf %get3A_906, %get3A_877 : vector<16xf32>
      %swap3A_908 = arith.constant 1 : i32
      %swap3A_909 = arith.constant 2 : i32
      %swap3A_910 = arith.constant 7 : i32
      %swap3A_911 = arith.index_cast %swap3A_908 : i32 to index
      %swap3A_912 = arith.index_cast %swap3A_909 : i32 to index
      %swap3A_913 = arith.index_cast %swap3A_910 : i32 to index
      %swap3A_914 = arith.index_cast %mul3A_247 : i32 to index
      %swap3A_915 = tpu.vector_load %arg5[%swap3A_911, %swap3A_912, %swap3A_913, %swap3A_914] {strides = array<i32>} : memref<3x5x8x1024xf32, #tpu.memory_space<vmem>>, vector<1x1x1x16xf32>,
      %swap3A_916 = vector.shape_cast %swap3A_915 : vector<1x1x1x16xf32> to vector<16xf32>
      %swap3A_917 = vector.shape_cast %add3A_907 : vector<16xf32> to vector<1x1x1x16xf32>
      tpu.vector_store %arg5[%swap3A_911, %swap3A_912, %swap3A_913, %swap3A_914], %swap3A_917 {strides = array<i32>} : memref<3x5x8x1024xf32, #tpu.memory_space<vmem>>, vector<1x1x1x16xf32>,
      %get3A_918 = arith.constant 1 : i32
      %get3A_919 = arith.constant 3 : i32
      %get3A_920 = arith.constant 7 : i32
      %get3A_921 = arith.index_cast %get3A_918 : i32 to index
      %get3A_922 = arith.index_cast %get3A_919 : i32 to index
      %get3A_923 = arith.index_cast %get3A_920 : i32 to index
      %get3A_924 = arith.index_cast %mul3A_247 : i32 to index
      %get3A_925 = tpu.vector_load %arg5[%get3A_921, %get3A_922, %get3A_923, %get3A_924] {strides = array<i32>} : memref<3x5x8x1024xf32, #tpu.memory_space<vmem>>, vector<1x1x1x16xf32>,
      %get3A_926 = vector.shape_cast %get3A_925 : vector<1x1x1x16xf32> to vector<16xf32>
      %add3A_927 = arith.addf %get3A_926, %get3A_877 : vector<16xf32>
      %swap3A_928 = arith.constant 1 : i32
      %swap3A_929 = arith.constant 3 : i32
      %swap3A_930 = arith.constant 7 : i32
      %swap3A_931 = arith.index_cast %swap3A_928 : i32 to index
      %swap3A_932 = arith.index_cast %swap3A_929 : i32 to index
      %swap3A_933 = arith.index_cast %swap3A_930 : i32 to index
      %swap3A_934 = arith.index_cast %mul3A_247 : i32 to index
      %swap3A_935 = tpu.vector_load %arg5[%swap3A_931, %swap3A_932, %swap3A_933, %swap3A_934] {strides = array<i32>} : memref<3x5x8x1024xf32, #tpu.memory_space<vmem>>, vector<1x1x1x16xf32>,
      %swap3A_936 = vector.shape_cast %swap3A_935 : vector<1x1x1x16xf32> to vector<16xf32>
      %swap3A_937 = vector.shape_cast %add3A_927 : vector<16xf32> to vector<1x1x1x16xf32>
      tpu.vector_store %arg5[%swap3A_931, %swap3A_932, %swap3A_933, %swap3A_934], %swap3A_937 {strides = array<i32>} : memref<3x5x8x1024xf32, #tpu.memory_space<vmem>>, vector<1x1x1x16xf32>,
      %get3A_938 = arith.constant 1 : i32
      %get3A_939 = arith.constant 4 : i32
      %get3A_940 = arith.constant 7 : i32
      %get3A_941 = arith.index_cast %get3A_938 : i32 to index
      %get3A_942 = arith.index_cast %get3A_939 : i32 to index
      %get3A_943 = arith.index_cast %get3A_940 : i32 to index
      %get3A_944 = arith.index_cast %mul3A_247 : i32 to index
      %get3A_945 = tpu.vector_load %arg5[%get3A_941, %get3A_942, %get3A_943, %get3A_944] {strides = array<i32>} : memref<3x5x8x1024xf32, #tpu.memory_space<vmem>>, vector<1x1x1x16xf32>,
      %get3A_946 = vector.shape_cast %get3A_945 : vector<1x1x1x16xf32> to vector<16xf32>
      %add3A_947 = arith.addf %get3A_946, %get3A_877 : vector<16xf32>
      %swap3A_948 = arith.constant 1 : i32
      %swap3A_949 = arith.constant 4 : i32
      %swap3A_950 = arith.constant 7 : i32
      %swap3A_951 = arith.index_cast %swap3A_948 : i32 to index
      %swap3A_952 = arith.index_cast %swap3A_949 : i32 to index
      %swap3A_953 = arith.index_cast %swap3A_950 : i32 to index
      %swap3A_954 = arith.index_cast %mul3A_247 : i32 to index
      %swap3A_955 = tpu.vector_load %arg5[%swap3A_951, %swap3A_952, %swap3A_953, %swap3A_954] {strides = array<i32>} : memref<3x5x8x1024xf32, #tpu.memory_space<vmem>>, vector<1x1x1x16xf32>,
      %swap3A_956 = vector.shape_cast %swap3A_955 : vector<1x1x1x16xf32> to vector<16xf32>
      %swap3A_957 = vector.shape_cast %add3A_947 : vector<16xf32> to vector<1x1x1x16xf32>
      tpu.vector_store %arg5[%swap3A_951, %swap3A_952, %swap3A_953, %swap3A_954], %swap3A_957 {strides = array<i32>} : memref<3x5x8x1024xf32, #tpu.memory_space<vmem>>, vector<1x1x1x16xf32>,
    }
    %scan3A_168 = arith.constant 64 : i32
    %add3A_169 = arith.constant 248 : i32
    %add3A_170 = arith.addi %mul3A_2, %add3A_169 : i32
    %dma_start3A_171 = arith.constant 1 : i32
    %dma_start3A_172 = arith.constant 1 : i32
    %dma_start3A_173 = arith.constant 0 : i32
    %dma_start3A_174 = arith.constant 0 : i32
    %dma_start3A_175 = tpu.memref_slice %arg5[%dma_start3A_171, %dma_start3A_172, %dma_start3A_173, %dma_start3A_174] : memref<3x5x8x1024xf32, #tpu.memory_space<vmem>> -> memref<1x4x8x1024xf32, #tpu.memory_space<vmem>>
    %dma_start3A_176 = tpu.memref_squeeze %dma_start3A_175 : memref<1x4x8x1024xf32, #tpu.memory_space<vmem>> -> memref<4x8x1024xf32, #tpu.memory_space<vmem>>
    %dma_start3A_177 = arith.constant 0 : i32
    %dma_start3A_178 = arith.constant 0 : i32
    %dma_start3A_179 = tpu.memref_slice %arg4[%dma_start3A_177, %add3A_170, %dma_start3A_178] : memref<4x8192x1024xf32, #tpu.memory_space<hbm>> -> memref<4x8x1024xf32, #tpu.memory_space<hbm>>
    %dma_start3A_180 = arith.constant 0 : i32
    %dma_start3A_181 = arith.constant 0 : i32
    %dma_start3A_182 = tpu.memref_slice %arg4[%dma_start3A_180, %add3A_170, %dma_start3A_181] : memref<4x8192x1024xf32, #tpu.memory_space<hbm>> -> memref<4x8x1024xf32, #tpu.memory_space<hbm>>
    %dma_start3A_183 = arith.constant 1 : i32
    %dma_start3A_184 = arith.constant 0 : i32
    %dma_start3A_185 = arith.constant 0 : i32
    %dma_start3A_186 = tpu.memref_slice %arg5[%dma_start3A_171, %dma_start3A_183, %dma_start3A_184, %dma_start3A_185] : memref<3x5x8x1024xf32, #tpu.memory_space<vmem>> -> memref<1x4x8x1024xf32, #tpu.memory_space<vmem>>
    %dma_start3A_187 = tpu.memref_squeeze %dma_start3A_186 : memref<1x4x8x1024xf32, #tpu.memory_space<vmem>> -> memref<4x8x1024xf32, #tpu.memory_space<vmem>>
    tpu.enqueue_dma source(%dma_start3A_187 : memref<4x8x1024xf32, #tpu.memory_space<vmem>>) target(%dma_start3A_182 : memref<4x8x1024xf32, #tpu.memory_space<hbm>>) target_semaphore(%arg10 : memref<!tpu.dma_semaphore, #tpu.memory_space<semaphore_mem>>)
    %add3A_188 = arith.constant 232 : i32
    %add3A_189 = arith.addi %mul3A_2, %add3A_188 : i32
    %dma_wait3A_190 = arith.constant 2 : i32
    %dma_wait3A_191 = arith.constant 1 : i32
    %dma_wait3A_192 = arith.constant 0 : i32
    %dma_wait3A_193 = arith.constant 0 : i32
    %dma_wait3A_194 = tpu.memref_slice %arg5[%dma_wait3A_190, %dma_wait3A_191, %dma_wait3A_192, %dma_wait3A_193] : memref<3x5x8x1024xf32, #tpu.memory_space<vmem>> -> memref<1x4x8x1024xf32, #tpu.memory_space<vmem>>
    %dma_wait3A_195 = tpu.memref_squeeze %dma_wait3A_194 : memref<1x4x8x1024xf32, #tpu.memory_space<vmem>> -> memref<4x8x1024xf32, #tpu.memory_space<vmem>>
    %dma_wait3A_196 = arith.constant 0 : i32
    %dma_wait3A_197 = arith.constant 0 : i32
    %dma_wait3A_198 = tpu.memref_slice %arg4[%dma_wait3A_196, %add3A_189, %dma_wait3A_197] : memref<4x8192x1024xf32, #tpu.memory_space<hbm>> -> memref<4x8x1024xf32, #tpu.memory_space<hbm>>
    %dma_wait3A_199 = arith.constant 0 : i32
    %dma_wait3A_200 = arith.constant 0 : i32
    %dma_wait3A_201 = tpu.memref_slice %arg4[%dma_wait3A_199, %add3A_189, %dma_wait3A_200] : memref<4x8192x1024xf32, #tpu.memory_space<hbm>> -> memref<4x8x1024xf32, #tpu.memory_space<hbm>>
    %dma_wait3A_202 = arith.constant 1 : i32
    %dma_wait3A_203 = arith.constant 0 : i32
    %dma_wait3A_204 = arith.constant 0 : i32
    %dma_wait3A_205 = tpu.memref_slice %arg5[%dma_wait3A_190, %dma_wait3A_202, %dma_wait3A_203, %dma_wait3A_204] : memref<3x5x8x1024xf32, #tpu.memory_space<vmem>> -> memref<1x4x8x1024xf32, #tpu.memory_space<vmem>>
    %dma_wait3A_206 = tpu.memref_squeeze %dma_wait3A_205 : memref<1x4x8x1024xf32, #tpu.memory_space<vmem>> -> memref<4x8x1024xf32, #tpu.memory_space<vmem>>
    tpu.wait_dma2 semaphore(%arg11 : memref<!tpu.dma_semaphore, #tpu.memory_space<semaphore_mem>>) src(%dma_wait3A_206 : memref<4x8x1024xf32, #tpu.memory_space<vmem>>) dst(%dma_wait3A_201 : memref<4x8x1024xf32, #tpu.memory_space<hbm>>)
    %add3A_207 = arith.constant 240 : i32
    %add3A_208 = arith.addi %mul3A_2, %add3A_207 : i32
    %dma_wait3A_209 = arith.constant 0 : i32
    %dma_wait3A_210 = arith.constant 1 : i32
    %dma_wait3A_211 = arith.constant 0 : i32
    %dma_wait3A_212 = arith.constant 0 : i32
    %dma_wait3A_213 = tpu.memref_slice %arg5[%dma_wait3A_209, %dma_wait3A_210, %dma_wait3A_211, %dma_wait3A_212] : memref<3x5x8x1024xf32, #tpu.memory_space<vmem>> -> memref<1x4x8x1024xf32, #tpu.memory_space<vmem>>
    %dma_wait3A_214 = tpu.memref_squeeze %dma_wait3A_213 : memref<1x4x8x1024xf32, #tpu.memory_space<vmem>> -> memref<4x8x1024xf32, #tpu.memory_space<vmem>>
    %dma_wait3A_215 = arith.constant 0 : i32
    %dma_wait3A_216 = arith.constant 0 : i32
    %dma_wait3A_217 = tpu.memref_slice %arg4[%dma_wait3A_215, %add3A_208, %dma_wait3A_216] : memref<4x8192x1024xf32, #tpu.memory_space<hbm>> -> memref<4x8x1024xf32, #tpu.memory_space<hbm>>
    %dma_wait3A_218 = arith.constant 0 : i32
    %dma_wait3A_219 = arith.constant 0 : i32
    %dma_wait3A_220 = tpu.memref_slice %arg4[%dma_wait3A_218, %add3A_208, %dma_wait3A_219] : memref<4x8192x1024xf32, #tpu.memory_space<hbm>> -> memref<4x8x1024xf32, #tpu.memory_space<hbm>>
    %dma_wait3A_221 = arith.constant 1 : i32
    %dma_wait3A_222 = arith.constant 0 : i32
    %dma_wait3A_223 = arith.constant 0 : i32
    %dma_wait3A_224 = tpu.memref_slice %arg5[%dma_wait3A_209, %dma_wait3A_221, %dma_wait3A_222, %dma_wait3A_223] : memref<3x5x8x1024xf32, #tpu.memory_space<vmem>> -> memref<1x4x8x1024xf32, #tpu.memory_space<vmem>>
    %dma_wait3A_225 = tpu.memref_squeeze %dma_wait3A_224 : memref<1x4x8x1024xf32, #tpu.memory_space<vmem>> -> memref<4x8x1024xf32, #tpu.memory_space<vmem>>
    tpu.wait_dma2 semaphore(%arg9 : memref<!tpu.dma_semaphore, #tpu.memory_space<semaphore_mem>>) src(%dma_wait3A_225 : memref<4x8x1024xf32, #tpu.memory_space<vmem>>) dst(%dma_wait3A_220 : memref<4x8x1024xf32, #tpu.memory_space<hbm>>)
    %add3A_226 = arith.constant 248 : i32
    %add3A_227 = arith.addi %mul3A_2, %add3A_226 : i32
    %dma_wait3A_228 = arith.constant 1 : i32
    %dma_wait3A_229 = arith.constant 1 : i32
    %dma_wait3A_230 = arith.constant 0 : i32
    %dma_wait3A_231 = arith.constant 0 : i32
    %dma_wait3A_232 = tpu.memref_slice %arg5[%dma_wait3A_228, %dma_wait3A_229, %dma_wait3A_230, %dma_wait3A_231] : memref<3x5x8x1024xf32, #tpu.memory_space<vmem>> -> memref<1x4x8x1024xf32, #tpu.memory_space<vmem>>
    %dma_wait3A_233 = tpu.memref_squeeze %dma_wait3A_232 : memref<1x4x8x1024xf32, #tpu.memory_space<vmem>> -> memref<4x8x1024xf32, #tpu.memory_space<vmem>>
    %dma_wait3A_234 = arith.constant 0 : i32
    %dma_wait3A_235 = arith.constant 0 : i32
    %dma_wait3A_236 = tpu.memref_slice %arg4[%dma_wait3A_234, %add3A_227, %dma_wait3A_235] : memref<4x8192x1024xf32, #tpu.memory_space<hbm>> -> memref<4x8x1024xf32, #tpu.memory_space<hbm>>
    %dma_wait3A_237 = arith.constant 0 : i32
    %dma_wait3A_238 = arith.constant 0 : i32
    %dma_wait3A_239 = tpu.memref_slice %arg4[%dma_wait3A_237, %add3A_227, %dma_wait3A_238] : memref<4x8192x1024xf32, #tpu.memory_space<hbm>> -> memref<4x8x1024xf32, #tpu.memory_space<hbm>>
    %dma_wait3A_240 = arith.constant 1 : i32
    %dma_wait3A_241 = arith.constant 0 : i32
    %dma_wait3A_242 = arith.constant 0 : i32
    %dma_wait3A_243 = tpu.memref_slice %arg5[%dma_wait3A_228, %dma_wait3A_240, %dma_wait3A_241, %dma_wait3A_242] : memref<3x5x8x1024xf32, #tpu.memory_space<vmem>> -> memref<1x4x8x1024xf32, #tpu.memory_space<vmem>>
    %dma_wait3A_244 = tpu.memref_squeeze %dma_wait3A_243 : memref<1x4x8x1024xf32, #tpu.memory_space<vmem>> -> memref<4x8x1024xf32, #tpu.memory_space<vmem>>
    tpu.wait_dma2 semaphore(%arg10 : memref<!tpu.dma_semaphore, #tpu.memory_space<semaphore_mem>>) src(%dma_wait3A_244 : memref<4x8x1024xf32, #tpu.memory_space<vmem>>) dst(%dma_wait3A_239 : memref<4x8x1024xf32, #tpu.memory_space<hbm>>)
    return
  }
}

</mosaic_0001>

<sc_bundles>
// kernel: kernel.3.cloned.1.call-start
scs
__scs_entry_jumppad:
0x0: {  	(pc) =	sbr.rel $0x88, $3  }
0x1: {  	(tag) =	ssettag $0x0;
	lr =	simm.s32 $0x1  }
0x2: {  	[smem:$0x3F9F] =	sst lr;
	_ =	strace $0xD0000000  }
0x3: {  	_ = 	snop  }
0x4: {  	_ = 	snop  }
0x5: {  	_ = 	snop  }
0x6: {  	_ = 	snop  }
0x7: {  	_ = 	snop  }
__scs_overlays_trampoline_lowered:
0x8: {  	[smem:$0x3FAE] =	sst s0  }
0x9: {  	[smem:$0x3FAF] =	sst s1  }
0xa: {  	[smem:$0x3FB0] =	sst s2  }
0xb: {  	[smem:$0x3FB1] =	sst s3  }
0xc: {  	[smem:$0x3FB2] =	sst s4  }
0xd: {  	[smem:$0x3FB3] =	sst s5  }
0xe: {  	[smem:$0x3FB4] =	sst s6  }
0xf: {  	[smem:$0x3FB5] =	sst s7  }
0x10: {  	[smem:$0x3FB6] =	sst s8  }
0x11: {  	[smem:$0x3FB7] =	sst s9;
	s0 =	simm.s32 @!p0 $0x0  }
0x12: {  	s1 =	sld [smem:$0x3F9D];
	s0 =	simm.s32 @p0 $0x1  }
0x13: {  	[smem:$0x3FB8] =	sst s0;
	s0 =	simm.s32 @!p1 $0x0  }
0x14: {  	s2 =	sld [smem:$0x3F9C];
	s0 =	simm.s32 @p1 $0x1  }
0x15: {  	[smem:$0x3FB9] =	sst s0;
	s0 =	simm.s32 @!p2 $0x0  }
0x16: {  	s3 =	sld [smem:$0x3FDB];
	s0 =	simm.s32 @p2 $0x1  }
0x17: {  	s4 =	simm.s32 $0x1BF5;
	[smem:$0x3FBB] =	sst s0  }
0x18: {  	s0 =	sld [smem:$0x3F9E];
	_ =	swait.ge [sflag:s4], $0x0  }
0x19: {  	s7 =	sld [smem:$0x3F9F]  }
0x1a: {  	s8 =	sadd.s32 $0xFFFFE003, lr  }
0x1b: {  	s9 =	sadd.s32 $0xFFFFFEF7, lr;
	s5 =	simm.s32 $0xFFFFFFFF;
	p2 =	slt.u32 s8, $0xFFFFF086  }
0x1c: {  	p1 =	slt.u32 s9, $0xF7A;
	s5 =	simm.s32 @!p2 $0x0  }
0x1d: {  	s5 =	simm.s32 @p1 $0x1;
	p0 =	seq.s32 s7, s2  }
0x1e: {  	s7 =	smul.u32 @!p0 $0xF7A, s2;
	p2 =	seq.s32 @!p0 s5, $0x0  }
0x1f: {  	s9 =	smul.u32 $0xF7A, s1;
	s8 =	simm.s32 @!p0 $0x1BF5;
	p2 =	por !p2, p0  }
0x20: {  	[sflag:s8] =	ssyncset.s32 @!p0 $0xFFFFF086;
	s6 =	sadd.s32 @!p0 s3, s7;
	s7 =	simm.s32 @!p0 $0x108  }
0x21: {  	s3 =	sadd.s32 s3, s9;
	s6 =	sadd.s32 @!p0 $0x88, s6;
	s7 =	simm.s32 @p2 $0x1082  }
0x22: {  	[simem:s7], [sflag:s8] =	dma.local @!p0 [hbm:s6], $0xF7A  }
0x23: {  	s9 =	sor.u32 $0xD0000000, s2;
	s6 =	simm.s32 $0x108;
	_ =	swait.ge @!p0 [sflag:s8], $0x0  }
0x24: {  	s3 =	sadd.s32 $0x88, s3;
	s6 =	simm.s32 @!p1 $0x1082;
	[sflag:s4] =	ssyncset.s32 $0xFFFFF086  }
0x25: {  	[simem:s6], [sflag:s4] =	dma.local [hbm:s3], $0xF7A  }
0x26: {  	[smem:$0x3F9F] =	sst s1;
	(tag) =	ssettag s2;
	_ =	strace s9  }
0x27: {  	s1 =	sld [smem:$0x3FAF]  }
0x28: {  	s2 =	sld [smem:$0x3FB0]  }
0x29: {  	s4 =	sld [smem:$0x3FB2]  }
0x2a: {  	p0 =	seq.s32 s5, $0x0;
	s5 =	sld [smem:$0x3FB3]  }
0x2b: {  	s6 =	sld [smem:$0x3FB4]  }
0x2c: {  	s7 =	sld [smem:$0x3FB5]  }
0x2d: {  	s3 =	simm.s32 $0x108;
	s8 =	sld [smem:$0x3FB6]  }
0x2e: {  	s3 =	simm.s32 @!p0 $0x1082;
	s9 =	sld [smem:$0x3FB7]  }
0x2f: {  	lr =	sadd.s32 s0, s3;
	s0 =	sld [smem:$0x3FAE]  }
0x30: {  	s3 =	sld [smem:$0x3FB1]  }
0x31: {  	[smem:$0x3FBA] =	sst s10  }
0x32: {  	s10 =	sld [smem:$0x3FB8];
	_ =	sdelay $0x3  }
0x33: {  	p0 =	seq.s32 s10, $0x1;
	s10 =	sld [smem:$0x3FBA];
	_ =	sdelay $0x3  }
0x34: {  	[smem:$0x3FBA] =	sst s10  }
0x35: {  	s10 =	sld [smem:$0x3FB9];
	_ =	sdelay $0x3  }
0x36: {  	p1 =	seq.s32 s10, $0x1;
	s10 =	sld [smem:$0x3FBA];
	_ =	sdelay $0x3  }
0x37: {  	[smem:$0x3FBA] =	sst s10  }
0x38: {  	s10 =	sld [smem:$0x3FBB]  }
0x39: {  	_ = 	snop;
	(pc) =	sbr.ind lr, $3  }
0x3a: {  	_ = 	snop  }
0x3b: {  	_ = 	snop  }
0x3c: {  	p2 =	seq.s32 s10, $0x1;
	s10 =	sld [smem:$0x3FBA]  }
0x3d: {  	_ =	shalt  }
0x3e: {  	_ =	shalt  }
0x3f: {  	_ =	shalt  }
0x40: {  	_ =	shalt  }
0x41: {  	_ =	shalt  }
0x42: {  	_ =	shalt  }
0x43: {  	_ =	shalt  }
0x44: {  	_ =	shalt  }
0x45: {  	_ =	shalt  }
0x46: {  	_ =	shalt  }
0x47: {  	_ =	shalt  }
0x48: {  	_ =	shalt  }
0x49: {  	_ =	shalt  }
0x4a: {  	_ =	shalt  }
0x4b: {  	_ =	shalt  }
0x4c: {  	_ =	shalt  }
0x4d: {  	_ =	shalt  }
0x4e: {  	_ =	shalt  }
0x4f: {  	_ =	shalt  }
0x50: {  	_ =	shalt  }
0x51: {  	_ =	shalt  }
0x52: {  	_ =	shalt  }
0x53: {  	_ =	shalt  }
0x54: {  	_ =	shalt  }
0x55: {  	_ =	shalt  }
0x56: {  	_ =	shalt  }
0x57: {  	_ =	shalt  }
0x58: {  	_ =	shalt  }
0x59: {  	_ =	shalt  }
0x5a: {  	_ =	shalt  }
0x5b: {  	_ =	shalt  }
0x5c: {  	_ =	shalt  }
0x5d: {  	_ =	shalt  }
0x5e: {  	_ =	shalt  }
0x5f: {  	_ =	shalt  }
0x60: {  	_ =	shalt  }
0x61: {  	_ =	shalt  }
0x62: {  	_ =	shalt  }
0x63: {  	_ =	shalt  }
0x64: {  	_ =	shalt  }
0x65: {  	_ =	shalt  }
0x66: {  	_ =	shalt  }
0x67: {  	_ =	shalt  }
0x68: {  	_ =	shalt  }
0x69: {  	_ =	shalt  }
0x6a: {  	_ =	shalt  }
0x6b: {  	_ =	shalt  }
0x6c: {  	_ =	shalt  }
0x6d: {  	_ =	shalt  }
0x6e: {  	_ =	shalt  }
0x6f: {  	_ =	shalt  }
0x70: {  	_ =	shalt  }
0x71: {  	_ =	shalt  }
0x72: {  	_ =	shalt  }
0x73: {  	_ =	shalt  }
0x74: {  	_ =	shalt  }
0x75: {  	_ =	shalt  }
0x76: {  	_ =	shalt  }
0x77: {  	_ =	shalt  }
0x78: {  	_ =	shalt  }
0x79: {  	_ =	shalt  }
0x7a: {  	_ =	shalt  }
0x7b: {  	_ =	shalt  }
0x7c: {  	_ =	shalt  }
0x7d: {  	_ =	shalt  }
0x7e: {  	_ =	shalt  }
0x7f: {  	_ =	shalt  }
0x80: {  	_ =	shalt  }
0x81: {  	_ =	shalt  }
0x82: {  	_ =	shalt  }
0x83: {  	_ =	shalt  }
0x84: {  	_ =	shalt  }
0x85: {  	_ =	shalt  }
0x86: {  	_ =	shalt  }
0x87: {  	_ =	shalt  }
.Lfunc_end0:
.L_simem_size_0:
called_computation_lowered:
.L_overlay_start_0:
0x88: {  	s2 =	sld [smem:$0x3FD9]  }
0x89: {  	s3 =	sld [smem:$0x3FFE];
	_ =	sdelay $0x1  }
0x8a: {  	s1 =	srdreg.scid  }
0x8b: {  	s0 =	sand.u32 $0x1, s1  }
0x8c: {  	s18 =	sshll.u32 s0, $0xA;
	s2 =	sadd.s32 s3, s2  }
0x8d: {  	s2 =	sadd.s32 s2, s18  }
0x8e: {  	[smem:$0x3FC6] =	sst s2  }
0x8f: {  	_ = 	snop  }
0x90: {  	s2 =	sld [smem:$0x3FC9]  }
0x91: {  	s19 =	sld [smem:$0x3FC8]  }
0x92: {  	s4 =	sld [smem:$0x3FD0];
	(tm) =	ssettm $0x1  }
0x93: {  	s5 =	sld [smem:$0x3FFB];
	_ =	sdelay $0x3  }
0x94: {  	_ =	strace s5  }
0x95: {  	s5 =	sld [smem:$0x3FFC];
	_ =	sdelay $0x3  }
0x96: {  	_ =	strace s5  }
0x97: {  	s5 =	sld [smem:$0x3FFD];
	_ =	sdelay $0x3  }
0x98: {  	_ =	strace s5  }
0x99: {  	_ =	strace $0x8FFFFFFF  }
0x9a: {  	s20 =	sld [smem:$0x3FDB];
	_ =	sdelay $0x1  }
0x9b: {  	s6 =	simm.s32 $_scs_section_size  }
0x9c: {  	s7 =	simm.s32 $_size__tile_overlayer_lowered;
	s8 =	simm.s32 $_tile_overlayer_lowered  }
0x9d: {  	s23 =	simm.s32 $0x1BFF;
	s22 =	sshll.u32 s8, $0x1;
	s5 =	sadd.s32 s6, s20  }
0x9e: {  	s9 =	simm.s32 $0x0;
	s21 =	sshll.u32 s7, $0x1;
	s7 =	sadd.s32 s22, s5  }
0x9f: {  	[timem:s9], [sflag:s23] =	dma.local [hbm:s7], s21  }
0xa0: {  	_ =	swait.ge [sflag:s23], s21  }
0xa1: {  	s6 =	ssub.s32 $0x0, s21;
	[sflag:s23] =	ssyncset.done $0x0  }
0xa2: {  	[sflag:s23] =	ssyncadd.s32 s6;
	_ =	sdelay $0x1  }
0xa3: {  	s24 =	simm.s32 $0x1B8B  }
0xa4: {  	_ =	swait.ge [sflag:s24], $0x1  }
0xa5: {  	[sflag:s24] =	ssyncset.done $0x0  }
0xa6: {  	s25 =	simm.s32 $0x1B8E;
	[sflag:s24] =	ssyncadd.s32 $0xFFFFFFFF  }
0xa7: {  	s26 =	simm.s32 $execute0_lowered;
	[smem:$0x3FD2] =	sst s25  }
0xa8: {  	s6 =	sshll.u32 s26, $0x1;
	_ =	strace $0x80000046;
	[dreg:$0x1] =	wrdreg $0xFFFFFFFF  }
0xa9: {  	s28 =	simm.s32 $_size_execute0_lowered;
	s5 =	sadd.s32 s5, s6;
	[dreg:$0x0] =	wrdreg $0x0  }
0xaa: {  	s6 =	sshll.u32 s28, $0x1;
	[dreg:$0x2] =	wrdreg s5  }
0xab: {  	[dreg:$0x3] =	wrdreg s6  }
0xac: {  	[dreg:$0x4] =	wrdreg $0xC0  }
0xad: {  	_ =	task [dreg:s9], $0x5FFFF  }
0xae: {  	[dreg:$0x1] =	wrdreg $0xFFFFFFFF  }
0xaf: {  	[dreg:$0x0] =	wrdreg $0x60  }
0xb0: {  	[dreg:$0x2] =	wrdreg s2  }
0xb1: {  	[dreg:$0x3] =	wrdreg s19  }
0xb2: {  	[dreg:$0x4] =	wrdreg s4  }
0xb3: {  	[dreg:$0x5] =	wrdreg $0x9  }
0xb4: {  	_ =	task.clear_ibuf [dreg:s9], $0x6FFFF;
	_ =	strace $0x90000046  }
0xb5: {  	s29 =	simm.s32 $0x9;
	_ =	strace $0x80000048  }
0xb6: {  	_ =	swait.ge [sflag:s29], $0x1  }
0xb7: {  	[sflag:s29] =	ssyncadd.s32 $0xFFFFFFFF  }
0xb8: {  	_ =	strace $0x90000048  }
0xb9: {  	_ =	sfence  }
0xba: {  	s30 =	sld [smem:$0x0];
	_ =	sdelay $0x2  }
0xbb: {  	s31 =	sshll.u32 s1, $0xD;
	s1 =	sshrl.u32 s1, $0x2  }
0xbc: {  	s3 =	sand.u32 $0x4000, s31;
	s1 =	sadd.s32 s1, s30  }
0xbd: {  	s0 =	sor.u32 s3, s0;
	s1 =	sshll.u32 s1, $0x11  }
0xbe: {  	s0 =	sor.u32 s1, s0  }
0xbf: {  	s0 =	sadd.s32 $0x8F2B, s0  }
0xc0: {  	[sflag:s0] =	ssyncadd.remote.s32 $0x1  }
0xc1: {  	_ =	sfence.sel $0xFFFF  }
0xc2: {  	[dreg:$0x0] =	wrdreg $0xFFFFFFFF;
	(pc) =	sbr.abs _section_cstart, $3  }
0xc3: {  	[dreg:$0x1] =	wrdreg $0xFFFFFFFF  }
0xc4: {  	_ =	task.clear_ibuf [dreg:s9], $0x2FFFF;
	_ =	strace $0x9FFFFFFF  }
0xc5: {  	(tm) =	ssettm $0x7FFFFFFF  }
tec
execute0_lowered:
.L_overlay_start_1:
0x0: {  	(tag) =	ssettag $0x1  }
0x1: {  	s1 =	rddreg [dreg:$0x0]  }
0x2: {  	s2 =	rddreg [dreg:$0x1]  }
0x3: {  	s4 =	rddreg [dreg:$0x2];
	s0 =	srdreg.scid;
	s5 =	simm.s32 $0x0  }
0x4: {  	s6 =	stileid.u32;
	s18 =	simm.s32 $0x800000;
	s19 =	simm.s32 $0x2000  }
0x5: {  	s28 =	simm.s32 $0x3;
	s29 =	simm.s32 $0x5;
	s30 =	simm.s32 $0x6  }
0x6: {  	s31 =	simm.s32 $0x0;
	s0 =	sand.u32 $0x1, s0;
	s6 =	sshll.u32 s6, $0x9  }
0x7: {  	[smem:$0x7FF] =	sst s5;
	s3 =	ssub.s32 $0x2, s0;
	s0 =	sshll.u32 s0, $0x8  }
0x8: {  	_ =	strace $0x80000047;
	s7 =	sshrl.u32 s3, $0x1;
	s6 =	sor.u32 s0, s6  }
0x9: {  	s20 =	ssub.s32 s3, s7;
	s21 =	sshll.u32 s6, $0x7;
	s25 =	sshrl.u32 s6, $0x3  }
0xa: {  	s12 =	sor.u32 $0x8, s6;
	s13 =	sor.u32 $0x18, s6;
	s22 =	sadd.s32 s2, s21  }
0xb: {  	s23 =	sadd.s32 s1, s21;
	s24 =	sor.u32 $0x400, s21;
	s11 =	sor.u32 $0x2, s25  }
0xc: {  	s3 =	sadd.s32 s21, s4;
	s14 =	sor.u32 $0x4, s25;
	[dreg:$0x4] =	wrdreg s22  }
0xd: {  	s0 =	smax.u32 s20, $0x1;
	s20 =	simm.s32 $0xA000;
	[dreg:$0x5] =	wrdreg s23  }
0xe: {  	s21 =	simm.s32 $0xC000;
	s8 =	sadd.s32 s2, s24;
	[dreg:$0xa] =	wrdreg s0  }
0xf: {  	s25 =	simm.s32 $0x2;
	s7 =	sadd.s32 s1, s24;
	[dreg:$0x6] =	wrdreg s8  }
0x10: {  	s26 =	sadd.s32 $0x7800, s3;
	s3 =	sadd.s32 $0x7C00, s3;
	[dreg:$0x7] =	wrdreg s7  }
0x11: {  	s22 =	simm.s32 $0x1;
	s23 =	simm.s32 $0x14000;
	[dreg:$0x8] =	wrdreg s26  }
0x12: {  	s24 =	simm.s32 $0x16000;
	[dreg:$0x9] =	wrdreg s3;
	s26 =	simm.s32 $0x4  }
.LBB2_1:
0x13: {  	s0 =	rddreg [dreg:$0x4]  }
0x14: {  	[tilespmem:s5], [sflag:$0x1] =	stream.linear.gather [hbm4b:s0+s5], $0x2000, $0x38;
	[tilespmem:$0x1E000] =	vst v63  }
0x15: {  	s15 =	rddreg [dreg:$0x5]  }
0x16: {  	[tilespmem:s19], [sflag:$0x1] =	stream.strided.gather [hbm4b:s15+s19], $0x8000, s18, s19, $0x38;
	[tilespmem:$0x1E000] =	vst v63  }
0x17: {  	s16 =	rddreg [dreg:$0x6]  }
0x18: {  	[tilespmem:s20], [sflag:$0x2] =	stream.linear.gather [hbm4b:s16+s5], $0x2000, $0x38;
	[tilespmem:$0x1E000] =	vst v63  }
0x19: {  	s17 =	rddreg [dreg:$0x7];
	s0 =	simm.s32 $0x0  }
0x1a: {  	[tilespmem:s21], [sflag:$0x2] =	stream.strided.gather [hbm4b:s17+s19], $0x8000, s18, s19, $0x38;
	[tilespmem:$0x1E000] =	vst v63  }
.LBB2_2:
0x1b: {  	_ =	swait.ge [sflag:s22], $0x2000  }
0x1c: {  	[sflag:s22] =	ssyncset.done $0x0  }
0x1d: {  	[sflag:s22] =	ssyncadd.s32 $0xFFFFE000  }
0x1e: {  	s7 =	simm.s32 $0x0;
	_ =	swait.ge [sflag:s22], $0x8000  }
0x1f: {  	s3 =	sand.u32 $0x70, s7;
	s8 =	sand.u32 $0x1C00, s7;
	[sflag:s22] =	ssyncset.done $0x0  }
0x20: {  	s3 =	sor.u32 s3, s8;
	[sflag:s22] =	ssyncadd.s32 $0xFFFF8000  }
0x21: {  	v0 =	vld [tilespmem:s3+$0x0]  }
0x22: {  	v3 =	vld [tilespmem:s3+$0x80]  }
0x23: {  	v4 =	vld [tilespmem:s3+$0x100]  }
0x24: {  	v5 =	vld [tilespmem:s3+$0x180]  }
0x25: {  	v6 =	vld [tilespmem:s3+$0x200]  }
0x26: {  	v2 =	vld [tilespmem:s3+$0x280]  }
0x27: {  	v1 =	vld [tilespmem:s3+$0x300]  }
0x28: {  	v7 =	vld [tilespmem:s3+$0x4000]  }
0x29: {  	v8 =	vld [tilespmem:s3+$0x6000]  }
0x2a: {  	v9 =	vld [tilespmem:s3+$0x8000]  }
0x2b: {  	v10 =	vld [tilespmem:s3+$0x2080]  }
0x2c: {  	v11 =	vld [tilespmem:s3+$0x4080]  }
0x2d: {  	v12 =	vld [tilespmem:s3+$0x6080];
	v7 =	vadd.f32 v7, v0  }
0x2e: {  	v13 =	vld [tilespmem:s3+$0x8080];
	v8 =	vadd.f32 v8, v0  }
0x2f: {  	v9 =	vadd.f32 v9, v0;
	[tilespmem:s3+$0x4000] =	vst v7;
	v7 =	vld [tilespmem:s3+$0x2100]  }
0x30: {  	v10 =	vadd.f32 v10, v3;
	[tilespmem:s3+$0x6000] =	vst v8;
	v8 =	vld [tilespmem:s3+$0x4100]  }
0x31: {  	v11 =	vadd.f32 v11, v3;
	[tilespmem:s3+$0x8000] =	vst v9;
	v9 =	vld [tilespmem:s3+$0x6100]  }
0x32: {  	v12 =	vadd.f32 v12, v3;
	[tilespmem:s3+$0x2080] =	vst v10;
	v10 =	vld [tilespmem:s3+$0x8100]  }
0x33: {  	v3 =	vadd.f32 v13, v3;
	[tilespmem:s3+$0x4080] =	vst v11;
	v11 =	vld [tilespmem:s3+$0x2180]  }
0x34: {  	v63 =	vld [tilespmem:s3+$0x4180];
	[tilespmem:s3+$0x6080] =	vst v12;
	v7 =	vadd.f32 v7, v4  }
0x35: {  	[tilespmem:s3+$0x8080] =	vst v3;
	v3 =	vld [tilespmem:s3+$0x6180];
	v8 =	vadd.f32 v8, v4  }
0x36: {  	v9 =	vadd.f32 v9, v4;
	[tilespmem:s3+$0x2100] =	vst v7;
	v7 =	vld [tilespmem:s3+$0x8180]  }
0x37: {  	v4 =	vadd.f32 v10, v4;
	[tilespmem:s3+$0x4100] =	vst v8;
	v8 =	vld [tilespmem:s3+$0x2200]  }
0x38: {  	v10 =	vadd.f32 v11, v5;
	[tilespmem:s3+$0x6100] =	vst v9;
	v9 =	vld [tilespmem:s3+$0x4200]  }
0x39: {  	v11 =	vadd.f32 v63, v5;
	[tilespmem:s3+$0x8100] =	vst v4;
	v4 =	vld [tilespmem:s3+$0x6200]  }
0x3a: {  	v3 =	vadd.f32 v3, v5;
	[tilespmem:s3+$0x2180] =	vst v10;
	v10 =	vld [tilespmem:s3+$0x8200]  }
0x3b: {  	[tilespmem:s3+$0x4180] =	vst v11;
	v11 =	vld [tilespmem:s3+$0x2280];
	v5 =	vadd.f32 v7, v5  }
0x3c: {  	[tilespmem:s3+$0x6180] =	vst v3;
	v7 =	vld [tilespmem:s3+$0x4280];
	v3 =	vadd.f32 v8, v6  }
0x3d: {  	v8 =	vadd.f32 v9, v6;
	[tilespmem:s3+$0x8180] =	vst v5;
	v5 =	vld [tilespmem:s3+$0x6280]  }
0x3e: {  	v9 =	vadd.f32 v4, v6;
	[tilespmem:s3+$0x2200] =	vst v3;
	v3 =	vld [tilespmem:s3+$0x8280]  }
0x3f: {  	v4 =	vld [tilespmem:s3+$0x2300];
	[tilespmem:s3+$0x4200] =	vst v8;
	v8 =	vadd.f32 v10, v6  }
0x40: {  	[tilespmem:s3+$0x6200] =	vst v9;
	v6 =	vld [tilespmem:s3+$0x4300];
	v9 =	vadd.f32 v11, v2  }
0x41: {  	s9 =	simm.s32 $0x80;
	s10 =	simm.s32 $0x10;
	s8 =	simm.s32 $0x0;
	[tilespmem:s3+$0x8200] =	vst v8;
	v8 =	vadd.f32 v7, v2;
	v7 =	vld [tilespmem:s3+$0x6300]  }
.LBB2_3:
0x42: {  	s15 =	sand.u32 $0x70, s10;
	s16 =	sand.u32 $0x1C00, s9;
	p0 =	sne.s32 s10, $0x3F0;
	[tilespmem:s3+$0x2280] =	vst v9;
	v5 =	vadd.f32 v5, v2;
	v9 =	vld [tilespmem:s3+$0x8300]  }
0x43: {  	s15 =	sor.u32 s15, s16;
	v10 =	vld [tilespmem:s3+$0x2000];
	[tilespmem:s3+$0x4280] =	vst v8;
	v2 =	vadd.f32 v3, v2  }
0x44: {  	v3 =	vld [tilespmem:s15+$0x0];
	[tilespmem:s3+$0x6280] =	vst v5;
	v4 =	vadd.f32 v4, v1  }
0x45: {  	v5 =	vld [tilespmem:s15+$0x80];
	[tilespmem:s3+$0x8280] =	vst v2;
	v2 =	vadd.f32 v6, v1  }
0x46: {  	v6 =	vld [tilespmem:s15+$0x100];
	[tilespmem:s3+$0x2300] =	vst v4;
	v4 =	vadd.f32 v7, v1  }
0x47: {  	v7 =	vld [tilespmem:s15+$0x180];
	[tilespmem:s3+$0x4300] =	vst v2;
	v1 =	vadd.f32 v9, v1  }
0x48: {  	v2 =	vadd.f32 v10, v0;
	[tilespmem:s3+$0x6300] =	vst v4;
	v4 =	vld [tilespmem:s3+$0x8380]  }
0x49: {  	s16 =	sor.u32 s8, s7;
	s8 =	smov.u32 s9;
	s7 =	smov.u32 s10;
	[tilespmem:s3+$0x8300] =	vst v1;
	v8 =	vld [tilespmem:s3+$0x4380];
	v0 =	vmov v3  }
0x4a: {  	s16 =	sor.u32 $0x380, s16;
	[tilespmem:s3+$0x2000] =	vst v2;
	v3 =	vld [tilespmem:s3+$0x2380]  }
0x4b: {  	v9 =	vld [tilespmem:s16+$0x0]  }
0x4c: {  	v10 =	vld [tilespmem:s3+$0x6380]  }
0x4d: {  	v11 =	vld [tilespmem:s15+$0x200]  }
0x4e: {  	v2 =	vld [tilespmem:s15+$0x280]  }
0x4f: {  	v1 =	vld [tilespmem:s15+$0x300]  }
0x50: {  	v12 =	vld [tilespmem:s15+$0x4000];
	v3 =	vadd.f32 v3, v9;
	v8 =	vadd.f32 v8, v9  }
0x51: {  	v4 =	vadd.f32 v4, v9;
	v13 =	vld [tilespmem:s15+$0x6000];
	v10 =	vadd.f32 v10, v9  }
0x52: {  	v9 =	vld [tilespmem:s15+$0x8000];
	[tilespmem:s3+$0x2380] =	vst v3  }
0x53: {  	v3 =	vld [tilespmem:s15+$0x2080];
	[tilespmem:s3+$0x4380] =	vst v8  }
0x54: {  	v8 =	vld [tilespmem:s15+$0x4080];
	[tilespmem:s3+$0x6380] =	vst v10  }
0x55: {  	v10 =	vadd.f32 v12, v0;
	v12 =	vld [tilespmem:s15+$0x6080];
	[tilespmem:s3+$0x8380] =	vst v4;
	s3 =	smov.u32 s15  }
0x56: {  	v4 =	vadd.f32 v13, v0;
	v13 =	vld [tilespmem:s3+$0x8080]  }
0x57: {  	[tilespmem:s3+$0x4000] =	vst v10;
	v9 =	vadd.f32 v9, v0;
	v10 =	vld [tilespmem:s3+$0x2100]  }
0x58: {  	[tilespmem:s3+$0x6000] =	vst v4;
	v3 =	vadd.f32 v3, v5;
	v4 =	vld [tilespmem:s3+$0x4100]  }
0x59: {  	[tilespmem:s3+$0x8000] =	vst v9;
	v8 =	vadd.f32 v8, v5;
	v9 =	vld [tilespmem:s3+$0x6100]  }
0x5a: {  	[tilespmem:s3+$0x2080] =	vst v3;
	v3 =	vadd.f32 v12, v5;
	v12 =	vld [tilespmem:s3+$0x8100]  }
0x5b: {  	[tilespmem:s3+$0x4080] =	vst v8;
	v5 =	vadd.f32 v13, v5;
	v8 =	vld [tilespmem:s3+$0x2180]  }
0x5c: {  	[tilespmem:s3+$0x6080] =	vst v3;
	v3 =	vadd.f32 v10, v6;
	v10 =	vld [tilespmem:s3+$0x4180]  }
0x5d: {  	[tilespmem:s3+$0x8080] =	vst v5;
	v4 =	vadd.f32 v4, v6;
	v5 =	vld [tilespmem:s3+$0x6180]  }
0x5e: {  	[tilespmem:s3+$0x2100] =	vst v3;
	v3 =	vadd.f32 v9, v6;
	v9 =	vld [tilespmem:s3+$0x8180]  }
0x5f: {  	[tilespmem:s3+$0x4100] =	vst v4;
	v4 =	vadd.f32 v12, v6;
	v6 =	vld [tilespmem:s3+$0x2200]  }
0x60: {  	[tilespmem:s3+$0x6100] =	vst v3;
	v3 =	vadd.f32 v8, v7;
	v8 =	vld [tilespmem:s3+$0x4200]  }
0x61: {  	[tilespmem:s3+$0x8100] =	vst v4;
	v4 =	vadd.f32 v10, v7;
	v10 =	vld [tilespmem:s3+$0x6200]  }
0x62: {  	[tilespmem:s3+$0x2180] =	vst v3;
	v3 =	vadd.f32 v5, v7;
	v12 =	vld [tilespmem:s3+$0x8200]  }
0x63: {  	[tilespmem:s3+$0x4180] =	vst v4;
	v4 =	vadd.f32 v9, v7;
	v7 =	vld [tilespmem:s3+$0x2280]  }
0x64: {  	[tilespmem:s3+$0x6180] =	vst v3;
	v3 =	vadd.f32 v6, v11;
	v13 =	vld [tilespmem:s3+$0x4280]  }
.Ltmp0:
0x65: {  	[tilespmem:s3+$0x8180] =	vst v4;
	v4 =	vadd.f32 v8, v11;
	v5 =	vld [tilespmem:s3+$0x6280];
	(pc) =	sbr.rel @p0 .LBB2_3-.Ltmp0, $4  }
0x66: {  	[tilespmem:s3+$0x2200] =	vst v3;
	v6 =	vadd.f32 v10, v11;
	v3 =	vld [tilespmem:s3+$0x8280]  }
0x67: {  	[tilespmem:s3+$0x4200] =	vst v4;
	v8 =	vadd.f32 v12, v11;
	v4 =	vld [tilespmem:s3+$0x2300]  }
0x68: {  	[tilespmem:s3+$0x6200] =	vst v6;
	v9 =	vadd.f32 v7, v2;
	v6 =	vld [tilespmem:s3+$0x4300]  }
0x69: {  	s9 =	sadd.s32 $0x80, s9;
	s10 =	sadd.s32 $0x10, s10;
	[tilespmem:s3+$0x8200] =	vst v8;
	v8 =	vadd.f32 v13, v2;
	v7 =	vld [tilespmem:s3+$0x6300]  }
0x6a: {  	[tilespmem:s3+$0x2280] =	vst v9;
	v9 =	vld [tilespmem:s3+$0x8300];
	v5 =	vadd.f32 v5, v2  }
0x6b: {  	v10 =	vld [tilespmem:s3+$0x2000];
	[tilespmem:s3+$0x4280] =	vst v8;
	v2 =	vadd.f32 v3, v2  }
0x6c: {  	[tilespmem:s3+$0x6280] =	vst v5;
	v3 =	vadd.f32 v4, v1  }
0x6d: {  	[tilespmem:s3+$0x8280] =	vst v2;
	v2 =	vadd.f32 v6, v1  }
0x6e: {  	[tilespmem:s3+$0x2300] =	vst v3;
	v3 =	vadd.f32 v7, v1  }
0x6f: {  	[tilespmem:s3+$0x4300] =	vst v2;
	v1 =	vadd.f32 v9, v1  }
0x70: {  	v0 =	vadd.f32 v10, v0;
	[tilespmem:s3+$0x6300] =	vst v3  }
0x71: {  	s7 =	sor.u32 s8, s7;
	[tilespmem:s3+$0x8300] =	vst v1  }
0x72: {  	s7 =	sor.u32 $0x380, s7;
	[tilespmem:s3+$0x2000] =	vst v0;
	v0 =	vld [tilespmem:s3+$0x2380]  }
0x73: {  	v3 =	vld [tilespmem:s7+$0x0]  }
0x74: {  	v1 =	vld [tilespmem:s3+$0x4380]  }
0x75: {  	v4 =	vld [tilespmem:s3+$0x6380]  }
0x76: {  	v2 =	vld [tilespmem:s3+$0x8380];
	_ =	sdelay $0x1  }
0x77: {  	v0 =	vadd.f32 v0, v3  }
0x78: {  	s8 =	smul.u32 $0x18, s0;
	v1 =	vadd.f32 v1, v3  }
0x79: {  	v4 =	vadd.f32 v4, v3;
	[tilespmem:s3+$0x2380] =	vst v0  }
0x7a: {  	s17 =	sadd.s32 s6, s8;
	v0 =	vadd.f32 v2, v3;
	[tilespmem:s3+$0x4380] =	vst v1  }
0x7b: {  	s7 =	sshll.u32 s17, $0x7;
	[tilespmem:s3+$0x6380] =	vst v4  }
0x7c: {  	p0 =	seq.s32 s0, $0x0;
	s9 =	sadd.s32 s4, s7;
	[tilespmem:s3+$0x8380] =	vst v0;
	s3 =	smul.u32 $0x3, s0  }
0x7d: {  	[hbm4b:s9+s19] =	stream.strided.scatter [tilespmem:s19], [sflag:$0x4], $0x8000, s18, s19, $0x38;
	[tilespmem:$0x1E000] =	vst v63  }
0x7e: {  	s9 =	simm.s32 @!p0 $0x6  }
0x7f: {  	_ =	swait.ge @!p0 [sflag:s9], $0x8000;
	s10 =	sadd.s32 s3, s11  }
0x80: {  	[sflag:s9] =	ssyncset.done @!p0 $0x0;
	s7 =	sshll.u32 s10, $0xA  }
0x81: {  	s10 =	simm.s32 $0x0;
	[sflag:s9] =	ssyncadd.s32 @!p0 $0xFFFF8000;
	s15 =	sadd.s32 s2, s7  }
0x82: {  	[tilespmem:s23], [sflag:$0x3] =	stream.linear.gather [hbm4b:s15+s10], $0x2000, $0x38;
	[tilespmem:$0x1E000] =	vst v63  }
0x83: {  	s16 =	sadd.s32 s1, s7  }
0x84: {  	[tilespmem:s24], [sflag:$0x3] =	stream.strided.gather [hbm4b:s16+s19], $0x8000, s18, s19, $0x38;
	[tilespmem:$0x1E000] =	vst v63  }
0x85: {  	_ =	swait.ge [sflag:s25], $0x2000  }
0x86: {  	[sflag:s25] =	ssyncset.done $0x0  }
0x87: {  	[sflag:s25] =	ssyncadd.s32 $0xFFFFE000  }
0x88: {  	_ =	swait.ge [sflag:s25], $0x8000  }
0x89: {  	s17 =	sand.u32 $0x70, s10;
	s10 =	sand.u32 $0x1C00, s10;
	[sflag:s25] =	ssyncset.done $0x0  }
0x8a: {  	s9 =	sor.u32 s17, s10;
	[sflag:s25] =	ssyncadd.s32 $0xFFFF8000  }
0x8b: {  	v2 =	vld [tilespmem:s9+$0xA000]  }
0x8c: {  	v3 =	vld [tilespmem:s9+$0xA080]  }
0x8d: {  	v4 =	vld [tilespmem:s9+$0xA100]  }
0x8e: {  	v5 =	vld [tilespmem:s9+$0xA180]  }
0x8f: {  	v6 =	vld [tilespmem:s9+$0xA200]  }
0x90: {  	v7 =	vld [tilespmem:s9+$0xA280]  }
0x91: {  	v1 =	vld [tilespmem:s9+$0xA300]  }
0x92: {  	v0 =	vld [tilespmem:s9+$0xA380]  }
0x93: {  	v8 =	vld [tilespmem:s9+$0xC000]  }
0x94: {  	v9 =	vld [tilespmem:s9+$0xE000]  }
0x95: {  	v10 =	vld [tilespmem:s9+$0x10000]  }
0x96: {  	v11 =	vld [tilespmem:s9+$0x12000]  }
0x97: {  	v12 =	vld [tilespmem:s9+$0xC080]  }
0x98: {  	v13 =	vld [tilespmem:s9+$0xE080];
	v8 =	vadd.f32 v8, v2  }
0x99: {  	v14 =	vld [tilespmem:s9+$0x10080];
	v9 =	vadd.f32 v9, v2  }
0x9a: {  	v10 =	vadd.f32 v10, v2;
	[tilespmem:s9+$0xC000] =	vst v8;
	v8 =	vld [tilespmem:s9+$0x12080]  }
0x9b: {  	v2 =	vadd.f32 v11, v2;
	[tilespmem:s9+$0xE000] =	vst v9;
	v9 =	vld [tilespmem:s9+$0xC100]  }
0x9c: {  	v11 =	vadd.f32 v12, v3;
	[tilespmem:s9+$0x10000] =	vst v10;
	v10 =	vld [tilespmem:s9+$0xE100]  }
0x9d: {  	v60 =	vadd.f32 v13, v3;
	[tilespmem:s9+$0x12000] =	vst v2;
	v2 =	vld [tilespmem:s9+$0x10100]  }
0x9e: {  	v61 =	vadd.f32 v14, v3;
	[tilespmem:s9+$0xC080] =	vst v11;
	v11 =	vld [tilespmem:s9+$0x12100]  }
0x9f: {  	v62 =	vld [tilespmem:s9+$0xC180];
	[tilespmem:s9+$0xE080] =	vst v60;
	v3 =	vadd.f32 v8, v3  }
0xa0: {  	[tilespmem:s9+$0x10080] =	vst v61;
	v8 =	vld [tilespmem:s9+$0xE180];
	v9 =	vadd.f32 v9, v4  }
0xa1: {  	v10 =	vadd.f32 v10, v4;
	[tilespmem:s9+$0x12080] =	vst v3;
	v3 =	vld [tilespmem:s9+$0x10180]  }
0xa2: {  	v2 =	vadd.f32 v2, v4;
	[tilespmem:s9+$0xC100] =	vst v9;
	v9 =	vld [tilespmem:s9+$0x12180]  }
0xa3: {  	v4 =	vadd.f32 v11, v4;
	[tilespmem:s9+$0xE100] =	vst v10;
	v10 =	vld [tilespmem:s9+$0xC200]  }
0xa4: {  	v11 =	vadd.f32 v62, v5;
	[tilespmem:s9+$0x10100] =	vst v2;
	v2 =	vld [tilespmem:s9+$0xE200]  }
0xa5: {  	[tilespmem:s9+$0x12100] =	vst v4;
	v4 =	vld [tilespmem:s9+$0x10200];
	v8 =	vadd.f32 v8, v5  }
0xa6: {  	[tilespmem:s9+$0xC180] =	vst v11;
	v11 =	vld [tilespmem:s9+$0x12200];
	v3 =	vadd.f32 v3, v5  }
0xa7: {  	[tilespmem:s9+$0xE180] =	vst v8;
	v8 =	vld [tilespmem:s9+$0xC280];
	v5 =	vadd.f32 v9, v5  }
0xa8: {  	v9 =	vld [tilespmem:s9+$0xE280];
	[tilespmem:s9+$0x10180] =	vst v3;
	v3 =	vadd.f32 v10, v6  }
0xa9: {  	v2 =	vadd.f32 v2, v6;
	[tilespmem:s9+$0x12180] =	vst v5;
	v5 =	vld [tilespmem:s9+$0x10280]  }
0xaa: {  	v10 =	vld [tilespmem:s9+$0x12280];
	[tilespmem:s9+$0xC200] =	vst v3;
	v3 =	vadd.f32 v4, v6  }
0xab: {  	v63 =	vld [tilespmem:s9+$0xC300];
	[tilespmem:s9+$0xE200] =	vst v2;
	v2 =	vadd.f32 v11, v6  }
0xac: {  	v6 =	vadd.f32 v8, v7;
	[tilespmem:s9+$0x10200] =	vst v3;
	v3 =	vld [tilespmem:s9+$0xE300]  }
0xad: {  	[tilespmem:s9+$0x12200] =	vst v2;
	v4 =	vld [tilespmem:s9+$0x10300];
	v8 =	vadd.f32 v9, v7  }
0xae: {  	v2 =	vld [tilespmem:s9+$0x12300];
	[tilespmem:s9+$0xC280] =	vst v6;
	v6 =	vadd.f32 v5, v7  }
0xaf: {  	[tilespmem:s9+$0xE280] =	vst v8;
	v5 =	vld [tilespmem:s9+$0xC380];
	v8 =	vadd.f32 v10, v7  }
0xb0: {  	s15 =	simm.s32 $0x10;
	s10 =	simm.s32 $0x80;
	v7 =	vadd.f32 v63, v1;
	[tilespmem:s9+$0x10280] =	vst v6;
	v6 =	vld [tilespmem:s9+$0xE380]  }
.LBB2_5:
0xb1: {  	s16 =	sand.u32 $0x70, s15;
	s17 =	sand.u32 $0x1C00, s10;
	p0 =	sne.s32 s15, $0x3F0;
	[tilespmem:s9+$0x12280] =	vst v8;
	v3 =	vadd.f32 v3, v1;
	v8 =	vld [tilespmem:s9+$0x10380]  }
0xb2: {  	s16 =	sor.u32 s16, s17;
	[tilespmem:s9+$0xC300] =	vst v7;
	v4 =	vadd.f32 v4, v1;
	v7 =	vld [tilespmem:s9+$0x12380]  }
0xb3: {  	v9 =	vld [tilespmem:s16+$0xA000];
	[tilespmem:s9+$0xE300] =	vst v3;
	v1 =	vadd.f32 v2, v1  }
0xb4: {  	v2 =	vld [tilespmem:s16+$0xA080];
	[tilespmem:s9+$0x10300] =	vst v4;
	v3 =	vadd.f32 v5, v0  }
0xb5: {  	v4 =	vld [tilespmem:s16+$0xA100];
	[tilespmem:s9+$0x12300] =	vst v1;
	v1 =	vadd.f32 v6, v0  }
0xb6: {  	v5 =	vld [tilespmem:s16+$0xA180];
	[tilespmem:s9+$0xC380] =	vst v3;
	v3 =	vadd.f32 v8, v0  }
0xb7: {  	v6 =	vld [tilespmem:s16+$0xA200];
	[tilespmem:s9+$0xE380] =	vst v1;
	v0 =	vadd.f32 v7, v0  }
0xb8: {  	v7 =	vld [tilespmem:s16+$0xA280];
	[tilespmem:s9+$0x10380] =	vst v3  }
0xb9: {  	v1 =	vld [tilespmem:s16+$0xA300];
	[tilespmem:s9+$0x12380] =	vst v0;
	s9 =	smov.u32 s16  }
0xba: {  	v0 =	vld [tilespmem:s9+$0xA380]  }
0xbb: {  	v3 =	vld [tilespmem:s9+$0xC000]  }
0xbc: {  	v8 =	vld [tilespmem:s9+$0xE000]  }
0xbd: {  	v10 =	vld [tilespmem:s9+$0x10000]  }
0xbe: {  	v11 =	vld [tilespmem:s9+$0x12000]  }
0xbf: {  	v12 =	vld [tilespmem:s9+$0xC080]  }
0xc0: {  	v3 =	vadd.f32 v3, v9;
	v13 =	vld [tilespmem:s9+$0xE080]  }
0xc1: {  	v8 =	vadd.f32 v8, v9;
	v14 =	vld [tilespmem:s9+$0x10080]  }
0xc2: {  	[tilespmem:s9+$0xC000] =	vst v3;
	v3 =	vadd.f32 v10, v9;
	v10 =	vld [tilespmem:s9+$0x12080]  }
0xc3: {  	[tilespmem:s9+$0xE000] =	vst v8;
	v8 =	vadd.f32 v11, v9;
	v9 =	vld [tilespmem:s9+$0xC100]  }
0xc4: {  	[tilespmem:s9+$0x10000] =	vst v3;
	v3 =	vadd.f32 v12, v2;
	v11 =	vld [tilespmem:s9+$0xE100]  }
0xc5: {  	[tilespmem:s9+$0x12000] =	vst v8;
	v8 =	vadd.f32 v13, v2;
	v12 =	vld [tilespmem:s9+$0x10100]  }
0xc6: {  	[tilespmem:s9+$0xC080] =	vst v3;
	v3 =	vadd.f32 v14, v2;
	v13 =	vld [tilespmem:s9+$0x12100]  }
0xc7: {  	[tilespmem:s9+$0xE080] =	vst v8;
	v2 =	vadd.f32 v10, v2;
	v8 =	vld [tilespmem:s9+$0xC180]  }
0xc8: {  	[tilespmem:s9+$0x10080] =	vst v3;
	v3 =	vadd.f32 v9, v4;
	v9 =	vld [tilespmem:s9+$0xE180]  }
0xc9: {  	[tilespmem:s9+$0x12080] =	vst v2;
	v2 =	vadd.f32 v11, v4;
	v10 =	vld [tilespmem:s9+$0x10180]  }
0xca: {  	[tilespmem:s9+$0xC100] =	vst v3;
	v3 =	vadd.f32 v12, v4;
	v11 =	vld [tilespmem:s9+$0x12180]  }
0xcb: {  	[tilespmem:s9+$0xE100] =	vst v2;
	v2 =	vadd.f32 v13, v4;
	v4 =	vld [tilespmem:s9+$0xC200]  }
0xcc: {  	[tilespmem:s9+$0x10100] =	vst v3;
	v3 =	vadd.f32 v8, v5;
	v8 =	vld [tilespmem:s9+$0xE200]  }
0xcd: {  	[tilespmem:s9+$0x12100] =	vst v2;
	v2 =	vadd.f32 v9, v5;
	v9 =	vld [tilespmem:s9+$0x10200]  }
0xce: {  	[tilespmem:s9+$0xC180] =	vst v3;
	v3 =	vadd.f32 v10, v5;
	v10 =	vld [tilespmem:s9+$0x12200]  }
0xcf: {  	[tilespmem:s9+$0xE180] =	vst v2;
	v2 =	vadd.f32 v11, v5;
	v5 =	vld [tilespmem:s9+$0xC280]  }
0xd0: {  	[tilespmem:s9+$0x10180] =	vst v3;
	v3 =	vadd.f32 v4, v6;
	v4 =	vld [tilespmem:s9+$0xE280]  }
0xd1: {  	[tilespmem:s9+$0x12180] =	vst v2;
	v2 =	vadd.f32 v8, v6;
	v8 =	vld [tilespmem:s9+$0x10280]  }
0xd2: {  	[tilespmem:s9+$0xC200] =	vst v3;
	v3 =	vadd.f32 v9, v6;
	v9 =	vld [tilespmem:s9+$0x12280]  }
0xd3: {  	[tilespmem:s9+$0xE200] =	vst v2;
	v2 =	vadd.f32 v10, v6;
	v6 =	vld [tilespmem:s9+$0xC300]  }
.Ltmp1:
0xd4: {  	[tilespmem:s9+$0x10200] =	vst v3;
	v5 =	vadd.f32 v5, v7;
	v3 =	vld [tilespmem:s9+$0xE300];
	(pc) =	sbr.rel @p0 .LBB2_5-.Ltmp1, $4  }
0xd5: {  	[tilespmem:s9+$0x12200] =	vst v2;
	v10 =	vadd.f32 v4, v7;
	v4 =	vld [tilespmem:s9+$0x10300]  }
0xd6: {  	[tilespmem:s9+$0xC280] =	vst v5;
	v11 =	vadd.f32 v8, v7;
	v2 =	vld [tilespmem:s9+$0x12300]  }
0xd7: {  	[tilespmem:s9+$0xE280] =	vst v10;
	v8 =	vadd.f32 v9, v7;
	v5 =	vld [tilespmem:s9+$0xC380]  }
0xd8: {  	s10 =	sadd.s32 $0x80, s10;
	s15 =	sadd.s32 $0x10, s15;
	[tilespmem:s9+$0x10280] =	vst v11;
	v7 =	vadd.f32 v6, v1;
	v6 =	vld [tilespmem:s9+$0xE380]  }
0xd9: {  	[tilespmem:s9+$0x12280] =	vst v8;
	v8 =	vld [tilespmem:s9+$0x10380];
	v3 =	vadd.f32 v3, v1  }
0xda: {  	[tilespmem:s9+$0xC300] =	vst v7;
	v4 =	vadd.f32 v4, v1;
	v7 =	vld [tilespmem:s9+$0x12380]  }
0xdb: {  	[tilespmem:s9+$0xE300] =	vst v3;
	v1 =	vadd.f32 v2, v1  }
0xdc: {  	[tilespmem:s9+$0x10300] =	vst v4;
	v2 =	vadd.f32 v5, v0  }
0xdd: {  	[tilespmem:s9+$0x12300] =	vst v1;
	v1 =	vadd.f32 v6, v0  }
0xde: {  	[tilespmem:s9+$0xC380] =	vst v2;
	v2 =	vadd.f32 v8, v0  }
0xdf: {  	s10 =	sadd.s32 s8, s12;
	[tilespmem:s9+$0xE380] =	vst v1;
	v0 =	vadd.f32 v7, v0  }
0xe0: {  	s10 =	sshll.u32 s10, $0x7;
	[tilespmem:s9+$0x10380] =	vst v2  }
0xe1: {  	s17 =	sadd.s32 s4, s10;
	[tilespmem:s9+$0x12380] =	vst v0  }
0xe2: {  	[hbm4b:s17+s19] =	stream.strided.scatter [tilespmem:s21], [sflag:$0x5], $0x8000, s18, s19, $0x38;
	[tilespmem:$0x1E000] =	vst v63  }
0xe3: {  	s9 =	sadd.s32 s8, s13;
	_ =	swait.ge [sflag:s26], $0x8000  }
0xe4: {  	s8 =	sshll.u32 s9, $0x7;
	[sflag:s26] =	ssyncset.done $0x0  }
0xe5: {  	s15 =	simm.s32 $0x0;
	s10 =	sadd.s32 s2, s8;
	[sflag:s26] =	ssyncadd.s32 $0xFFFF8000  }
0xe6: {  	[tilespmem:s15], [sflag:$0x1] =	stream.linear.gather [hbm4b:s10+s15], $0x2000, $0x38;
	[tilespmem:$0x1E000] =	vst v63  }
0xe7: {  	s8 =	sadd.s32 s1, s8  }
0xe8: {  	[tilespmem:s19], [sflag:$0x1] =	stream.strided.gather [hbm4b:s8+s19], $0x8000, s18, s19, $0x38;
	[tilespmem:$0x1E000] =	vst v63  }
0xe9: {  	_ =	swait.ge [sflag:s28], $0x2000  }
0xea: {  	[sflag:s28] =	ssyncset.done $0x0  }
0xeb: {  	[sflag:s28] =	ssyncadd.s32 $0xFFFFE000  }
0xec: {  	_ =	swait.ge [sflag:s28], $0x8000  }
0xed: {  	s16 =	sand.u32 $0x70, s15;
	s17 =	sand.u32 $0x1C00, s15;
	[sflag:s28] =	ssyncset.done $0x0  }
0xee: {  	s8 =	sor.u32 s16, s17;
	[sflag:s28] =	ssyncadd.s32 $0xFFFF8000  }
0xef: {  	v2 =	vld [tilespmem:s8+$0x14000]  }
0xf0: {  	v3 =	vld [tilespmem:s8+$0x14080]  }
0xf1: {  	v4 =	vld [tilespmem:s8+$0x14100]  }
0xf2: {  	v5 =	vld [tilespmem:s8+$0x14180]  }
0xf3: {  	v6 =	vld [tilespmem:s8+$0x14200]  }
0xf4: {  	v7 =	vld [tilespmem:s8+$0x14280]  }
0xf5: {  	v1 =	vld [tilespmem:s8+$0x14300]  }
0xf6: {  	v0 =	vld [tilespmem:s8+$0x14380]  }
0xf7: {  	v8 =	vld [tilespmem:s8+$0x16000]  }
0xf8: {  	v9 =	vld [tilespmem:s8+$0x18000]  }
0xf9: {  	v10 =	vld [tilespmem:s8+$0x1A000]  }
0xfa: {  	v11 =	vld [tilespmem:s8+$0x1C000]  }
0xfb: {  	v12 =	vld [tilespmem:s8+$0x16080]  }
0xfc: {  	v13 =	vld [tilespmem:s8+$0x18080];
	v8 =	vadd.f32 v8, v2  }
0xfd: {  	v14 =	vld [tilespmem:s8+$0x1A080];
	v9 =	vadd.f32 v9, v2  }
0xfe: {  	v10 =	vadd.f32 v10, v2;
	[tilespmem:s8+$0x16000] =	vst v8;
	v8 =	vld [tilespmem:s8+$0x1C080]  }
0xff: {  	v2 =	vadd.f32 v11, v2;
	[tilespmem:s8+$0x18000] =	vst v9;
	v9 =	vld [tilespmem:s8+$0x16100]  }
0x100: {  	v11 =	vadd.f32 v12, v3;
	[tilespmem:s8+$0x1A000] =	vst v10;
	v10 =	vld [tilespmem:s8+$0x18100]  }
0x101: {  	v60 =	vadd.f32 v13, v3;
	[tilespmem:s8+$0x1C000] =	vst v2;
	v2 =	vld [tilespmem:s8+$0x1A100]  }
0x102: {  	v61 =	vadd.f32 v14, v3;
	[tilespmem:s8+$0x16080] =	vst v11;
	v11 =	vld [tilespmem:s8+$0x1C100]  }
0x103: {  	v62 =	vld [tilespmem:s8+$0x16180];
	[tilespmem:s8+$0x18080] =	vst v60;
	v3 =	vadd.f32 v8, v3  }
0x104: {  	[tilespmem:s8+$0x1A080] =	vst v61;
	v8 =	vld [tilespmem:s8+$0x18180];
	v9 =	vadd.f32 v9, v4  }
0x105: {  	v10 =	vadd.f32 v10, v4;
	[tilespmem:s8+$0x1C080] =	vst v3;
	v3 =	vld [tilespmem:s8+$0x1A180]  }
0x106: {  	v2 =	vadd.f32 v2, v4;
	[tilespmem:s8+$0x16100] =	vst v9;
	v9 =	vld [tilespmem:s8+$0x1C180]  }
0x107: {  	v4 =	vadd.f32 v11, v4;
	[tilespmem:s8+$0x18100] =	vst v10;
	v10 =	vld [tilespmem:s8+$0x16200]  }
0x108: {  	v11 =	vadd.f32 v62, v5;
	[tilespmem:s8+$0x1A100] =	vst v2;
	v2 =	vld [tilespmem:s8+$0x18200]  }
0x109: {  	[tilespmem:s8+$0x1C100] =	vst v4;
	v4 =	vld [tilespmem:s8+$0x1A200];
	v8 =	vadd.f32 v8, v5  }
0x10a: {  	[tilespmem:s8+$0x16180] =	vst v11;
	v11 =	vld [tilespmem:s8+$0x1C200];
	v3 =	vadd.f32 v3, v5  }
0x10b: {  	[tilespmem:s8+$0x18180] =	vst v8;
	v8 =	vld [tilespmem:s8+$0x16280];
	v5 =	vadd.f32 v9, v5  }
0x10c: {  	v9 =	vld [tilespmem:s8+$0x18280];
	[tilespmem:s8+$0x1A180] =	vst v3;
	v3 =	vadd.f32 v10, v6  }
0x10d: {  	v2 =	vadd.f32 v2, v6;
	[tilespmem:s8+$0x1C180] =	vst v5;
	v5 =	vld [tilespmem:s8+$0x1A280]  }
0x10e: {  	v10 =	vld [tilespmem:s8+$0x1C280];
	[tilespmem:s8+$0x16200] =	vst v3;
	v3 =	vadd.f32 v4, v6  }
0x10f: {  	v63 =	vld [tilespmem:s8+$0x16300];
	[tilespmem:s8+$0x18200] =	vst v2;
	v2 =	vadd.f32 v11, v6  }
0x110: {  	v6 =	vadd.f32 v8, v7;
	[tilespmem:s8+$0x1A200] =	vst v3;
	v3 =	vld [tilespmem:s8+$0x18300]  }
0x111: {  	[tilespmem:s8+$0x1C200] =	vst v2;
	v4 =	vld [tilespmem:s8+$0x1A300];
	v8 =	vadd.f32 v9, v7  }
0x112: {  	v2 =	vld [tilespmem:s8+$0x1C300];
	[tilespmem:s8+$0x16280] =	vst v6;
	v6 =	vadd.f32 v5, v7  }
0x113: {  	[tilespmem:s8+$0x18280] =	vst v8;
	v5 =	vld [tilespmem:s8+$0x16380];
	v8 =	vadd.f32 v10, v7  }
0x114: {  	s9 =	simm.s32 $0x80;
	s10 =	simm.s32 $0x10;
	v7 =	vadd.f32 v63, v1;
	[tilespmem:s8+$0x1A280] =	vst v6;
	v6 =	vld [tilespmem:s8+$0x18380]  }
.LBB2_7:
0x115: {  	s15 =	sand.u32 $0x70, s10;
	s16 =	sand.u32 $0x1C00, s9;
	p0 =	sne.s32 s10, $0x3F0;
	[tilespmem:s8+$0x1C280] =	vst v8;
	v3 =	vadd.f32 v3, v1;
	v8 =	vld [tilespmem:s8+$0x1A380]  }
0x116: {  	s15 =	sor.u32 s15, s16;
	[tilespmem:s8+$0x16300] =	vst v7;
	v4 =	vadd.f32 v4, v1;
	v7 =	vld [tilespmem:s8+$0x1C380]  }
0x117: {  	v9 =	vld [tilespmem:s15+$0x14000];
	[tilespmem:s8+$0x18300] =	vst v3;
	v1 =	vadd.f32 v2, v1  }
0x118: {  	v2 =	vld [tilespmem:s15+$0x14080];
	[tilespmem:s8+$0x1A300] =	vst v4;
	v3 =	vadd.f32 v5, v0  }
0x119: {  	v4 =	vld [tilespmem:s15+$0x14100];
	[tilespmem:s8+$0x1C300] =	vst v1;
	v1 =	vadd.f32 v6, v0  }
0x11a: {  	v5 =	vld [tilespmem:s15+$0x14180];
	[tilespmem:s8+$0x16380] =	vst v3;
	v3 =	vadd.f32 v8, v0  }
0x11b: {  	v6 =	vld [tilespmem:s15+$0x14200];
	[tilespmem:s8+$0x18380] =	vst v1;
	v0 =	vadd.f32 v7, v0  }
0x11c: {  	v7 =	vld [tilespmem:s15+$0x14280];
	[tilespmem:s8+$0x1A380] =	vst v3  }
0x11d: {  	v1 =	vld [tilespmem:s15+$0x14300];
	[tilespmem:s8+$0x1C380] =	vst v0;
	s8 =	smov.u32 s15  }
0x11e: {  	v0 =	vld [tilespmem:s8+$0x14380]  }
0x11f: {  	v3 =	vld [tilespmem:s8+$0x16000]  }
0x120: {  	v8 =	vld [tilespmem:s8+$0x18000]  }
0x121: {  	v10 =	vld [tilespmem:s8+$0x1A000]  }
0x122: {  	v11 =	vld [tilespmem:s8+$0x1C000]  }
0x123: {  	v12 =	vld [tilespmem:s8+$0x16080]  }
0x124: {  	v3 =	vadd.f32 v3, v9;
	v13 =	vld [tilespmem:s8+$0x18080]  }
0x125: {  	v8 =	vadd.f32 v8, v9;
	v14 =	vld [tilespmem:s8+$0x1A080]  }
0x126: {  	[tilespmem:s8+$0x16000] =	vst v3;
	v3 =	vadd.f32 v10, v9;
	v10 =	vld [tilespmem:s8+$0x1C080]  }
0x127: {  	[tilespmem:s8+$0x18000] =	vst v8;
	v8 =	vadd.f32 v11, v9;
	v9 =	vld [tilespmem:s8+$0x16100]  }
0x128: {  	[tilespmem:s8+$0x1A000] =	vst v3;
	v3 =	vadd.f32 v12, v2;
	v11 =	vld [tilespmem:s8+$0x18100]  }
0x129: {  	[tilespmem:s8+$0x1C000] =	vst v8;
	v8 =	vadd.f32 v13, v2;
	v12 =	vld [tilespmem:s8+$0x1A100]  }
0x12a: {  	[tilespmem:s8+$0x16080] =	vst v3;
	v3 =	vadd.f32 v14, v2;
	v13 =	vld [tilespmem:s8+$0x1C100]  }
0x12b: {  	[tilespmem:s8+$0x18080] =	vst v8;
	v2 =	vadd.f32 v10, v2;
	v8 =	vld [tilespmem:s8+$0x16180]  }
0x12c: {  	[tilespmem:s8+$0x1A080] =	vst v3;
	v3 =	vadd.f32 v9, v4;
	v9 =	vld [tilespmem:s8+$0x18180]  }
0x12d: {  	[tilespmem:s8+$0x1C080] =	vst v2;
	v2 =	vadd.f32 v11, v4;
	v10 =	vld [tilespmem:s8+$0x1A180]  }
0x12e: {  	[tilespmem:s8+$0x16100] =	vst v3;
	v3 =	vadd.f32 v12, v4;
	v11 =	vld [tilespmem:s8+$0x1C180]  }
0x12f: {  	[tilespmem:s8+$0x18100] =	vst v2;
	v2 =	vadd.f32 v13, v4;
	v4 =	vld [tilespmem:s8+$0x16200]  }
0x130: {  	[tilespmem:s8+$0x1A100] =	vst v3;
	v3 =	vadd.f32 v8, v5;
	v8 =	vld [tilespmem:s8+$0x18200]  }
0x131: {  	[tilespmem:s8+$0x1C100] =	vst v2;
	v2 =	vadd.f32 v9, v5;
	v9 =	vld [tilespmem:s8+$0x1A200]  }
0x132: {  	[tilespmem:s8+$0x16180] =	vst v3;
	v3 =	vadd.f32 v10, v5;
	v10 =	vld [tilespmem:s8+$0x1C200]  }
0x133: {  	[tilespmem:s8+$0x18180] =	vst v2;
	v2 =	vadd.f32 v11, v5;
	v5 =	vld [tilespmem:s8+$0x16280]  }
0x134: {  	[tilespmem:s8+$0x1A180] =	vst v3;
	v3 =	vadd.f32 v4, v6;
	v4 =	vld [tilespmem:s8+$0x18280]  }
0x135: {  	[tilespmem:s8+$0x1C180] =	vst v2;
	v2 =	vadd.f32 v8, v6;
	v8 =	vld [tilespmem:s8+$0x1A280]  }
0x136: {  	[tilespmem:s8+$0x16200] =	vst v3;
	v3 =	vadd.f32 v9, v6;
	v9 =	vld [tilespmem:s8+$0x1C280]  }
0x137: {  	[tilespmem:s8+$0x18200] =	vst v2;
	v2 =	vadd.f32 v10, v6;
	v6 =	vld [tilespmem:s8+$0x16300]  }
.Ltmp2:
0x138: {  	[tilespmem:s8+$0x1A200] =	vst v3;
	v5 =	vadd.f32 v5, v7;
	v3 =	vld [tilespmem:s8+$0x18300];
	(pc) =	sbr.rel @p0 .LBB2_7-.Ltmp2, $4  }
0x139: {  	[tilespmem:s8+$0x1C200] =	vst v2;
	v10 =	vadd.f32 v4, v7;
	v4 =	vld [tilespmem:s8+$0x1A300]  }
0x13a: {  	[tilespmem:s8+$0x16280] =	vst v5;
	v11 =	vadd.f32 v8, v7;
	v2 =	vld [tilespmem:s8+$0x1C300]  }
0x13b: {  	[tilespmem:s8+$0x18280] =	vst v10;
	v8 =	vadd.f32 v9, v7;
	v5 =	vld [tilespmem:s8+$0x16380]  }
0x13c: {  	s9 =	sadd.s32 $0x80, s9;
	s10 =	sadd.s32 $0x10, s10;
	[tilespmem:s8+$0x1A280] =	vst v11;
	v7 =	vadd.f32 v6, v1;
	v6 =	vld [tilespmem:s8+$0x18380]  }
0x13d: {  	[tilespmem:s8+$0x1C280] =	vst v8;
	v57 =	vld [tilespmem:s8+$0x1A380];
	v3 =	vadd.f32 v3, v1  }
0x13e: {  	v58 =	vld [tilespmem:s8+$0x1C380];
	[tilespmem:s8+$0x16300] =	vst v7;
	v4 =	vadd.f32 v4, v1  }
0x13f: {  	[tilespmem:s8+$0x18300] =	vst v3;
	v59 =	vadd.f32 v2, v1  }
0x140: {  	[tilespmem:s8+$0x1A300] =	vst v4;
	v60 =	vadd.f32 v5, v0  }
0x141: {  	[tilespmem:s8+$0x1C300] =	vst v59;
	v61 =	vadd.f32 v6, v0  }
0x142: {  	[tilespmem:s8+$0x16380] =	vst v60;
	v62 =	vadd.f32 v57, v0  }
0x143: {  	v63 =	vadd.f32 v58, v0;
	[tilespmem:s8+$0x18380] =	vst v61  }
0x144: {  	[tilespmem:s8+$0x1A380] =	vst v62  }
0x145: {  	s7 =	sadd.s32 s4, s7;
	s0 =	sadd.s32 $0x1, s0;
	[tilespmem:s8+$0x1C380] =	vst v63  }
0x146: {  	[hbm4b:s7+s19] =	stream.strided.scatter [tilespmem:s24], [sflag:$0x6], $0x8000, s18, s19, $0x38;
	[tilespmem:$0x1E000] =	vst v63  }
0x147: {  	s3 =	sadd.s32 s3, s14;
	p0 =	sne.s32 s0, $0xA;
	_ =	swait.ge [sflag:s29], $0x8000  }
.Ltmp3:
0x148: {  	s3 =	sshll.u32 s3, $0xA;
	[sflag:s29] =	ssyncset.done $0x0;
	(pc) =	sbr.rel @p0 .LBB2_2-.Ltmp3, $4  }
0x149: {  	s17 =	sadd.s32 s2, s3;
	[sflag:s29] =	ssyncadd.s32 $0xFFFF8000  }
0x14a: {  	[tilespmem:s20], [sflag:$0x2] =	stream.linear.gather [hbm4b:s17+s5], $0x2000, $0x38;
	[tilespmem:$0x1E000] =	vst v63  }
0x14b: {  	s3 =	sadd.s32 s1, s3  }
0x14c: {  	[tilespmem:s21], [sflag:$0x2] =	stream.strided.gather [hbm4b:s3+s19], $0x8000, s18, s19, $0x38;
	[tilespmem:$0x1E000] =	vst v63  }
0x14d: {  	_ =	swait.ge [sflag:s22], $0x2000  }
0x14e: {  	[sflag:s22] =	ssyncset.done $0x0  }
0x14f: {  	[sflag:s22] =	ssyncadd.s32 $0xFFFFE000  }
0x150: {  	s3 =	simm.s32 $0x0;
	_ =	swait.ge [sflag:s22], $0x8000  }
0x151: {  	s0 =	sand.u32 $0x70, s3;
	s7 =	sand.u32 $0x1C00, s3;
	[sflag:s22] =	ssyncset.done $0x0  }
0x152: {  	s0 =	sor.u32 s0, s7;
	[sflag:s22] =	ssyncadd.s32 $0xFFFF8000  }
0x153: {  	v0 =	vld [tilespmem:s0+$0x0]  }
0x154: {  	v3 =	vld [tilespmem:s0+$0x80]  }
0x155: {  	v4 =	vld [tilespmem:s0+$0x100]  }
0x156: {  	v5 =	vld [tilespmem:s0+$0x180]  }
0x157: {  	v6 =	vld [tilespmem:s0+$0x200]  }
0x158: {  	v2 =	vld [tilespmem:s0+$0x280]  }
0x159: {  	v1 =	vld [tilespmem:s0+$0x300]  }
0x15a: {  	v7 =	vld [tilespmem:s0+$0x4000]  }
0x15b: {  	v8 =	vld [tilespmem:s0+$0x6000]  }
0x15c: {  	v9 =	vld [tilespmem:s0+$0x8000]  }
0x15d: {  	v10 =	vld [tilespmem:s0+$0x2080]  }
0x15e: {  	v11 =	vld [tilespmem:s0+$0x4080]  }
0x15f: {  	v12 =	vld [tilespmem:s0+$0x6080];
	v7 =	vadd.f32 v7, v0  }
0x160: {  	v13 =	vld [tilespmem:s0+$0x8080];
	v8 =	vadd.f32 v8, v0  }
0x161: {  	v9 =	vadd.f32 v9, v0;
	[tilespmem:s0+$0x4000] =	vst v7;
	v7 =	vld [tilespmem:s0+$0x2100]  }
0x162: {  	v10 =	vadd.f32 v10, v3;
	[tilespmem:s0+$0x6000] =	vst v8;
	v8 =	vld [tilespmem:s0+$0x4100]  }
0x163: {  	v11 =	vadd.f32 v11, v3;
	[tilespmem:s0+$0x8000] =	vst v9;
	v9 =	vld [tilespmem:s0+$0x6100]  }
0x164: {  	v12 =	vadd.f32 v12, v3;
	[tilespmem:s0+$0x2080] =	vst v10;
	v10 =	vld [tilespmem:s0+$0x8100]  }
0x165: {  	v3 =	vadd.f32 v13, v3;
	[tilespmem:s0+$0x4080] =	vst v11;
	v11 =	vld [tilespmem:s0+$0x2180]  }
0x166: {  	v63 =	vld [tilespmem:s0+$0x4180];
	[tilespmem:s0+$0x6080] =	vst v12;
	v7 =	vadd.f32 v7, v4  }
0x167: {  	[tilespmem:s0+$0x8080] =	vst v3;
	v3 =	vld [tilespmem:s0+$0x6180];
	v8 =	vadd.f32 v8, v4  }
0x168: {  	v9 =	vadd.f32 v9, v4;
	[tilespmem:s0+$0x2100] =	vst v7;
	v7 =	vld [tilespmem:s0+$0x8180]  }
0x169: {  	v4 =	vadd.f32 v10, v4;
	[tilespmem:s0+$0x4100] =	vst v8;
	v8 =	vld [tilespmem:s0+$0x2200]  }
0x16a: {  	v10 =	vadd.f32 v11, v5;
	[tilespmem:s0+$0x6100] =	vst v9;
	v9 =	vld [tilespmem:s0+$0x4200]  }
0x16b: {  	v11 =	vadd.f32 v63, v5;
	[tilespmem:s0+$0x8100] =	vst v4;
	v4 =	vld [tilespmem:s0+$0x6200]  }
0x16c: {  	v3 =	vadd.f32 v3, v5;
	[tilespmem:s0+$0x2180] =	vst v10;
	v10 =	vld [tilespmem:s0+$0x8200]  }
0x16d: {  	[tilespmem:s0+$0x4180] =	vst v11;
	v11 =	vld [tilespmem:s0+$0x2280];
	v5 =	vadd.f32 v7, v5  }
0x16e: {  	[tilespmem:s0+$0x6180] =	vst v3;
	v7 =	vld [tilespmem:s0+$0x4280];
	v3 =	vadd.f32 v8, v6  }
0x16f: {  	v8 =	vadd.f32 v9, v6;
	[tilespmem:s0+$0x8180] =	vst v5;
	v5 =	vld [tilespmem:s0+$0x6280]  }
0x170: {  	v9 =	vadd.f32 v4, v6;
	[tilespmem:s0+$0x2200] =	vst v3;
	v3 =	vld [tilespmem:s0+$0x8280]  }
0x171: {  	v4 =	vld [tilespmem:s0+$0x2300];
	[tilespmem:s0+$0x4200] =	vst v8;
	v8 =	vadd.f32 v10, v6  }
0x172: {  	[tilespmem:s0+$0x6200] =	vst v9;
	v6 =	vld [tilespmem:s0+$0x4300];
	v9 =	vadd.f32 v11, v2  }
0x173: {  	s8 =	simm.s32 $0x80;
	s9 =	simm.s32 $0x10;
	s7 =	simm.s32 $0x0;
	[tilespmem:s0+$0x8200] =	vst v8;
	v8 =	vadd.f32 v7, v2;
	v7 =	vld [tilespmem:s0+$0x6300]  }
.LBB2_10:
0x174: {  	s10 =	sand.u32 $0x70, s9;
	s15 =	sand.u32 $0x1C00, s8;
	p0 =	sne.s32 s9, $0x3F0;
	[tilespmem:s0+$0x2280] =	vst v9;
	v5 =	vadd.f32 v5, v2;
	v9 =	vld [tilespmem:s0+$0x8300]  }
0x175: {  	s10 =	sor.u32 s10, s15;
	v10 =	vld [tilespmem:s0+$0x2000];
	[tilespmem:s0+$0x4280] =	vst v8;
	v2 =	vadd.f32 v3, v2  }
0x176: {  	v3 =	vld [tilespmem:s10+$0x0];
	[tilespmem:s0+$0x6280] =	vst v5;
	v4 =	vadd.f32 v4, v1  }
0x177: {  	v5 =	vld [tilespmem:s10+$0x80];
	[tilespmem:s0+$0x8280] =	vst v2;
	v2 =	vadd.f32 v6, v1  }
0x178: {  	v6 =	vld [tilespmem:s10+$0x100];
	[tilespmem:s0+$0x2300] =	vst v4;
	v4 =	vadd.f32 v7, v1  }
0x179: {  	v7 =	vld [tilespmem:s10+$0x180];
	[tilespmem:s0+$0x4300] =	vst v2;
	v1 =	vadd.f32 v9, v1  }
0x17a: {  	v2 =	vadd.f32 v10, v0;
	[tilespmem:s0+$0x6300] =	vst v4;
	v4 =	vld [tilespmem:s0+$0x8380]  }
0x17b: {  	s15 =	sor.u32 s7, s3;
	s7 =	smov.u32 s8;
	s3 =	smov.u32 s9;
	[tilespmem:s0+$0x8300] =	vst v1;
	v8 =	vld [tilespmem:s0+$0x4380];
	v0 =	vmov v3  }
0x17c: {  	s15 =	sor.u32 $0x380, s15;
	[tilespmem:s0+$0x2000] =	vst v2;
	v3 =	vld [tilespmem:s0+$0x2380]  }
0x17d: {  	v9 =	vld [tilespmem:s15+$0x0]  }
0x17e: {  	v10 =	vld [tilespmem:s0+$0x6380]  }
0x17f: {  	v11 =	vld [tilespmem:s10+$0x200]  }
0x180: {  	v2 =	vld [tilespmem:s10+$0x280]  }
0x181: {  	v1 =	vld [tilespmem:s10+$0x300]  }
0x182: {  	v12 =	vld [tilespmem:s10+$0x4000];
	v3 =	vadd.f32 v3, v9;
	v8 =	vadd.f32 v8, v9  }
0x183: {  	v4 =	vadd.f32 v4, v9;
	v13 =	vld [tilespmem:s10+$0x6000];
	v10 =	vadd.f32 v10, v9  }
0x184: {  	v9 =	vld [tilespmem:s10+$0x8000];
	[tilespmem:s0+$0x2380] =	vst v3  }
0x185: {  	v3 =	vld [tilespmem:s10+$0x2080];
	[tilespmem:s0+$0x4380] =	vst v8  }
0x186: {  	v8 =	vld [tilespmem:s10+$0x4080];
	[tilespmem:s0+$0x6380] =	vst v10  }
0x187: {  	v10 =	vadd.f32 v12, v0;
	v12 =	vld [tilespmem:s10+$0x6080];
	[tilespmem:s0+$0x8380] =	vst v4;
	s0 =	smov.u32 s10  }
0x188: {  	v4 =	vadd.f32 v13, v0;
	v13 =	vld [tilespmem:s0+$0x8080]  }
0x189: {  	[tilespmem:s0+$0x4000] =	vst v10;
	v9 =	vadd.f32 v9, v0;
	v10 =	vld [tilespmem:s0+$0x2100]  }
0x18a: {  	[tilespmem:s0+$0x6000] =	vst v4;
	v3 =	vadd.f32 v3, v5;
	v4 =	vld [tilespmem:s0+$0x4100]  }
0x18b: {  	[tilespmem:s0+$0x8000] =	vst v9;
	v8 =	vadd.f32 v8, v5;
	v9 =	vld [tilespmem:s0+$0x6100]  }
0x18c: {  	[tilespmem:s0+$0x2080] =	vst v3;
	v3 =	vadd.f32 v12, v5;
	v12 =	vld [tilespmem:s0+$0x8100]  }
0x18d: {  	[tilespmem:s0+$0x4080] =	vst v8;
	v5 =	vadd.f32 v13, v5;
	v8 =	vld [tilespmem:s0+$0x2180]  }
0x18e: {  	[tilespmem:s0+$0x6080] =	vst v3;
	v3 =	vadd.f32 v10, v6;
	v10 =	vld [tilespmem:s0+$0x4180]  }
0x18f: {  	[tilespmem:s0+$0x8080] =	vst v5;
	v4 =	vadd.f32 v4, v6;
	v5 =	vld [tilespmem:s0+$0x6180]  }
0x190: {  	[tilespmem:s0+$0x2100] =	vst v3;
	v3 =	vadd.f32 v9, v6;
	v9 =	vld [tilespmem:s0+$0x8180]  }
0x191: {  	[tilespmem:s0+$0x4100] =	vst v4;
	v4 =	vadd.f32 v12, v6;
	v6 =	vld [tilespmem:s0+$0x2200]  }
0x192: {  	[tilespmem:s0+$0x6100] =	vst v3;
	v3 =	vadd.f32 v8, v7;
	v8 =	vld [tilespmem:s0+$0x4200]  }
0x193: {  	[tilespmem:s0+$0x8100] =	vst v4;
	v4 =	vadd.f32 v10, v7;
	v10 =	vld [tilespmem:s0+$0x6200]  }
0x194: {  	[tilespmem:s0+$0x2180] =	vst v3;
	v3 =	vadd.f32 v5, v7;
	v12 =	vld [tilespmem:s0+$0x8200]  }
0x195: {  	[tilespmem:s0+$0x4180] =	vst v4;
	v4 =	vadd.f32 v9, v7;
	v7 =	vld [tilespmem:s0+$0x2280]  }
0x196: {  	[tilespmem:s0+$0x6180] =	vst v3;
	v3 =	vadd.f32 v6, v11;
	v13 =	vld [tilespmem:s0+$0x4280]  }
.Ltmp4:
0x197: {  	[tilespmem:s0+$0x8180] =	vst v4;
	v4 =	vadd.f32 v8, v11;
	v5 =	vld [tilespmem:s0+$0x6280];
	(pc) =	sbr.rel @p0 .LBB2_10-.Ltmp4, $4  }
0x198: {  	[tilespmem:s0+$0x2200] =	vst v3;
	v6 =	vadd.f32 v10, v11;
	v3 =	vld [tilespmem:s0+$0x8280]  }
0x199: {  	[tilespmem:s0+$0x4200] =	vst v4;
	v8 =	vadd.f32 v12, v11;
	v4 =	vld [tilespmem:s0+$0x2300]  }
0x19a: {  	[tilespmem:s0+$0x6200] =	vst v6;
	v9 =	vadd.f32 v7, v2;
	v6 =	vld [tilespmem:s0+$0x4300]  }
0x19b: {  	s8 =	sadd.s32 $0x80, s8;
	s9 =	sadd.s32 $0x10, s9;
	[tilespmem:s0+$0x8200] =	vst v8;
	v8 =	vadd.f32 v13, v2;
	v7 =	vld [tilespmem:s0+$0x6300]  }
0x19c: {  	[tilespmem:s0+$0x2280] =	vst v9;
	v9 =	vld [tilespmem:s0+$0x8300];
	v5 =	vadd.f32 v5, v2  }
0x19d: {  	v10 =	vld [tilespmem:s0+$0x2000];
	[tilespmem:s0+$0x4280] =	vst v8;
	v2 =	vadd.f32 v3, v2  }
0x19e: {  	[tilespmem:s0+$0x6280] =	vst v5;
	v3 =	vadd.f32 v4, v1  }
0x19f: {  	[tilespmem:s0+$0x8280] =	vst v2;
	v2 =	vadd.f32 v6, v1  }
0x1a0: {  	[tilespmem:s0+$0x2300] =	vst v3;
	v3 =	vadd.f32 v7, v1  }
0x1a1: {  	[tilespmem:s0+$0x4300] =	vst v2;
	v1 =	vadd.f32 v9, v1  }
0x1a2: {  	v0 =	vadd.f32 v10, v0;
	[tilespmem:s0+$0x6300] =	vst v3  }
0x1a3: {  	s3 =	sor.u32 s7, s3;
	[tilespmem:s0+$0x8300] =	vst v1  }
0x1a4: {  	s3 =	sor.u32 $0x380, s3;
	[tilespmem:s0+$0x2000] =	vst v0;
	v0 =	vld [tilespmem:s0+$0x2380]  }
0x1a5: {  	v3 =	vld [tilespmem:s3+$0x0]  }
0x1a6: {  	v1 =	vld [tilespmem:s0+$0x4380]  }
0x1a7: {  	v4 =	vld [tilespmem:s0+$0x6380]  }
0x1a8: {  	v2 =	vld [tilespmem:s0+$0x8380];
	_ =	sdelay $0x1  }
0x1a9: {  	v0 =	vadd.f32 v0, v3  }
0x1aa: {  	v1 =	vadd.f32 v1, v3  }
0x1ab: {  	v4 =	vadd.f32 v4, v3;
	[tilespmem:s0+$0x2380] =	vst v0  }
0x1ac: {  	v0 =	vadd.f32 v2, v3;
	[tilespmem:s0+$0x4380] =	vst v1  }
0x1ad: {  	[tilespmem:s0+$0x6380] =	vst v4  }
0x1ae: {  	s15 =	rddreg [dreg:$0x8];
	[tilespmem:s0+$0x8380] =	vst v0  }
0x1af: {  	[hbm4b:s15+s19] =	stream.strided.scatter [tilespmem:s19], [sflag:$0x4], $0x8000, s18, s19, $0x38;
	[tilespmem:$0x1E000] =	vst v63  }
0x1b0: {  	_ =	swait.ge [sflag:s25], $0x2000  }
0x1b1: {  	[sflag:s25] =	ssyncset.done $0x0  }
0x1b2: {  	[sflag:s25] =	ssyncadd.s32 $0xFFFFE000  }
0x1b3: {  	s16 =	simm.s32 $0x0;
	_ =	swait.ge [sflag:s25], $0x8000  }
0x1b4: {  	s17 =	sand.u32 $0x70, s16;
	s0 =	sand.u32 $0x1C00, s16;
	[sflag:s25] =	ssyncset.done $0x0  }
0x1b5: {  	s0 =	sor.u32 s17, s0;
	[sflag:s25] =	ssyncadd.s32 $0xFFFF8000  }
0x1b6: {  	v2 =	vld [tilespmem:s0+$0xA000]  }
0x1b7: {  	v3 =	vld [tilespmem:s0+$0xA080]  }
0x1b8: {  	v4 =	vld [tilespmem:s0+$0xA100]  }
0x1b9: {  	v5 =	vld [tilespmem:s0+$0xA180]  }
0x1ba: {  	v6 =	vld [tilespmem:s0+$0xA200]  }
0x1bb: {  	v7 =	vld [tilespmem:s0+$0xA280]  }
0x1bc: {  	v1 =	vld [tilespmem:s0+$0xA300]  }
0x1bd: {  	v0 =	vld [tilespmem:s0+$0xA380]  }
0x1be: {  	v8 =	vld [tilespmem:s0+$0xC000]  }
0x1bf: {  	v9 =	vld [tilespmem:s0+$0xE000]  }
0x1c0: {  	v10 =	vld [tilespmem:s0+$0x10000]  }
0x1c1: {  	v11 =	vld [tilespmem:s0+$0x12000]  }
0x1c2: {  	v12 =	vld [tilespmem:s0+$0xC080]  }
0x1c3: {  	v13 =	vld [tilespmem:s0+$0xE080];
	v8 =	vadd.f32 v8, v2  }
0x1c4: {  	v14 =	vld [tilespmem:s0+$0x10080];
	v9 =	vadd.f32 v9, v2  }
0x1c5: {  	v10 =	vadd.f32 v10, v2;
	[tilespmem:s0+$0xC000] =	vst v8;
	v8 =	vld [tilespmem:s0+$0x12080]  }
0x1c6: {  	v2 =	vadd.f32 v11, v2;
	[tilespmem:s0+$0xE000] =	vst v9;
	v9 =	vld [tilespmem:s0+$0xC100]  }
0x1c7: {  	v11 =	vadd.f32 v12, v3;
	[tilespmem:s0+$0x10000] =	vst v10;
	v10 =	vld [tilespmem:s0+$0xE100]  }
0x1c8: {  	v60 =	vadd.f32 v13, v3;
	[tilespmem:s0+$0x12000] =	vst v2;
	v2 =	vld [tilespmem:s0+$0x10100]  }
0x1c9: {  	v61 =	vadd.f32 v14, v3;
	[tilespmem:s0+$0xC080] =	vst v11;
	v11 =	vld [tilespmem:s0+$0x12100]  }
0x1ca: {  	v62 =	vld [tilespmem:s0+$0xC180];
	[tilespmem:s0+$0xE080] =	vst v60;
	v3 =	vadd.f32 v8, v3  }
0x1cb: {  	[tilespmem:s0+$0x10080] =	vst v61;
	v8 =	vld [tilespmem:s0+$0xE180];
	v9 =	vadd.f32 v9, v4  }
0x1cc: {  	v10 =	vadd.f32 v10, v4;
	[tilespmem:s0+$0x12080] =	vst v3;
	v3 =	vld [tilespmem:s0+$0x10180]  }
0x1cd: {  	v2 =	vadd.f32 v2, v4;
	[tilespmem:s0+$0xC100] =	vst v9;
	v9 =	vld [tilespmem:s0+$0x12180]  }
0x1ce: {  	v4 =	vadd.f32 v11, v4;
	[tilespmem:s0+$0xE100] =	vst v10;
	v10 =	vld [tilespmem:s0+$0xC200]  }
0x1cf: {  	v11 =	vadd.f32 v62, v5;
	[tilespmem:s0+$0x10100] =	vst v2;
	v2 =	vld [tilespmem:s0+$0xE200]  }
0x1d0: {  	[tilespmem:s0+$0x12100] =	vst v4;
	v4 =	vld [tilespmem:s0+$0x10200];
	v8 =	vadd.f32 v8, v5  }
0x1d1: {  	[tilespmem:s0+$0xC180] =	vst v11;
	v11 =	vld [tilespmem:s0+$0x12200];
	v3 =	vadd.f32 v3, v5  }
0x1d2: {  	[tilespmem:s0+$0xE180] =	vst v8;
	v8 =	vld [tilespmem:s0+$0xC280];
	v5 =	vadd.f32 v9, v5  }
0x1d3: {  	v9 =	vld [tilespmem:s0+$0xE280];
	[tilespmem:s0+$0x10180] =	vst v3;
	v3 =	vadd.f32 v10, v6  }
0x1d4: {  	v2 =	vadd.f32 v2, v6;
	[tilespmem:s0+$0x12180] =	vst v5;
	v5 =	vld [tilespmem:s0+$0x10280]  }
0x1d5: {  	v10 =	vld [tilespmem:s0+$0x12280];
	[tilespmem:s0+$0xC200] =	vst v3;
	v3 =	vadd.f32 v4, v6  }
0x1d6: {  	v63 =	vld [tilespmem:s0+$0xC300];
	[tilespmem:s0+$0xE200] =	vst v2;
	v2 =	vadd.f32 v11, v6  }
0x1d7: {  	v6 =	vadd.f32 v8, v7;
	[tilespmem:s0+$0x10200] =	vst v3;
	v3 =	vld [tilespmem:s0+$0xE300]  }
0x1d8: {  	[tilespmem:s0+$0x12200] =	vst v2;
	v4 =	vld [tilespmem:s0+$0x10300];
	v8 =	vadd.f32 v9, v7  }
0x1d9: {  	v2 =	vld [tilespmem:s0+$0x12300];
	[tilespmem:s0+$0xC280] =	vst v6;
	v6 =	vadd.f32 v5, v7  }
0x1da: {  	[tilespmem:s0+$0xE280] =	vst v8;
	v5 =	vld [tilespmem:s0+$0xC380];
	v8 =	vadd.f32 v10, v7  }
0x1db: {  	s7 =	simm.s32 $0x10;
	s3 =	simm.s32 $0x80;
	v7 =	vadd.f32 v63, v1;
	[tilespmem:s0+$0x10280] =	vst v6;
	v6 =	vld [tilespmem:s0+$0xE380]  }
.LBB2_12:
0x1dc: {  	s8 =	sand.u32 $0x70, s7;
	s9 =	sand.u32 $0x1C00, s3;
	p0 =	sne.s32 s7, $0x3F0;
	[tilespmem:s0+$0x12280] =	vst v8;
	v3 =	vadd.f32 v3, v1;
	v8 =	vld [tilespmem:s0+$0x10380]  }
0x1dd: {  	s8 =	sor.u32 s8, s9;
	[tilespmem:s0+$0xC300] =	vst v7;
	v4 =	vadd.f32 v4, v1;
	v7 =	vld [tilespmem:s0+$0x12380]  }
0x1de: {  	v9 =	vld [tilespmem:s8+$0xA000];
	[tilespmem:s0+$0xE300] =	vst v3;
	v1 =	vadd.f32 v2, v1  }
0x1df: {  	v2 =	vld [tilespmem:s8+$0xA080];
	[tilespmem:s0+$0x10300] =	vst v4;
	v3 =	vadd.f32 v5, v0  }
0x1e0: {  	v4 =	vld [tilespmem:s8+$0xA100];
	[tilespmem:s0+$0x12300] =	vst v1;
	v1 =	vadd.f32 v6, v0  }
0x1e1: {  	v5 =	vld [tilespmem:s8+$0xA180];
	[tilespmem:s0+$0xC380] =	vst v3;
	v3 =	vadd.f32 v8, v0  }
0x1e2: {  	v6 =	vld [tilespmem:s8+$0xA200];
	[tilespmem:s0+$0xE380] =	vst v1;
	v0 =	vadd.f32 v7, v0  }
0x1e3: {  	v7 =	vld [tilespmem:s8+$0xA280];
	[tilespmem:s0+$0x10380] =	vst v3  }
0x1e4: {  	v1 =	vld [tilespmem:s8+$0xA300];
	[tilespmem:s0+$0x12380] =	vst v0;
	s0 =	smov.u32 s8  }
0x1e5: {  	v0 =	vld [tilespmem:s0+$0xA380]  }
0x1e6: {  	v3 =	vld [tilespmem:s0+$0xC000]  }
0x1e7: {  	v8 =	vld [tilespmem:s0+$0xE000]  }
0x1e8: {  	v10 =	vld [tilespmem:s0+$0x10000]  }
0x1e9: {  	v11 =	vld [tilespmem:s0+$0x12000]  }
0x1ea: {  	v12 =	vld [tilespmem:s0+$0xC080]  }
0x1eb: {  	v3 =	vadd.f32 v3, v9;
	v13 =	vld [tilespmem:s0+$0xE080]  }
0x1ec: {  	v8 =	vadd.f32 v8, v9;
	v14 =	vld [tilespmem:s0+$0x10080]  }
0x1ed: {  	[tilespmem:s0+$0xC000] =	vst v3;
	v3 =	vadd.f32 v10, v9;
	v10 =	vld [tilespmem:s0+$0x12080]  }
0x1ee: {  	[tilespmem:s0+$0xE000] =	vst v8;
	v8 =	vadd.f32 v11, v9;
	v9 =	vld [tilespmem:s0+$0xC100]  }
0x1ef: {  	[tilespmem:s0+$0x10000] =	vst v3;
	v3 =	vadd.f32 v12, v2;
	v11 =	vld [tilespmem:s0+$0xE100]  }
0x1f0: {  	[tilespmem:s0+$0x12000] =	vst v8;
	v8 =	vadd.f32 v13, v2;
	v12 =	vld [tilespmem:s0+$0x10100]  }
0x1f1: {  	[tilespmem:s0+$0xC080] =	vst v3;
	v3 =	vadd.f32 v14, v2;
	v13 =	vld [tilespmem:s0+$0x12100]  }
0x1f2: {  	[tilespmem:s0+$0xE080] =	vst v8;
	v2 =	vadd.f32 v10, v2;
	v8 =	vld [tilespmem:s0+$0xC180]  }
0x1f3: {  	[tilespmem:s0+$0x10080] =	vst v3;
	v3 =	vadd.f32 v9, v4;
	v9 =	vld [tilespmem:s0+$0xE180]  }
0x1f4: {  	[tilespmem:s0+$0x12080] =	vst v2;
	v2 =	vadd.f32 v11, v4;
	v10 =	vld [tilespmem:s0+$0x10180]  }
0x1f5: {  	[tilespmem:s0+$0xC100] =	vst v3;
	v3 =	vadd.f32 v12, v4;
	v11 =	vld [tilespmem:s0+$0x12180]  }
0x1f6: {  	[tilespmem:s0+$0xE100] =	vst v2;
	v2 =	vadd.f32 v13, v4;
	v4 =	vld [tilespmem:s0+$0xC200]  }
0x1f7: {  	[tilespmem:s0+$0x10100] =	vst v3;
	v3 =	vadd.f32 v8, v5;
	v8 =	vld [tilespmem:s0+$0xE200]  }
0x1f8: {  	[tilespmem:s0+$0x12100] =	vst v2;
	v2 =	vadd.f32 v9, v5;
	v9 =	vld [tilespmem:s0+$0x10200]  }
0x1f9: {  	[tilespmem:s0+$0xC180] =	vst v3;
	v3 =	vadd.f32 v10, v5;
	v10 =	vld [tilespmem:s0+$0x12200]  }
0x1fa: {  	[tilespmem:s0+$0xE180] =	vst v2;
	v2 =	vadd.f32 v11, v5;
	v5 =	vld [tilespmem:s0+$0xC280]  }
0x1fb: {  	[tilespmem:s0+$0x10180] =	vst v3;
	v3 =	vadd.f32 v4, v6;
	v4 =	vld [tilespmem:s0+$0xE280]  }
0x1fc: {  	[tilespmem:s0+$0x12180] =	vst v2;
	v2 =	vadd.f32 v8, v6;
	v8 =	vld [tilespmem:s0+$0x10280]  }
0x1fd: {  	[tilespmem:s0+$0xC200] =	vst v3;
	v3 =	vadd.f32 v9, v6;
	v9 =	vld [tilespmem:s0+$0x12280]  }
0x1fe: {  	[tilespmem:s0+$0xE200] =	vst v2;
	v2 =	vadd.f32 v10, v6;
	v6 =	vld [tilespmem:s0+$0xC300]  }
.Ltmp5:
0x1ff: {  	[tilespmem:s0+$0x10200] =	vst v3;
	v5 =	vadd.f32 v5, v7;
	v3 =	vld [tilespmem:s0+$0xE300];
	(pc) =	sbr.rel @p0 .LBB2_12-.Ltmp5, $4  }
0x200: {  	[tilespmem:s0+$0x12200] =	vst v2;
	v10 =	vadd.f32 v4, v7;
	v4 =	vld [tilespmem:s0+$0x10300]  }
0x201: {  	[tilespmem:s0+$0xC280] =	vst v5;
	v11 =	vadd.f32 v8, v7;
	v2 =	vld [tilespmem:s0+$0x12300]  }
0x202: {  	[tilespmem:s0+$0xE280] =	vst v10;
	v8 =	vadd.f32 v9, v7;
	v5 =	vld [tilespmem:s0+$0xC380]  }
0x203: {  	s3 =	sadd.s32 $0x80, s3;
	s7 =	sadd.s32 $0x10, s7;
	[tilespmem:s0+$0x10280] =	vst v11;
	v7 =	vadd.f32 v6, v1;
	v6 =	vld [tilespmem:s0+$0xE380]  }
0x204: {  	[tilespmem:s0+$0x12280] =	vst v8;
	v57 =	vld [tilespmem:s0+$0x10380];
	v3 =	vadd.f32 v3, v1  }
0x205: {  	v58 =	vld [tilespmem:s0+$0x12380];
	[tilespmem:s0+$0xC300] =	vst v7;
	v4 =	vadd.f32 v4, v1  }
0x206: {  	[tilespmem:s0+$0xE300] =	vst v3;
	v59 =	vadd.f32 v2, v1  }
0x207: {  	[tilespmem:s0+$0x10300] =	vst v4;
	v60 =	vadd.f32 v5, v0  }
0x208: {  	[tilespmem:s0+$0x12300] =	vst v59;
	v61 =	vadd.f32 v6, v0  }
0x209: {  	[tilespmem:s0+$0xC380] =	vst v60;
	v62 =	vadd.f32 v57, v0  }
0x20a: {  	v63 =	vadd.f32 v58, v0;
	[tilespmem:s0+$0xE380] =	vst v61  }
0x20b: {  	[tilespmem:s0+$0x10380] =	vst v62  }
0x20c: {  	s16 =	rddreg [dreg:$0x9];
	[tilespmem:s0+$0x12380] =	vst v63  }
0x20d: {  	[hbm4b:s16+s19] =	stream.strided.scatter [tilespmem:s21], [sflag:$0x5], $0x8000, s18, s19, $0x38;
	[tilespmem:$0x1E000] =	vst v63  }
0x20e: {  	_ =	swait.ge [sflag:s30], $0x8000  }
0x20f: {  	[sflag:s30] =	ssyncset.done $0x0  }
0x210: {  	[sflag:s30] =	ssyncadd.s32 $0xFFFF8000  }
0x211: {  	_ =	swait.ge [sflag:s26], $0x8000  }
0x212: {  	[sflag:s26] =	ssyncset.done $0x0  }
0x213: {  	[sflag:s26] =	ssyncadd.s32 $0xFFFF8000  }
0x214: {  	_ =	swait.ge [sflag:s29], $0x8000  }
0x215: {  	s31 =	sadd.s32 $0x1, s31;
	s17 =	rddreg [dreg:$0xa]  }
0x216: {  	p0 =	sne.s32 s31, s17  }
.Ltmp6:
0x217: {  	_ = 	snop;
	(pc) =	sbr.rel @p0 .LBB2_1-.Ltmp6, $3  }
0x218: {  	_ =	sdelay $0x1  }
0x219: {  	[sflag:s29] =	ssyncset.done $0x0  }
0x21a: {  	[sflag:s29] =	ssyncadd.s32 $0xFFFF8000  }
0x21b: {  	_ =	sfence.sel $0x180000  }
0x21c: {  	[bflag:$0x0] =	sbarrier.arrive $0xFFFF  }
0x21d: {  	_ =	strace $0x90000047  }
0x21e: {  	s0 =	stileid.u32;
	[bflag:$0x2] =	sbarrier.arrive $0xFFFF  }
0x21f: {  	p0 =	sne.s32 s0, $0x0;
	s0 =	rddreg [dreg:$0x3]  }
0x220: {  	s0 =	sadd.s32 @!p0 $0x100000, s0  }
0x221: {  	[sflag:s0] =	ssyncadd.tile.s32 @!p0 $0x1;
	_ =	shalt  }
.Lfunc_end2:
_tile_overlayer_lowered:
.L_overlay_start_2:
0x222: {  	(tag) =	ssettag $0x2  }
0x223: {  	s0 =	rddreg [dreg:$0x0];
	s2 =	stileid.u32  }
0x224: {  	s1 =	rddreg [dreg:$0x1];
	p0 =	sne.s32 s2, $0x0  }
0x225: {  	s3 =	rddreg [dreg:$0x2];
	[bflag:$0x3] =	sbarrier.arrive $0xFFFF;
	s2 =	simm.s32 @!p0 $0x1C07  }
0x226: {  	[timem:s3], [sflag:s2] =	dma.local @!p0 [hbm:s0], s1  }
0x227: {  	s0 =	simm.s32 @!p0 $0x7  }
0x228: {  	_ =	swait.ge @!p0 [sflag:s0], s1  }
0x229: {  	s1 =	ssub.s32 @!p0 $0x0, s1;
	[sflag:s0] =	ssyncset.done @!p0 $0x0  }
0x22a: {  	[sflag:s0] =	ssyncadd.s32 @!p0 s1  }
0x22b: {  	[bflag:$0x3] =	sbarrier.arrive $0xFFFF  }
0x22c: {  	_ =	shalt  }

</sc_bundles>
